<compile_context>
chip_gen: v7x
topology: tpu7x:2x2x1
jax: 0.10.2.dev20260603
libtpu: 0.0.44.dev20260713+nightly
codegen_flags: <defaults>
</compile_context>

<pallas_src>
import functools
import numpy as np
import jax
import jax.numpy as jnp
from jax import lax
from jax.experimental import pallas as pl
from jax.experimental.pallas import tpu as pltpu
from jax.experimental.pallas import tpu_sc as plsc

N = 10000
F_IN = 128
HID = 64
NCLS = 40
K = 6
E = 320000

NC = 2
NS = 16
NW = NC * NS
CB = 128
ROWS_PW = 80
EPAD = NW * ROWS_PW * CB
N_ACC = 10240
TROWS = N_ACC // NS
BLK = 1024



def _worker_id():
    return lax.axis_index("s") * NC + lax.axis_index("c")


def _deg_kernel(src_hbm, dst_hbm, out_hbm, dst_v, ones_v, vbuf, acc_sh, sem):
    c = lax.axis_index("c")
    s = lax.axis_index("s")
    w = _worker_id()
    row0 = s * TROWS
    for i in range(CB // 16):
        ones_v[pl.ds(i * 16, 16)] = jnp.full((16,), 1.0, jnp.float32)
    for i in range(TROWS // 16):
        vbuf[pl.ds(i * 16, 16)] = jnp.zeros((16,), jnp.float32)
    pltpu.sync_copy(vbuf, acc_sh.at[pl.ds(row0, TROWS)])
    plsc.subcore_barrier()
    pltpu.sync_copy(dst_hbm.at[pl.ds(w * ROWS_PW, ROWS_PW)], dst_v)

    def body(j, carry):
        pltpu.sync_copy(ones_v, acc_sh.at[dst_v.at[j]], add=True)
        return carry

    lax.fori_loop(0, ROWS_PW, body, 0)
    plsc.subcore_barrier()
    pltpu.sync_copy(acc_sh.at[pl.ds(row0, TROWS)], vbuf)
    pltpu.sync_copy(vbuf, out_hbm.at[c, 0, pl.ds(row0, TROWS)])


def _ring_pass(g_hbm, src_v, dst_v, bufs, acc_sh, sem):
    b0, b1, b2, b3 = bufs

    def start_g(buf, j):
        pltpu.async_copy(g_hbm.at[src_v.at[j]], buf, sem)

    def wait_g2(x, y):
        pltpu.make_async_copy(g_hbm.at[pl.ds(0, CB)], x, sem).wait()
        pltpu.make_async_copy(g_hbm.at[pl.ds(0, CB)], y, sem).wait()

    def scat(buf, j):
        pltpu.sync_copy(buf, acc_sh.at[dst_v.at[j]], add=True)

    NH = ROWS_PW // 4
    start_g(b0, 0)
    start_g(b1, 1)

    def body(h, carry):
        j = h * 4
        wait_g2(b0, b1)
        start_g(b2, j + 2)
        start_g(b3, j + 3)
        scat(b0, j)
        scat(b1, j + 1)
        wait_g2(b2, b3)

        @pl.when(h + 1 < NH)
        def _():
            start_g(b0, j + 4)
            start_g(b1, j + 5)

        scat(b2, j + 2)
        scat(b3, j + 3)
        return carry

    lax.fori_loop(0, NH, body, 0)


def _prop_kernel(D, nt, src_hbm, dst_hbm, *args):
    tables = args[:nt]
    zeros_hbm = args[nt]
    outs = args[nt + 1:2 * nt + 1]
    src_v, dst_v, b0, b1, b2, b3, acc_sh, sem = args[2 * nt + 1:]
    c = lax.axis_index("c")
    s = lax.axis_index("s")
    w = _worker_id()
    row0 = s * TROWS
    pltpu.sync_copy(zeros_hbm, acc_sh.at[pl.ds(row0, TROWS)])
    pltpu.sync_copy(src_hbm.at[pl.ds(w * ROWS_PW, ROWS_PW)], src_v)
    pltpu.sync_copy(dst_hbm.at[pl.ds(w * ROWS_PW, ROWS_PW)], dst_v)
    plsc.subcore_barrier()
    for t in range(nt):
        _ring_pass(tables[t], src_v, dst_v, (b0, b1, b2, b3), acc_sh, sem)
        plsc.subcore_barrier()
        pltpu.sync_copy(acc_sh.at[pl.ds(row0, TROWS)],
                        outs[t].at[c, pl.ds(row0, TROWS)])
        if t + 1 < nt:
            pltpu.sync_copy(zeros_hbm, acc_sh.at[pl.ds(row0, TROWS)])
            plsc.subcore_barrier()


def _prop128_kernel(src_hbm, dst_hbm, g_hbm, zeros_hbm, out_hbm,
                    src_v, dst_v, b0, b1, acc_sh, sem0, sem1):
    c = lax.axis_index("c")
    s = lax.axis_index("s")
    w = _worker_id()
    row0 = s * TROWS
    HR = ROWS_PW // 2
    pltpu.sync_copy(zeros_hbm, acc_sh.at[pl.ds(row0, TROWS)])
    plsc.subcore_barrier()

    def start_g(buf, sem, j):
        pltpu.async_copy(g_hbm.at[src_v.at[j]], buf, sem)

    def wait_g(buf, sem):
        pltpu.make_async_copy(g_hbm.at[pl.ds(0, CB)], buf, sem).wait()

    def scat(buf, j):
        pltpu.sync_copy(buf, acc_sh.at[dst_v.at[j]], add=True)

    for h in range(2):
        pltpu.sync_copy(src_hbm.at[pl.ds(w * ROWS_PW + h * HR, HR)], src_v)
        pltpu.sync_copy(dst_hbm.at[pl.ds(w * ROWS_PW + h * HR, HR)], dst_v)
        start_g(b0, sem0, 0)

        def body(g, carry):
            j = g * 2
            wait_g(b0, sem0)
            start_g(b1, sem1, j + 1)
            scat(b0, j)
            wait_g(b1, sem1)

            @pl.when(g + 1 < HR // 2)
            def _():
                start_g(b0, sem0, j + 2)

            scat(b1, j + 1)
            return carry

        lax.fori_loop(0, HR // 2, body, 0)
    plsc.subcore_barrier()
    pltpu.sync_copy(acc_sh.at[pl.ds(row0, TROWS)],
                    out_hbm.at[c, pl.ds(row0, TROWS)])


def _make_prop128():
    mesh = plsc.VectorSubcoreMesh(core_axis_name="c", subcore_axis_name="s")
    return functools.partial(
        pl.kernel, _prop128_kernel, mesh=mesh,
        compiler_params=_SC_PARAMS,
        out_type=jax.ShapeDtypeStruct((NC, N_ACC, F_IN), jnp.float32),
        scratch_types=[
            pltpu.VMEM((ROWS_PW // 2, CB), jnp.int32),
            pltpu.VMEM((ROWS_PW // 2, CB), jnp.int32),
            pltpu.VMEM((CB, F_IN), jnp.float32),
            pltpu.VMEM((CB, F_IN), jnp.float32),
            pltpu.VMEM_SHARED((N_ACC, F_IN), jnp.float32),
            pltpu.SemaphoreType.DMA,
            pltpu.SemaphoreType.DMA,
        ],
    )()


_SC_PARAMS = pltpu.CompilerParams(use_tc_tiling_on_sc=False)


def _make_deg():
    mesh = plsc.VectorSubcoreMesh(core_axis_name="c", subcore_axis_name="s")
    return functools.partial(
        pl.kernel, _deg_kernel, mesh=mesh,
        compiler_params=_SC_PARAMS,
        out_type=jax.ShapeDtypeStruct((NC, 1, N_ACC), jnp.float32),
        scratch_types=[
            pltpu.VMEM((ROWS_PW, CB), jnp.int32),
            pltpu.VMEM((CB,), jnp.float32),
            pltpu.VMEM((TROWS,), jnp.float32),
            pltpu.VMEM_SHARED((N_ACC,), jnp.float32),
            pltpu.SemaphoreType.DMA,
        ],
    )()


def _make_prop(D, nt=1):
    mesh = plsc.VectorSubcoreMesh(core_axis_name="c", subcore_axis_name="s")
    return functools.partial(
        pl.kernel, functools.partial(_prop_kernel, D, nt), mesh=mesh,
        compiler_params=_SC_PARAMS,
        out_type=[jax.ShapeDtypeStruct((NC, N_ACC, D), jnp.float32)
                  for _ in range(nt)],
        scratch_types=[
            pltpu.VMEM((ROWS_PW, CB), jnp.int32),
            pltpu.VMEM((ROWS_PW, CB), jnp.int32),
            pltpu.VMEM((CB, D), jnp.float32),
            pltpu.VMEM((CB, D), jnp.float32),
            pltpu.VMEM((CB, D), jnp.float32),
            pltpu.VMEM((CB, D), jnp.float32),
            pltpu.VMEM_SHARED((N_ACC, D), jnp.float32),
            pltpu.SemaphoreType.DMA,
        ],
    )()



def _dinv(degp_v):
    deg = degp_v[0] + degp_v[1] + 1.0
    return lax.rsqrt(jnp.maximum(jnp.transpose(deg, (1, 0)), 1.0))


def _dense1_body(x_ref, degp_ref, w1_ref, b1_ref, means_ref, logvars_ref,
                 logp_ref, t1_ref, t2_ref, lg_ref):
    x = x_ref[...]
    dinv = _dinv(degp_ref[...])
    isn = x != x
    m = jnp.where(isn, 1.0, 0.0)
    xc = jnp.where(isn, 0.0, x)
    a = jax.lax.dot_general(xc, w1_ref[...], (((1,), (0,)), ((), ())),
                            preferred_element_type=jnp.float32) + b1_ref[...]
    t1_ref[...] = dinv * jnp.concatenate([a, m[:, :HID]], axis=1)
    t2_ref[...] = dinv * m[:, HID:]
    means = means_ref[...]
    logvars = logvars_ref[...]
    var = jnp.exp(logvars)
    p1 = -0.5 / var
    p2 = means / var
    p3 = -0.5 * means * means / var
    dn = (((1,), (1,)), ((), ()))
    lg = (jax.lax.dot_general(xc * xc, p1, dn, preferred_element_type=jnp.float32)
          + jax.lax.dot_general(xc, p2, dn, preferred_element_type=jnp.float32)
          + jax.lax.dot_general(1.0 - m, p3, dn, preferred_element_type=jnp.float32))
    const = (logp_ref[...] - 0.5 * jnp.sum(logvars, axis=1)[None, :]
             - 0.5 * F_IN * np.log(2.0 * np.pi))
    kidx = lax.broadcasted_iota(jnp.int32, lg.shape, 1)
    lg_ref[...] = jnp.where(kidx < K, lg + const, -1e30)


def _dense2_body(s1ab_ref, s1c_ref, t1_ref, t2_ref,
                 degp_ref, lg_ref, w1_ref, meansT_ref, logvarsT_ref, w2_ref,
                 g1_ref):
    dinv = _dinv(degp_ref[...])
    s1ab = s1ab_ref[...]
    s1c = s1c_ref[...]
    p128 = dinv * (s1ab[0] + s1ab[1] + t1_ref[...])
    pa = p128[:, :HID]
    pm = jnp.concatenate(
        [p128[:, HID:],
         dinv * (s1c[0] + s1c[1] + t2_ref[...])], axis=1)
    w1 = w1_ref[...]
    w1sq = w1 * w1
    meansT = meansT_ref[...]
    varT = jnp.exp(logvarsT_ref[...])
    lg = lg_ref[...]
    gmax = jnp.max(lg, axis=1, keepdims=True)
    ge = jnp.exp(lg - gmax)
    gamma = ge / jnp.sum(ge, axis=1, keepdims=True)
    dn = (((1,), (0,)), ((), ()))
    wm = jnp.concatenate([meansT[:, k:k + 1] * w1
                          for k in range(K)], axis=1)
    tx = jax.lax.dot_general(pm, wm, dn, preferred_element_type=jnp.float32)
    wv = jnp.concatenate([varT[:, k:k + 1] * w1sq
                          for k in range(K)], axis=1)
    tc = jax.lax.dot_general(pm, wv, dn, preferred_element_type=jnp.float32)
    pa6 = jnp.concatenate([pa] * K, axis=1)
    tx = tx + pa6
    tce = tc + 1e-8
    rs = lax.rsqrt(tce)
    ratio = tx * rs
    cdf = 0.5 * (1.0 + lax.erf(ratio * np.float32(1.0 / np.sqrt(2.0))))
    pdf = jnp.exp(-0.5 * ratio * ratio) * np.float32(1.0 / np.sqrt(2.0 * np.pi))
    er = tx * cdf + tce * rs * pdf
    kl = lax.broadcasted_iota(jnp.int32, (8, K * HID), 1) // HID
    kr = lax.broadcasted_iota(jnp.int32, (8, K * HID), 0)
    rep = jnp.where(kl == kr, 1.0, 0.0)
    gexp = jax.lax.dot_general(gamma, rep, dn,
                               preferred_element_type=jnp.float32)
    ge_r = gexp * er
    x1 = ge_r[:, 0:HID]
    for k in range(1, K):
        x1 = x1 + ge_r[:, k * HID:(k + 1) * HID]
    g1_ref[...] = dinv * jax.lax.dot_general(x1, w2_ref[...], dn,
                                             preferred_element_type=jnp.float32)


def _dense3_body(s2_ref, g1_ref, degp_ref, b2_ref, w3_ref, x2_ref, g2_ref):
    dinv = _dinv(degp_ref[...])
    s2 = s2_ref[...]
    x2 = jnp.maximum(dinv * (s2[0] + s2[1] + g1_ref[...]) + b2_ref[...], 0.0)
    x2_ref[...] = x2
    g2_ref[...] = dinv * jax.lax.dot_general(
        x2, w3_ref[...], (((1,), (0,)), ((), ())),
        preferred_element_type=jnp.float32)


def _dense4_body(s3_ref, g2_ref, degp_ref, b3_ref, out_ref):
    dinv = _dinv(degp_ref[...])
    s3 = s3_ref[...]
    x3 = dinv * (s3[0] + s3[1] + g2_ref[...]) + b3_ref[...]
    cidx = lax.broadcasted_iota(jnp.int32, x3.shape, 1)
    x3 = jnp.where(cidx < NCLS, x3, -1e30)
    m = jnp.max(x3, axis=1, keepdims=True)
    z = x3 - m
    lse = jnp.log(jnp.sum(jnp.where(cidx < NCLS, jnp.exp(z), 0.0),
                          axis=1, keepdims=True))
    out_ref[...] = (z - lse)[:, :NCLS]


def _row_spec(d):
    return pl.BlockSpec((BLK, d), lambda i: (i, 0))


def _part_spec(d):
    return pl.BlockSpec((NC, BLK, d), lambda i: (0, i, 0))


def _deg_spec():
    return pl.BlockSpec((NC, 1, BLK), lambda i: (0, 0, i))


def _full_spec(shape):
    nd = len(shape)
    return pl.BlockSpec(shape, lambda i: (0,) * nd)



def kernel(x, edge_index, logp, means, logvars, W1, b1, W2, b2, W3, b3):
    f32 = jnp.float32
    pad_i = np.arange(EPAD - E, dtype=np.int32)
    src = jnp.concatenate([edge_index[0], jnp.asarray((pad_i * 97) % N)])
    dst = jnp.concatenate([edge_index[1],
                           jnp.asarray(N + pad_i % (N_ACC - N))])
    src2 = src.reshape(NW * ROWS_PW, CB)
    dst2 = dst.reshape(NW * ROWS_PW, CB)
    means8 = jnp.concatenate([means, jnp.zeros((8 - K, F_IN), f32)], axis=0)
    logvars8 = jnp.concatenate([logvars, jnp.zeros((8 - K, F_IN), f32)], axis=0)
    logp8 = jnp.concatenate([logp, jnp.zeros((8 - K,), f32)]).reshape(1, 8)
    b1r = b1.reshape(1, HID)
    b2r = b2.reshape(1, HID)
    b3r = jnp.concatenate([b3, jnp.zeros((8,), f32)]).reshape(1, NCLS + 8)
    w3p = jnp.concatenate([W3, jnp.zeros((HID, 8), f32)], axis=1)
    z128 = jnp.zeros((TROWS, F_IN), f32)
    z64 = jnp.zeros((TROWS, HID), f32)
    z48 = jnp.zeros((TROWS, NCLS + 8), f32)

    grid = N_ACC // BLK
    xp = jnp.pad(x, ((0, N_ACC - N), (0, 0)))

    degp3 = _make_deg()(src2, dst2)

    t1, t2, lg = pl.pallas_call(
        _dense1_body,
        grid=(grid,),
        in_specs=[_row_spec(F_IN), _deg_spec(), _full_spec((F_IN, HID)),
                  _full_spec((1, HID)), _full_spec((8, F_IN)),
                  _full_spec((8, F_IN)), _full_spec((1, 8))],
        out_specs=[_row_spec(F_IN), _row_spec(HID), _row_spec(8)],
        out_shape=[jax.ShapeDtypeStruct((N_ACC, F_IN), f32),
                   jax.ShapeDtypeStruct((N_ACC, HID), f32),
                   jax.ShapeDtypeStruct((N_ACC, 8), f32)],
    )(xp, degp3, W1, b1r, means8, logvars8, logp8)

    s1ab = _make_prop128()(src2, dst2, t1, z128)
    s1c = _make_prop(HID)(src2, dst2, t2, z64)[0]

    g1 = pl.pallas_call(
        _dense2_body,
        grid=(grid,),
        in_specs=[_part_spec(F_IN), _part_spec(HID),
                  _row_spec(F_IN), _row_spec(HID),
                  _deg_spec(),
                  _row_spec(8), _full_spec((F_IN, HID)), _full_spec((F_IN, 8)),
                  _full_spec((F_IN, 8)), _full_spec((HID, HID))],
        out_specs=[_row_spec(HID)],
        out_shape=[jax.ShapeDtypeStruct((N_ACC, HID), f32)],
    )(s1ab, s1c, t1, t2, degp3, lg, W1, means8.T,
      logvars8.T, W2)[0]

    s2 = _make_prop(HID)(src2, dst2, g1, z64)[0]

    x2, g2 = pl.pallas_call(
        _dense3_body,
        grid=(grid,),
        in_specs=[_part_spec(HID), _row_spec(HID), _deg_spec(),
                  _full_spec((1, HID)), _full_spec((HID, NCLS + 8))],
        out_specs=[_row_spec(HID), _row_spec(NCLS + 8)],
        out_shape=[jax.ShapeDtypeStruct((N_ACC, HID), f32),
                   jax.ShapeDtypeStruct((N_ACC, NCLS + 8), f32)],
    )(s2, g1, degp3, b2r, w3p)

    s3 = _make_prop(NCLS + 8)(src2, dst2, g2, z48)[0]

    out1 = pl.pallas_call(
        _dense4_body,
        grid=(grid,),
        in_specs=[_part_spec(NCLS + 8), _row_spec(NCLS + 8), _deg_spec(),
                  _full_spec((1, NCLS + 8))],
        out_specs=[_row_spec(NCLS)],
        out_shape=[jax.ShapeDtypeStruct((N_ACC, NCLS), f32)],
    )(s3, g2, degp3, b3r)[0]

    return out1[:N], x2[:N]

# --- scband reference (transcript-rebuilt; emitter-appended) ---
"""Pipeline reference for scband-gcnmf-18159121727557 (READ-ONLY COPY).

The authoritative reference and input builder live on the scoring server;
editing this copy changes nothing except your own understanding.
"""

import jax, jax.numpy as jnp
import numpy as np

N = 10000
F_IN = 128
HID = 64
NCLS = 40
K = 6
E = 320000


def _glorot(k, shape):
    lim = float(np.sqrt(6.0 / (shape[0] + shape[1])))
    return jax.random.uniform(k, shape, jnp.float32, -lim, lim)


def setup_inputs(seed: int = 0) -> dict:
    key = jax.random.key(seed)
    ks = jax.random.split(key, 8)
    x = jax.random.normal(ks[0], (N, F_IN), dtype=jnp.float32)
    miss = jax.random.bernoulli(ks[1], 0.3, (N, F_IN))
    x = jnp.where(miss, jnp.nan, x)  # GCNmf: missing features encoded as NaN
    edge_index = jax.random.randint(ks[2], (2, E), 0, N, dtype=jnp.int32)
    W1 = _glorot(ks[3], (F_IN, HID)); b1 = jnp.zeros((HID,), jnp.float32)
    W2 = _glorot(ks[4], (HID, HID)); b2 = jnp.zeros((HID,), jnp.float32)
    W3 = _glorot(ks[5], (HID, NCLS)); b3 = jnp.zeros((NCLS,), jnp.float32)
    logp = jnp.full((K,), -float(np.log(K)), jnp.float32)
    means = jax.random.normal(ks[6], (K, F_IN), dtype=jnp.float32) * 0.5
    logvars = jnp.zeros((K, F_IN), jnp.float32)
    return {"x": x, "edge_index": edge_index, "logp": logp, "means": means,
            "logvars": logvars, "W1": W1, "b1": b1, "W2": W2, "b2": b2, "W3": W3, "b3": b3}


def _gcn_norm(edge_index, n):
    sl = jnp.arange(n, dtype=edge_index.dtype)
    src = jnp.concatenate([edge_index[0], sl])
    dst = jnp.concatenate([edge_index[1], sl])
    deg = jnp.zeros((n,), jnp.float32).at[dst].add(1.0)
    dinv = jax.lax.rsqrt(jnp.maximum(deg, 1.0))
    w = dinv[src] * dinv[dst]
    return src, dst, w


def _prop(src, dst, w, h, n):
    return jnp.zeros((n, h.shape[-1]), h.dtype).at[dst].add(h[src] * w[:, None])


def reference(x, edge_index, logp, means, logvars, W1, b1, W2, b2, W3, b3):
    n = x.shape[0]
    src, dst, w = _gcn_norm(edge_index, n)
    # ---- GCNmfConv (gc1): expected GCN activation under GMM over missing features ----
    variances = jnp.exp(logvars)
    isnan = jnp.isnan(x)
    x_clean = jnp.where(isnan, 0.0, x)
    mean_mat = jnp.where(isnan[None, :, :], means[:, None, :], x_clean[None, :, :])  # [K,N,F]
    var_mat = jnp.where(isnan[None, :, :], variances[:, None, :], 0.0)  # [K,N,F]
    tx = jnp.einsum('knf,fh->knh', mean_mat, W1) + b1  # [K,N,H]
    tc = jnp.einsum('knf,fh->knh', var_mat, W1 * W1)  # [K,N,H]
    conv_x = jax.vmap(lambda h: _prop(src, dst, w, h, n))(tx)
    conv_c = jax.vmap(lambda h: _prop(src, dst, w, h, n))(tc)
    sigma = jnp.sqrt(conv_c + 1e-8)
    ratio = conv_x / sigma
    cdf = 0.5 * (1.0 + jax.lax.erf(ratio / np.sqrt(2.0)))
    pdf = jnp.exp(-0.5 * ratio * ratio) / np.sqrt(2.0 * np.pi)
    e_relu = conv_x * cdf + sigma * pdf  # E[relu(N(mu, sigma^2))], [K,N,H]
    # responsibilities gamma_k(v)
    log_n = (-0.5) * jnp.sum((mean_mat - means[:, None, :]) ** 2 / variances[:, None, :], axis=-1) \
            - 0.5 * x.shape[1] * np.log(2.0 * np.pi) - 0.5 * jnp.sum(logvars, axis=-1)[:, None]  # [K,N]
    gamma = jax.nn.softmax(logp[:, None] + log_n, axis=0)  # [K,N]
    x1 = jnp.sum(gamma[:, :, None] * e_relu, axis=0)  # [N,H]
    # ---- GCNConv (gc2) ----
    x2 = jax.nn.relu(_prop(src, dst, w, x1 @ W2, n) + b2)
    # ---- GCNConv (gc3) ----
    x3 = _prop(src, dst, w, x2 @ W3, n) + b3
    return (jax.nn.log_softmax(x3, axis=1), x2)

if __name__ == "__main__":
    import jax
    _d = setup_inputs()
    print(jax.jit(kernel)(*tuple(_d.values())))

</pallas_src>

<mosaic_0001>
#map = affine_map<(d0, d1) -> (0, 0)>
#map1 = affine_map<(d0, d1) -> (0, 0, 0)>
module attributes {stable_mosaic.version = 14 : i64} {
  func.func @_deg_kernel(%arg0: i32, %arg1: i32, %arg2: memref<2560x128xi32, #tpu.memory_space<hbm>>, %arg3: memref<2560x128xi32, #tpu.memory_space<hbm>>, %arg4: memref<2x1x10240xf32, #tpu.memory_space<hbm>>, %arg5: memref<80x128xi32, #tpu.memory_space<vmem>>, %arg6: memref<128xf32, #tpu.memory_space<vmem>>, %arg7: memref<640xf32, #tpu.memory_space<vmem>>, %arg8: memref<10240xf32, #tpu.memory_space<vmem_shared>>, %arg9: memref<!tpu.dma_semaphore, #tpu.memory_space<semaphore_mem>>) attributes {dimension_semantics = [#tpu.dimension_semantics<core_parallel>, #tpu.dimension_semantics<subcore_parallel>], iteration_bounds = array<i64: 2, 16>, scalar_prefetch = 0 : i64, scratch_operands = 5 : i64, tpu.core_type = #tpu.core_type<sc_vector_subcore>, window_params = [{transform_indices = #map}, {transform_indices = #map}, {transform_indices = #map1}]} {
    %mul3A = arith.constant 2 : i32
    %mul3A_0 = arith.muli %arg1, %mul3A : i32
    %add3A = arith.addi %mul3A_0, %arg0 : i32
    %mul3A_1 = arith.constant 640 : i32
    %mul3A_2 = arith.muli %arg1, %mul3A_1 : i32
    %broadcast_in_dim3A = arith.constant 1.000000e+00 : f32
    %broadcast_in_dim3A_3 = vector.broadcast %broadcast_in_dim3A : f32 to vector<16xf32>
    %swap3A = arith.constant 0 : index
    %swap3A_4 = tpu.vector_load %arg6[%swap3A] {strides = array<i32>} : memref<128xf32, #tpu.memory_space<vmem>>, vector<16xf32>,
    %swap3A_5 = vector.shape_cast %swap3A_4 : vector<16xf32> to vector<16xf32>
    %swap3A_6 = vector.shape_cast %broadcast_in_dim3A_3 : vector<16xf32> to vector<16xf32>
    tpu.vector_store %arg6[%swap3A], %swap3A_6 {strides = array<i32>} : memref<128xf32, #tpu.memory_space<vmem>>, vector<16xf32>,
    %broadcast_in_dim3A_7 = arith.constant 1.000000e+00 : f32
    %broadcast_in_dim3A_8 = vector.broadcast %broadcast_in_dim3A_7 : f32 to vector<16xf32>
    %swap3A_9 = arith.constant 16 : index
    %swap3A_10 = tpu.vector_load %arg6[%swap3A_9] {strides = array<i32>} : memref<128xf32, #tpu.memory_space<vmem>>, vector<16xf32>,
    %swap3A_11 = vector.shape_cast %swap3A_10 : vector<16xf32> to vector<16xf32>
    %swap3A_12 = vector.shape_cast %broadcast_in_dim3A_8 : vector<16xf32> to vector<16xf32>
    tpu.vector_store %arg6[%swap3A_9], %swap3A_12 {strides = array<i32>} : memref<128xf32, #tpu.memory_space<vmem>>, vector<16xf32>,
    %broadcast_in_dim3A_13 = arith.constant 1.000000e+00 : f32
    %broadcast_in_dim3A_14 = vector.broadcast %broadcast_in_dim3A_13 : f32 to vector<16xf32>
    %swap3A_15 = arith.constant 32 : index
    %swap3A_16 = tpu.vector_load %arg6[%swap3A_15] {strides = array<i32>} : memref<128xf32, #tpu.memory_space<vmem>>, vector<16xf32>,
    %swap3A_17 = vector.shape_cast %swap3A_16 : vector<16xf32> to vector<16xf32>
    %swap3A_18 = vector.shape_cast %broadcast_in_dim3A_14 : vector<16xf32> to vector<16xf32>
    tpu.vector_store %arg6[%swap3A_15], %swap3A_18 {strides = array<i32>} : memref<128xf32, #tpu.memory_space<vmem>>, vector<16xf32>,
    %broadcast_in_dim3A_19 = arith.constant 1.000000e+00 : f32
    %broadcast_in_dim3A_20 = vector.broadcast %broadcast_in_dim3A_19 : f32 to vector<16xf32>
    %swap3A_21 = arith.constant 48 : index
    %swap3A_22 = tpu.vector_load %arg6[%swap3A_21] {strides = array<i32>} : memref<128xf32, #tpu.memory_space<vmem>>, vector<16xf32>,
    %swap3A_23 = vector.shape_cast %swap3A_22 : vector<16xf32> to vector<16xf32>
    %swap3A_24 = vector.shape_cast %broadcast_in_dim3A_20 : vector<16xf32> to vector<16xf32>
    tpu.vector_store %arg6[%swap3A_21], %swap3A_24 {strides = array<i32>} : memref<128xf32, #tpu.memory_space<vmem>>, vector<16xf32>,
    %broadcast_in_dim3A_25 = arith.constant 1.000000e+00 : f32
    %broadcast_in_dim3A_26 = vector.broadcast %broadcast_in_dim3A_25 : f32 to vector<16xf32>
    %swap3A_27 = arith.constant 64 : index
    %swap3A_28 = tpu.vector_load %arg6[%swap3A_27] {strides = array<i32>} : memref<128xf32, #tpu.memory_space<vmem>>, vector<16xf32>,
    %swap3A_29 = vector.shape_cast %swap3A_28 : vector<16xf32> to vector<16xf32>
    %swap3A_30 = vector.shape_cast %broadcast_in_dim3A_26 : vector<16xf32> to vector<16xf32>
    tpu.vector_store %arg6[%swap3A_27], %swap3A_30 {strides = array<i32>} : memref<128xf32, #tpu.memory_space<vmem>>, vector<16xf32>,
    %broadcast_in_dim3A_31 = arith.constant 1.000000e+00 : f32
    %broadcast_in_dim3A_32 = vector.broadcast %broadcast_in_dim3A_31 : f32 to vector<16xf32>
    %swap3A_33 = arith.constant 80 : index
    %swap3A_34 = tpu.vector_load %arg6[%swap3A_33] {strides = array<i32>} : memref<128xf32, #tpu.memory_space<vmem>>, vector<16xf32>,
    %swap3A_35 = vector.shape_cast %swap3A_34 : vector<16xf32> to vector<16xf32>
    %swap3A_36 = vector.shape_cast %broadcast_in_dim3A_32 : vector<16xf32> to vector<16xf32>
    tpu.vector_store %arg6[%swap3A_33], %swap3A_36 {strides = array<i32>} : memref<128xf32, #tpu.memory_space<vmem>>, vector<16xf32>,
    %broadcast_in_dim3A_37 = arith.constant 1.000000e+00 : f32
    %broadcast_in_dim3A_38 = vector.broadcast %broadcast_in_dim3A_37 : f32 to vector<16xf32>
    %swap3A_39 = arith.constant 96 : index
    %swap3A_40 = tpu.vector_load %arg6[%swap3A_39] {strides = array<i32>} : memref<128xf32, #tpu.memory_space<vmem>>, vector<16xf32>,
    %swap3A_41 = vector.shape_cast %swap3A_40 : vector<16xf32> to vector<16xf32>
    %swap3A_42 = vector.shape_cast %broadcast_in_dim3A_38 : vector<16xf32> to vector<16xf32>
    tpu.vector_store %arg6[%swap3A_39], %swap3A_42 {strides = array<i32>} : memref<128xf32, #tpu.memory_space<vmem>>, vector<16xf32>,
    %broadcast_in_dim3A_43 = arith.constant 1.000000e+00 : f32
    %broadcast_in_dim3A_44 = vector.broadcast %broadcast_in_dim3A_43 : f32 to vector<16xf32>
    %swap3A_45 = arith.constant 112 : index
    %swap3A_46 = tpu.vector_load %arg6[%swap3A_45] {strides = array<i32>} : memref<128xf32, #tpu.memory_space<vmem>>, vector<16xf32>,
    %swap3A_47 = vector.shape_cast %swap3A_46 : vector<16xf32> to vector<16xf32>
    %swap3A_48 = vector.shape_cast %broadcast_in_dim3A_44 : vector<16xf32> to vector<16xf32>
    tpu.vector_store %arg6[%swap3A_45], %swap3A_48 {strides = array<i32>} : memref<128xf32, #tpu.memory_space<vmem>>, vector<16xf32>,
    %broadcast_in_dim3A_49 = arith.constant 0.000000e+00 : f32
    %broadcast_in_dim3A_50 = vector.broadcast %broadcast_in_dim3A_49 : f32 to vector<16xf32>
    %swap3A_51 = arith.constant 0 : index
    %swap3A_52 = tpu.vector_load %arg7[%swap3A_51] {strides = array<i32>} : memref<640xf32, #tpu.memory_space<vmem>>, vector<16xf32>,
    %swap3A_53 = vector.shape_cast %swap3A_52 : vector<16xf32> to vector<16xf32>
    %swap3A_54 = vector.shape_cast %broadcast_in_dim3A_50 : vector<16xf32> to vector<16xf32>
    tpu.vector_store %arg7[%swap3A_51], %swap3A_54 {strides = array<i32>} : memref<640xf32, #tpu.memory_space<vmem>>, vector<16xf32>,
    %broadcast_in_dim3A_55 = arith.constant 0.000000e+00 : f32
    %broadcast_in_dim3A_56 = vector.broadcast %broadcast_in_dim3A_55 : f32 to vector<16xf32>
    %swap3A_57 = arith.constant 16 : index
    %swap3A_58 = tpu.vector_load %arg7[%swap3A_57] {strides = array<i32>} : memref<640xf32, #tpu.memory_space<vmem>>, vector<16xf32>,
    %swap3A_59 = vector.shape_cast %swap3A_58 : vector<16xf32> to vector<16xf32>
    %swap3A_60 = vector.shape_cast %broadcast_in_dim3A_56 : vector<16xf32> to vector<16xf32>
    tpu.vector_store %arg7[%swap3A_57], %swap3A_60 {strides = array<i32>} : memref<640xf32, #tpu.memory_space<vmem>>, vector<16xf32>,
    %broadcast_in_dim3A_61 = arith.constant 0.000000e+00 : f32
    %broadcast_in_dim3A_62 = vector.broadcast %broadcast_in_dim3A_61 : f32 to vector<16xf32>
    %swap3A_63 = arith.constant 32 : index
    %swap3A_64 = tpu.vector_load %arg7[%swap3A_63] {strides = array<i32>} : memref<640xf32, #tpu.memory_space<vmem>>, vector<16xf32>,
    %swap3A_65 = vector.shape_cast %swap3A_64 : vector<16xf32> to vector<16xf32>
    %swap3A_66 = vector.shape_cast %broadcast_in_dim3A_62 : vector<16xf32> to vector<16xf32>
    tpu.vector_store %arg7[%swap3A_63], %swap3A_66 {strides = array<i32>} : memref<640xf32, #tpu.memory_space<vmem>>, vector<16xf32>,
    %broadcast_in_dim3A_67 = arith.constant 0.000000e+00 : f32
    %broadcast_in_dim3A_68 = vector.broadcast %broadcast_in_dim3A_67 : f32 to vector<16xf32>
    %swap3A_69 = arith.constant 48 : index
    %swap3A_70 = tpu.vector_load %arg7[%swap3A_69] {strides = array<i32>} : memref<640xf32, #tpu.memory_space<vmem>>, vector<16xf32>,
    %swap3A_71 = vector.shape_cast %swap3A_70 : vector<16xf32> to vector<16xf32>
    %swap3A_72 = vector.shape_cast %broadcast_in_dim3A_68 : vector<16xf32> to vector<16xf32>
    tpu.vector_store %arg7[%swap3A_69], %swap3A_72 {strides = array<i32>} : memref<640xf32, #tpu.memory_space<vmem>>, vector<16xf32>,
    %broadcast_in_dim3A_73 = arith.constant 0.000000e+00 : f32
    %broadcast_in_dim3A_74 = vector.broadcast %broadcast_in_dim3A_73 : f32 to vector<16xf32>
    %swap3A_75 = arith.constant 64 : index
    %swap3A_76 = tpu.vector_load %arg7[%swap3A_75] {strides = array<i32>} : memref<640xf32, #tpu.memory_space<vmem>>, vector<16xf32>,
    %swap3A_77 = vector.shape_cast %swap3A_76 : vector<16xf32> to vector<16xf32>
    %swap3A_78 = vector.shape_cast %broadcast_in_dim3A_74 : vector<16xf32> to vector<16xf32>
    tpu.vector_store %arg7[%swap3A_75], %swap3A_78 {strides = array<i32>} : memref<640xf32, #tpu.memory_space<vmem>>, vector<16xf32>,
    %broadcast_in_dim3A_79 = arith.constant 0.000000e+00 : f32
    %broadcast_in_dim3A_80 = vector.broadcast %broadcast_in_dim3A_79 : f32 to vector<16xf32>
    %swap3A_81 = arith.constant 80 : index
    %swap3A_82 = tpu.vector_load %arg7[%swap3A_81] {strides = array<i32>} : memref<640xf32, #tpu.memory_space<vmem>>, vector<16xf32>,
    %swap3A_83 = vector.shape_cast %swap3A_82 : vector<16xf32> to vector<16xf32>
    %swap3A_84 = vector.shape_cast %broadcast_in_dim3A_80 : vector<16xf32> to vector<16xf32>
    tpu.vector_store %arg7[%swap3A_81], %swap3A_84 {strides = array<i32>} : memref<640xf32, #tpu.memory_space<vmem>>, vector<16xf32>,
    %broadcast_in_dim3A_85 = arith.constant 0.000000e+00 : f32
    %broadcast_in_dim3A_86 = vector.broadcast %broadcast_in_dim3A_85 : f32 to vector<16xf32>
    %swap3A_87 = arith.constant 96 : index
    %swap3A_88 = tpu.vector_load %arg7[%swap3A_87] {strides = array<i32>} : memref<640xf32, #tpu.memory_space<vmem>>, vector<16xf32>,
    %swap3A_89 = vector.shape_cast %swap3A_88 : vector<16xf32> to vector<16xf32>
    %swap3A_90 = vector.shape_cast %broadcast_in_dim3A_86 : vector<16xf32> to vector<16xf32>
    tpu.vector_store %arg7[%swap3A_87], %swap3A_90 {strides = array<i32>} : memref<640xf32, #tpu.memory_space<vmem>>, vector<16xf32>,
    %broadcast_in_dim3A_91 = arith.constant 0.000000e+00 : f32
    %broadcast_in_dim3A_92 = vector.broadcast %broadcast_in_dim3A_91 : f32 to vector<16xf32>
    %swap3A_93 = arith.constant 112 : index
    %swap3A_94 = tpu.vector_load %arg7[%swap3A_93] {strides = array<i32>} : memref<640xf32, #tpu.memory_space<vmem>>, vector<16xf32>,
    %swap3A_95 = vector.shape_cast %swap3A_94 : vector<16xf32> to vector<16xf32>
    %swap3A_96 = vector.shape_cast %broadcast_in_dim3A_92 : vector<16xf32> to vector<16xf32>
    tpu.vector_store %arg7[%swap3A_93], %swap3A_96 {strides = array<i32>} : memref<640xf32, #tpu.memory_space<vmem>>, vector<16xf32>,
    %broadcast_in_dim3A_97 = arith.constant 0.000000e+00 : f32
    %broadcast_in_dim3A_98 = vector.broadcast %broadcast_in_dim3A_97 : f32 to vector<16xf32>
    %swap3A_99 = arith.constant 128 : index
    %swap3A_100 = tpu.vector_load %arg7[%swap3A_99] {strides = array<i32>} : memref<640xf32, #tpu.memory_space<vmem>>, vector<16xf32>,
    %swap3A_101 = vector.shape_cast %swap3A_100 : vector<16xf32> to vector<16xf32>
    %swap3A_102 = vector.shape_cast %broadcast_in_dim3A_98 : vector<16xf32> to vector<16xf32>
    tpu.vector_store %arg7[%swap3A_99], %swap3A_102 {strides = array<i32>} : memref<640xf32, #tpu.memory_space<vmem>>, vector<16xf32>,
    %broadcast_in_dim3A_103 = arith.constant 0.000000e+00 : f32
    %broadcast_in_dim3A_104 = vector.broadcast %broadcast_in_dim3A_103 : f32 to vector<16xf32>
    %swap3A_105 = arith.constant 144 : index
    %swap3A_106 = tpu.vector_load %arg7[%swap3A_105] {strides = array<i32>} : memref<640xf32, #tpu.memory_space<vmem>>, vector<16xf32>,
    %swap3A_107 = vector.shape_cast %swap3A_106 : vector<16xf32> to vector<16xf32>
    %swap3A_108 = vector.shape_cast %broadcast_in_dim3A_104 : vector<16xf32> to vector<16xf32>
    tpu.vector_store %arg7[%swap3A_105], %swap3A_108 {strides = array<i32>} : memref<640xf32, #tpu.memory_space<vmem>>, vector<16xf32>,
    %broadcast_in_dim3A_109 = arith.constant 0.000000e+00 : f32
    %broadcast_in_dim3A_110 = vector.broadcast %broadcast_in_dim3A_109 : f32 to vector<16xf32>
    %swap3A_111 = arith.constant 160 : index
    %swap3A_112 = tpu.vector_load %arg7[%swap3A_111] {strides = array<i32>} : memref<640xf32, #tpu.memory_space<vmem>>, vector<16xf32>,
    %swap3A_113 = vector.shape_cast %swap3A_112 : vector<16xf32> to vector<16xf32>
    %swap3A_114 = vector.shape_cast %broadcast_in_dim3A_110 : vector<16xf32> to vector<16xf32>
    tpu.vector_store %arg7[%swap3A_111], %swap3A_114 {strides = array<i32>} : memref<640xf32, #tpu.memory_space<vmem>>, vector<16xf32>,
    %broadcast_in_dim3A_115 = arith.constant 0.000000e+00 : f32
    %broadcast_in_dim3A_116 = vector.broadcast %broadcast_in_dim3A_115 : f32 to vector<16xf32>
    %swap3A_117 = arith.constant 176 : index
    %swap3A_118 = tpu.vector_load %arg7[%swap3A_117] {strides = array<i32>} : memref<640xf32, #tpu.memory_space<vmem>>, vector<16xf32>,
    %swap3A_119 = vector.shape_cast %swap3A_118 : vector<16xf32> to vector<16xf32>
    %swap3A_120 = vector.shape_cast %broadcast_in_dim3A_116 : vector<16xf32> to vector<16xf32>
    tpu.vector_store %arg7[%swap3A_117], %swap3A_120 {strides = array<i32>} : memref<640xf32, #tpu.memory_space<vmem>>, vector<16xf32>,
    %broadcast_in_dim3A_121 = arith.constant 0.000000e+00 : f32
    %broadcast_in_dim3A_122 = vector.broadcast %broadcast_in_dim3A_121 : f32 to vector<16xf32>
    %swap3A_123 = arith.constant 192 : index
    %swap3A_124 = tpu.vector_load %arg7[%swap3A_123] {strides = array<i32>} : memref<640xf32, #tpu.memory_space<vmem>>, vector<16xf32>,
    %swap3A_125 = vector.shape_cast %swap3A_124 : vector<16xf32> to vector<16xf32>
    %swap3A_126 = vector.shape_cast %broadcast_in_dim3A_122 : vector<16xf32> to vector<16xf32>
    tpu.vector_store %arg7[%swap3A_123], %swap3A_126 {strides = array<i32>} : memref<640xf32, #tpu.memory_space<vmem>>, vector<16xf32>,
    %broadcast_in_dim3A_127 = arith.constant 0.000000e+00 : f32
    %broadcast_in_dim3A_128 = vector.broadcast %broadcast_in_dim3A_127 : f32 to vector<16xf32>
    %swap3A_129 = arith.constant 208 : index
    %swap3A_130 = tpu.vector_load %arg7[%swap3A_129] {strides = array<i32>} : memref<640xf32, #tpu.memory_space<vmem>>, vector<16xf32>,
    %swap3A_131 = vector.shape_cast %swap3A_130 : vector<16xf32> to vector<16xf32>
    %swap3A_132 = vector.shape_cast %broadcast_in_dim3A_128 : vector<16xf32> to vector<16xf32>
    tpu.vector_store %arg7[%swap3A_129], %swap3A_132 {strides = array<i32>} : memref<640xf32, #tpu.memory_space<vmem>>, vector<16xf32>,
    %broadcast_in_dim3A_133 = arith.constant 0.000000e+00 : f32
    %broadcast_in_dim3A_134 = vector.broadcast %broadcast_in_dim3A_133 : f32 to vector<16xf32>
    %swap3A_135 = arith.constant 224 : index
    %swap3A_136 = tpu.vector_load %arg7[%swap3A_135] {strides = array<i32>} : memref<640xf32, #tpu.memory_space<vmem>>, vector<16xf32>,
    %swap3A_137 = vector.shape_cast %swap3A_136 : vector<16xf32> to vector<16xf32>
    %swap3A_138 = vector.shape_cast %broadcast_in_dim3A_134 : vector<16xf32> to vector<16xf32>
    tpu.vector_store %arg7[%swap3A_135], %swap3A_138 {strides = array<i32>} : memref<640xf32, #tpu.memory_space<vmem>>, vector<16xf32>,
    %broadcast_in_dim3A_139 = arith.constant 0.000000e+00 : f32
    %broadcast_in_dim3A_140 = vector.broadcast %broadcast_in_dim3A_139 : f32 to vector<16xf32>
    %swap3A_141 = arith.constant 240 : index
    %swap3A_142 = tpu.vector_load %arg7[%swap3A_141] {strides = array<i32>} : memref<640xf32, #tpu.memory_space<vmem>>, vector<16xf32>,
    %swap3A_143 = vector.shape_cast %swap3A_142 : vector<16xf32> to vector<16xf32>
    %swap3A_144 = vector.shape_cast %broadcast_in_dim3A_140 : vector<16xf32> to vector<16xf32>
    tpu.vector_store %arg7[%swap3A_141], %swap3A_144 {strides = array<i32>} : memref<640xf32, #tpu.memory_space<vmem>>, vector<16xf32>,
    %broadcast_in_dim3A_145 = arith.constant 0.000000e+00 : f32
    %broadcast_in_dim3A_146 = vector.broadcast %broadcast_in_dim3A_145 : f32 to vector<16xf32>
    %swap3A_147 = arith.constant 256 : index
    %swap3A_148 = tpu.vector_load %arg7[%swap3A_147] {strides = array<i32>} : memref<640xf32, #tpu.memory_space<vmem>>, vector<16xf32>,
    %swap3A_149 = vector.shape_cast %swap3A_148 : vector<16xf32> to vector<16xf32>
    %swap3A_150 = vector.shape_cast %broadcast_in_dim3A_146 : vector<16xf32> to vector<16xf32>
    tpu.vector_store %arg7[%swap3A_147], %swap3A_150 {strides = array<i32>} : memref<640xf32, #tpu.memory_space<vmem>>, vector<16xf32>,
    %broadcast_in_dim3A_151 = arith.constant 0.000000e+00 : f32
    %broadcast_in_dim3A_152 = vector.broadcast %broadcast_in_dim3A_151 : f32 to vector<16xf32>
    %swap3A_153 = arith.constant 272 : index
    %swap3A_154 = tpu.vector_load %arg7[%swap3A_153] {strides = array<i32>} : memref<640xf32, #tpu.memory_space<vmem>>, vector<16xf32>,
    %swap3A_155 = vector.shape_cast %swap3A_154 : vector<16xf32> to vector<16xf32>
    %swap3A_156 = vector.shape_cast %broadcast_in_dim3A_152 : vector<16xf32> to vector<16xf32>
    tpu.vector_store %arg7[%swap3A_153], %swap3A_156 {strides = array<i32>} : memref<640xf32, #tpu.memory_space<vmem>>, vector<16xf32>,
    %broadcast_in_dim3A_157 = arith.constant 0.000000e+00 : f32
    %broadcast_in_dim3A_158 = vector.broadcast %broadcast_in_dim3A_157 : f32 to vector<16xf32>
    %swap3A_159 = arith.constant 288 : index
    %swap3A_160 = tpu.vector_load %arg7[%swap3A_159] {strides = array<i32>} : memref<640xf32, #tpu.memory_space<vmem>>, vector<16xf32>,
    %swap3A_161 = vector.shape_cast %swap3A_160 : vector<16xf32> to vector<16xf32>
    %swap3A_162 = vector.shape_cast %broadcast_in_dim3A_158 : vector<16xf32> to vector<16xf32>
    tpu.vector_store %arg7[%swap3A_159], %swap3A_162 {strides = array<i32>} : memref<640xf32, #tpu.memory_space<vmem>>, vector<16xf32>,
    %broadcast_in_dim3A_163 = arith.constant 0.000000e+00 : f32
    %broadcast_in_dim3A_164 = vector.broadcast %broadcast_in_dim3A_163 : f32 to vector<16xf32>
    %swap3A_165 = arith.constant 304 : index
    %swap3A_166 = tpu.vector_load %arg7[%swap3A_165] {strides = array<i32>} : memref<640xf32, #tpu.memory_space<vmem>>, vector<16xf32>,
    %swap3A_167 = vector.shape_cast %swap3A_166 : vector<16xf32> to vector<16xf32>
    %swap3A_168 = vector.shape_cast %broadcast_in_dim3A_164 : vector<16xf32> to vector<16xf32>
    tpu.vector_store %arg7[%swap3A_165], %swap3A_168 {strides = array<i32>} : memref<640xf32, #tpu.memory_space<vmem>>, vector<16xf32>,
    %broadcast_in_dim3A_169 = arith.constant 0.000000e+00 : f32
    %broadcast_in_dim3A_170 = vector.broadcast %broadcast_in_dim3A_169 : f32 to vector<16xf32>
    %swap3A_171 = arith.constant 320 : index
    %swap3A_172 = tpu.vector_load %arg7[%swap3A_171] {strides = array<i32>} : memref<640xf32, #tpu.memory_space<vmem>>, vector<16xf32>,
    %swap3A_173 = vector.shape_cast %swap3A_172 : vector<16xf32> to vector<16xf32>
    %swap3A_174 = vector.shape_cast %broadcast_in_dim3A_170 : vector<16xf32> to vector<16xf32>
    tpu.vector_store %arg7[%swap3A_171], %swap3A_174 {strides = array<i32>} : memref<640xf32, #tpu.memory_space<vmem>>, vector<16xf32>,
    %broadcast_in_dim3A_175 = arith.constant 0.000000e+00 : f32
    %broadcast_in_dim3A_176 = vector.broadcast %broadcast_in_dim3A_175 : f32 to vector<16xf32>
    %swap3A_177 = arith.constant 336 : index
    %swap3A_178 = tpu.vector_load %arg7[%swap3A_177] {strides = array<i32>} : memref<640xf32, #tpu.memory_space<vmem>>, vector<16xf32>,
    %swap3A_179 = vector.shape_cast %swap3A_178 : vector<16xf32> to vector<16xf32>
    %swap3A_180 = vector.shape_cast %broadcast_in_dim3A_176 : vector<16xf32> to vector<16xf32>
    tpu.vector_store %arg7[%swap3A_177], %swap3A_180 {strides = array<i32>} : memref<640xf32, #tpu.memory_space<vmem>>, vector<16xf32>,
    %broadcast_in_dim3A_181 = arith.constant 0.000000e+00 : f32
    %broadcast_in_dim3A_182 = vector.broadcast %broadcast_in_dim3A_181 : f32 to vector<16xf32>
    %swap3A_183 = arith.constant 352 : index
    %swap3A_184 = tpu.vector_load %arg7[%swap3A_183] {strides = array<i32>} : memref<640xf32, #tpu.memory_space<vmem>>, vector<16xf32>,
    %swap3A_185 = vector.shape_cast %swap3A_184 : vector<16xf32> to vector<16xf32>
    %swap3A_186 = vector.shape_cast %broadcast_in_dim3A_182 : vector<16xf32> to vector<16xf32>
    tpu.vector_store %arg7[%swap3A_183], %swap3A_186 {strides = array<i32>} : memref<640xf32, #tpu.memory_space<vmem>>, vector<16xf32>,
    %broadcast_in_dim3A_187 = arith.constant 0.000000e+00 : f32
    %broadcast_in_dim3A_188 = vector.broadcast %broadcast_in_dim3A_187 : f32 to vector<16xf32>
    %swap3A_189 = arith.constant 368 : index
    %swap3A_190 = tpu.vector_load %arg7[%swap3A_189] {strides = array<i32>} : memref<640xf32, #tpu.memory_space<vmem>>, vector<16xf32>,
    %swap3A_191 = vector.shape_cast %swap3A_190 : vector<16xf32> to vector<16xf32>
    %swap3A_192 = vector.shape_cast %broadcast_in_dim3A_188 : vector<16xf32> to vector<16xf32>
    tpu.vector_store %arg7[%swap3A_189], %swap3A_192 {strides = array<i32>} : memref<640xf32, #tpu.memory_space<vmem>>, vector<16xf32>,
    %broadcast_in_dim3A_193 = arith.constant 0.000000e+00 : f32
    %broadcast_in_dim3A_194 = vector.broadcast %broadcast_in_dim3A_193 : f32 to vector<16xf32>
    %swap3A_195 = arith.constant 384 : index
    %swap3A_196 = tpu.vector_load %arg7[%swap3A_195] {strides = array<i32>} : memref<640xf32, #tpu.memory_space<vmem>>, vector<16xf32>,
    %swap3A_197 = vector.shape_cast %swap3A_196 : vector<16xf32> to vector<16xf32>
    %swap3A_198 = vector.shape_cast %broadcast_in_dim3A_194 : vector<16xf32> to vector<16xf32>
    tpu.vector_store %arg7[%swap3A_195], %swap3A_198 {strides = array<i32>} : memref<640xf32, #tpu.memory_space<vmem>>, vector<16xf32>,
    %broadcast_in_dim3A_199 = arith.constant 0.000000e+00 : f32
    %broadcast_in_dim3A_200 = vector.broadcast %broadcast_in_dim3A_199 : f32 to vector<16xf32>
    %swap3A_201 = arith.constant 400 : index
    %swap3A_202 = tpu.vector_load %arg7[%swap3A_201] {strides = array<i32>} : memref<640xf32, #tpu.memory_space<vmem>>, vector<16xf32>,
    %swap3A_203 = vector.shape_cast %swap3A_202 : vector<16xf32> to vector<16xf32>
    %swap3A_204 = vector.shape_cast %broadcast_in_dim3A_200 : vector<16xf32> to vector<16xf32>
    tpu.vector_store %arg7[%swap3A_201], %swap3A_204 {strides = array<i32>} : memref<640xf32, #tpu.memory_space<vmem>>, vector<16xf32>,
    %broadcast_in_dim3A_205 = arith.constant 0.000000e+00 : f32
    %broadcast_in_dim3A_206 = vector.broadcast %broadcast_in_dim3A_205 : f32 to vector<16xf32>
    %swap3A_207 = arith.constant 416 : index
    %swap3A_208 = tpu.vector_load %arg7[%swap3A_207] {strides = array<i32>} : memref<640xf32, #tpu.memory_space<vmem>>, vector<16xf32>,
    %swap3A_209 = vector.shape_cast %swap3A_208 : vector<16xf32> to vector<16xf32>
    %swap3A_210 = vector.shape_cast %broadcast_in_dim3A_206 : vector<16xf32> to vector<16xf32>
    tpu.vector_store %arg7[%swap3A_207], %swap3A_210 {strides = array<i32>} : memref<640xf32, #tpu.memory_space<vmem>>, vector<16xf32>,
    %broadcast_in_dim3A_211 = arith.constant 0.000000e+00 : f32
    %broadcast_in_dim3A_212 = vector.broadcast %broadcast_in_dim3A_211 : f32 to vector<16xf32>
    %swap3A_213 = arith.constant 432 : index
    %swap3A_214 = tpu.vector_load %arg7[%swap3A_213] {strides = array<i32>} : memref<640xf32, #tpu.memory_space<vmem>>, vector<16xf32>,
    %swap3A_215 = vector.shape_cast %swap3A_214 : vector<16xf32> to vector<16xf32>
    %swap3A_216 = vector.shape_cast %broadcast_in_dim3A_212 : vector<16xf32> to vector<16xf32>
    tpu.vector_store %arg7[%swap3A_213], %swap3A_216 {strides = array<i32>} : memref<640xf32, #tpu.memory_space<vmem>>, vector<16xf32>,
    %broadcast_in_dim3A_217 = arith.constant 0.000000e+00 : f32
    %broadcast_in_dim3A_218 = vector.broadcast %broadcast_in_dim3A_217 : f32 to vector<16xf32>
    %swap3A_219 = arith.constant 448 : index
    %swap3A_220 = tpu.vector_load %arg7[%swap3A_219] {strides = array<i32>} : memref<640xf32, #tpu.memory_space<vmem>>, vector<16xf32>,
    %swap3A_221 = vector.shape_cast %swap3A_220 : vector<16xf32> to vector<16xf32>
    %swap3A_222 = vector.shape_cast %broadcast_in_dim3A_218 : vector<16xf32> to vector<16xf32>
    tpu.vector_store %arg7[%swap3A_219], %swap3A_222 {strides = array<i32>} : memref<640xf32, #tpu.memory_space<vmem>>, vector<16xf32>,
    %broadcast_in_dim3A_223 = arith.constant 0.000000e+00 : f32
    %broadcast_in_dim3A_224 = vector.broadcast %broadcast_in_dim3A_223 : f32 to vector<16xf32>
    %swap3A_225 = arith.constant 464 : index
    %swap3A_226 = tpu.vector_load %arg7[%swap3A_225] {strides = array<i32>} : memref<640xf32, #tpu.memory_space<vmem>>, vector<16xf32>,
    %swap3A_227 = vector.shape_cast %swap3A_226 : vector<16xf32> to vector<16xf32>
    %swap3A_228 = vector.shape_cast %broadcast_in_dim3A_224 : vector<16xf32> to vector<16xf32>
    tpu.vector_store %arg7[%swap3A_225], %swap3A_228 {strides = array<i32>} : memref<640xf32, #tpu.memory_space<vmem>>, vector<16xf32>,
    %broadcast_in_dim3A_229 = arith.constant 0.000000e+00 : f32
    %broadcast_in_dim3A_230 = vector.broadcast %broadcast_in_dim3A_229 : f32 to vector<16xf32>
    %swap3A_231 = arith.constant 480 : index
    %swap3A_232 = tpu.vector_load %arg7[%swap3A_231] {strides = array<i32>} : memref<640xf32, #tpu.memory_space<vmem>>, vector<16xf32>,
    %swap3A_233 = vector.shape_cast %swap3A_232 : vector<16xf32> to vector<16xf32>
    %swap3A_234 = vector.shape_cast %broadcast_in_dim3A_230 : vector<16xf32> to vector<16xf32>
    tpu.vector_store %arg7[%swap3A_231], %swap3A_234 {strides = array<i32>} : memref<640xf32, #tpu.memory_space<vmem>>, vector<16xf32>,
    %broadcast_in_dim3A_235 = arith.constant 0.000000e+00 : f32
    %broadcast_in_dim3A_236 = vector.broadcast %broadcast_in_dim3A_235 : f32 to vector<16xf32>
    %swap3A_237 = arith.constant 496 : index
    %swap3A_238 = tpu.vector_load %arg7[%swap3A_237] {strides = array<i32>} : memref<640xf32, #tpu.memory_space<vmem>>, vector<16xf32>,
    %swap3A_239 = vector.shape_cast %swap3A_238 : vector<16xf32> to vector<16xf32>
    %swap3A_240 = vector.shape_cast %broadcast_in_dim3A_236 : vector<16xf32> to vector<16xf32>
    tpu.vector_store %arg7[%swap3A_237], %swap3A_240 {strides = array<i32>} : memref<640xf32, #tpu.memory_space<vmem>>, vector<16xf32>,
    %broadcast_in_dim3A_241 = arith.constant 0.000000e+00 : f32
    %broadcast_in_dim3A_242 = vector.broadcast %broadcast_in_dim3A_241 : f32 to vector<16xf32>
    %swap3A_243 = arith.constant 512 : index
    %swap3A_244 = tpu.vector_load %arg7[%swap3A_243] {strides = array<i32>} : memref<640xf32, #tpu.memory_space<vmem>>, vector<16xf32>,
    %swap3A_245 = vector.shape_cast %swap3A_244 : vector<16xf32> to vector<16xf32>
    %swap3A_246 = vector.shape_cast %broadcast_in_dim3A_242 : vector<16xf32> to vector<16xf32>
    tpu.vector_store %arg7[%swap3A_243], %swap3A_246 {strides = array<i32>} : memref<640xf32, #tpu.memory_space<vmem>>, vector<16xf32>,
    %broadcast_in_dim3A_247 = arith.constant 0.000000e+00 : f32
    %broadcast_in_dim3A_248 = vector.broadcast %broadcast_in_dim3A_247 : f32 to vector<16xf32>
    %swap3A_249 = arith.constant 528 : index
    %swap3A_250 = tpu.vector_load %arg7[%swap3A_249] {strides = array<i32>} : memref<640xf32, #tpu.memory_space<vmem>>, vector<16xf32>,
    %swap3A_251 = vector.shape_cast %swap3A_250 : vector<16xf32> to vector<16xf32>
    %swap3A_252 = vector.shape_cast %broadcast_in_dim3A_248 : vector<16xf32> to vector<16xf32>
    tpu.vector_store %arg7[%swap3A_249], %swap3A_252 {strides = array<i32>} : memref<640xf32, #tpu.memory_space<vmem>>, vector<16xf32>,
    %broadcast_in_dim3A_253 = arith.constant 0.000000e+00 : f32
    %broadcast_in_dim3A_254 = vector.broadcast %broadcast_in_dim3A_253 : f32 to vector<16xf32>
    %swap3A_255 = arith.constant 544 : index
    %swap3A_256 = tpu.vector_load %arg7[%swap3A_255] {strides = array<i32>} : memref<640xf32, #tpu.memory_space<vmem>>, vector<16xf32>,
    %swap3A_257 = vector.shape_cast %swap3A_256 : vector<16xf32> to vector<16xf32>
    %swap3A_258 = vector.shape_cast %broadcast_in_dim3A_254 : vector<16xf32> to vector<16xf32>
    tpu.vector_store %arg7[%swap3A_255], %swap3A_258 {strides = array<i32>} : memref<640xf32, #tpu.memory_space<vmem>>, vector<16xf32>,
    %broadcast_in_dim3A_259 = arith.constant 0.000000e+00 : f32
    %broadcast_in_dim3A_260 = vector.broadcast %broadcast_in_dim3A_259 : f32 to vector<16xf32>
    %swap3A_261 = arith.constant 560 : index
    %swap3A_262 = tpu.vector_load %arg7[%swap3A_261] {strides = array<i32>} : memref<640xf32, #tpu.memory_space<vmem>>, vector<16xf32>,
    %swap3A_263 = vector.shape_cast %swap3A_262 : vector<16xf32> to vector<16xf32>
    %swap3A_264 = vector.shape_cast %broadcast_in_dim3A_260 : vector<16xf32> to vector<16xf32>
    tpu.vector_store %arg7[%swap3A_261], %swap3A_264 {strides = array<i32>} : memref<640xf32, #tpu.memory_space<vmem>>, vector<16xf32>,
    %broadcast_in_dim3A_265 = arith.constant 0.000000e+00 : f32
    %broadcast_in_dim3A_266 = vector.broadcast %broadcast_in_dim3A_265 : f32 to vector<16xf32>
    %swap3A_267 = arith.constant 576 : index
    %swap3A_268 = tpu.vector_load %arg7[%swap3A_267] {strides = array<i32>} : memref<640xf32, #tpu.memory_space<vmem>>, vector<16xf32>,
    %swap3A_269 = vector.shape_cast %swap3A_268 : vector<16xf32> to vector<16xf32>
    %swap3A_270 = vector.shape_cast %broadcast_in_dim3A_266 : vector<16xf32> to vector<16xf32>
    tpu.vector_store %arg7[%swap3A_267], %swap3A_270 {strides = array<i32>} : memref<640xf32, #tpu.memory_space<vmem>>, vector<16xf32>,
    %broadcast_in_dim3A_271 = arith.constant 0.000000e+00 : f32
    %broadcast_in_dim3A_272 = vector.broadcast %broadcast_in_dim3A_271 : f32 to vector<16xf32>
    %swap3A_273 = arith.constant 592 : index
    %swap3A_274 = tpu.vector_load %arg7[%swap3A_273] {strides = array<i32>} : memref<640xf32, #tpu.memory_space<vmem>>, vector<16xf32>,
    %swap3A_275 = vector.shape_cast %swap3A_274 : vector<16xf32> to vector<16xf32>
    %swap3A_276 = vector.shape_cast %broadcast_in_dim3A_272 : vector<16xf32> to vector<16xf32>
    tpu.vector_store %arg7[%swap3A_273], %swap3A_276 {strides = array<i32>} : memref<640xf32, #tpu.memory_space<vmem>>, vector<16xf32>,
    %broadcast_in_dim3A_277 = arith.constant 0.000000e+00 : f32
    %broadcast_in_dim3A_278 = vector.broadcast %broadcast_in_dim3A_277 : f32 to vector<16xf32>
    %swap3A_279 = arith.constant 608 : index
    %swap3A_280 = tpu.vector_load %arg7[%swap3A_279] {strides = array<i32>} : memref<640xf32, #tpu.memory_space<vmem>>, vector<16xf32>,
    %swap3A_281 = vector.shape_cast %swap3A_280 : vector<16xf32> to vector<16xf32>
    %swap3A_282 = vector.shape_cast %broadcast_in_dim3A_278 : vector<16xf32> to vector<16xf32>
    tpu.vector_store %arg7[%swap3A_279], %swap3A_282 {strides = array<i32>} : memref<640xf32, #tpu.memory_space<vmem>>, vector<16xf32>,
    %broadcast_in_dim3A_283 = arith.constant 0.000000e+00 : f32
    %broadcast_in_dim3A_284 = vector.broadcast %broadcast_in_dim3A_283 : f32 to vector<16xf32>
    %swap3A_285 = arith.constant 624 : index
    %swap3A_286 = tpu.vector_load %arg7[%swap3A_285] {strides = array<i32>} : memref<640xf32, #tpu.memory_space<vmem>>, vector<16xf32>,
    %swap3A_287 = vector.shape_cast %swap3A_286 : vector<16xf32> to vector<16xf32>
    %swap3A_288 = vector.shape_cast %broadcast_in_dim3A_284 : vector<16xf32> to vector<16xf32>
    tpu.vector_store %arg7[%swap3A_285], %swap3A_288 {strides = array<i32>} : memref<640xf32, #tpu.memory_space<vmem>>, vector<16xf32>,
    "tpu.region"() ({
      %run_scoped3A_297 = tpu.sem_alloc : memref<!tpu.dma_semaphore, #tpu.memory_space<semaphore_mem>>
      %dma_start3A = tpu.memref_slice %arg8[%mul3A_2] : memref<10240xf32, #tpu.memory_space<vmem_shared>> -> memref<640xf32, #tpu.memory_space<vmem_shared>>
      %dma_start3A_298 = tpu.memref_slice %arg8[%mul3A_2] : memref<10240xf32, #tpu.memory_space<vmem_shared>> -> memref<640xf32, #tpu.memory_space<vmem_shared>>
      tpu.enqueue_dma source(%arg7 : memref<640xf32, #tpu.memory_space<vmem>>) target(%dma_start3A_298 : memref<640xf32, #tpu.memory_space<vmem_shared>>) target_semaphore(%run_scoped3A_297 : memref<!tpu.dma_semaphore, #tpu.memory_space<semaphore_mem>>)
      %dma_wait3A = tpu.memref_slice %arg8[%mul3A_2] : memref<10240xf32, #tpu.memory_space<vmem_shared>> -> memref<640xf32, #tpu.memory_space<vmem_shared>>
      %dma_wait3A_299 = tpu.memref_slice %arg8[%mul3A_2] : memref<10240xf32, #tpu.memory_space<vmem_shared>> -> memref<640xf32, #tpu.memory_space<vmem_shared>>
      tpu.wait_dma2 semaphore(%run_scoped3A_297 : memref<!tpu.dma_semaphore, #tpu.memory_space<semaphore_mem>>) src(%arg7 : memref<640xf32, #tpu.memory_space<vmem>>) dst(%dma_wait3A_299 : memref<640xf32, #tpu.memory_space<vmem_shared>>)
      tpu.yield
    }) : () -> ()
    %barrier3A = arith.constant 0 : index
    tpu.barrier barrier_id(%barrier3A)
    %mul3A_289 = arith.constant 80 : i32
    %mul3A_290 = arith.muli %add3A, %mul3A_289 : i32
    "tpu.region"() ({
      %run_scoped3A_297 = tpu.sem_alloc : memref<!tpu.dma_semaphore, #tpu.memory_space<semaphore_mem>>
      %dma_start3A = arith.constant 0 : i32
      %dma_start3A_298 = tpu.memref_slice %arg3[%mul3A_290, %dma_start3A] : memref<2560x128xi32, #tpu.memory_space<hbm>> -> memref<80x128xi32, #tpu.memory_space<hbm>>
      %dma_start3A_299 = arith.constant 0 : i32
      %dma_start3A_300 = tpu.memref_slice %arg3[%mul3A_290, %dma_start3A_299] : memref<2560x128xi32, #tpu.memory_space<hbm>> -> memref<80x128xi32, #tpu.memory_space<hbm>>
      tpu.enqueue_dma source(%dma_start3A_300 : memref<80x128xi32, #tpu.memory_space<hbm>>) target(%arg5 : memref<80x128xi32, #tpu.memory_space<vmem>>) target_semaphore(%run_scoped3A_297 : memref<!tpu.dma_semaphore, #tpu.memory_space<semaphore_mem>>)
      %dma_wait3A = arith.constant 0 : i32
      %dma_wait3A_301 = tpu.memref_slice %arg3[%mul3A_290, %dma_wait3A] : memref<2560x128xi32, #tpu.memory_space<hbm>> -> memref<80x128xi32, #tpu.memory_space<hbm>>
      %dma_wait3A_302 = arith.constant 0 : i32
      %dma_wait3A_303 = tpu.memref_slice %arg3[%mul3A_290, %dma_wait3A_302] : memref<2560x128xi32, #tpu.memory_space<hbm>> -> memref<80x128xi32, #tpu.memory_space<hbm>>
      tpu.wait_dma2 semaphore(%run_scoped3A_297 : memref<!tpu.dma_semaphore, #tpu.memory_space<semaphore_mem>>) src(%dma_wait3A_303 : memref<80x128xi32, #tpu.memory_space<hbm>>) dst(%arg5 : memref<80x128xi32, #tpu.memory_space<vmem>>)
      tpu.yield
    }) : () -> ()
    %scan3A = arith.constant 0 : i32
    %scan3A_291 = arith.constant 0 : i32
    %scan3A_292 = arith.constant 80 : i32
    %scan3A_293 = arith.addi %scan3A_291, %scan3A_292 : i32
    %scan3A_294 = arith.constant 1 : i32
    scf.for %scan3A_297 = %scan3A_291 to %scan3A_293 step %scan3A_294  : i32 {
      "tpu.region"() ({
        %run_scoped3A_298 = tpu.sem_alloc : memref<!tpu.dma_semaphore, #tpu.memory_space<semaphore_mem>>
        %dma_start3A = arith.constant 0 : i32
        %dma_start3A_299 = tpu.memref_slice %arg5[%scan3A_297, %dma_start3A] : memref<80x128xi32, #tpu.memory_space<vmem>> -> memref<1x128xi32, #tpu.memory_space<vmem>>
        %dma_start3A_300 = tpu.memref_squeeze %dma_start3A_299 : memref<1x128xi32, #tpu.memory_space<vmem>> -> memref<128xi32, #tpu.memory_space<vmem>>
        %dma_start3A_301 = arith.constant 0 : i32
        %dma_start3A_302 = tpu.memref_slice %arg8[%dma_start3A_301] : memref<10240xf32, #tpu.memory_space<vmem_shared>> -> memref<10240xf32, #tpu.memory_space<vmem_shared>>
        tpu.enqueue_indirect_dma source(%arg6 : memref<128xf32, #tpu.memory_space<vmem>>) target(%dma_start3A_302 : memref<10240xf32, #tpu.memory_space<vmem_shared>>) offsets(%dma_start3A_300 : memref<128xi32, #tpu.memory_space<vmem>>) semaphore(%run_scoped3A_298 : memref<!tpu.dma_semaphore, #tpu.memory_space<semaphore_mem>>) {add = true}
        %dma_wait3A = arith.constant 0 : i32
        %dma_wait3A_303 = tpu.memref_slice %arg5[%scan3A_297, %dma_wait3A] : memref<80x128xi32, #tpu.memory_space<vmem>> -> memref<1x128xi32, #tpu.memory_space<vmem>>
        %dma_wait3A_304 = tpu.memref_squeeze %dma_wait3A_303 : memref<1x128xi32, #tpu.memory_space<vmem>> -> memref<128xi32, #tpu.memory_space<vmem>>
        %dma_wait3A_305 = arith.constant 0 : i32
        %dma_wait3A_306 = tpu.memref_slice %arg8[%dma_wait3A_305] : memref<10240xf32, #tpu.memory_space<vmem_shared>> -> memref<10240xf32, #tpu.memory_space<vmem_shared>>
        tpu.wait_indirect_dma semaphore(%run_scoped3A_298 : memref<!tpu.dma_semaphore, #tpu.memory_space<semaphore_mem>>) src(%arg6 : memref<128xf32, #tpu.memory_space<vmem>>) dst(%dma_wait3A_306 : memref<10240xf32, #tpu.memory_space<vmem_shared>>)
        tpu.yield
      }) : () -> ()
    }
    %scan3A_295 = arith.constant 80 : i32
    %barrier3A_296 = arith.constant 0 : index
    tpu.barrier barrier_id(%barrier3A_296)
    "tpu.region"() ({
      %run_scoped3A_297 = tpu.sem_alloc : memref<!tpu.dma_semaphore, #tpu.memory_space<semaphore_mem>>
      %dma_start3A = tpu.memref_slice %arg8[%mul3A_2] : memref<10240xf32, #tpu.memory_space<vmem_shared>> -> memref<640xf32, #tpu.memory_space<vmem_shared>>
      %dma_start3A_298 = tpu.memref_slice %arg8[%mul3A_2] : memref<10240xf32, #tpu.memory_space<vmem_shared>> -> memref<640xf32, #tpu.memory_space<vmem_shared>>
      tpu.enqueue_dma source(%dma_start3A_298 : memref<640xf32, #tpu.memory_space<vmem_shared>>) target(%arg7 : memref<640xf32, #tpu.memory_space<vmem>>) target_semaphore(%run_scoped3A_297 : memref<!tpu.dma_semaphore, #tpu.memory_space<semaphore_mem>>)
      %dma_wait3A = tpu.memref_slice %arg8[%mul3A_2] : memref<10240xf32, #tpu.memory_space<vmem_shared>> -> memref<640xf32, #tpu.memory_space<vmem_shared>>
      %dma_wait3A_299 = tpu.memref_slice %arg8[%mul3A_2] : memref<10240xf32, #tpu.memory_space<vmem_shared>> -> memref<640xf32, #tpu.memory_space<vmem_shared>>
      tpu.wait_dma2 semaphore(%run_scoped3A_297 : memref<!tpu.dma_semaphore, #tpu.memory_space<semaphore_mem>>) src(%dma_wait3A_299 : memref<640xf32, #tpu.memory_space<vmem_shared>>) dst(%arg7 : memref<640xf32, #tpu.memory_space<vmem>>)
      tpu.yield
    }) : () -> ()
    %run_scoped3A = arith.constant 0 : i32
    "tpu.region"() ({
      %run_scoped3A_297 = tpu.sem_alloc : memref<!tpu.dma_semaphore, #tpu.memory_space<semaphore_mem>>
      %dma_start3A = tpu.memref_slice %arg4[%arg0, %run_scoped3A, %mul3A_2] : memref<2x1x10240xf32, #tpu.memory_space<hbm>> -> memref<1x1x640xf32, #tpu.memory_space<hbm>>
      %dma_start3A_298 = tpu.memref_squeeze %dma_start3A : memref<1x1x640xf32, #tpu.memory_space<hbm>> -> memref<640xf32, #tpu.memory_space<hbm>>
      %dma_start3A_299 = tpu.memref_slice %arg4[%arg0, %run_scoped3A, %mul3A_2] : memref<2x1x10240xf32, #tpu.memory_space<hbm>> -> memref<1x1x640xf32, #tpu.memory_space<hbm>>
      %dma_start3A_300 = tpu.memref_squeeze %dma_start3A_299 : memref<1x1x640xf32, #tpu.memory_space<hbm>> -> memref<640xf32, #tpu.memory_space<hbm>>
      tpu.enqueue_dma source(%arg7 : memref<640xf32, #tpu.memory_space<vmem>>) target(%dma_start3A_300 : memref<640xf32, #tpu.memory_space<hbm>>) target_semaphore(%run_scoped3A_297 : memref<!tpu.dma_semaphore, #tpu.memory_space<semaphore_mem>>)
      %dma_wait3A = tpu.memref_slice %arg4[%arg0, %run_scoped3A, %mul3A_2] : memref<2x1x10240xf32, #tpu.memory_space<hbm>> -> memref<1x1x640xf32, #tpu.memory_space<hbm>>
      %dma_wait3A_301 = tpu.memref_squeeze %dma_wait3A : memref<1x1x640xf32, #tpu.memory_space<hbm>> -> memref<640xf32, #tpu.memory_space<hbm>>
      %dma_wait3A_302 = tpu.memref_slice %arg4[%arg0, %run_scoped3A, %mul3A_2] : memref<2x1x10240xf32, #tpu.memory_space<hbm>> -> memref<1x1x640xf32, #tpu.memory_space<hbm>>
      %dma_wait3A_303 = tpu.memref_squeeze %dma_wait3A_302 : memref<1x1x640xf32, #tpu.memory_space<hbm>> -> memref<640xf32, #tpu.memory_space<hbm>>
      tpu.wait_dma2 semaphore(%run_scoped3A_297 : memref<!tpu.dma_semaphore, #tpu.memory_space<semaphore_mem>>) src(%arg7 : memref<640xf32, #tpu.memory_space<vmem>>) dst(%dma_wait3A_303 : memref<640xf32, #tpu.memory_space<hbm>>)
      tpu.yield
    }) : () -> ()
    return
  }
}

#map = affine_map<(d0, d1) -> (0, 0)>
#map1 = affine_map<(d0, d1) -> (0, 0, 0)>
module attributes {stable_mosaic.version = 14 : i64} {
  func.func @_prop_kernel(%arg0: i32, %arg1: i32, %arg2: memref<2560x128xi32, #tpu.memory_space<hbm>>, %arg3: memref<2560x128xi32, #tpu.memory_space<hbm>>, %arg4: memref<10240x64xf32, #tpu.memory_space<hbm>>, %arg5: memref<640x64xf32, #tpu.memory_space<hbm>>, %arg6: memref<2x10240x64xf32, #tpu.memory_space<hbm>>, %arg7: memref<80x128xi32, #tpu.memory_space<vmem>>, %arg8: memref<80x128xi32, #tpu.memory_space<vmem>>, %arg9: memref<128x64xf32, #tpu.memory_space<vmem>>, %arg10: memref<128x64xf32, #tpu.memory_space<vmem>>, %arg11: memref<128x64xf32, #tpu.memory_space<vmem>>, %arg12: memref<128x64xf32, #tpu.memory_space<vmem>>, %arg13: memref<10240x64xf32, #tpu.memory_space<vmem_shared>>, %arg14: memref<!tpu.dma_semaphore, #tpu.memory_space<semaphore_mem>>) attributes {dimension_semantics = [#tpu.dimension_semantics<core_parallel>, #tpu.dimension_semantics<subcore_parallel>], iteration_bounds = array<i64: 2, 16>, scalar_prefetch = 0 : i64, scratch_operands = 8 : i64, tpu.core_type = #tpu.core_type<sc_vector_subcore>, window_params = [{transform_indices = #map}, {transform_indices = #map}, {transform_indices = #map}, {transform_indices = #map}, {transform_indices = #map1}]} {
    %mul3A = arith.constant 2 : i32
    %mul3A_0 = arith.muli %arg1, %mul3A : i32
    %add3A = arith.addi %mul3A_0, %arg0 : i32
    %mul3A_1 = arith.constant 640 : i32
    %mul3A_2 = arith.muli %arg1, %mul3A_1 : i32
    "tpu.region"() ({
      %run_scoped3A = tpu.sem_alloc : memref<!tpu.dma_semaphore, #tpu.memory_space<semaphore_mem>>
      %dma_start3A_26 = arith.constant 0 : i32
      %dma_start3A_27 = tpu.memref_slice %arg13[%mul3A_2, %dma_start3A_26] : memref<10240x64xf32, #tpu.memory_space<vmem_shared>> -> memref<640x64xf32, #tpu.memory_space<vmem_shared>>
      tpu.enqueue_dma source(%arg5 : memref<640x64xf32, #tpu.memory_space<hbm>>) target(%dma_start3A_27 : memref<640x64xf32, #tpu.memory_space<vmem_shared>>) target_semaphore(%run_scoped3A : memref<!tpu.dma_semaphore, #tpu.memory_space<semaphore_mem>>)
      %dma_wait3A = arith.constant 0 : i32
      %dma_wait3A_28 = tpu.memref_slice %arg13[%mul3A_2, %dma_wait3A] : memref<10240x64xf32, #tpu.memory_space<vmem_shared>> -> memref<640x64xf32, #tpu.memory_space<vmem_shared>>
      tpu.wait_dma2 semaphore(%run_scoped3A : memref<!tpu.dma_semaphore, #tpu.memory_space<semaphore_mem>>) src(%arg5 : memref<640x64xf32, #tpu.memory_space<hbm>>) dst(%dma_wait3A_28 : memref<640x64xf32, #tpu.memory_space<vmem_shared>>)
      tpu.yield
    }) : () -> ()
    %mul3A_3 = arith.constant 80 : i32
    %mul3A_4 = arith.muli %add3A, %mul3A_3 : i32
    "tpu.region"() ({
      %run_scoped3A = tpu.sem_alloc : memref<!tpu.dma_semaphore, #tpu.memory_space<semaphore_mem>>
      %dma_start3A_26 = arith.constant 0 : i32
      %dma_start3A_27 = tpu.memref_slice %arg2[%mul3A_4, %dma_start3A_26] : memref<2560x128xi32, #tpu.memory_space<hbm>> -> memref<80x128xi32, #tpu.memory_space<hbm>>
      %dma_start3A_28 = arith.constant 0 : i32
      %dma_start3A_29 = tpu.memref_slice %arg2[%mul3A_4, %dma_start3A_28] : memref<2560x128xi32, #tpu.memory_space<hbm>> -> memref<80x128xi32, #tpu.memory_space<hbm>>
      tpu.enqueue_dma source(%dma_start3A_29 : memref<80x128xi32, #tpu.memory_space<hbm>>) target(%arg7 : memref<80x128xi32, #tpu.memory_space<vmem>>) target_semaphore(%run_scoped3A : memref<!tpu.dma_semaphore, #tpu.memory_space<semaphore_mem>>)
      %dma_wait3A = arith.constant 0 : i32
      %dma_wait3A_30 = tpu.memref_slice %arg2[%mul3A_4, %dma_wait3A] : memref<2560x128xi32, #tpu.memory_space<hbm>> -> memref<80x128xi32, #tpu.memory_space<hbm>>
      %dma_wait3A_31 = arith.constant 0 : i32
      %dma_wait3A_32 = tpu.memref_slice %arg2[%mul3A_4, %dma_wait3A_31] : memref<2560x128xi32, #tpu.memory_space<hbm>> -> memref<80x128xi32, #tpu.memory_space<hbm>>
      tpu.wait_dma2 semaphore(%run_scoped3A : memref<!tpu.dma_semaphore, #tpu.memory_space<semaphore_mem>>) src(%dma_wait3A_32 : memref<80x128xi32, #tpu.memory_space<hbm>>) dst(%arg7 : memref<80x128xi32, #tpu.memory_space<vmem>>)
      tpu.yield
    }) : () -> ()
    %mul3A_5 = arith.constant 80 : i32
    %mul3A_6 = arith.muli %add3A, %mul3A_5 : i32
    "tpu.region"() ({
      %run_scoped3A = tpu.sem_alloc : memref<!tpu.dma_semaphore, #tpu.memory_space<semaphore_mem>>
      %dma_start3A_26 = arith.constant 0 : i32
      %dma_start3A_27 = tpu.memref_slice %arg3[%mul3A_6, %dma_start3A_26] : memref<2560x128xi32, #tpu.memory_space<hbm>> -> memref<80x128xi32, #tpu.memory_space<hbm>>
      %dma_start3A_28 = arith.constant 0 : i32
      %dma_start3A_29 = tpu.memref_slice %arg3[%mul3A_6, %dma_start3A_28] : memref<2560x128xi32, #tpu.memory_space<hbm>> -> memref<80x128xi32, #tpu.memory_space<hbm>>
      tpu.enqueue_dma source(%dma_start3A_29 : memref<80x128xi32, #tpu.memory_space<hbm>>) target(%arg8 : memref<80x128xi32, #tpu.memory_space<vmem>>) target_semaphore(%run_scoped3A : memref<!tpu.dma_semaphore, #tpu.memory_space<semaphore_mem>>)
      %dma_wait3A = arith.constant 0 : i32
      %dma_wait3A_30 = tpu.memref_slice %arg3[%mul3A_6, %dma_wait3A] : memref<2560x128xi32, #tpu.memory_space<hbm>> -> memref<80x128xi32, #tpu.memory_space<hbm>>
      %dma_wait3A_31 = arith.constant 0 : i32
      %dma_wait3A_32 = tpu.memref_slice %arg3[%mul3A_6, %dma_wait3A_31] : memref<2560x128xi32, #tpu.memory_space<hbm>> -> memref<80x128xi32, #tpu.memory_space<hbm>>
      tpu.wait_dma2 semaphore(%run_scoped3A : memref<!tpu.dma_semaphore, #tpu.memory_space<semaphore_mem>>) src(%dma_wait3A_32 : memref<80x128xi32, #tpu.memory_space<hbm>>) dst(%arg8 : memref<80x128xi32, #tpu.memory_space<vmem>>)
      tpu.yield
    }) : () -> ()
    %barrier3A = arith.constant 0 : index
    tpu.barrier barrier_id(%barrier3A)
    %dma_start3A = arith.constant 0 : i32
    %dma_start3A_7 = arith.constant 0 : i32
    %dma_start3A_8 = tpu.memref_slice %arg7[%dma_start3A, %dma_start3A_7] : memref<80x128xi32, #tpu.memory_space<vmem>> -> memref<1x128xi32, #tpu.memory_space<vmem>>
    %dma_start3A_9 = tpu.memref_squeeze %dma_start3A_8 : memref<1x128xi32, #tpu.memory_space<vmem>> -> memref<128xi32, #tpu.memory_space<vmem>>
    %dma_start3A_10 = arith.constant 0 : i32
    %dma_start3A_11 = arith.constant 0 : i32
    %dma_start3A_12 = tpu.memref_slice %arg4[%dma_start3A_10, %dma_start3A_11] : memref<10240x64xf32, #tpu.memory_space<hbm>> -> memref<10240x64xf32, #tpu.memory_space<hbm>>
    tpu.enqueue_indirect_dma source(%dma_start3A_12 : memref<10240x64xf32, #tpu.memory_space<hbm>>) target(%arg9 : memref<128x64xf32, #tpu.memory_space<vmem>>) offsets(%dma_start3A_9 : memref<128xi32, #tpu.memory_space<vmem>>) semaphore(%arg14 : memref<!tpu.dma_semaphore, #tpu.memory_space<semaphore_mem>>)
    %dma_start3A_13 = arith.constant 1 : i32
    %dma_start3A_14 = arith.constant 0 : i32
    %dma_start3A_15 = tpu.memref_slice %arg7[%dma_start3A_13, %dma_start3A_14] : memref<80x128xi32, #tpu.memory_space<vmem>> -> memref<1x128xi32, #tpu.memory_space<vmem>>
    %dma_start3A_16 = tpu.memref_squeeze %dma_start3A_15 : memref<1x128xi32, #tpu.memory_space<vmem>> -> memref<128xi32, #tpu.memory_space<vmem>>
    %dma_start3A_17 = arith.constant 0 : i32
    %dma_start3A_18 = arith.constant 0 : i32
    %dma_start3A_19 = tpu.memref_slice %arg4[%dma_start3A_17, %dma_start3A_18] : memref<10240x64xf32, #tpu.memory_space<hbm>> -> memref<10240x64xf32, #tpu.memory_space<hbm>>
    tpu.enqueue_indirect_dma source(%dma_start3A_19 : memref<10240x64xf32, #tpu.memory_space<hbm>>) target(%arg10 : memref<128x64xf32, #tpu.memory_space<vmem>>) offsets(%dma_start3A_16 : memref<128xi32, #tpu.memory_space<vmem>>) semaphore(%arg14 : memref<!tpu.dma_semaphore, #tpu.memory_space<semaphore_mem>>)
    %scan3A = arith.constant 0 : i32
    %scan3A_20 = arith.constant 0 : i32
    %scan3A_21 = arith.constant 20 : i32
    %scan3A_22 = arith.addi %scan3A_20, %scan3A_21 : i32
    %scan3A_23 = arith.constant 1 : i32
    scf.for %scan3A_26 = %scan3A_20 to %scan3A_22 step %scan3A_23  : i32 {
      %mul3A_27 = arith.constant 4 : i32
      %mul3A_28 = arith.muli %scan3A_26, %mul3A_27 : i32
      %dma_wait3A = arith.constant 0 : i32
      %dma_wait3A_29 = arith.constant 0 : i32
      %dma_wait3A_30 = tpu.memref_slice %arg4[%dma_wait3A, %dma_wait3A_29] : memref<10240x64xf32, #tpu.memory_space<hbm>> -> memref<128x64xf32, #tpu.memory_space<hbm>>
      %dma_wait3A_31 = arith.constant 0 : i32
      %dma_wait3A_32 = arith.constant 0 : i32
      %dma_wait3A_33 = tpu.memref_slice %arg4[%dma_wait3A_31, %dma_wait3A_32] : memref<10240x64xf32, #tpu.memory_space<hbm>> -> memref<128x64xf32, #tpu.memory_space<hbm>>
      tpu.wait_dma2 semaphore(%arg14 : memref<!tpu.dma_semaphore, #tpu.memory_space<semaphore_mem>>) src(%dma_wait3A_33 : memref<128x64xf32, #tpu.memory_space<hbm>>) dst(%arg9 : memref<128x64xf32, #tpu.memory_space<vmem>>)
      %dma_wait3A_34 = arith.constant 0 : i32
      %dma_wait3A_35 = arith.constant 0 : i32
      %dma_wait3A_36 = tpu.memref_slice %arg4[%dma_wait3A_34, %dma_wait3A_35] : memref<10240x64xf32, #tpu.memory_space<hbm>> -> memref<128x64xf32, #tpu.memory_space<hbm>>
      %dma_wait3A_37 = arith.constant 0 : i32
      %dma_wait3A_38 = arith.constant 0 : i32
      %dma_wait3A_39 = tpu.memref_slice %arg4[%dma_wait3A_37, %dma_wait3A_38] : memref<10240x64xf32, #tpu.memory_space<hbm>> -> memref<128x64xf32, #tpu.memory_space<hbm>>
      tpu.wait_dma2 semaphore(%arg14 : memref<!tpu.dma_semaphore, #tpu.memory_space<semaphore_mem>>) src(%dma_wait3A_39 : memref<128x64xf32, #tpu.memory_space<hbm>>) dst(%arg10 : memref<128x64xf32, #tpu.memory_space<vmem>>)
      %add3A_40 = arith.constant 2 : i32
      %add3A_41 = arith.addi %mul3A_28, %add3A_40 : i32
      %dma_start3A_42 = arith.constant 0 : i32
      %dma_start3A_43 = tpu.memref_slice %arg7[%add3A_41, %dma_start3A_42] : memref<80x128xi32, #tpu.memory_space<vmem>> -> memref<1x128xi32, #tpu.memory_space<vmem>>
      %dma_start3A_44 = tpu.memref_squeeze %dma_start3A_43 : memref<1x128xi32, #tpu.memory_space<vmem>> -> memref<128xi32, #tpu.memory_space<vmem>>
      %dma_start3A_45 = arith.constant 0 : i32
      %dma_start3A_46 = arith.constant 0 : i32
      %dma_start3A_47 = tpu.memref_slice %arg4[%dma_start3A_45, %dma_start3A_46] : memref<10240x64xf32, #tpu.memory_space<hbm>> -> memref<10240x64xf32, #tpu.memory_space<hbm>>
      tpu.enqueue_indirect_dma source(%dma_start3A_47 : memref<10240x64xf32, #tpu.memory_space<hbm>>) target(%arg11 : memref<128x64xf32, #tpu.memory_space<vmem>>) offsets(%dma_start3A_44 : memref<128xi32, #tpu.memory_space<vmem>>) semaphore(%arg14 : memref<!tpu.dma_semaphore, #tpu.memory_space<semaphore_mem>>)
      %add3A_48 = arith.constant 3 : i32
      %add3A_49 = arith.addi %mul3A_28, %add3A_48 : i32
      %dma_start3A_50 = arith.constant 0 : i32
      %dma_start3A_51 = tpu.memref_slice %arg7[%add3A_49, %dma_start3A_50] : memref<80x128xi32, #tpu.memory_space<vmem>> -> memref<1x128xi32, #tpu.memory_space<vmem>>
      %dma_start3A_52 = tpu.memref_squeeze %dma_start3A_51 : memref<1x128xi32, #tpu.memory_space<vmem>> -> memref<128xi32, #tpu.memory_space<vmem>>
      %dma_start3A_53 = arith.constant 0 : i32
      %dma_start3A_54 = arith.constant 0 : i32
      %dma_start3A_55 = tpu.memref_slice %arg4[%dma_start3A_53, %dma_start3A_54] : memref<10240x64xf32, #tpu.memory_space<hbm>> -> memref<10240x64xf32, #tpu.memory_space<hbm>>
      tpu.enqueue_indirect_dma source(%dma_start3A_55 : memref<10240x64xf32, #tpu.memory_space<hbm>>) target(%arg12 : memref<128x64xf32, #tpu.memory_space<vmem>>) offsets(%dma_start3A_52 : memref<128xi32, #tpu.memory_space<vmem>>) semaphore(%arg14 : memref<!tpu.dma_semaphore, #tpu.memory_space<semaphore_mem>>)
      "tpu.region"() ({
        %run_scoped3A = tpu.sem_alloc : memref<!tpu.dma_semaphore, #tpu.memory_space<semaphore_mem>>
        %dma_start3A_78 = arith.constant 0 : i32
        %dma_start3A_79 = tpu.memref_slice %arg8[%mul3A_28, %dma_start3A_78] : memref<80x128xi32, #tpu.memory_space<vmem>> -> memref<1x128xi32, #tpu.memory_space<vmem>>
        %dma_start3A_80 = tpu.memref_squeeze %dma_start3A_79 : memref<1x128xi32, #tpu.memory_space<vmem>> -> memref<128xi32, #tpu.memory_space<vmem>>
        %dma_start3A_81 = arith.constant 0 : i32
        %dma_start3A_82 = arith.constant 0 : i32
        %dma_start3A_83 = tpu.memref_slice %arg13[%dma_start3A_81, %dma_start3A_82] : memref<10240x64xf32, #tpu.memory_space<vmem_shared>> -> memref<10240x64xf32, #tpu.memory_space<vmem_shared>>
        tpu.enqueue_indirect_dma source(%arg9 : memref<128x64xf32, #tpu.memory_space<vmem>>) target(%dma_start3A_83 : memref<10240x64xf32, #tpu.memory_space<vmem_shared>>) offsets(%dma_start3A_80 : memref<128xi32, #tpu.memory_space<vmem>>) semaphore(%run_scoped3A : memref<!tpu.dma_semaphore, #tpu.memory_space<semaphore_mem>>) {add = true}
        %dma_wait3A_84 = arith.constant 0 : i32
        %dma_wait3A_85 = tpu.memref_slice %arg8[%mul3A_28, %dma_wait3A_84] : memref<80x128xi32, #tpu.memory_space<vmem>> -> memref<1x128xi32, #tpu.memory_space<vmem>>
        %dma_wait3A_86 = tpu.memref_squeeze %dma_wait3A_85 : memref<1x128xi32, #tpu.memory_space<vmem>> -> memref<128xi32, #tpu.memory_space<vmem>>
        %dma_wait3A_87 = arith.constant 0 : i32
        %dma_wait3A_88 = arith.constant 0 : i32
        %dma_wait3A_89 = tpu.memref_slice %arg13[%dma_wait3A_87, %dma_wait3A_88] : memref<10240x64xf32, #tpu.memory_space<vmem_shared>> -> memref<10240x64xf32, #tpu.memory_space<vmem_shared>>
        tpu.wait_indirect_dma semaphore(%run_scoped3A : memref<!tpu.dma_semaphore, #tpu.memory_space<semaphore_mem>>) src(%arg9 : memref<128x64xf32, #tpu.memory_space<vmem>>) dst(%dma_wait3A_89 : memref<10240x64xf32, #tpu.memory_space<vmem_shared>>)
        tpu.yield
      }) : () -> ()
      %add3A_56 = arith.constant 1 : i32
      %add3A_57 = arith.addi %mul3A_28, %add3A_56 : i32
      "tpu.region"() ({
        %run_scoped3A = tpu.sem_alloc : memref<!tpu.dma_semaphore, #tpu.memory_space<semaphore_mem>>
        %dma_start3A_78 = arith.constant 0 : i32
        %dma_start3A_79 = tpu.memref_slice %arg8[%add3A_57, %dma_start3A_78] : memref<80x128xi32, #tpu.memory_space<vmem>> -> memref<1x128xi32, #tpu.memory_space<vmem>>
        %dma_start3A_80 = tpu.memref_squeeze %dma_start3A_79 : memref<1x128xi32, #tpu.memory_space<vmem>> -> memref<128xi32, #tpu.memory_space<vmem>>
        %dma_start3A_81 = arith.constant 0 : i32
        %dma_start3A_82 = arith.constant 0 : i32
        %dma_start3A_83 = tpu.memref_slice %arg13[%dma_start3A_81, %dma_start3A_82] : memref<10240x64xf32, #tpu.memory_space<vmem_shared>> -> memref<10240x64xf32, #tpu.memory_space<vmem_shared>>
        tpu.enqueue_indirect_dma source(%arg10 : memref<128x64xf32, #tpu.memory_space<vmem>>) target(%dma_start3A_83 : memref<10240x64xf32, #tpu.memory_space<vmem_shared>>) offsets(%dma_start3A_80 : memref<128xi32, #tpu.memory_space<vmem>>) semaphore(%run_scoped3A : memref<!tpu.dma_semaphore, #tpu.memory_space<semaphore_mem>>) {add = true}
        %dma_wait3A_84 = arith.constant 0 : i32
        %dma_wait3A_85 = tpu.memref_slice %arg8[%add3A_57, %dma_wait3A_84] : memref<80x128xi32, #tpu.memory_space<vmem>> -> memref<1x128xi32, #tpu.memory_space<vmem>>
        %dma_wait3A_86 = tpu.memref_squeeze %dma_wait3A_85 : memref<1x128xi32, #tpu.memory_space<vmem>> -> memref<128xi32, #tpu.memory_space<vmem>>
        %dma_wait3A_87 = arith.constant 0 : i32
        %dma_wait3A_88 = arith.constant 0 : i32
        %dma_wait3A_89 = tpu.memref_slice %arg13[%dma_wait3A_87, %dma_wait3A_88] : memref<10240x64xf32, #tpu.memory_space<vmem_shared>> -> memref<10240x64xf32, #tpu.memory_space<vmem_shared>>
        tpu.wait_indirect_dma semaphore(%run_scoped3A : memref<!tpu.dma_semaphore, #tpu.memory_space<semaphore_mem>>) src(%arg10 : memref<128x64xf32, #tpu.memory_space<vmem>>) dst(%dma_wait3A_89 : memref<10240x64xf32, #tpu.memory_space<vmem_shared>>)
        tpu.yield
      }) : () -> ()
      %dma_wait3A_58 = arith.constant 0 : i32
      %dma_wait3A_59 = arith.constant 0 : i32
      %dma_wait3A_60 = tpu.memref_slice %arg4[%dma_wait3A_58, %dma_wait3A_59] : memref<10240x64xf32, #tpu.memory_space<hbm>> -> memref<128x64xf32, #tpu.memory_space<hbm>>
      %dma_wait3A_61 = arith.constant 0 : i32
      %dma_wait3A_62 = arith.constant 0 : i32
      %dma_wait3A_63 = tpu.memref_slice %arg4[%dma_wait3A_61, %dma_wait3A_62] : memref<10240x64xf32, #tpu.memory_space<hbm>> -> memref<128x64xf32, #tpu.memory_space<hbm>>
      tpu.wait_dma2 semaphore(%arg14 : memref<!tpu.dma_semaphore, #tpu.memory_space<semaphore_mem>>) src(%dma_wait3A_63 : memref<128x64xf32, #tpu.memory_space<hbm>>) dst(%arg11 : memref<128x64xf32, #tpu.memory_space<vmem>>)
      %dma_wait3A_64 = arith.constant 0 : i32
      %dma_wait3A_65 = arith.constant 0 : i32
      %dma_wait3A_66 = tpu.memref_slice %arg4[%dma_wait3A_64, %dma_wait3A_65] : memref<10240x64xf32, #tpu.memory_space<hbm>> -> memref<128x64xf32, #tpu.memory_space<hbm>>
      %dma_wait3A_67 = arith.constant 0 : i32
      %dma_wait3A_68 = arith.constant 0 : i32
      %dma_wait3A_69 = tpu.memref_slice %arg4[%dma_wait3A_67, %dma_wait3A_68] : memref<10240x64xf32, #tpu.memory_space<hbm>> -> memref<128x64xf32, #tpu.memory_space<hbm>>
      tpu.wait_dma2 semaphore(%arg14 : memref<!tpu.dma_semaphore, #tpu.memory_space<semaphore_mem>>) src(%dma_wait3A_69 : memref<128x64xf32, #tpu.memory_space<hbm>>) dst(%arg12 : memref<128x64xf32, #tpu.memory_space<vmem>>)
      %add3A_70 = arith.constant 1 : i32
      %add3A_71 = arith.addi %scan3A_26, %add3A_70 : i32
      %lt3A = arith.constant 20 : i32
      %lt3A_72 = arith.cmpi slt, %add3A_71, %lt3A : i32
      %convert_element_type3A = arith.extui %lt3A_72 : i1 to i32
      %cond3A = arith.constant 0 : i32
      %cond3A_73 = arith.cmpi ne, %convert_element_type3A, %cond3A : i32
      scf.if %cond3A_73 {
        %add3A_78 = arith.constant 4 : i32
        %add3A_79 = arith.addi %mul3A_28, %add3A_78 : i32
        %dma_start3A_80 = arith.constant 0 : i32
        %dma_start3A_81 = tpu.memref_slice %arg7[%add3A_79, %dma_start3A_80] : memref<80x128xi32, #tpu.memory_space<vmem>> -> memref<1x128xi32, #tpu.memory_space<vmem>>
        %dma_start3A_82 = tpu.memref_squeeze %dma_start3A_81 : memref<1x128xi32, #tpu.memory_space<vmem>> -> memref<128xi32, #tpu.memory_space<vmem>>
        %dma_start3A_83 = arith.constant 0 : i32
        %dma_start3A_84 = arith.constant 0 : i32
        %dma_start3A_85 = tpu.memref_slice %arg4[%dma_start3A_83, %dma_start3A_84] : memref<10240x64xf32, #tpu.memory_space<hbm>> -> memref<10240x64xf32, #tpu.memory_space<hbm>>
        tpu.enqueue_indirect_dma source(%dma_start3A_85 : memref<10240x64xf32, #tpu.memory_space<hbm>>) target(%arg9 : memref<128x64xf32, #tpu.memory_space<vmem>>) offsets(%dma_start3A_82 : memref<128xi32, #tpu.memory_space<vmem>>) semaphore(%arg14 : memref<!tpu.dma_semaphore, #tpu.memory_space<semaphore_mem>>)
        %add3A_86 = arith.constant 5 : i32
        %add3A_87 = arith.addi %mul3A_28, %add3A_86 : i32
        %dma_start3A_88 = arith.constant 0 : i32
        %dma_start3A_89 = tpu.memref_slice %arg7[%add3A_87, %dma_start3A_88] : memref<80x128xi32, #tpu.memory_space<vmem>> -> memref<1x128xi32, #tpu.memory_space<vmem>>
        %dma_start3A_90 = tpu.memref_squeeze %dma_start3A_89 : memref<1x128xi32, #tpu.memory_space<vmem>> -> memref<128xi32, #tpu.memory_space<vmem>>
        %dma_start3A_91 = arith.constant 0 : i32
        %dma_start3A_92 = arith.constant 0 : i32
        %dma_start3A_93 = tpu.memref_slice %arg4[%dma_start3A_91, %dma_start3A_92] : memref<10240x64xf32, #tpu.memory_space<hbm>> -> memref<10240x64xf32, #tpu.memory_space<hbm>>
        tpu.enqueue_indirect_dma source(%dma_start3A_93 : memref<10240x64xf32, #tpu.memory_space<hbm>>) target(%arg10 : memref<128x64xf32, #tpu.memory_space<vmem>>) offsets(%dma_start3A_90 : memref<128xi32, #tpu.memory_space<vmem>>) semaphore(%arg14 : memref<!tpu.dma_semaphore, #tpu.memory_space<semaphore_mem>>)
      } else {
      }
      %add3A_74 = arith.constant 2 : i32
      %add3A_75 = arith.addi %mul3A_28, %add3A_74 : i32
      "tpu.region"() ({
        %run_scoped3A = tpu.sem_alloc : memref<!tpu.dma_semaphore, #tpu.memory_space<semaphore_mem>>
        %dma_start3A_78 = arith.constant 0 : i32
        %dma_start3A_79 = tpu.memref_slice %arg8[%add3A_75, %dma_start3A_78] : memref<80x128xi32, #tpu.memory_space<vmem>> -> memref<1x128xi32, #tpu.memory_space<vmem>>
        %dma_start3A_80 = tpu.memref_squeeze %dma_start3A_79 : memref<1x128xi32, #tpu.memory_space<vmem>> -> memref<128xi32, #tpu.memory_space<vmem>>
        %dma_start3A_81 = arith.constant 0 : i32
        %dma_start3A_82 = arith.constant 0 : i32
        %dma_start3A_83 = tpu.memref_slice %arg13[%dma_start3A_81, %dma_start3A_82] : memref<10240x64xf32, #tpu.memory_space<vmem_shared>> -> memref<10240x64xf32, #tpu.memory_space<vmem_shared>>
        tpu.enqueue_indirect_dma source(%arg11 : memref<128x64xf32, #tpu.memory_space<vmem>>) target(%dma_start3A_83 : memref<10240x64xf32, #tpu.memory_space<vmem_shared>>) offsets(%dma_start3A_80 : memref<128xi32, #tpu.memory_space<vmem>>) semaphore(%run_scoped3A : memref<!tpu.dma_semaphore, #tpu.memory_space<semaphore_mem>>) {add = true}
        %dma_wait3A_84 = arith.constant 0 : i32
        %dma_wait3A_85 = tpu.memref_slice %arg8[%add3A_75, %dma_wait3A_84] : memref<80x128xi32, #tpu.memory_space<vmem>> -> memref<1x128xi32, #tpu.memory_space<vmem>>
        %dma_wait3A_86 = tpu.memref_squeeze %dma_wait3A_85 : memref<1x128xi32, #tpu.memory_space<vmem>> -> memref<128xi32, #tpu.memory_space<vmem>>
        %dma_wait3A_87 = arith.constant 0 : i32
        %dma_wait3A_88 = arith.constant 0 : i32
        %dma_wait3A_89 = tpu.memref_slice %arg13[%dma_wait3A_87, %dma_wait3A_88] : memref<10240x64xf32, #tpu.memory_space<vmem_shared>> -> memref<10240x64xf32, #tpu.memory_space<vmem_shared>>
        tpu.wait_indirect_dma semaphore(%run_scoped3A : memref<!tpu.dma_semaphore, #tpu.memory_space<semaphore_mem>>) src(%arg11 : memref<128x64xf32, #tpu.memory_space<vmem>>) dst(%dma_wait3A_89 : memref<10240x64xf32, #tpu.memory_space<vmem_shared>>)
        tpu.yield
      }) : () -> ()
      %add3A_76 = arith.constant 3 : i32
      %add3A_77 = arith.addi %mul3A_28, %add3A_76 : i32
      "tpu.region"() ({
        %run_scoped3A = tpu.sem_alloc : memref<!tpu.dma_semaphore, #tpu.memory_space<semaphore_mem>>
        %dma_start3A_78 = arith.constant 0 : i32
        %dma_start3A_79 = tpu.memref_slice %arg8[%add3A_77, %dma_start3A_78] : memref<80x128xi32, #tpu.memory_space<vmem>> -> memref<1x128xi32, #tpu.memory_space<vmem>>
        %dma_start3A_80 = tpu.memref_squeeze %dma_start3A_79 : memref<1x128xi32, #tpu.memory_space<vmem>> -> memref<128xi32, #tpu.memory_space<vmem>>
        %dma_start3A_81 = arith.constant 0 : i32
        %dma_start3A_82 = arith.constant 0 : i32
        %dma_start3A_83 = tpu.memref_slice %arg13[%dma_start3A_81, %dma_start3A_82] : memref<10240x64xf32, #tpu.memory_space<vmem_shared>> -> memref<10240x64xf32, #tpu.memory_space<vmem_shared>>
        tpu.enqueue_indirect_dma source(%arg12 : memref<128x64xf32, #tpu.memory_space<vmem>>) target(%dma_start3A_83 : memref<10240x64xf32, #tpu.memory_space<vmem_shared>>) offsets(%dma_start3A_80 : memref<128xi32, #tpu.memory_space<vmem>>) semaphore(%run_scoped3A : memref<!tpu.dma_semaphore, #tpu.memory_space<semaphore_mem>>) {add = true}
        %dma_wait3A_84 = arith.constant 0 : i32
        %dma_wait3A_85 = tpu.memref_slice %arg8[%add3A_77, %dma_wait3A_84] : memref<80x128xi32, #tpu.memory_space<vmem>> -> memref<1x128xi32, #tpu.memory_space<vmem>>
        %dma_wait3A_86 = tpu.memref_squeeze %dma_wait3A_85 : memref<1x128xi32, #tpu.memory_space<vmem>> -> memref<128xi32, #tpu.memory_space<vmem>>
        %dma_wait3A_87 = arith.constant 0 : i32
        %dma_wait3A_88 = arith.constant 0 : i32
        %dma_wait3A_89 = tpu.memref_slice %arg13[%dma_wait3A_87, %dma_wait3A_88] : memref<10240x64xf32, #tpu.memory_space<vmem_shared>> -> memref<10240x64xf32, #tpu.memory_space<vmem_shared>>
        tpu.wait_indirect_dma semaphore(%run_scoped3A : memref<!tpu.dma_semaphore, #tpu.memory_space<semaphore_mem>>) src(%arg12 : memref<128x64xf32, #tpu.memory_space<vmem>>) dst(%dma_wait3A_89 : memref<10240x64xf32, #tpu.memory_space<vmem_shared>>)
        tpu.yield
      }) : () -> ()
    }
    %scan3A_24 = arith.constant 20 : i32
    %barrier3A_25 = arith.constant 0 : index
    tpu.barrier barrier_id(%barrier3A_25)
    "tpu.region"() ({
      %run_scoped3A = tpu.sem_alloc : memref<!tpu.dma_semaphore, #tpu.memory_space<semaphore_mem>>
      %dma_start3A_26 = arith.constant 0 : i32
      %dma_start3A_27 = tpu.memref_slice %arg6[%arg0, %mul3A_2, %dma_start3A_26] : memref<2x10240x64xf32, #tpu.memory_space<hbm>> -> memref<1x640x64xf32, #tpu.memory_space<hbm>>
      %dma_start3A_28 = tpu.memref_squeeze %dma_start3A_27 : memref<1x640x64xf32, #tpu.memory_space<hbm>> -> memref<640x64xf32, #tpu.memory_space<hbm>>
      %dma_start3A_29 = arith.constant 0 : i32
      %dma_start3A_30 = tpu.memref_slice %arg13[%mul3A_2, %dma_start3A_29] : memref<10240x64xf32, #tpu.memory_space<vmem_shared>> -> memref<640x64xf32, #tpu.memory_space<vmem_shared>>
      tpu.enqueue_dma source(%dma_start3A_30 : memref<640x64xf32, #tpu.memory_space<vmem_shared>>) target(%dma_start3A_28 : memref<640x64xf32, #tpu.memory_space<hbm>>) target_semaphore(%run_scoped3A : memref<!tpu.dma_semaphore, #tpu.memory_space<semaphore_mem>>)
      %dma_wait3A = arith.constant 0 : i32
      %dma_wait3A_31 = tpu.memref_slice %arg6[%arg0, %mul3A_2, %dma_wait3A] : memref<2x10240x64xf32, #tpu.memory_space<hbm>> -> memref<1x640x64xf32, #tpu.memory_space<hbm>>
      %dma_wait3A_32 = tpu.memref_squeeze %dma_wait3A_31 : memref<1x640x64xf32, #tpu.memory_space<hbm>> -> memref<640x64xf32, #tpu.memory_space<hbm>>
      %dma_wait3A_33 = arith.constant 0 : i32
      %dma_wait3A_34 = tpu.memref_slice %arg13[%mul3A_2, %dma_wait3A_33] : memref<10240x64xf32, #tpu.memory_space<vmem_shared>> -> memref<640x64xf32, #tpu.memory_space<vmem_shared>>
      tpu.wait_dma2 semaphore(%run_scoped3A : memref<!tpu.dma_semaphore, #tpu.memory_space<semaphore_mem>>) src(%dma_wait3A_34 : memref<640x64xf32, #tpu.memory_space<vmem_shared>>) dst(%dma_wait3A_32 : memref<640x64xf32, #tpu.memory_space<hbm>>)
      tpu.yield
    }) : () -> ()
    return
  }
}

#map = affine_map<(d0, d1) -> (0, 0)>
#map1 = affine_map<(d0, d1) -> (0, 0, 0)>
module attributes {stable_mosaic.version = 14 : i64} {
  func.func @_prop_kernel(%arg0: i32, %arg1: i32, %arg2: memref<2560x128xi32, #tpu.memory_space<hbm>>, %arg3: memref<2560x128xi32, #tpu.memory_space<hbm>>, %arg4: memref<10240x64xf32, #tpu.memory_space<hbm>>, %arg5: memref<640x64xf32, #tpu.memory_space<hbm>>, %arg6: memref<2x10240x64xf32, #tpu.memory_space<hbm>>, %arg7: memref<80x128xi32, #tpu.memory_space<vmem>>, %arg8: memref<80x128xi32, #tpu.memory_space<vmem>>, %arg9: memref<128x64xf32, #tpu.memory_space<vmem>>, %arg10: memref<128x64xf32, #tpu.memory_space<vmem>>, %arg11: memref<128x64xf32, #tpu.memory_space<vmem>>, %arg12: memref<128x64xf32, #tpu.memory_space<vmem>>, %arg13: memref<10240x64xf32, #tpu.memory_space<vmem_shared>>, %arg14: memref<!tpu.dma_semaphore, #tpu.memory_space<semaphore_mem>>) attributes {dimension_semantics = [#tpu.dimension_semantics<core_parallel>, #tpu.dimension_semantics<subcore_parallel>], iteration_bounds = array<i64: 2, 16>, scalar_prefetch = 0 : i64, scratch_operands = 8 : i64, tpu.core_type = #tpu.core_type<sc_vector_subcore>, window_params = [{transform_indices = #map}, {transform_indices = #map}, {transform_indices = #map}, {transform_indices = #map}, {transform_indices = #map1}]} {
    %mul3A = arith.constant 2 : i32
    %mul3A_0 = arith.muli %arg1, %mul3A : i32
    %add3A = arith.addi %mul3A_0, %arg0 : i32
    %mul3A_1 = arith.constant 640 : i32
    %mul3A_2 = arith.muli %arg1, %mul3A_1 : i32
    "tpu.region"() ({
      %run_scoped3A = tpu.sem_alloc : memref<!tpu.dma_semaphore, #tpu.memory_space<semaphore_mem>>
      %dma_start3A_26 = arith.constant 0 : i32
      %dma_start3A_27 = tpu.memref_slice %arg13[%mul3A_2, %dma_start3A_26] : memref<10240x64xf32, #tpu.memory_space<vmem_shared>> -> memref<640x64xf32, #tpu.memory_space<vmem_shared>>
      tpu.enqueue_dma source(%arg5 : memref<640x64xf32, #tpu.memory_space<hbm>>) target(%dma_start3A_27 : memref<640x64xf32, #tpu.memory_space<vmem_shared>>) target_semaphore(%run_scoped3A : memref<!tpu.dma_semaphore, #tpu.memory_space<semaphore_mem>>)
      %dma_wait3A = arith.constant 0 : i32
      %dma_wait3A_28 = tpu.memref_slice %arg13[%mul3A_2, %dma_wait3A] : memref<10240x64xf32, #tpu.memory_space<vmem_shared>> -> memref<640x64xf32, #tpu.memory_space<vmem_shared>>
      tpu.wait_dma2 semaphore(%run_scoped3A : memref<!tpu.dma_semaphore, #tpu.memory_space<semaphore_mem>>) src(%arg5 : memref<640x64xf32, #tpu.memory_space<hbm>>) dst(%dma_wait3A_28 : memref<640x64xf32, #tpu.memory_space<vmem_shared>>)
      tpu.yield
    }) : () -> ()
    %mul3A_3 = arith.constant 80 : i32
    %mul3A_4 = arith.muli %add3A, %mul3A_3 : i32
    "tpu.region"() ({
      %run_scoped3A = tpu.sem_alloc : memref<!tpu.dma_semaphore, #tpu.memory_space<semaphore_mem>>
      %dma_start3A_26 = arith.constant 0 : i32
      %dma_start3A_27 = tpu.memref_slice %arg2[%mul3A_4, %dma_start3A_26] : memref<2560x128xi32, #tpu.memory_space<hbm>> -> memref<80x128xi32, #tpu.memory_space<hbm>>
      %dma_start3A_28 = arith.constant 0 : i32
      %dma_start3A_29 = tpu.memref_slice %arg2[%mul3A_4, %dma_start3A_28] : memref<2560x128xi32, #tpu.memory_space<hbm>> -> memref<80x128xi32, #tpu.memory_space<hbm>>
      tpu.enqueue_dma source(%dma_start3A_29 : memref<80x128xi32, #tpu.memory_space<hbm>>) target(%arg7 : memref<80x128xi32, #tpu.memory_space<vmem>>) target_semaphore(%run_scoped3A : memref<!tpu.dma_semaphore, #tpu.memory_space<semaphore_mem>>)
      %dma_wait3A = arith.constant 0 : i32
      %dma_wait3A_30 = tpu.memref_slice %arg2[%mul3A_4, %dma_wait3A] : memref<2560x128xi32, #tpu.memory_space<hbm>> -> memref<80x128xi32, #tpu.memory_space<hbm>>
      %dma_wait3A_31 = arith.constant 0 : i32
      %dma_wait3A_32 = tpu.memref_slice %arg2[%mul3A_4, %dma_wait3A_31] : memref<2560x128xi32, #tpu.memory_space<hbm>> -> memref<80x128xi32, #tpu.memory_space<hbm>>
      tpu.wait_dma2 semaphore(%run_scoped3A : memref<!tpu.dma_semaphore, #tpu.memory_space<semaphore_mem>>) src(%dma_wait3A_32 : memref<80x128xi32, #tpu.memory_space<hbm>>) dst(%arg7 : memref<80x128xi32, #tpu.memory_space<vmem>>)
      tpu.yield
    }) : () -> ()
    %mul3A_5 = arith.constant 80 : i32
    %mul3A_6 = arith.muli %add3A, %mul3A_5 : i32
    "tpu.region"() ({
      %run_scoped3A = tpu.sem_alloc : memref<!tpu.dma_semaphore, #tpu.memory_space<semaphore_mem>>
      %dma_start3A_26 = arith.constant 0 : i32
      %dma_start3A_27 = tpu.memref_slice %arg3[%mul3A_6, %dma_start3A_26] : memref<2560x128xi32, #tpu.memory_space<hbm>> -> memref<80x128xi32, #tpu.memory_space<hbm>>
      %dma_start3A_28 = arith.constant 0 : i32
      %dma_start3A_29 = tpu.memref_slice %arg3[%mul3A_6, %dma_start3A_28] : memref<2560x128xi32, #tpu.memory_space<hbm>> -> memref<80x128xi32, #tpu.memory_space<hbm>>
      tpu.enqueue_dma source(%dma_start3A_29 : memref<80x128xi32, #tpu.memory_space<hbm>>) target(%arg8 : memref<80x128xi32, #tpu.memory_space<vmem>>) target_semaphore(%run_scoped3A : memref<!tpu.dma_semaphore, #tpu.memory_space<semaphore_mem>>)
      %dma_wait3A = arith.constant 0 : i32
      %dma_wait3A_30 = tpu.memref_slice %arg3[%mul3A_6, %dma_wait3A] : memref<2560x128xi32, #tpu.memory_space<hbm>> -> memref<80x128xi32, #tpu.memory_space<hbm>>
      %dma_wait3A_31 = arith.constant 0 : i32
      %dma_wait3A_32 = tpu.memref_slice %arg3[%mul3A_6, %dma_wait3A_31] : memref<2560x128xi32, #tpu.memory_space<hbm>> -> memref<80x128xi32, #tpu.memory_space<hbm>>
      tpu.wait_dma2 semaphore(%run_scoped3A : memref<!tpu.dma_semaphore, #tpu.memory_space<semaphore_mem>>) src(%dma_wait3A_32 : memref<80x128xi32, #tpu.memory_space<hbm>>) dst(%arg8 : memref<80x128xi32, #tpu.memory_space<vmem>>)
      tpu.yield
    }) : () -> ()
    %barrier3A = arith.constant 0 : index
    tpu.barrier barrier_id(%barrier3A)
    %dma_start3A = arith.constant 0 : i32
    %dma_start3A_7 = arith.constant 0 : i32
    %dma_start3A_8 = tpu.memref_slice %arg7[%dma_start3A, %dma_start3A_7] : memref<80x128xi32, #tpu.memory_space<vmem>> -> memref<1x128xi32, #tpu.memory_space<vmem>>
    %dma_start3A_9 = tpu.memref_squeeze %dma_start3A_8 : memref<1x128xi32, #tpu.memory_space<vmem>> -> memref<128xi32, #tpu.memory_space<vmem>>
    %dma_start3A_10 = arith.constant 0 : i32
    %dma_start3A_11 = arith.constant 0 : i32
    %dma_start3A_12 = tpu.memref_slice %arg4[%dma_start3A_10, %dma_start3A_11] : memref<10240x64xf32, #tpu.memory_space<hbm>> -> memref<10240x64xf32, #tpu.memory_space<hbm>>
    tpu.enqueue_indirect_dma source(%dma_start3A_12 : memref<10240x64xf32, #tpu.memory_space<hbm>>) target(%arg9 : memref<128x64xf32, #tpu.memory_space<vmem>>) offsets(%dma_start3A_9 : memref<128xi32, #tpu.memory_space<vmem>>) semaphore(%arg14 : memref<!tpu.dma_semaphore, #tpu.memory_space<semaphore_mem>>)
    %dma_start3A_13 = arith.constant 1 : i32
    %dma_start3A_14 = arith.constant 0 : i32
    %dma_start3A_15 = tpu.memref_slice %arg7[%dma_start3A_13, %dma_start3A_14] : memref<80x128xi32, #tpu.memory_space<vmem>> -> memref<1x128xi32, #tpu.memory_space<vmem>>
    %dma_start3A_16 = tpu.memref_squeeze %dma_start3A_15 : memref<1x128xi32, #tpu.memory_space<vmem>> -> memref<128xi32, #tpu.memory_space<vmem>>
    %dma_start3A_17 = arith.constant 0 : i32
    %dma_start3A_18 = arith.constant 0 : i32
    %dma_start3A_19 = tpu.memref_slice %arg4[%dma_start3A_17, %dma_start3A_18] : memref<10240x64xf32, #tpu.memory_space<hbm>> -> memref<10240x64xf32, #tpu.memory_space<hbm>>
    tpu.enqueue_indirect_dma source(%dma_start3A_19 : memref<10240x64xf32, #tpu.memory_space<hbm>>) target(%arg10 : memref<128x64xf32, #tpu.memory_space<vmem>>) offsets(%dma_start3A_16 : memref<128xi32, #tpu.memory_space<vmem>>) semaphore(%arg14 : memref<!tpu.dma_semaphore, #tpu.memory_space<semaphore_mem>>)
    %scan3A = arith.constant 0 : i32
    %scan3A_20 = arith.constant 0 : i32
    %scan3A_21 = arith.constant 20 : i32
    %scan3A_22 = arith.addi %scan3A_20, %scan3A_21 : i32
    %scan3A_23 = arith.constant 1 : i32
    scf.for %scan3A_26 = %scan3A_20 to %scan3A_22 step %scan3A_23  : i32 {
      %mul3A_27 = arith.constant 4 : i32
      %mul3A_28 = arith.muli %scan3A_26, %mul3A_27 : i32
      %dma_wait3A = arith.constant 0 : i32
      %dma_wait3A_29 = arith.constant 0 : i32
      %dma_wait3A_30 = tpu.memref_slice %arg4[%dma_wait3A, %dma_wait3A_29] : memref<10240x64xf32, #tpu.memory_space<hbm>> -> memref<128x64xf32, #tpu.memory_space<hbm>>
      %dma_wait3A_31 = arith.constant 0 : i32
      %dma_wait3A_32 = arith.constant 0 : i32
      %dma_wait3A_33 = tpu.memref_slice %arg4[%dma_wait3A_31, %dma_wait3A_32] : memref<10240x64xf32, #tpu.memory_space<hbm>> -> memref<128x64xf32, #tpu.memory_space<hbm>>
      tpu.wait_dma2 semaphore(%arg14 : memref<!tpu.dma_semaphore, #tpu.memory_space<semaphore_mem>>) src(%dma_wait3A_33 : memref<128x64xf32, #tpu.memory_space<hbm>>) dst(%arg9 : memref<128x64xf32, #tpu.memory_space<vmem>>)
      %dma_wait3A_34 = arith.constant 0 : i32
      %dma_wait3A_35 = arith.constant 0 : i32
      %dma_wait3A_36 = tpu.memref_slice %arg4[%dma_wait3A_34, %dma_wait3A_35] : memref<10240x64xf32, #tpu.memory_space<hbm>> -> memref<128x64xf32, #tpu.memory_space<hbm>>
      %dma_wait3A_37 = arith.constant 0 : i32
      %dma_wait3A_38 = arith.constant 0 : i32
      %dma_wait3A_39 = tpu.memref_slice %arg4[%dma_wait3A_37, %dma_wait3A_38] : memref<10240x64xf32, #tpu.memory_space<hbm>> -> memref<128x64xf32, #tpu.memory_space<hbm>>
      tpu.wait_dma2 semaphore(%arg14 : memref<!tpu.dma_semaphore, #tpu.memory_space<semaphore_mem>>) src(%dma_wait3A_39 : memref<128x64xf32, #tpu.memory_space<hbm>>) dst(%arg10 : memref<128x64xf32, #tpu.memory_space<vmem>>)
      %add3A_40 = arith.constant 2 : i32
      %add3A_41 = arith.addi %mul3A_28, %add3A_40 : i32
      %dma_start3A_42 = arith.constant 0 : i32
      %dma_start3A_43 = tpu.memref_slice %arg7[%add3A_41, %dma_start3A_42] : memref<80x128xi32, #tpu.memory_space<vmem>> -> memref<1x128xi32, #tpu.memory_space<vmem>>
      %dma_start3A_44 = tpu.memref_squeeze %dma_start3A_43 : memref<1x128xi32, #tpu.memory_space<vmem>> -> memref<128xi32, #tpu.memory_space<vmem>>
      %dma_start3A_45 = arith.constant 0 : i32
      %dma_start3A_46 = arith.constant 0 : i32
      %dma_start3A_47 = tpu.memref_slice %arg4[%dma_start3A_45, %dma_start3A_46] : memref<10240x64xf32, #tpu.memory_space<hbm>> -> memref<10240x64xf32, #tpu.memory_space<hbm>>
      tpu.enqueue_indirect_dma source(%dma_start3A_47 : memref<10240x64xf32, #tpu.memory_space<hbm>>) target(%arg11 : memref<128x64xf32, #tpu.memory_space<vmem>>) offsets(%dma_start3A_44 : memref<128xi32, #tpu.memory_space<vmem>>) semaphore(%arg14 : memref<!tpu.dma_semaphore, #tpu.memory_space<semaphore_mem>>)
      %add3A_48 = arith.constant 3 : i32
      %add3A_49 = arith.addi %mul3A_28, %add3A_48 : i32
      %dma_start3A_50 = arith.constant 0 : i32
      %dma_start3A_51 = tpu.memref_slice %arg7[%add3A_49, %dma_start3A_50] : memref<80x128xi32, #tpu.memory_space<vmem>> -> memref<1x128xi32, #tpu.memory_space<vmem>>
      %dma_start3A_52 = tpu.memref_squeeze %dma_start3A_51 : memref<1x128xi32, #tpu.memory_space<vmem>> -> memref<128xi32, #tpu.memory_space<vmem>>
      %dma_start3A_53 = arith.constant 0 : i32
      %dma_start3A_54 = arith.constant 0 : i32
      %dma_start3A_55 = tpu.memref_slice %arg4[%dma_start3A_53, %dma_start3A_54] : memref<10240x64xf32, #tpu.memory_space<hbm>> -> memref<10240x64xf32, #tpu.memory_space<hbm>>
      tpu.enqueue_indirect_dma source(%dma_start3A_55 : memref<10240x64xf32, #tpu.memory_space<hbm>>) target(%arg12 : memref<128x64xf32, #tpu.memory_space<vmem>>) offsets(%dma_start3A_52 : memref<128xi32, #tpu.memory_space<vmem>>) semaphore(%arg14 : memref<!tpu.dma_semaphore, #tpu.memory_space<semaphore_mem>>)
      "tpu.region"() ({
        %run_scoped3A = tpu.sem_alloc : memref<!tpu.dma_semaphore, #tpu.memory_space<semaphore_mem>>
        %dma_start3A_78 = arith.constant 0 : i32
        %dma_start3A_79 = tpu.memref_slice %arg8[%mul3A_28, %dma_start3A_78] : memref<80x128xi32, #tpu.memory_space<vmem>> -> memref<1x128xi32, #tpu.memory_space<vmem>>
        %dma_start3A_80 = tpu.memref_squeeze %dma_start3A_79 : memref<1x128xi32, #tpu.memory_space<vmem>> -> memref<128xi32, #tpu.memory_space<vmem>>
        %dma_start3A_81 = arith.constant 0 : i32
        %dma_start3A_82 = arith.constant 0 : i32
        %dma_start3A_83 = tpu.memref_slice %arg13[%dma_start3A_81, %dma_start3A_82] : memref<10240x64xf32, #tpu.memory_space<vmem_shared>> -> memref<10240x64xf32, #tpu.memory_space<vmem_shared>>
        tpu.enqueue_indirect_dma source(%arg9 : memref<128x64xf32, #tpu.memory_space<vmem>>) target(%dma_start3A_83 : memref<10240x64xf32, #tpu.memory_space<vmem_shared>>) offsets(%dma_start3A_80 : memref<128xi32, #tpu.memory_space<vmem>>) semaphore(%run_scoped3A : memref<!tpu.dma_semaphore, #tpu.memory_space<semaphore_mem>>) {add = true}
        %dma_wait3A_84 = arith.constant 0 : i32
        %dma_wait3A_85 = tpu.memref_slice %arg8[%mul3A_28, %dma_wait3A_84] : memref<80x128xi32, #tpu.memory_space<vmem>> -> memref<1x128xi32, #tpu.memory_space<vmem>>
        %dma_wait3A_86 = tpu.memref_squeeze %dma_wait3A_85 : memref<1x128xi32, #tpu.memory_space<vmem>> -> memref<128xi32, #tpu.memory_space<vmem>>
        %dma_wait3A_87 = arith.constant 0 : i32
        %dma_wait3A_88 = arith.constant 0 : i32
        %dma_wait3A_89 = tpu.memref_slice %arg13[%dma_wait3A_87, %dma_wait3A_88] : memref<10240x64xf32, #tpu.memory_space<vmem_shared>> -> memref<10240x64xf32, #tpu.memory_space<vmem_shared>>
        tpu.wait_indirect_dma semaphore(%run_scoped3A : memref<!tpu.dma_semaphore, #tpu.memory_space<semaphore_mem>>) src(%arg9 : memref<128x64xf32, #tpu.memory_space<vmem>>) dst(%dma_wait3A_89 : memref<10240x64xf32, #tpu.memory_space<vmem_shared>>)
        tpu.yield
      }) : () -> ()
      %add3A_56 = arith.constant 1 : i32
      %add3A_57 = arith.addi %mul3A_28, %add3A_56 : i32
      "tpu.region"() ({
        %run_scoped3A = tpu.sem_alloc : memref<!tpu.dma_semaphore, #tpu.memory_space<semaphore_mem>>
        %dma_start3A_78 = arith.constant 0 : i32
        %dma_start3A_79 = tpu.memref_slice %arg8[%add3A_57, %dma_start3A_78] : memref<80x128xi32, #tpu.memory_space<vmem>> -> memref<1x128xi32, #tpu.memory_space<vmem>>
        %dma_start3A_80 = tpu.memref_squeeze %dma_start3A_79 : memref<1x128xi32, #tpu.memory_space<vmem>> -> memref<128xi32, #tpu.memory_space<vmem>>
        %dma_start3A_81 = arith.constant 0 : i32
        %dma_start3A_82 = arith.constant 0 : i32
        %dma_start3A_83 = tpu.memref_slice %arg13[%dma_start3A_81, %dma_start3A_82] : memref<10240x64xf32, #tpu.memory_space<vmem_shared>> -> memref<10240x64xf32, #tpu.memory_space<vmem_shared>>
        tpu.enqueue_indirect_dma source(%arg10 : memref<128x64xf32, #tpu.memory_space<vmem>>) target(%dma_start3A_83 : memref<10240x64xf32, #tpu.memory_space<vmem_shared>>) offsets(%dma_start3A_80 : memref<128xi32, #tpu.memory_space<vmem>>) semaphore(%run_scoped3A : memref<!tpu.dma_semaphore, #tpu.memory_space<semaphore_mem>>) {add = true}
        %dma_wait3A_84 = arith.constant 0 : i32
        %dma_wait3A_85 = tpu.memref_slice %arg8[%add3A_57, %dma_wait3A_84] : memref<80x128xi32, #tpu.memory_space<vmem>> -> memref<1x128xi32, #tpu.memory_space<vmem>>
        %dma_wait3A_86 = tpu.memref_squeeze %dma_wait3A_85 : memref<1x128xi32, #tpu.memory_space<vmem>> -> memref<128xi32, #tpu.memory_space<vmem>>
        %dma_wait3A_87 = arith.constant 0 : i32
        %dma_wait3A_88 = arith.constant 0 : i32
        %dma_wait3A_89 = tpu.memref_slice %arg13[%dma_wait3A_87, %dma_wait3A_88] : memref<10240x64xf32, #tpu.memory_space<vmem_shared>> -> memref<10240x64xf32, #tpu.memory_space<vmem_shared>>
        tpu.wait_indirect_dma semaphore(%run_scoped3A : memref<!tpu.dma_semaphore, #tpu.memory_space<semaphore_mem>>) src(%arg10 : memref<128x64xf32, #tpu.memory_space<vmem>>) dst(%dma_wait3A_89 : memref<10240x64xf32, #tpu.memory_space<vmem_shared>>)
        tpu.yield
      }) : () -> ()
      %dma_wait3A_58 = arith.constant 0 : i32
      %dma_wait3A_59 = arith.constant 0 : i32
      %dma_wait3A_60 = tpu.memref_slice %arg4[%dma_wait3A_58, %dma_wait3A_59] : memref<10240x64xf32, #tpu.memory_space<hbm>> -> memref<128x64xf32, #tpu.memory_space<hbm>>
      %dma_wait3A_61 = arith.constant 0 : i32
      %dma_wait3A_62 = arith.constant 0 : i32
      %dma_wait3A_63 = tpu.memref_slice %arg4[%dma_wait3A_61, %dma_wait3A_62] : memref<10240x64xf32, #tpu.memory_space<hbm>> -> memref<128x64xf32, #tpu.memory_space<hbm>>
      tpu.wait_dma2 semaphore(%arg14 : memref<!tpu.dma_semaphore, #tpu.memory_space<semaphore_mem>>) src(%dma_wait3A_63 : memref<128x64xf32, #tpu.memory_space<hbm>>) dst(%arg11 : memref<128x64xf32, #tpu.memory_space<vmem>>)
      %dma_wait3A_64 = arith.constant 0 : i32
      %dma_wait3A_65 = arith.constant 0 : i32
      %dma_wait3A_66 = tpu.memref_slice %arg4[%dma_wait3A_64, %dma_wait3A_65] : memref<10240x64xf32, #tpu.memory_space<hbm>> -> memref<128x64xf32, #tpu.memory_space<hbm>>
      %dma_wait3A_67 = arith.constant 0 : i32
      %dma_wait3A_68 = arith.constant 0 : i32
      %dma_wait3A_69 = tpu.memref_slice %arg4[%dma_wait3A_67, %dma_wait3A_68] : memref<10240x64xf32, #tpu.memory_space<hbm>> -> memref<128x64xf32, #tpu.memory_space<hbm>>
      tpu.wait_dma2 semaphore(%arg14 : memref<!tpu.dma_semaphore, #tpu.memory_space<semaphore_mem>>) src(%dma_wait3A_69 : memref<128x64xf32, #tpu.memory_space<hbm>>) dst(%arg12 : memref<128x64xf32, #tpu.memory_space<vmem>>)
      %add3A_70 = arith.constant 1 : i32
      %add3A_71 = arith.addi %scan3A_26, %add3A_70 : i32
      %lt3A = arith.constant 20 : i32
      %lt3A_72 = arith.cmpi slt, %add3A_71, %lt3A : i32
      %convert_element_type3A = arith.extui %lt3A_72 : i1 to i32
      %cond3A = arith.constant 0 : i32
      %cond3A_73 = arith.cmpi ne, %convert_element_type3A, %cond3A : i32
      scf.if %cond3A_73 {
        %add3A_78 = arith.constant 4 : i32
        %add3A_79 = arith.addi %mul3A_28, %add3A_78 : i32
        %dma_start3A_80 = arith.constant 0 : i32
        %dma_start3A_81 = tpu.memref_slice %arg7[%add3A_79, %dma_start3A_80] : memref<80x128xi32, #tpu.memory_space<vmem>> -> memref<1x128xi32, #tpu.memory_space<vmem>>
        %dma_start3A_82 = tpu.memref_squeeze %dma_start3A_81 : memref<1x128xi32, #tpu.memory_space<vmem>> -> memref<128xi32, #tpu.memory_space<vmem>>
        %dma_start3A_83 = arith.constant 0 : i32
        %dma_start3A_84 = arith.constant 0 : i32
        %dma_start3A_85 = tpu.memref_slice %arg4[%dma_start3A_83, %dma_start3A_84] : memref<10240x64xf32, #tpu.memory_space<hbm>> -> memref<10240x64xf32, #tpu.memory_space<hbm>>
        tpu.enqueue_indirect_dma source(%dma_start3A_85 : memref<10240x64xf32, #tpu.memory_space<hbm>>) target(%arg9 : memref<128x64xf32, #tpu.memory_space<vmem>>) offsets(%dma_start3A_82 : memref<128xi32, #tpu.memory_space<vmem>>) semaphore(%arg14 : memref<!tpu.dma_semaphore, #tpu.memory_space<semaphore_mem>>)
        %add3A_86 = arith.constant 5 : i32
        %add3A_87 = arith.addi %mul3A_28, %add3A_86 : i32
        %dma_start3A_88 = arith.constant 0 : i32
        %dma_start3A_89 = tpu.memref_slice %arg7[%add3A_87, %dma_start3A_88] : memref<80x128xi32, #tpu.memory_space<vmem>> -> memref<1x128xi32, #tpu.memory_space<vmem>>
        %dma_start3A_90 = tpu.memref_squeeze %dma_start3A_89 : memref<1x128xi32, #tpu.memory_space<vmem>> -> memref<128xi32, #tpu.memory_space<vmem>>
        %dma_start3A_91 = arith.constant 0 : i32
        %dma_start3A_92 = arith.constant 0 : i32
        %dma_start3A_93 = tpu.memref_slice %arg4[%dma_start3A_91, %dma_start3A_92] : memref<10240x64xf32, #tpu.memory_space<hbm>> -> memref<10240x64xf32, #tpu.memory_space<hbm>>
        tpu.enqueue_indirect_dma source(%dma_start3A_93 : memref<10240x64xf32, #tpu.memory_space<hbm>>) target(%arg10 : memref<128x64xf32, #tpu.memory_space<vmem>>) offsets(%dma_start3A_90 : memref<128xi32, #tpu.memory_space<vmem>>) semaphore(%arg14 : memref<!tpu.dma_semaphore, #tpu.memory_space<semaphore_mem>>)
      } else {
      }
      %add3A_74 = arith.constant 2 : i32
      %add3A_75 = arith.addi %mul3A_28, %add3A_74 : i32
      "tpu.region"() ({
        %run_scoped3A = tpu.sem_alloc : memref<!tpu.dma_semaphore, #tpu.memory_space<semaphore_mem>>
        %dma_start3A_78 = arith.constant 0 : i32
        %dma_start3A_79 = tpu.memref_slice %arg8[%add3A_75, %dma_start3A_78] : memref<80x128xi32, #tpu.memory_space<vmem>> -> memref<1x128xi32, #tpu.memory_space<vmem>>
        %dma_start3A_80 = tpu.memref_squeeze %dma_start3A_79 : memref<1x128xi32, #tpu.memory_space<vmem>> -> memref<128xi32, #tpu.memory_space<vmem>>
        %dma_start3A_81 = arith.constant 0 : i32
        %dma_start3A_82 = arith.constant 0 : i32
        %dma_start3A_83 = tpu.memref_slice %arg13[%dma_start3A_81, %dma_start3A_82] : memref<10240x64xf32, #tpu.memory_space<vmem_shared>> -> memref<10240x64xf32, #tpu.memory_space<vmem_shared>>
        tpu.enqueue_indirect_dma source(%arg11 : memref<128x64xf32, #tpu.memory_space<vmem>>) target(%dma_start3A_83 : memref<10240x64xf32, #tpu.memory_space<vmem_shared>>) offsets(%dma_start3A_80 : memref<128xi32, #tpu.memory_space<vmem>>) semaphore(%run_scoped3A : memref<!tpu.dma_semaphore, #tpu.memory_space<semaphore_mem>>) {add = true}
        %dma_wait3A_84 = arith.constant 0 : i32
        %dma_wait3A_85 = tpu.memref_slice %arg8[%add3A_75, %dma_wait3A_84] : memref<80x128xi32, #tpu.memory_space<vmem>> -> memref<1x128xi32, #tpu.memory_space<vmem>>
        %dma_wait3A_86 = tpu.memref_squeeze %dma_wait3A_85 : memref<1x128xi32, #tpu.memory_space<vmem>> -> memref<128xi32, #tpu.memory_space<vmem>>
        %dma_wait3A_87 = arith.constant 0 : i32
        %dma_wait3A_88 = arith.constant 0 : i32
        %dma_wait3A_89 = tpu.memref_slice %arg13[%dma_wait3A_87, %dma_wait3A_88] : memref<10240x64xf32, #tpu.memory_space<vmem_shared>> -> memref<10240x64xf32, #tpu.memory_space<vmem_shared>>
        tpu.wait_indirect_dma semaphore(%run_scoped3A : memref<!tpu.dma_semaphore, #tpu.memory_space<semaphore_mem>>) src(%arg11 : memref<128x64xf32, #tpu.memory_space<vmem>>) dst(%dma_wait3A_89 : memref<10240x64xf32, #tpu.memory_space<vmem_shared>>)
        tpu.yield
      }) : () -> ()
      %add3A_76 = arith.constant 3 : i32
      %add3A_77 = arith.addi %mul3A_28, %add3A_76 : i32
      "tpu.region"() ({
        %run_scoped3A = tpu.sem_alloc : memref<!tpu.dma_semaphore, #tpu.memory_space<semaphore_mem>>
        %dma_start3A_78 = arith.constant 0 : i32
        %dma_start3A_79 = tpu.memref_slice %arg8[%add3A_77, %dma_start3A_78] : memref<80x128xi32, #tpu.memory_space<vmem>> -> memref<1x128xi32, #tpu.memory_space<vmem>>
        %dma_start3A_80 = tpu.memref_squeeze %dma_start3A_79 : memref<1x128xi32, #tpu.memory_space<vmem>> -> memref<128xi32, #tpu.memory_space<vmem>>
        %dma_start3A_81 = arith.constant 0 : i32
        %dma_start3A_82 = arith.constant 0 : i32
        %dma_start3A_83 = tpu.memref_slice %arg13[%dma_start3A_81, %dma_start3A_82] : memref<10240x64xf32, #tpu.memory_space<vmem_shared>> -> memref<10240x64xf32, #tpu.memory_space<vmem_shared>>
        tpu.enqueue_indirect_dma source(%arg12 : memref<128x64xf32, #tpu.memory_space<vmem>>) target(%dma_start3A_83 : memref<10240x64xf32, #tpu.memory_space<vmem_shared>>) offsets(%dma_start3A_80 : memref<128xi32, #tpu.memory_space<vmem>>) semaphore(%run_scoped3A : memref<!tpu.dma_semaphore, #tpu.memory_space<semaphore_mem>>) {add = true}
        %dma_wait3A_84 = arith.constant 0 : i32
        %dma_wait3A_85 = tpu.memref_slice %arg8[%add3A_77, %dma_wait3A_84] : memref<80x128xi32, #tpu.memory_space<vmem>> -> memref<1x128xi32, #tpu.memory_space<vmem>>
        %dma_wait3A_86 = tpu.memref_squeeze %dma_wait3A_85 : memref<1x128xi32, #tpu.memory_space<vmem>> -> memref<128xi32, #tpu.memory_space<vmem>>
        %dma_wait3A_87 = arith.constant 0 : i32
        %dma_wait3A_88 = arith.constant 0 : i32
        %dma_wait3A_89 = tpu.memref_slice %arg13[%dma_wait3A_87, %dma_wait3A_88] : memref<10240x64xf32, #tpu.memory_space<vmem_shared>> -> memref<10240x64xf32, #tpu.memory_space<vmem_shared>>
        tpu.wait_indirect_dma semaphore(%run_scoped3A : memref<!tpu.dma_semaphore, #tpu.memory_space<semaphore_mem>>) src(%arg12 : memref<128x64xf32, #tpu.memory_space<vmem>>) dst(%dma_wait3A_89 : memref<10240x64xf32, #tpu.memory_space<vmem_shared>>)
        tpu.yield
      }) : () -> ()
    }
    %scan3A_24 = arith.constant 20 : i32
    %barrier3A_25 = arith.constant 0 : index
    tpu.barrier barrier_id(%barrier3A_25)
    "tpu.region"() ({
      %run_scoped3A = tpu.sem_alloc : memref<!tpu.dma_semaphore, #tpu.memory_space<semaphore_mem>>
      %dma_start3A_26 = arith.constant 0 : i32
      %dma_start3A_27 = tpu.memref_slice %arg6[%arg0, %mul3A_2, %dma_start3A_26] : memref<2x10240x64xf32, #tpu.memory_space<hbm>> -> memref<1x640x64xf32, #tpu.memory_space<hbm>>
      %dma_start3A_28 = tpu.memref_squeeze %dma_start3A_27 : memref<1x640x64xf32, #tpu.memory_space<hbm>> -> memref<640x64xf32, #tpu.memory_space<hbm>>
      %dma_start3A_29 = arith.constant 0 : i32
      %dma_start3A_30 = tpu.memref_slice %arg13[%mul3A_2, %dma_start3A_29] : memref<10240x64xf32, #tpu.memory_space<vmem_shared>> -> memref<640x64xf32, #tpu.memory_space<vmem_shared>>
      tpu.enqueue_dma source(%dma_start3A_30 : memref<640x64xf32, #tpu.memory_space<vmem_shared>>) target(%dma_start3A_28 : memref<640x64xf32, #tpu.memory_space<hbm>>) target_semaphore(%run_scoped3A : memref<!tpu.dma_semaphore, #tpu.memory_space<semaphore_mem>>)
      %dma_wait3A = arith.constant 0 : i32
      %dma_wait3A_31 = tpu.memref_slice %arg6[%arg0, %mul3A_2, %dma_wait3A] : memref<2x10240x64xf32, #tpu.memory_space<hbm>> -> memref<1x640x64xf32, #tpu.memory_space<hbm>>
      %dma_wait3A_32 = tpu.memref_squeeze %dma_wait3A_31 : memref<1x640x64xf32, #tpu.memory_space<hbm>> -> memref<640x64xf32, #tpu.memory_space<hbm>>
      %dma_wait3A_33 = arith.constant 0 : i32
      %dma_wait3A_34 = tpu.memref_slice %arg13[%mul3A_2, %dma_wait3A_33] : memref<10240x64xf32, #tpu.memory_space<vmem_shared>> -> memref<640x64xf32, #tpu.memory_space<vmem_shared>>
      tpu.wait_dma2 semaphore(%run_scoped3A : memref<!tpu.dma_semaphore, #tpu.memory_space<semaphore_mem>>) src(%dma_wait3A_34 : memref<640x64xf32, #tpu.memory_space<vmem_shared>>) dst(%dma_wait3A_32 : memref<640x64xf32, #tpu.memory_space<hbm>>)
      tpu.yield
    }) : () -> ()
    return
  }
}

#map = affine_map<(d0, d1) -> (0, 0)>
#map1 = affine_map<(d0, d1) -> (0, 0, 0)>
module attributes {stable_mosaic.version = 14 : i64} {
  func.func @_prop128_kernel(%arg0: i32, %arg1: i32, %arg2: memref<2560x128xi32, #tpu.memory_space<hbm>>, %arg3: memref<2560x128xi32, #tpu.memory_space<hbm>>, %arg4: memref<10240x128xf32, #tpu.memory_space<hbm>>, %arg5: memref<640x128xf32, #tpu.memory_space<hbm>>, %arg6: memref<2x10240x128xf32, #tpu.memory_space<hbm>>, %arg7: memref<40x128xi32, #tpu.memory_space<vmem>>, %arg8: memref<40x128xi32, #tpu.memory_space<vmem>>, %arg9: memref<128x128xf32, #tpu.memory_space<vmem>>, %arg10: memref<128x128xf32, #tpu.memory_space<vmem>>, %arg11: memref<10240x128xf32, #tpu.memory_space<vmem_shared>>, %arg12: memref<!tpu.dma_semaphore, #tpu.memory_space<semaphore_mem>>, %arg13: memref<!tpu.dma_semaphore, #tpu.memory_space<semaphore_mem>>) attributes {dimension_semantics = [#tpu.dimension_semantics<core_parallel>, #tpu.dimension_semantics<subcore_parallel>], iteration_bounds = array<i64: 2, 16>, scalar_prefetch = 0 : i64, scratch_operands = 7 : i64, tpu.core_type = #tpu.core_type<sc_vector_subcore>, window_params = [{transform_indices = #map}, {transform_indices = #map}, {transform_indices = #map}, {transform_indices = #map}, {transform_indices = #map1}]} {
    %mul3A = arith.constant 2 : i32
    %mul3A_0 = arith.muli %arg1, %mul3A : i32
    %add3A = arith.addi %mul3A_0, %arg0 : i32
    %mul3A_1 = arith.constant 640 : i32
    %mul3A_2 = arith.muli %arg1, %mul3A_1 : i32
    "tpu.region"() ({
      %run_scoped3A = tpu.sem_alloc : memref<!tpu.dma_semaphore, #tpu.memory_space<semaphore_mem>>
      %dma_start3A_44 = arith.constant 0 : i32
      %dma_start3A_45 = tpu.memref_slice %arg11[%mul3A_2, %dma_start3A_44] : memref<10240x128xf32, #tpu.memory_space<vmem_shared>> -> memref<640x128xf32, #tpu.memory_space<vmem_shared>>
      tpu.enqueue_dma source(%arg5 : memref<640x128xf32, #tpu.memory_space<hbm>>) target(%dma_start3A_45 : memref<640x128xf32, #tpu.memory_space<vmem_shared>>) target_semaphore(%run_scoped3A : memref<!tpu.dma_semaphore, #tpu.memory_space<semaphore_mem>>)
      %dma_wait3A = arith.constant 0 : i32
      %dma_wait3A_46 = tpu.memref_slice %arg11[%mul3A_2, %dma_wait3A] : memref<10240x128xf32, #tpu.memory_space<vmem_shared>> -> memref<640x128xf32, #tpu.memory_space<vmem_shared>>
      tpu.wait_dma2 semaphore(%run_scoped3A : memref<!tpu.dma_semaphore, #tpu.memory_space<semaphore_mem>>) src(%arg5 : memref<640x128xf32, #tpu.memory_space<hbm>>) dst(%dma_wait3A_46 : memref<640x128xf32, #tpu.memory_space<vmem_shared>>)
      tpu.yield
    }) : () -> ()
    %barrier3A = arith.constant 0 : index
    tpu.barrier barrier_id(%barrier3A)
    %mul3A_3 = arith.constant 80 : i32
    %mul3A_4 = arith.muli %add3A, %mul3A_3 : i32
    %add3A_5 = arith.constant 0 : i32
    %add3A_6 = arith.addi %mul3A_4, %add3A_5 : i32
    "tpu.region"() ({
      %run_scoped3A = tpu.sem_alloc : memref<!tpu.dma_semaphore, #tpu.memory_space<semaphore_mem>>
      %dma_start3A_44 = arith.constant 0 : i32
      %dma_start3A_45 = tpu.memref_slice %arg2[%add3A_6, %dma_start3A_44] : memref<2560x128xi32, #tpu.memory_space<hbm>> -> memref<40x128xi32, #tpu.memory_space<hbm>>
      %dma_start3A_46 = arith.constant 0 : i32
      %dma_start3A_47 = tpu.memref_slice %arg2[%add3A_6, %dma_start3A_46] : memref<2560x128xi32, #tpu.memory_space<hbm>> -> memref<40x128xi32, #tpu.memory_space<hbm>>
      tpu.enqueue_dma source(%dma_start3A_47 : memref<40x128xi32, #tpu.memory_space<hbm>>) target(%arg7 : memref<40x128xi32, #tpu.memory_space<vmem>>) target_semaphore(%run_scoped3A : memref<!tpu.dma_semaphore, #tpu.memory_space<semaphore_mem>>)
      %dma_wait3A = arith.constant 0 : i32
      %dma_wait3A_48 = tpu.memref_slice %arg2[%add3A_6, %dma_wait3A] : memref<2560x128xi32, #tpu.memory_space<hbm>> -> memref<40x128xi32, #tpu.memory_space<hbm>>
      %dma_wait3A_49 = arith.constant 0 : i32
      %dma_wait3A_50 = tpu.memref_slice %arg2[%add3A_6, %dma_wait3A_49] : memref<2560x128xi32, #tpu.memory_space<hbm>> -> memref<40x128xi32, #tpu.memory_space<hbm>>
      tpu.wait_dma2 semaphore(%run_scoped3A : memref<!tpu.dma_semaphore, #tpu.memory_space<semaphore_mem>>) src(%dma_wait3A_50 : memref<40x128xi32, #tpu.memory_space<hbm>>) dst(%arg7 : memref<40x128xi32, #tpu.memory_space<vmem>>)
      tpu.yield
    }) : () -> ()
    %mul3A_7 = arith.constant 80 : i32
    %mul3A_8 = arith.muli %add3A, %mul3A_7 : i32
    %add3A_9 = arith.constant 0 : i32
    %add3A_10 = arith.addi %mul3A_8, %add3A_9 : i32
    "tpu.region"() ({
      %run_scoped3A = tpu.sem_alloc : memref<!tpu.dma_semaphore, #tpu.memory_space<semaphore_mem>>
      %dma_start3A_44 = arith.constant 0 : i32
      %dma_start3A_45 = tpu.memref_slice %arg3[%add3A_10, %dma_start3A_44] : memref<2560x128xi32, #tpu.memory_space<hbm>> -> memref<40x128xi32, #tpu.memory_space<hbm>>
      %dma_start3A_46 = arith.constant 0 : i32
      %dma_start3A_47 = tpu.memref_slice %arg3[%add3A_10, %dma_start3A_46] : memref<2560x128xi32, #tpu.memory_space<hbm>> -> memref<40x128xi32, #tpu.memory_space<hbm>>
      tpu.enqueue_dma source(%dma_start3A_47 : memref<40x128xi32, #tpu.memory_space<hbm>>) target(%arg8 : memref<40x128xi32, #tpu.memory_space<vmem>>) target_semaphore(%run_scoped3A : memref<!tpu.dma_semaphore, #tpu.memory_space<semaphore_mem>>)
      %dma_wait3A = arith.constant 0 : i32
      %dma_wait3A_48 = tpu.memref_slice %arg3[%add3A_10, %dma_wait3A] : memref<2560x128xi32, #tpu.memory_space<hbm>> -> memref<40x128xi32, #tpu.memory_space<hbm>>
      %dma_wait3A_49 = arith.constant 0 : i32
      %dma_wait3A_50 = tpu.memref_slice %arg3[%add3A_10, %dma_wait3A_49] : memref<2560x128xi32, #tpu.memory_space<hbm>> -> memref<40x128xi32, #tpu.memory_space<hbm>>
      tpu.wait_dma2 semaphore(%run_scoped3A : memref<!tpu.dma_semaphore, #tpu.memory_space<semaphore_mem>>) src(%dma_wait3A_50 : memref<40x128xi32, #tpu.memory_space<hbm>>) dst(%arg8 : memref<40x128xi32, #tpu.memory_space<vmem>>)
      tpu.yield
    }) : () -> ()
    %dma_start3A = arith.constant 0 : i32
    %dma_start3A_11 = arith.constant 0 : i32
    %dma_start3A_12 = tpu.memref_slice %arg7[%dma_start3A, %dma_start3A_11] : memref<40x128xi32, #tpu.memory_space<vmem>> -> memref<1x128xi32, #tpu.memory_space<vmem>>
    %dma_start3A_13 = tpu.memref_squeeze %dma_start3A_12 : memref<1x128xi32, #tpu.memory_space<vmem>> -> memref<128xi32, #tpu.memory_space<vmem>>
    %dma_start3A_14 = arith.constant 0 : i32
    %dma_start3A_15 = arith.constant 0 : i32
    %dma_start3A_16 = tpu.memref_slice %arg4[%dma_start3A_14, %dma_start3A_15] : memref<10240x128xf32, #tpu.memory_space<hbm>> -> memref<10240x128xf32, #tpu.memory_space<hbm>>
    tpu.enqueue_indirect_dma source(%dma_start3A_16 : memref<10240x128xf32, #tpu.memory_space<hbm>>) target(%arg9 : memref<128x128xf32, #tpu.memory_space<vmem>>) offsets(%dma_start3A_13 : memref<128xi32, #tpu.memory_space<vmem>>) semaphore(%arg12 : memref<!tpu.dma_semaphore, #tpu.memory_space<semaphore_mem>>)
    %scan3A = arith.constant 0 : i32
    %scan3A_17 = arith.constant 0 : i32
    %scan3A_18 = arith.constant 20 : i32
    %scan3A_19 = arith.addi %scan3A_17, %scan3A_18 : i32
    %scan3A_20 = arith.constant 1 : i32
    scf.for %scan3A_44 = %scan3A_17 to %scan3A_19 step %scan3A_20  : i32 {
      %mul3A_45 = arith.constant 2 : i32
      %mul3A_46 = arith.muli %scan3A_44, %mul3A_45 : i32
      %dma_wait3A = arith.constant 0 : i32
      %dma_wait3A_47 = arith.constant 0 : i32
      %dma_wait3A_48 = tpu.memref_slice %arg4[%dma_wait3A, %dma_wait3A_47] : memref<10240x128xf32, #tpu.memory_space<hbm>> -> memref<128x128xf32, #tpu.memory_space<hbm>>
      %dma_wait3A_49 = arith.constant 0 : i32
      %dma_wait3A_50 = arith.constant 0 : i32
      %dma_wait3A_51 = tpu.memref_slice %arg4[%dma_wait3A_49, %dma_wait3A_50] : memref<10240x128xf32, #tpu.memory_space<hbm>> -> memref<128x128xf32, #tpu.memory_space<hbm>>
      tpu.wait_dma2 semaphore(%arg12 : memref<!tpu.dma_semaphore, #tpu.memory_space<semaphore_mem>>) src(%dma_wait3A_51 : memref<128x128xf32, #tpu.memory_space<hbm>>) dst(%arg9 : memref<128x128xf32, #tpu.memory_space<vmem>>)
      %add3A_52 = arith.constant 1 : i32
      %add3A_53 = arith.addi %mul3A_46, %add3A_52 : i32
      %dma_start3A_54 = arith.constant 0 : i32
      %dma_start3A_55 = tpu.memref_slice %arg7[%add3A_53, %dma_start3A_54] : memref<40x128xi32, #tpu.memory_space<vmem>> -> memref<1x128xi32, #tpu.memory_space<vmem>>
      %dma_start3A_56 = tpu.memref_squeeze %dma_start3A_55 : memref<1x128xi32, #tpu.memory_space<vmem>> -> memref<128xi32, #tpu.memory_space<vmem>>
      %dma_start3A_57 = arith.constant 0 : i32
      %dma_start3A_58 = arith.constant 0 : i32
      %dma_start3A_59 = tpu.memref_slice %arg4[%dma_start3A_57, %dma_start3A_58] : memref<10240x128xf32, #tpu.memory_space<hbm>> -> memref<10240x128xf32, #tpu.memory_space<hbm>>
      tpu.enqueue_indirect_dma source(%dma_start3A_59 : memref<10240x128xf32, #tpu.memory_space<hbm>>) target(%arg10 : memref<128x128xf32, #tpu.memory_space<vmem>>) offsets(%dma_start3A_56 : memref<128xi32, #tpu.memory_space<vmem>>) semaphore(%arg13 : memref<!tpu.dma_semaphore, #tpu.memory_space<semaphore_mem>>)
      "tpu.region"() ({
        %run_scoped3A = tpu.sem_alloc : memref<!tpu.dma_semaphore, #tpu.memory_space<semaphore_mem>>
        %dma_start3A_72 = arith.constant 0 : i32
        %dma_start3A_73 = tpu.memref_slice %arg8[%mul3A_46, %dma_start3A_72] : memref<40x128xi32, #tpu.memory_space<vmem>> -> memref<1x128xi32, #tpu.memory_space<vmem>>
        %dma_start3A_74 = tpu.memref_squeeze %dma_start3A_73 : memref<1x128xi32, #tpu.memory_space<vmem>> -> memref<128xi32, #tpu.memory_space<vmem>>
        %dma_start3A_75 = arith.constant 0 : i32
        %dma_start3A_76 = arith.constant 0 : i32
        %dma_start3A_77 = tpu.memref_slice %arg11[%dma_start3A_75, %dma_start3A_76] : memref<10240x128xf32, #tpu.memory_space<vmem_shared>> -> memref<10240x128xf32, #tpu.memory_space<vmem_shared>>
        tpu.enqueue_indirect_dma source(%arg9 : memref<128x128xf32, #tpu.memory_space<vmem>>) target(%dma_start3A_77 : memref<10240x128xf32, #tpu.memory_space<vmem_shared>>) offsets(%dma_start3A_74 : memref<128xi32, #tpu.memory_space<vmem>>) semaphore(%run_scoped3A : memref<!tpu.dma_semaphore, #tpu.memory_space<semaphore_mem>>) {add = true}
        %dma_wait3A_78 = arith.constant 0 : i32
        %dma_wait3A_79 = tpu.memref_slice %arg8[%mul3A_46, %dma_wait3A_78] : memref<40x128xi32, #tpu.memory_space<vmem>> -> memref<1x128xi32, #tpu.memory_space<vmem>>
        %dma_wait3A_80 = tpu.memref_squeeze %dma_wait3A_79 : memref<1x128xi32, #tpu.memory_space<vmem>> -> memref<128xi32, #tpu.memory_space<vmem>>
        %dma_wait3A_81 = arith.constant 0 : i32
        %dma_wait3A_82 = arith.constant 0 : i32
        %dma_wait3A_83 = tpu.memref_slice %arg11[%dma_wait3A_81, %dma_wait3A_82] : memref<10240x128xf32, #tpu.memory_space<vmem_shared>> -> memref<10240x128xf32, #tpu.memory_space<vmem_shared>>
        tpu.wait_indirect_dma semaphore(%run_scoped3A : memref<!tpu.dma_semaphore, #tpu.memory_space<semaphore_mem>>) src(%arg9 : memref<128x128xf32, #tpu.memory_space<vmem>>) dst(%dma_wait3A_83 : memref<10240x128xf32, #tpu.memory_space<vmem_shared>>)
        tpu.yield
      }) : () -> ()
      %dma_wait3A_60 = arith.constant 0 : i32
      %dma_wait3A_61 = arith.constant 0 : i32
      %dma_wait3A_62 = tpu.memref_slice %arg4[%dma_wait3A_60, %dma_wait3A_61] : memref<10240x128xf32, #tpu.memory_space<hbm>> -> memref<128x128xf32, #tpu.memory_space<hbm>>
      %dma_wait3A_63 = arith.constant 0 : i32
      %dma_wait3A_64 = arith.constant 0 : i32
      %dma_wait3A_65 = tpu.memref_slice %arg4[%dma_wait3A_63, %dma_wait3A_64] : memref<10240x128xf32, #tpu.memory_space<hbm>> -> memref<128x128xf32, #tpu.memory_space<hbm>>
      tpu.wait_dma2 semaphore(%arg13 : memref<!tpu.dma_semaphore, #tpu.memory_space<semaphore_mem>>) src(%dma_wait3A_65 : memref<128x128xf32, #tpu.memory_space<hbm>>) dst(%arg10 : memref<128x128xf32, #tpu.memory_space<vmem>>)
      %add3A_66 = arith.constant 1 : i32
      %add3A_67 = arith.addi %scan3A_44, %add3A_66 : i32
      %lt3A = arith.constant 20 : i32
      %lt3A_68 = arith.cmpi slt, %add3A_67, %lt3A : i32
      %convert_element_type3A = arith.extui %lt3A_68 : i1 to i32
      %cond3A = arith.constant 0 : i32
      %cond3A_69 = arith.cmpi ne, %convert_element_type3A, %cond3A : i32
      scf.if %cond3A_69 {
        %add3A_72 = arith.constant 2 : i32
        %add3A_73 = arith.addi %mul3A_46, %add3A_72 : i32
        %dma_start3A_74 = arith.constant 0 : i32
        %dma_start3A_75 = tpu.memref_slice %arg7[%add3A_73, %dma_start3A_74] : memref<40x128xi32, #tpu.memory_space<vmem>> -> memref<1x128xi32, #tpu.memory_space<vmem>>
        %dma_start3A_76 = tpu.memref_squeeze %dma_start3A_75 : memref<1x128xi32, #tpu.memory_space<vmem>> -> memref<128xi32, #tpu.memory_space<vmem>>
        %dma_start3A_77 = arith.constant 0 : i32
        %dma_start3A_78 = arith.constant 0 : i32
        %dma_start3A_79 = tpu.memref_slice %arg4[%dma_start3A_77, %dma_start3A_78] : memref<10240x128xf32, #tpu.memory_space<hbm>> -> memref<10240x128xf32, #tpu.memory_space<hbm>>
        tpu.enqueue_indirect_dma source(%dma_start3A_79 : memref<10240x128xf32, #tpu.memory_space<hbm>>) target(%arg9 : memref<128x128xf32, #tpu.memory_space<vmem>>) offsets(%dma_start3A_76 : memref<128xi32, #tpu.memory_space<vmem>>) semaphore(%arg12 : memref<!tpu.dma_semaphore, #tpu.memory_space<semaphore_mem>>)
      } else {
      }
      %add3A_70 = arith.constant 1 : i32
      %add3A_71 = arith.addi %mul3A_46, %add3A_70 : i32
      "tpu.region"() ({
        %run_scoped3A = tpu.sem_alloc : memref<!tpu.dma_semaphore, #tpu.memory_space<semaphore_mem>>
        %dma_start3A_72 = arith.constant 0 : i32
        %dma_start3A_73 = tpu.memref_slice %arg8[%add3A_71, %dma_start3A_72] : memref<40x128xi32, #tpu.memory_space<vmem>> -> memref<1x128xi32, #tpu.memory_space<vmem>>
        %dma_start3A_74 = tpu.memref_squeeze %dma_start3A_73 : memref<1x128xi32, #tpu.memory_space<vmem>> -> memref<128xi32, #tpu.memory_space<vmem>>
        %dma_start3A_75 = arith.constant 0 : i32
        %dma_start3A_76 = arith.constant 0 : i32
        %dma_start3A_77 = tpu.memref_slice %arg11[%dma_start3A_75, %dma_start3A_76] : memref<10240x128xf32, #tpu.memory_space<vmem_shared>> -> memref<10240x128xf32, #tpu.memory_space<vmem_shared>>
        tpu.enqueue_indirect_dma source(%arg10 : memref<128x128xf32, #tpu.memory_space<vmem>>) target(%dma_start3A_77 : memref<10240x128xf32, #tpu.memory_space<vmem_shared>>) offsets(%dma_start3A_74 : memref<128xi32, #tpu.memory_space<vmem>>) semaphore(%run_scoped3A : memref<!tpu.dma_semaphore, #tpu.memory_space<semaphore_mem>>) {add = true}
        %dma_wait3A_78 = arith.constant 0 : i32
        %dma_wait3A_79 = tpu.memref_slice %arg8[%add3A_71, %dma_wait3A_78] : memref<40x128xi32, #tpu.memory_space<vmem>> -> memref<1x128xi32, #tpu.memory_space<vmem>>
        %dma_wait3A_80 = tpu.memref_squeeze %dma_wait3A_79 : memref<1x128xi32, #tpu.memory_space<vmem>> -> memref<128xi32, #tpu.memory_space<vmem>>
        %dma_wait3A_81 = arith.constant 0 : i32
        %dma_wait3A_82 = arith.constant 0 : i32
        %dma_wait3A_83 = tpu.memref_slice %arg11[%dma_wait3A_81, %dma_wait3A_82] : memref<10240x128xf32, #tpu.memory_space<vmem_shared>> -> memref<10240x128xf32, #tpu.memory_space<vmem_shared>>
        tpu.wait_indirect_dma semaphore(%run_scoped3A : memref<!tpu.dma_semaphore, #tpu.memory_space<semaphore_mem>>) src(%arg10 : memref<128x128xf32, #tpu.memory_space<vmem>>) dst(%dma_wait3A_83 : memref<10240x128xf32, #tpu.memory_space<vmem_shared>>)
        tpu.yield
      }) : () -> ()
    }
    %scan3A_21 = arith.constant 20 : i32
    %mul3A_22 = arith.constant 80 : i32
    %mul3A_23 = arith.muli %add3A, %mul3A_22 : i32
    %add3A_24 = arith.constant 40 : i32
    %add3A_25 = arith.addi %mul3A_23, %add3A_24 : i32
    "tpu.region"() ({
      %run_scoped3A = tpu.sem_alloc : memref<!tpu.dma_semaphore, #tpu.memory_space<semaphore_mem>>
      %dma_start3A_44 = arith.constant 0 : i32
      %dma_start3A_45 = tpu.memref_slice %arg2[%add3A_25, %dma_start3A_44] : memref<2560x128xi32, #tpu.memory_space<hbm>> -> memref<40x128xi32, #tpu.memory_space<hbm>>
      %dma_start3A_46 = arith.constant 0 : i32
      %dma_start3A_47 = tpu.memref_slice %arg2[%add3A_25, %dma_start3A_46] : memref<2560x128xi32, #tpu.memory_space<hbm>> -> memref<40x128xi32, #tpu.memory_space<hbm>>
      tpu.enqueue_dma source(%dma_start3A_47 : memref<40x128xi32, #tpu.memory_space<hbm>>) target(%arg7 : memref<40x128xi32, #tpu.memory_space<vmem>>) target_semaphore(%run_scoped3A : memref<!tpu.dma_semaphore, #tpu.memory_space<semaphore_mem>>)
      %dma_wait3A = arith.constant 0 : i32
      %dma_wait3A_48 = tpu.memref_slice %arg2[%add3A_25, %dma_wait3A] : memref<2560x128xi32, #tpu.memory_space<hbm>> -> memref<40x128xi32, #tpu.memory_space<hbm>>
      %dma_wait3A_49 = arith.constant 0 : i32
      %dma_wait3A_50 = tpu.memref_slice %arg2[%add3A_25, %dma_wait3A_49] : memref<2560x128xi32, #tpu.memory_space<hbm>> -> memref<40x128xi32, #tpu.memory_space<hbm>>
      tpu.wait_dma2 semaphore(%run_scoped3A : memref<!tpu.dma_semaphore, #tpu.memory_space<semaphore_mem>>) src(%dma_wait3A_50 : memref<40x128xi32, #tpu.memory_space<hbm>>) dst(%arg7 : memref<40x128xi32, #tpu.memory_space<vmem>>)
      tpu.yield
    }) : () -> ()
    %mul3A_26 = arith.constant 80 : i32
    %mul3A_27 = arith.muli %add3A, %mul3A_26 : i32
    %add3A_28 = arith.constant 40 : i32
    %add3A_29 = arith.addi %mul3A_27, %add3A_28 : i32
    "tpu.region"() ({
      %run_scoped3A = tpu.sem_alloc : memref<!tpu.dma_semaphore, #tpu.memory_space<semaphore_mem>>
      %dma_start3A_44 = arith.constant 0 : i32
      %dma_start3A_45 = tpu.memref_slice %arg3[%add3A_29, %dma_start3A_44] : memref<2560x128xi32, #tpu.memory_space<hbm>> -> memref<40x128xi32, #tpu.memory_space<hbm>>
      %dma_start3A_46 = arith.constant 0 : i32
      %dma_start3A_47 = tpu.memref_slice %arg3[%add3A_29, %dma_start3A_46] : memref<2560x128xi32, #tpu.memory_space<hbm>> -> memref<40x128xi32, #tpu.memory_space<hbm>>
      tpu.enqueue_dma source(%dma_start3A_47 : memref<40x128xi32, #tpu.memory_space<hbm>>) target(%arg8 : memref<40x128xi32, #tpu.memory_space<vmem>>) target_semaphore(%run_scoped3A : memref<!tpu.dma_semaphore, #tpu.memory_space<semaphore_mem>>)
      %dma_wait3A = arith.constant 0 : i32
      %dma_wait3A_48 = tpu.memref_slice %arg3[%add3A_29, %dma_wait3A] : memref<2560x128xi32, #tpu.memory_space<hbm>> -> memref<40x128xi32, #tpu.memory_space<hbm>>
      %dma_wait3A_49 = arith.constant 0 : i32
      %dma_wait3A_50 = tpu.memref_slice %arg3[%add3A_29, %dma_wait3A_49] : memref<2560x128xi32, #tpu.memory_space<hbm>> -> memref<40x128xi32, #tpu.memory_space<hbm>>
      tpu.wait_dma2 semaphore(%run_scoped3A : memref<!tpu.dma_semaphore, #tpu.memory_space<semaphore_mem>>) src(%dma_wait3A_50 : memref<40x128xi32, #tpu.memory_space<hbm>>) dst(%arg8 : memref<40x128xi32, #tpu.memory_space<vmem>>)
      tpu.yield
    }) : () -> ()
    %dma_start3A_30 = arith.constant 0 : i32
    %dma_start3A_31 = arith.constant 0 : i32
    %dma_start3A_32 = tpu.memref_slice %arg7[%dma_start3A_30, %dma_start3A_31] : memref<40x128xi32, #tpu.memory_space<vmem>> -> memref<1x128xi32, #tpu.memory_space<vmem>>
    %dma_start3A_33 = tpu.memref_squeeze %dma_start3A_32 : memref<1x128xi32, #tpu.memory_space<vmem>> -> memref<128xi32, #tpu.memory_space<vmem>>
    %dma_start3A_34 = arith.constant 0 : i32
    %dma_start3A_35 = arith.constant 0 : i32
    %dma_start3A_36 = tpu.memref_slice %arg4[%dma_start3A_34, %dma_start3A_35] : memref<10240x128xf32, #tpu.memory_space<hbm>> -> memref<10240x128xf32, #tpu.memory_space<hbm>>
    tpu.enqueue_indirect_dma source(%dma_start3A_36 : memref<10240x128xf32, #tpu.memory_space<hbm>>) target(%arg9 : memref<128x128xf32, #tpu.memory_space<vmem>>) offsets(%dma_start3A_33 : memref<128xi32, #tpu.memory_space<vmem>>) semaphore(%arg12 : memref<!tpu.dma_semaphore, #tpu.memory_space<semaphore_mem>>)
    %scan3A_37 = arith.constant 0 : i32
    %scan3A_38 = arith.constant 0 : i32
    %scan3A_39 = arith.constant 20 : i32
    %scan3A_40 = arith.addi %scan3A_38, %scan3A_39 : i32
    %scan3A_41 = arith.constant 1 : i32
    scf.for %scan3A_44 = %scan3A_38 to %scan3A_40 step %scan3A_41  : i32 {
      %mul3A_45 = arith.constant 2 : i32
      %mul3A_46 = arith.muli %scan3A_44, %mul3A_45 : i32
      %dma_wait3A = arith.constant 0 : i32
      %dma_wait3A_47 = arith.constant 0 : i32
      %dma_wait3A_48 = tpu.memref_slice %arg4[%dma_wait3A, %dma_wait3A_47] : memref<10240x128xf32, #tpu.memory_space<hbm>> -> memref<128x128xf32, #tpu.memory_space<hbm>>
      %dma_wait3A_49 = arith.constant 0 : i32
      %dma_wait3A_50 = arith.constant 0 : i32
      %dma_wait3A_51 = tpu.memref_slice %arg4[%dma_wait3A_49, %dma_wait3A_50] : memref<10240x128xf32, #tpu.memory_space<hbm>> -> memref<128x128xf32, #tpu.memory_space<hbm>>
      tpu.wait_dma2 semaphore(%arg12 : memref<!tpu.dma_semaphore, #tpu.memory_space<semaphore_mem>>) src(%dma_wait3A_51 : memref<128x128xf32, #tpu.memory_space<hbm>>) dst(%arg9 : memref<128x128xf32, #tpu.memory_space<vmem>>)
      %add3A_52 = arith.constant 1 : i32
      %add3A_53 = arith.addi %mul3A_46, %add3A_52 : i32
      %dma_start3A_54 = arith.constant 0 : i32
      %dma_start3A_55 = tpu.memref_slice %arg7[%add3A_53, %dma_start3A_54] : memref<40x128xi32, #tpu.memory_space<vmem>> -> memref<1x128xi32, #tpu.memory_space<vmem>>
      %dma_start3A_56 = tpu.memref_squeeze %dma_start3A_55 : memref<1x128xi32, #tpu.memory_space<vmem>> -> memref<128xi32, #tpu.memory_space<vmem>>
      %dma_start3A_57 = arith.constant 0 : i32
      %dma_start3A_58 = arith.constant 0 : i32
      %dma_start3A_59 = tpu.memref_slice %arg4[%dma_start3A_57, %dma_start3A_58] : memref<10240x128xf32, #tpu.memory_space<hbm>> -> memref<10240x128xf32, #tpu.memory_space<hbm>>
      tpu.enqueue_indirect_dma source(%dma_start3A_59 : memref<10240x128xf32, #tpu.memory_space<hbm>>) target(%arg10 : memref<128x128xf32, #tpu.memory_space<vmem>>) offsets(%dma_start3A_56 : memref<128xi32, #tpu.memory_space<vmem>>) semaphore(%arg13 : memref<!tpu.dma_semaphore, #tpu.memory_space<semaphore_mem>>)
      "tpu.region"() ({
        %run_scoped3A = tpu.sem_alloc : memref<!tpu.dma_semaphore, #tpu.memory_space<semaphore_mem>>
        %dma_start3A_72 = arith.constant 0 : i32
        %dma_start3A_73 = tpu.memref_slice %arg8[%mul3A_46, %dma_start3A_72] : memref<40x128xi32, #tpu.memory_space<vmem>> -> memref<1x128xi32, #tpu.memory_space<vmem>>
        %dma_start3A_74 = tpu.memref_squeeze %dma_start3A_73 : memref<1x128xi32, #tpu.memory_space<vmem>> -> memref<128xi32, #tpu.memory_space<vmem>>
        %dma_start3A_75 = arith.constant 0 : i32
        %dma_start3A_76 = arith.constant 0 : i32
        %dma_start3A_77 = tpu.memref_slice %arg11[%dma_start3A_75, %dma_start3A_76] : memref<10240x128xf32, #tpu.memory_space<vmem_shared>> -> memref<10240x128xf32, #tpu.memory_space<vmem_shared>>
        tpu.enqueue_indirect_dma source(%arg9 : memref<128x128xf32, #tpu.memory_space<vmem>>) target(%dma_start3A_77 : memref<10240x128xf32, #tpu.memory_space<vmem_shared>>) offsets(%dma_start3A_74 : memref<128xi32, #tpu.memory_space<vmem>>) semaphore(%run_scoped3A : memref<!tpu.dma_semaphore, #tpu.memory_space<semaphore_mem>>) {add = true}
        %dma_wait3A_78 = arith.constant 0 : i32
        %dma_wait3A_79 = tpu.memref_slice %arg8[%mul3A_46, %dma_wait3A_78] : memref<40x128xi32, #tpu.memory_space<vmem>> -> memref<1x128xi32, #tpu.memory_space<vmem>>
        %dma_wait3A_80 = tpu.memref_squeeze %dma_wait3A_79 : memref<1x128xi32, #tpu.memory_space<vmem>> -> memref<128xi32, #tpu.memory_space<vmem>>
        %dma_wait3A_81 = arith.constant 0 : i32
        %dma_wait3A_82 = arith.constant 0 : i32
        %dma_wait3A_83 = tpu.memref_slice %arg11[%dma_wait3A_81, %dma_wait3A_82] : memref<10240x128xf32, #tpu.memory_space<vmem_shared>> -> memref<10240x128xf32, #tpu.memory_space<vmem_shared>>
        tpu.wait_indirect_dma semaphore(%run_scoped3A : memref<!tpu.dma_semaphore, #tpu.memory_space<semaphore_mem>>) src(%arg9 : memref<128x128xf32, #tpu.memory_space<vmem>>) dst(%dma_wait3A_83 : memref<10240x128xf32, #tpu.memory_space<vmem_shared>>)
        tpu.yield
      }) : () -> ()
      %dma_wait3A_60 = arith.constant 0 : i32
      %dma_wait3A_61 = arith.constant 0 : i32
      %dma_wait3A_62 = tpu.memref_slice %arg4[%dma_wait3A_60, %dma_wait3A_61] : memref<10240x128xf32, #tpu.memory_space<hbm>> -> memref<128x128xf32, #tpu.memory_space<hbm>>
      %dma_wait3A_63 = arith.constant 0 : i32
      %dma_wait3A_64 = arith.constant 0 : i32
      %dma_wait3A_65 = tpu.memref_slice %arg4[%dma_wait3A_63, %dma_wait3A_64] : memref<10240x128xf32, #tpu.memory_space<hbm>> -> memref<128x128xf32, #tpu.memory_space<hbm>>
      tpu.wait_dma2 semaphore(%arg13 : memref<!tpu.dma_semaphore, #tpu.memory_space<semaphore_mem>>) src(%dma_wait3A_65 : memref<128x128xf32, #tpu.memory_space<hbm>>) dst(%arg10 : memref<128x128xf32, #tpu.memory_space<vmem>>)
      %add3A_66 = arith.constant 1 : i32
      %add3A_67 = arith.addi %scan3A_44, %add3A_66 : i32
      %lt3A = arith.constant 20 : i32
      %lt3A_68 = arith.cmpi slt, %add3A_67, %lt3A : i32
      %convert_element_type3A = arith.extui %lt3A_68 : i1 to i32
      %cond3A = arith.constant 0 : i32
      %cond3A_69 = arith.cmpi ne, %convert_element_type3A, %cond3A : i32
      scf.if %cond3A_69 {
        %add3A_72 = arith.constant 2 : i32
        %add3A_73 = arith.addi %mul3A_46, %add3A_72 : i32
        %dma_start3A_74 = arith.constant 0 : i32
        %dma_start3A_75 = tpu.memref_slice %arg7[%add3A_73, %dma_start3A_74] : memref<40x128xi32, #tpu.memory_space<vmem>> -> memref<1x128xi32, #tpu.memory_space<vmem>>
        %dma_start3A_76 = tpu.memref_squeeze %dma_start3A_75 : memref<1x128xi32, #tpu.memory_space<vmem>> -> memref<128xi32, #tpu.memory_space<vmem>>
        %dma_start3A_77 = arith.constant 0 : i32
        %dma_start3A_78 = arith.constant 0 : i32
        %dma_start3A_79 = tpu.memref_slice %arg4[%dma_start3A_77, %dma_start3A_78] : memref<10240x128xf32, #tpu.memory_space<hbm>> -> memref<10240x128xf32, #tpu.memory_space<hbm>>
        tpu.enqueue_indirect_dma source(%dma_start3A_79 : memref<10240x128xf32, #tpu.memory_space<hbm>>) target(%arg9 : memref<128x128xf32, #tpu.memory_space<vmem>>) offsets(%dma_start3A_76 : memref<128xi32, #tpu.memory_space<vmem>>) semaphore(%arg12 : memref<!tpu.dma_semaphore, #tpu.memory_space<semaphore_mem>>)
      } else {
      }
      %add3A_70 = arith.constant 1 : i32
      %add3A_71 = arith.addi %mul3A_46, %add3A_70 : i32
      "tpu.region"() ({
        %run_scoped3A = tpu.sem_alloc : memref<!tpu.dma_semaphore, #tpu.memory_space<semaphore_mem>>
        %dma_start3A_72 = arith.constant 0 : i32
        %dma_start3A_73 = tpu.memref_slice %arg8[%add3A_71, %dma_start3A_72] : memref<40x128xi32, #tpu.memory_space<vmem>> -> memref<1x128xi32, #tpu.memory_space<vmem>>
        %dma_start3A_74 = tpu.memref_squeeze %dma_start3A_73 : memref<1x128xi32, #tpu.memory_space<vmem>> -> memref<128xi32, #tpu.memory_space<vmem>>
        %dma_start3A_75 = arith.constant 0 : i32
        %dma_start3A_76 = arith.constant 0 : i32
        %dma_start3A_77 = tpu.memref_slice %arg11[%dma_start3A_75, %dma_start3A_76] : memref<10240x128xf32, #tpu.memory_space<vmem_shared>> -> memref<10240x128xf32, #tpu.memory_space<vmem_shared>>
        tpu.enqueue_indirect_dma source(%arg10 : memref<128x128xf32, #tpu.memory_space<vmem>>) target(%dma_start3A_77 : memref<10240x128xf32, #tpu.memory_space<vmem_shared>>) offsets(%dma_start3A_74 : memref<128xi32, #tpu.memory_space<vmem>>) semaphore(%run_scoped3A : memref<!tpu.dma_semaphore, #tpu.memory_space<semaphore_mem>>) {add = true}
        %dma_wait3A_78 = arith.constant 0 : i32
        %dma_wait3A_79 = tpu.memref_slice %arg8[%add3A_71, %dma_wait3A_78] : memref<40x128xi32, #tpu.memory_space<vmem>> -> memref<1x128xi32, #tpu.memory_space<vmem>>
        %dma_wait3A_80 = tpu.memref_squeeze %dma_wait3A_79 : memref<1x128xi32, #tpu.memory_space<vmem>> -> memref<128xi32, #tpu.memory_space<vmem>>
        %dma_wait3A_81 = arith.constant 0 : i32
        %dma_wait3A_82 = arith.constant 0 : i32
        %dma_wait3A_83 = tpu.memref_slice %arg11[%dma_wait3A_81, %dma_wait3A_82] : memref<10240x128xf32, #tpu.memory_space<vmem_shared>> -> memref<10240x128xf32, #tpu.memory_space<vmem_shared>>
        tpu.wait_indirect_dma semaphore(%run_scoped3A : memref<!tpu.dma_semaphore, #tpu.memory_space<semaphore_mem>>) src(%arg10 : memref<128x128xf32, #tpu.memory_space<vmem>>) dst(%dma_wait3A_83 : memref<10240x128xf32, #tpu.memory_space<vmem_shared>>)
        tpu.yield
      }) : () -> ()
    }
    %scan3A_42 = arith.constant 20 : i32
    %barrier3A_43 = arith.constant 0 : index
    tpu.barrier barrier_id(%barrier3A_43)
    "tpu.region"() ({
      %run_scoped3A = tpu.sem_alloc : memref<!tpu.dma_semaphore, #tpu.memory_space<semaphore_mem>>
      %dma_start3A_44 = arith.constant 0 : i32
      %dma_start3A_45 = tpu.memref_slice %arg6[%arg0, %mul3A_2, %dma_start3A_44] : memref<2x10240x128xf32, #tpu.memory_space<hbm>> -> memref<1x640x128xf32, #tpu.memory_space<hbm>>
      %dma_start3A_46 = tpu.memref_squeeze %dma_start3A_45 : memref<1x640x128xf32, #tpu.memory_space<hbm>> -> memref<640x128xf32, #tpu.memory_space<hbm>>
      %dma_start3A_47 = arith.constant 0 : i32
      %dma_start3A_48 = tpu.memref_slice %arg11[%mul3A_2, %dma_start3A_47] : memref<10240x128xf32, #tpu.memory_space<vmem_shared>> -> memref<640x128xf32, #tpu.memory_space<vmem_shared>>
      tpu.enqueue_dma source(%dma_start3A_48 : memref<640x128xf32, #tpu.memory_space<vmem_shared>>) target(%dma_start3A_46 : memref<640x128xf32, #tpu.memory_space<hbm>>) target_semaphore(%run_scoped3A : memref<!tpu.dma_semaphore, #tpu.memory_space<semaphore_mem>>)
      %dma_wait3A = arith.constant 0 : i32
      %dma_wait3A_49 = tpu.memref_slice %arg6[%arg0, %mul3A_2, %dma_wait3A] : memref<2x10240x128xf32, #tpu.memory_space<hbm>> -> memref<1x640x128xf32, #tpu.memory_space<hbm>>
      %dma_wait3A_50 = tpu.memref_squeeze %dma_wait3A_49 : memref<1x640x128xf32, #tpu.memory_space<hbm>> -> memref<640x128xf32, #tpu.memory_space<hbm>>
      %dma_wait3A_51 = arith.constant 0 : i32
      %dma_wait3A_52 = tpu.memref_slice %arg11[%mul3A_2, %dma_wait3A_51] : memref<10240x128xf32, #tpu.memory_space<vmem_shared>> -> memref<640x128xf32, #tpu.memory_space<vmem_shared>>
      tpu.wait_dma2 semaphore(%run_scoped3A : memref<!tpu.dma_semaphore, #tpu.memory_space<semaphore_mem>>) src(%dma_wait3A_52 : memref<640x128xf32, #tpu.memory_space<vmem_shared>>) dst(%dma_wait3A_50 : memref<640x128xf32, #tpu.memory_space<hbm>>)
      tpu.yield
    }) : () -> ()
    return
  }
}

#map = affine_map<(d0, d1) -> (0, 0)>
#map1 = affine_map<(d0, d1) -> (0, 0, 0)>
module attributes {stable_mosaic.version = 14 : i64} {
  func.func @_prop_kernel(%arg0: i32, %arg1: i32, %arg2: memref<2560x128xi32, #tpu.memory_space<hbm>>, %arg3: memref<2560x128xi32, #tpu.memory_space<hbm>>, %arg4: memref<10240x48xf32, #tpu.memory_space<hbm>>, %arg5: memref<640x48xf32, #tpu.memory_space<hbm>>, %arg6: memref<2x10240x48xf32, #tpu.memory_space<hbm>>, %arg7: memref<80x128xi32, #tpu.memory_space<vmem>>, %arg8: memref<80x128xi32, #tpu.memory_space<vmem>>, %arg9: memref<128x48xf32, #tpu.memory_space<vmem>>, %arg10: memref<128x48xf32, #tpu.memory_space<vmem>>, %arg11: memref<128x48xf32, #tpu.memory_space<vmem>>, %arg12: memref<128x48xf32, #tpu.memory_space<vmem>>, %arg13: memref<10240x48xf32, #tpu.memory_space<vmem_shared>>, %arg14: memref<!tpu.dma_semaphore, #tpu.memory_space<semaphore_mem>>) attributes {dimension_semantics = [#tpu.dimension_semantics<core_parallel>, #tpu.dimension_semantics<subcore_parallel>], iteration_bounds = array<i64: 2, 16>, scalar_prefetch = 0 : i64, scratch_operands = 8 : i64, tpu.core_type = #tpu.core_type<sc_vector_subcore>, window_params = [{transform_indices = #map}, {transform_indices = #map}, {transform_indices = #map}, {transform_indices = #map}, {transform_indices = #map1}]} {
    %mul3A = arith.constant 2 : i32
    %mul3A_0 = arith.muli %arg1, %mul3A : i32
    %add3A = arith.addi %mul3A_0, %arg0 : i32
    %mul3A_1 = arith.constant 640 : i32
    %mul3A_2 = arith.muli %arg1, %mul3A_1 : i32
    "tpu.region"() ({
      %run_scoped3A = tpu.sem_alloc : memref<!tpu.dma_semaphore, #tpu.memory_space<semaphore_mem>>
      %dma_start3A_26 = arith.constant 0 : i32
      %dma_start3A_27 = tpu.memref_slice %arg13[%mul3A_2, %dma_start3A_26] : memref<10240x48xf32, #tpu.memory_space<vmem_shared>> -> memref<640x48xf32, #tpu.memory_space<vmem_shared>>
      tpu.enqueue_dma source(%arg5 : memref<640x48xf32, #tpu.memory_space<hbm>>) target(%dma_start3A_27 : memref<640x48xf32, #tpu.memory_space<vmem_shared>>) target_semaphore(%run_scoped3A : memref<!tpu.dma_semaphore, #tpu.memory_space<semaphore_mem>>)
      %dma_wait3A = arith.constant 0 : i32
      %dma_wait3A_28 = tpu.memref_slice %arg13[%mul3A_2, %dma_wait3A] : memref<10240x48xf32, #tpu.memory_space<vmem_shared>> -> memref<640x48xf32, #tpu.memory_space<vmem_shared>>
      tpu.wait_dma2 semaphore(%run_scoped3A : memref<!tpu.dma_semaphore, #tpu.memory_space<semaphore_mem>>) src(%arg5 : memref<640x48xf32, #tpu.memory_space<hbm>>) dst(%dma_wait3A_28 : memref<640x48xf32, #tpu.memory_space<vmem_shared>>)
      tpu.yield
    }) : () -> ()
    %mul3A_3 = arith.constant 80 : i32
    %mul3A_4 = arith.muli %add3A, %mul3A_3 : i32
    "tpu.region"() ({
      %run_scoped3A = tpu.sem_alloc : memref<!tpu.dma_semaphore, #tpu.memory_space<semaphore_mem>>
      %dma_start3A_26 = arith.constant 0 : i32
      %dma_start3A_27 = tpu.memref_slice %arg2[%mul3A_4, %dma_start3A_26] : memref<2560x128xi32, #tpu.memory_space<hbm>> -> memref<80x128xi32, #tpu.memory_space<hbm>>
      %dma_start3A_28 = arith.constant 0 : i32
      %dma_start3A_29 = tpu.memref_slice %arg2[%mul3A_4, %dma_start3A_28] : memref<2560x128xi32, #tpu.memory_space<hbm>> -> memref<80x128xi32, #tpu.memory_space<hbm>>
      tpu.enqueue_dma source(%dma_start3A_29 : memref<80x128xi32, #tpu.memory_space<hbm>>) target(%arg7 : memref<80x128xi32, #tpu.memory_space<vmem>>) target_semaphore(%run_scoped3A : memref<!tpu.dma_semaphore, #tpu.memory_space<semaphore_mem>>)
      %dma_wait3A = arith.constant 0 : i32
      %dma_wait3A_30 = tpu.memref_slice %arg2[%mul3A_4, %dma_wait3A] : memref<2560x128xi32, #tpu.memory_space<hbm>> -> memref<80x128xi32, #tpu.memory_space<hbm>>
      %dma_wait3A_31 = arith.constant 0 : i32
      %dma_wait3A_32 = tpu.memref_slice %arg2[%mul3A_4, %dma_wait3A_31] : memref<2560x128xi32, #tpu.memory_space<hbm>> -> memref<80x128xi32, #tpu.memory_space<hbm>>
      tpu.wait_dma2 semaphore(%run_scoped3A : memref<!tpu.dma_semaphore, #tpu.memory_space<semaphore_mem>>) src(%dma_wait3A_32 : memref<80x128xi32, #tpu.memory_space<hbm>>) dst(%arg7 : memref<80x128xi32, #tpu.memory_space<vmem>>)
      tpu.yield
    }) : () -> ()
    %mul3A_5 = arith.constant 80 : i32
    %mul3A_6 = arith.muli %add3A, %mul3A_5 : i32
    "tpu.region"() ({
      %run_scoped3A = tpu.sem_alloc : memref<!tpu.dma_semaphore, #tpu.memory_space<semaphore_mem>>
      %dma_start3A_26 = arith.constant 0 : i32
      %dma_start3A_27 = tpu.memref_slice %arg3[%mul3A_6, %dma_start3A_26] : memref<2560x128xi32, #tpu.memory_space<hbm>> -> memref<80x128xi32, #tpu.memory_space<hbm>>
      %dma_start3A_28 = arith.constant 0 : i32
      %dma_start3A_29 = tpu.memref_slice %arg3[%mul3A_6, %dma_start3A_28] : memref<2560x128xi32, #tpu.memory_space<hbm>> -> memref<80x128xi32, #tpu.memory_space<hbm>>
      tpu.enqueue_dma source(%dma_start3A_29 : memref<80x128xi32, #tpu.memory_space<hbm>>) target(%arg8 : memref<80x128xi32, #tpu.memory_space<vmem>>) target_semaphore(%run_scoped3A : memref<!tpu.dma_semaphore, #tpu.memory_space<semaphore_mem>>)
      %dma_wait3A = arith.constant 0 : i32
      %dma_wait3A_30 = tpu.memref_slice %arg3[%mul3A_6, %dma_wait3A] : memref<2560x128xi32, #tpu.memory_space<hbm>> -> memref<80x128xi32, #tpu.memory_space<hbm>>
      %dma_wait3A_31 = arith.constant 0 : i32
      %dma_wait3A_32 = tpu.memref_slice %arg3[%mul3A_6, %dma_wait3A_31] : memref<2560x128xi32, #tpu.memory_space<hbm>> -> memref<80x128xi32, #tpu.memory_space<hbm>>
      tpu.wait_dma2 semaphore(%run_scoped3A : memref<!tpu.dma_semaphore, #tpu.memory_space<semaphore_mem>>) src(%dma_wait3A_32 : memref<80x128xi32, #tpu.memory_space<hbm>>) dst(%arg8 : memref<80x128xi32, #tpu.memory_space<vmem>>)
      tpu.yield
    }) : () -> ()
    %barrier3A = arith.constant 0 : index
    tpu.barrier barrier_id(%barrier3A)
    %dma_start3A = arith.constant 0 : i32
    %dma_start3A_7 = arith.constant 0 : i32
    %dma_start3A_8 = tpu.memref_slice %arg7[%dma_start3A, %dma_start3A_7] : memref<80x128xi32, #tpu.memory_space<vmem>> -> memref<1x128xi32, #tpu.memory_space<vmem>>
    %dma_start3A_9 = tpu.memref_squeeze %dma_start3A_8 : memref<1x128xi32, #tpu.memory_space<vmem>> -> memref<128xi32, #tpu.memory_space<vmem>>
    %dma_start3A_10 = arith.constant 0 : i32
    %dma_start3A_11 = arith.constant 0 : i32
    %dma_start3A_12 = tpu.memref_slice %arg4[%dma_start3A_10, %dma_start3A_11] : memref<10240x48xf32, #tpu.memory_space<hbm>> -> memref<10240x48xf32, #tpu.memory_space<hbm>>
    tpu.enqueue_indirect_dma source(%dma_start3A_12 : memref<10240x48xf32, #tpu.memory_space<hbm>>) target(%arg9 : memref<128x48xf32, #tpu.memory_space<vmem>>) offsets(%dma_start3A_9 : memref<128xi32, #tpu.memory_space<vmem>>) semaphore(%arg14 : memref<!tpu.dma_semaphore, #tpu.memory_space<semaphore_mem>>)
    %dma_start3A_13 = arith.constant 1 : i32
    %dma_start3A_14 = arith.constant 0 : i32
    %dma_start3A_15 = tpu.memref_slice %arg7[%dma_start3A_13, %dma_start3A_14] : memref<80x128xi32, #tpu.memory_space<vmem>> -> memref<1x128xi32, #tpu.memory_space<vmem>>
    %dma_start3A_16 = tpu.memref_squeeze %dma_start3A_15 : memref<1x128xi32, #tpu.memory_space<vmem>> -> memref<128xi32, #tpu.memory_space<vmem>>
    %dma_start3A_17 = arith.constant 0 : i32
    %dma_start3A_18 = arith.constant 0 : i32
    %dma_start3A_19 = tpu.memref_slice %arg4[%dma_start3A_17, %dma_start3A_18] : memref<10240x48xf32, #tpu.memory_space<hbm>> -> memref<10240x48xf32, #tpu.memory_space<hbm>>
    tpu.enqueue_indirect_dma source(%dma_start3A_19 : memref<10240x48xf32, #tpu.memory_space<hbm>>) target(%arg10 : memref<128x48xf32, #tpu.memory_space<vmem>>) offsets(%dma_start3A_16 : memref<128xi32, #tpu.memory_space<vmem>>) semaphore(%arg14 : memref<!tpu.dma_semaphore, #tpu.memory_space<semaphore_mem>>)
    %scan3A = arith.constant 0 : i32
    %scan3A_20 = arith.constant 0 : i32
    %scan3A_21 = arith.constant 20 : i32
    %scan3A_22 = arith.addi %scan3A_20, %scan3A_21 : i32
    %scan3A_23 = arith.constant 1 : i32
    scf.for %scan3A_26 = %scan3A_20 to %scan3A_22 step %scan3A_23  : i32 {
      %mul3A_27 = arith.constant 4 : i32
      %mul3A_28 = arith.muli %scan3A_26, %mul3A_27 : i32
      %dma_wait3A = arith.constant 0 : i32
      %dma_wait3A_29 = arith.constant 0 : i32
      %dma_wait3A_30 = tpu.memref_slice %arg4[%dma_wait3A, %dma_wait3A_29] : memref<10240x48xf32, #tpu.memory_space<hbm>> -> memref<128x48xf32, #tpu.memory_space<hbm>>
      %dma_wait3A_31 = arith.constant 0 : i32
      %dma_wait3A_32 = arith.constant 0 : i32
      %dma_wait3A_33 = tpu.memref_slice %arg4[%dma_wait3A_31, %dma_wait3A_32] : memref<10240x48xf32, #tpu.memory_space<hbm>> -> memref<128x48xf32, #tpu.memory_space<hbm>>
      tpu.wait_dma2 semaphore(%arg14 : memref<!tpu.dma_semaphore, #tpu.memory_space<semaphore_mem>>) src(%dma_wait3A_33 : memref<128x48xf32, #tpu.memory_space<hbm>>) dst(%arg9 : memref<128x48xf32, #tpu.memory_space<vmem>>)
      %dma_wait3A_34 = arith.constant 0 : i32
      %dma_wait3A_35 = arith.constant 0 : i32
      %dma_wait3A_36 = tpu.memref_slice %arg4[%dma_wait3A_34, %dma_wait3A_35] : memref<10240x48xf32, #tpu.memory_space<hbm>> -> memref<128x48xf32, #tpu.memory_space<hbm>>
      %dma_wait3A_37 = arith.constant 0 : i32
      %dma_wait3A_38 = arith.constant 0 : i32
      %dma_wait3A_39 = tpu.memref_slice %arg4[%dma_wait3A_37, %dma_wait3A_38] : memref<10240x48xf32, #tpu.memory_space<hbm>> -> memref<128x48xf32, #tpu.memory_space<hbm>>
      tpu.wait_dma2 semaphore(%arg14 : memref<!tpu.dma_semaphore, #tpu.memory_space<semaphore_mem>>) src(%dma_wait3A_39 : memref<128x48xf32, #tpu.memory_space<hbm>>) dst(%arg10 : memref<128x48xf32, #tpu.memory_space<vmem>>)
      %add3A_40 = arith.constant 2 : i32
      %add3A_41 = arith.addi %mul3A_28, %add3A_40 : i32
      %dma_start3A_42 = arith.constant 0 : i32
      %dma_start3A_43 = tpu.memref_slice %arg7[%add3A_41, %dma_start3A_42] : memref<80x128xi32, #tpu.memory_space<vmem>> -> memref<1x128xi32, #tpu.memory_space<vmem>>
      %dma_start3A_44 = tpu.memref_squeeze %dma_start3A_43 : memref<1x128xi32, #tpu.memory_space<vmem>> -> memref<128xi32, #tpu.memory_space<vmem>>
      %dma_start3A_45 = arith.constant 0 : i32
      %dma_start3A_46 = arith.constant 0 : i32
      %dma_start3A_47 = tpu.memref_slice %arg4[%dma_start3A_45, %dma_start3A_46] : memref<10240x48xf32, #tpu.memory_space<hbm>> -> memref<10240x48xf32, #tpu.memory_space<hbm>>
      tpu.enqueue_indirect_dma source(%dma_start3A_47 : memref<10240x48xf32, #tpu.memory_space<hbm>>) target(%arg11 : memref<128x48xf32, #tpu.memory_space<vmem>>) offsets(%dma_start3A_44 : memref<128xi32, #tpu.memory_space<vmem>>) semaphore(%arg14 : memref<!tpu.dma_semaphore, #tpu.memory_space<semaphore_mem>>)
      %add3A_48 = arith.constant 3 : i32
      %add3A_49 = arith.addi %mul3A_28, %add3A_48 : i32
      %dma_start3A_50 = arith.constant 0 : i32
      %dma_start3A_51 = tpu.memref_slice %arg7[%add3A_49, %dma_start3A_50] : memref<80x128xi32, #tpu.memory_space<vmem>> -> memref<1x128xi32, #tpu.memory_space<vmem>>
      %dma_start3A_52 = tpu.memref_squeeze %dma_start3A_51 : memref<1x128xi32, #tpu.memory_space<vmem>> -> memref<128xi32, #tpu.memory_space<vmem>>
      %dma_start3A_53 = arith.constant 0 : i32
      %dma_start3A_54 = arith.constant 0 : i32
      %dma_start3A_55 = tpu.memref_slice %arg4[%dma_start3A_53, %dma_start3A_54] : memref<10240x48xf32, #tpu.memory_space<hbm>> -> memref<10240x48xf32, #tpu.memory_space<hbm>>
      tpu.enqueue_indirect_dma source(%dma_start3A_55 : memref<10240x48xf32, #tpu.memory_space<hbm>>) target(%arg12 : memref<128x48xf32, #tpu.memory_space<vmem>>) offsets(%dma_start3A_52 : memref<128xi32, #tpu.memory_space<vmem>>) semaphore(%arg14 : memref<!tpu.dma_semaphore, #tpu.memory_space<semaphore_mem>>)
      "tpu.region"() ({
        %run_scoped3A = tpu.sem_alloc : memref<!tpu.dma_semaphore, #tpu.memory_space<semaphore_mem>>
        %dma_start3A_78 = arith.constant 0 : i32
        %dma_start3A_79 = tpu.memref_slice %arg8[%mul3A_28, %dma_start3A_78] : memref<80x128xi32, #tpu.memory_space<vmem>> -> memref<1x128xi32, #tpu.memory_space<vmem>>
        %dma_start3A_80 = tpu.memref_squeeze %dma_start3A_79 : memref<1x128xi32, #tpu.memory_space<vmem>> -> memref<128xi32, #tpu.memory_space<vmem>>
        %dma_start3A_81 = arith.constant 0 : i32
        %dma_start3A_82 = arith.constant 0 : i32
        %dma_start3A_83 = tpu.memref_slice %arg13[%dma_start3A_81, %dma_start3A_82] : memref<10240x48xf32, #tpu.memory_space<vmem_shared>> -> memref<10240x48xf32, #tpu.memory_space<vmem_shared>>
        tpu.enqueue_indirect_dma source(%arg9 : memref<128x48xf32, #tpu.memory_space<vmem>>) target(%dma_start3A_83 : memref<10240x48xf32, #tpu.memory_space<vmem_shared>>) offsets(%dma_start3A_80 : memref<128xi32, #tpu.memory_space<vmem>>) semaphore(%run_scoped3A : memref<!tpu.dma_semaphore, #tpu.memory_space<semaphore_mem>>) {add = true}
        %dma_wait3A_84 = arith.constant 0 : i32
        %dma_wait3A_85 = tpu.memref_slice %arg8[%mul3A_28, %dma_wait3A_84] : memref<80x128xi32, #tpu.memory_space<vmem>> -> memref<1x128xi32, #tpu.memory_space<vmem>>
        %dma_wait3A_86 = tpu.memref_squeeze %dma_wait3A_85 : memref<1x128xi32, #tpu.memory_space<vmem>> -> memref<128xi32, #tpu.memory_space<vmem>>
        %dma_wait3A_87 = arith.constant 0 : i32
        %dma_wait3A_88 = arith.constant 0 : i32
        %dma_wait3A_89 = tpu.memref_slice %arg13[%dma_wait3A_87, %dma_wait3A_88] : memref<10240x48xf32, #tpu.memory_space<vmem_shared>> -> memref<10240x48xf32, #tpu.memory_space<vmem_shared>>
        tpu.wait_indirect_dma semaphore(%run_scoped3A : memref<!tpu.dma_semaphore, #tpu.memory_space<semaphore_mem>>) src(%arg9 : memref<128x48xf32, #tpu.memory_space<vmem>>) dst(%dma_wait3A_89 : memref<10240x48xf32, #tpu.memory_space<vmem_shared>>)
        tpu.yield
      }) : () -> ()
      %add3A_56 = arith.constant 1 : i32
      %add3A_57 = arith.addi %mul3A_28, %add3A_56 : i32
      "tpu.region"() ({
        %run_scoped3A = tpu.sem_alloc : memref<!tpu.dma_semaphore, #tpu.memory_space<semaphore_mem>>
        %dma_start3A_78 = arith.constant 0 : i32
        %dma_start3A_79 = tpu.memref_slice %arg8[%add3A_57, %dma_start3A_78] : memref<80x128xi32, #tpu.memory_space<vmem>> -> memref<1x128xi32, #tpu.memory_space<vmem>>
        %dma_start3A_80 = tpu.memref_squeeze %dma_start3A_79 : memref<1x128xi32, #tpu.memory_space<vmem>> -> memref<128xi32, #tpu.memory_space<vmem>>
        %dma_start3A_81 = arith.constant 0 : i32
        %dma_start3A_82 = arith.constant 0 : i32
        %dma_start3A_83 = tpu.memref_slice %arg13[%dma_start3A_81, %dma_start3A_82] : memref<10240x48xf32, #tpu.memory_space<vmem_shared>> -> memref<10240x48xf32, #tpu.memory_space<vmem_shared>>
        tpu.enqueue_indirect_dma source(%arg10 : memref<128x48xf32, #tpu.memory_space<vmem>>) target(%dma_start3A_83 : memref<10240x48xf32, #tpu.memory_space<vmem_shared>>) offsets(%dma_start3A_80 : memref<128xi32, #tpu.memory_space<vmem>>) semaphore(%run_scoped3A : memref<!tpu.dma_semaphore, #tpu.memory_space<semaphore_mem>>) {add = true}
        %dma_wait3A_84 = arith.constant 0 : i32
        %dma_wait3A_85 = tpu.memref_slice %arg8[%add3A_57, %dma_wait3A_84] : memref<80x128xi32, #tpu.memory_space<vmem>> -> memref<1x128xi32, #tpu.memory_space<vmem>>
        %dma_wait3A_86 = tpu.memref_squeeze %dma_wait3A_85 : memref<1x128xi32, #tpu.memory_space<vmem>> -> memref<128xi32, #tpu.memory_space<vmem>>
        %dma_wait3A_87 = arith.constant 0 : i32
        %dma_wait3A_88 = arith.constant 0 : i32
        %dma_wait3A_89 = tpu.memref_slice %arg13[%dma_wait3A_87, %dma_wait3A_88] : memref<10240x48xf32, #tpu.memory_space<vmem_shared>> -> memref<10240x48xf32, #tpu.memory_space<vmem_shared>>
        tpu.wait_indirect_dma semaphore(%run_scoped3A : memref<!tpu.dma_semaphore, #tpu.memory_space<semaphore_mem>>) src(%arg10 : memref<128x48xf32, #tpu.memory_space<vmem>>) dst(%dma_wait3A_89 : memref<10240x48xf32, #tpu.memory_space<vmem_shared>>)
        tpu.yield
      }) : () -> ()
      %dma_wait3A_58 = arith.constant 0 : i32
      %dma_wait3A_59 = arith.constant 0 : i32
      %dma_wait3A_60 = tpu.memref_slice %arg4[%dma_wait3A_58, %dma_wait3A_59] : memref<10240x48xf32, #tpu.memory_space<hbm>> -> memref<128x48xf32, #tpu.memory_space<hbm>>
      %dma_wait3A_61 = arith.constant 0 : i32
      %dma_wait3A_62 = arith.constant 0 : i32
      %dma_wait3A_63 = tpu.memref_slice %arg4[%dma_wait3A_61, %dma_wait3A_62] : memref<10240x48xf32, #tpu.memory_space<hbm>> -> memref<128x48xf32, #tpu.memory_space<hbm>>
      tpu.wait_dma2 semaphore(%arg14 : memref<!tpu.dma_semaphore, #tpu.memory_space<semaphore_mem>>) src(%dma_wait3A_63 : memref<128x48xf32, #tpu.memory_space<hbm>>) dst(%arg11 : memref<128x48xf32, #tpu.memory_space<vmem>>)
      %dma_wait3A_64 = arith.constant 0 : i32
      %dma_wait3A_65 = arith.constant 0 : i32
      %dma_wait3A_66 = tpu.memref_slice %arg4[%dma_wait3A_64, %dma_wait3A_65] : memref<10240x48xf32, #tpu.memory_space<hbm>> -> memref<128x48xf32, #tpu.memory_space<hbm>>
      %dma_wait3A_67 = arith.constant 0 : i32
      %dma_wait3A_68 = arith.constant 0 : i32
      %dma_wait3A_69 = tpu.memref_slice %arg4[%dma_wait3A_67, %dma_wait3A_68] : memref<10240x48xf32, #tpu.memory_space<hbm>> -> memref<128x48xf32, #tpu.memory_space<hbm>>
      tpu.wait_dma2 semaphore(%arg14 : memref<!tpu.dma_semaphore, #tpu.memory_space<semaphore_mem>>) src(%dma_wait3A_69 : memref<128x48xf32, #tpu.memory_space<hbm>>) dst(%arg12 : memref<128x48xf32, #tpu.memory_space<vmem>>)
      %add3A_70 = arith.constant 1 : i32
      %add3A_71 = arith.addi %scan3A_26, %add3A_70 : i32
      %lt3A = arith.constant 20 : i32
      %lt3A_72 = arith.cmpi slt, %add3A_71, %lt3A : i32
      %convert_element_type3A = arith.extui %lt3A_72 : i1 to i32
      %cond3A = arith.constant 0 : i32
      %cond3A_73 = arith.cmpi ne, %convert_element_type3A, %cond3A : i32
      scf.if %cond3A_73 {
        %add3A_78 = arith.constant 4 : i32
        %add3A_79 = arith.addi %mul3A_28, %add3A_78 : i32
        %dma_start3A_80 = arith.constant 0 : i32
        %dma_start3A_81 = tpu.memref_slice %arg7[%add3A_79, %dma_start3A_80] : memref<80x128xi32, #tpu.memory_space<vmem>> -> memref<1x128xi32, #tpu.memory_space<vmem>>
        %dma_start3A_82 = tpu.memref_squeeze %dma_start3A_81 : memref<1x128xi32, #tpu.memory_space<vmem>> -> memref<128xi32, #tpu.memory_space<vmem>>
        %dma_start3A_83 = arith.constant 0 : i32
        %dma_start3A_84 = arith.constant 0 : i32
        %dma_start3A_85 = tpu.memref_slice %arg4[%dma_start3A_83, %dma_start3A_84] : memref<10240x48xf32, #tpu.memory_space<hbm>> -> memref<10240x48xf32, #tpu.memory_space<hbm>>
        tpu.enqueue_indirect_dma source(%dma_start3A_85 : memref<10240x48xf32, #tpu.memory_space<hbm>>) target(%arg9 : memref<128x48xf32, #tpu.memory_space<vmem>>) offsets(%dma_start3A_82 : memref<128xi32, #tpu.memory_space<vmem>>) semaphore(%arg14 : memref<!tpu.dma_semaphore, #tpu.memory_space<semaphore_mem>>)
        %add3A_86 = arith.constant 5 : i32
        %add3A_87 = arith.addi %mul3A_28, %add3A_86 : i32
        %dma_start3A_88 = arith.constant 0 : i32
        %dma_start3A_89 = tpu.memref_slice %arg7[%add3A_87, %dma_start3A_88] : memref<80x128xi32, #tpu.memory_space<vmem>> -> memref<1x128xi32, #tpu.memory_space<vmem>>
        %dma_start3A_90 = tpu.memref_squeeze %dma_start3A_89 : memref<1x128xi32, #tpu.memory_space<vmem>> -> memref<128xi32, #tpu.memory_space<vmem>>
        %dma_start3A_91 = arith.constant 0 : i32
        %dma_start3A_92 = arith.constant 0 : i32
        %dma_start3A_93 = tpu.memref_slice %arg4[%dma_start3A_91, %dma_start3A_92] : memref<10240x48xf32, #tpu.memory_space<hbm>> -> memref<10240x48xf32, #tpu.memory_space<hbm>>
        tpu.enqueue_indirect_dma source(%dma_start3A_93 : memref<10240x48xf32, #tpu.memory_space<hbm>>) target(%arg10 : memref<128x48xf32, #tpu.memory_space<vmem>>) offsets(%dma_start3A_90 : memref<128xi32, #tpu.memory_space<vmem>>) semaphore(%arg14 : memref<!tpu.dma_semaphore, #tpu.memory_space<semaphore_mem>>)
      } else {
      }
      %add3A_74 = arith.constant 2 : i32
      %add3A_75 = arith.addi %mul3A_28, %add3A_74 : i32
      "tpu.region"() ({
        %run_scoped3A = tpu.sem_alloc : memref<!tpu.dma_semaphore, #tpu.memory_space<semaphore_mem>>
        %dma_start3A_78 = arith.constant 0 : i32
        %dma_start3A_79 = tpu.memref_slice %arg8[%add3A_75, %dma_start3A_78] : memref<80x128xi32, #tpu.memory_space<vmem>> -> memref<1x128xi32, #tpu.memory_space<vmem>>
        %dma_start3A_80 = tpu.memref_squeeze %dma_start3A_79 : memref<1x128xi32, #tpu.memory_space<vmem>> -> memref<128xi32, #tpu.memory_space<vmem>>
        %dma_start3A_81 = arith.constant 0 : i32
        %dma_start3A_82 = arith.constant 0 : i32
        %dma_start3A_83 = tpu.memref_slice %arg13[%dma_start3A_81, %dma_start3A_82] : memref<10240x48xf32, #tpu.memory_space<vmem_shared>> -> memref<10240x48xf32, #tpu.memory_space<vmem_shared>>
        tpu.enqueue_indirect_dma source(%arg11 : memref<128x48xf32, #tpu.memory_space<vmem>>) target(%dma_start3A_83 : memref<10240x48xf32, #tpu.memory_space<vmem_shared>>) offsets(%dma_start3A_80 : memref<128xi32, #tpu.memory_space<vmem>>) semaphore(%run_scoped3A : memref<!tpu.dma_semaphore, #tpu.memory_space<semaphore_mem>>) {add = true}
        %dma_wait3A_84 = arith.constant 0 : i32
        %dma_wait3A_85 = tpu.memref_slice %arg8[%add3A_75, %dma_wait3A_84] : memref<80x128xi32, #tpu.memory_space<vmem>> -> memref<1x128xi32, #tpu.memory_space<vmem>>
        %dma_wait3A_86 = tpu.memref_squeeze %dma_wait3A_85 : memref<1x128xi32, #tpu.memory_space<vmem>> -> memref<128xi32, #tpu.memory_space<vmem>>
        %dma_wait3A_87 = arith.constant 0 : i32
        %dma_wait3A_88 = arith.constant 0 : i32
        %dma_wait3A_89 = tpu.memref_slice %arg13[%dma_wait3A_87, %dma_wait3A_88] : memref<10240x48xf32, #tpu.memory_space<vmem_shared>> -> memref<10240x48xf32, #tpu.memory_space<vmem_shared>>
        tpu.wait_indirect_dma semaphore(%run_scoped3A : memref<!tpu.dma_semaphore, #tpu.memory_space<semaphore_mem>>) src(%arg11 : memref<128x48xf32, #tpu.memory_space<vmem>>) dst(%dma_wait3A_89 : memref<10240x48xf32, #tpu.memory_space<vmem_shared>>)
        tpu.yield
      }) : () -> ()
      %add3A_76 = arith.constant 3 : i32
      %add3A_77 = arith.addi %mul3A_28, %add3A_76 : i32
      "tpu.region"() ({
        %run_scoped3A = tpu.sem_alloc : memref<!tpu.dma_semaphore, #tpu.memory_space<semaphore_mem>>
        %dma_start3A_78 = arith.constant 0 : i32
        %dma_start3A_79 = tpu.memref_slice %arg8[%add3A_77, %dma_start3A_78] : memref<80x128xi32, #tpu.memory_space<vmem>> -> memref<1x128xi32, #tpu.memory_space<vmem>>
        %dma_start3A_80 = tpu.memref_squeeze %dma_start3A_79 : memref<1x128xi32, #tpu.memory_space<vmem>> -> memref<128xi32, #tpu.memory_space<vmem>>
        %dma_start3A_81 = arith.constant 0 : i32
        %dma_start3A_82 = arith.constant 0 : i32
        %dma_start3A_83 = tpu.memref_slice %arg13[%dma_start3A_81, %dma_start3A_82] : memref<10240x48xf32, #tpu.memory_space<vmem_shared>> -> memref<10240x48xf32, #tpu.memory_space<vmem_shared>>
        tpu.enqueue_indirect_dma source(%arg12 : memref<128x48xf32, #tpu.memory_space<vmem>>) target(%dma_start3A_83 : memref<10240x48xf32, #tpu.memory_space<vmem_shared>>) offsets(%dma_start3A_80 : memref<128xi32, #tpu.memory_space<vmem>>) semaphore(%run_scoped3A : memref<!tpu.dma_semaphore, #tpu.memory_space<semaphore_mem>>) {add = true}
        %dma_wait3A_84 = arith.constant 0 : i32
        %dma_wait3A_85 = tpu.memref_slice %arg8[%add3A_77, %dma_wait3A_84] : memref<80x128xi32, #tpu.memory_space<vmem>> -> memref<1x128xi32, #tpu.memory_space<vmem>>
        %dma_wait3A_86 = tpu.memref_squeeze %dma_wait3A_85 : memref<1x128xi32, #tpu.memory_space<vmem>> -> memref<128xi32, #tpu.memory_space<vmem>>
        %dma_wait3A_87 = arith.constant 0 : i32
        %dma_wait3A_88 = arith.constant 0 : i32
        %dma_wait3A_89 = tpu.memref_slice %arg13[%dma_wait3A_87, %dma_wait3A_88] : memref<10240x48xf32, #tpu.memory_space<vmem_shared>> -> memref<10240x48xf32, #tpu.memory_space<vmem_shared>>
        tpu.wait_indirect_dma semaphore(%run_scoped3A : memref<!tpu.dma_semaphore, #tpu.memory_space<semaphore_mem>>) src(%arg12 : memref<128x48xf32, #tpu.memory_space<vmem>>) dst(%dma_wait3A_89 : memref<10240x48xf32, #tpu.memory_space<vmem_shared>>)
        tpu.yield
      }) : () -> ()
    }
    %scan3A_24 = arith.constant 20 : i32
    %barrier3A_25 = arith.constant 0 : index
    tpu.barrier barrier_id(%barrier3A_25)
    "tpu.region"() ({
      %run_scoped3A = tpu.sem_alloc : memref<!tpu.dma_semaphore, #tpu.memory_space<semaphore_mem>>
      %dma_start3A_26 = arith.constant 0 : i32
      %dma_start3A_27 = tpu.memref_slice %arg6[%arg0, %mul3A_2, %dma_start3A_26] : memref<2x10240x48xf32, #tpu.memory_space<hbm>> -> memref<1x640x48xf32, #tpu.memory_space<hbm>>
      %dma_start3A_28 = tpu.memref_squeeze %dma_start3A_27 : memref<1x640x48xf32, #tpu.memory_space<hbm>> -> memref<640x48xf32, #tpu.memory_space<hbm>>
      %dma_start3A_29 = arith.constant 0 : i32
      %dma_start3A_30 = tpu.memref_slice %arg13[%mul3A_2, %dma_start3A_29] : memref<10240x48xf32, #tpu.memory_space<vmem_shared>> -> memref<640x48xf32, #tpu.memory_space<vmem_shared>>
      tpu.enqueue_dma source(%dma_start3A_30 : memref<640x48xf32, #tpu.memory_space<vmem_shared>>) target(%dma_start3A_28 : memref<640x48xf32, #tpu.memory_space<hbm>>) target_semaphore(%run_scoped3A : memref<!tpu.dma_semaphore, #tpu.memory_space<semaphore_mem>>)
      %dma_wait3A = arith.constant 0 : i32
      %dma_wait3A_31 = tpu.memref_slice %arg6[%arg0, %mul3A_2, %dma_wait3A] : memref<2x10240x48xf32, #tpu.memory_space<hbm>> -> memref<1x640x48xf32, #tpu.memory_space<hbm>>
      %dma_wait3A_32 = tpu.memref_squeeze %dma_wait3A_31 : memref<1x640x48xf32, #tpu.memory_space<hbm>> -> memref<640x48xf32, #tpu.memory_space<hbm>>
      %dma_wait3A_33 = arith.constant 0 : i32
      %dma_wait3A_34 = tpu.memref_slice %arg13[%mul3A_2, %dma_wait3A_33] : memref<10240x48xf32, #tpu.memory_space<vmem_shared>> -> memref<640x48xf32, #tpu.memory_space<vmem_shared>>
      tpu.wait_dma2 semaphore(%run_scoped3A : memref<!tpu.dma_semaphore, #tpu.memory_space<semaphore_mem>>) src(%dma_wait3A_34 : memref<640x48xf32, #tpu.memory_space<vmem_shared>>) dst(%dma_wait3A_32 : memref<640x48xf32, #tpu.memory_space<hbm>>)
      tpu.yield
    }) : () -> ()
    return
  }
}

module attributes {stable_mosaic.version = 14 : i64} {
  func.func @_dense1_body(%arg0: i32, %arg1: memref<1024x128xf32, #tpu.memory_space<vmem>>, %arg2: memref<2x1x1024xf32, #tpu.memory_space<vmem>>, %arg3: memref<128x64xf32, #tpu.memory_space<vmem>>, %arg4: memref<1x64xf32, #tpu.memory_space<vmem>>, %arg5: memref<8x128xf32, #tpu.memory_space<vmem>>, %arg6: memref<8x128xf32, #tpu.memory_space<vmem>>, %arg7: memref<1x8xf32, #tpu.memory_space<vmem>>, %arg8: memref<1024x128xf32, #tpu.memory_space<vmem>>, %arg9: memref<1024x64xf32, #tpu.memory_space<vmem>>, %arg10: memref<1024x8xf32, #tpu.memory_space<vmem>>) attributes {dimension_semantics = [#tpu.dimension_semantics<arbitrary>], iteration_bounds = array<i64: 10>, scalar_prefetch = 0 : i64, scratch_operands = 0 : i64, tpu.core_type = #tpu.core_type<tc>, window_params = [{transform_indices = @transform_0, window_bounds = array<i64: 1024, 128>}, {transform_indices = @transform_1, window_bounds = array<i64: 2, 1, 1024>}, {pipeline_mode = #tpu.pipeline_mode<synchronous>, transform_indices = @transform_2, window_bounds = array<i64: 128, 64>}, {pipeline_mode = #tpu.pipeline_mode<synchronous>, transform_indices = @transform_3, window_bounds = array<i64: 1, 64>}, {pipeline_mode = #tpu.pipeline_mode<synchronous>, transform_indices = @transform_4, window_bounds = array<i64: 8, 128>}, {pipeline_mode = #tpu.pipeline_mode<synchronous>, transform_indices = @transform_5, window_bounds = array<i64: 8, 128>}, {pipeline_mode = #tpu.pipeline_mode<synchronous>, transform_indices = @transform_6, window_bounds = array<i64: 1, 8>}, {transform_indices = @transform_7, window_bounds = array<i64: 1024, 128>}, {transform_indices = @transform_8, window_bounds = array<i64: 1024, 64>}, {transform_indices = @transform_9, window_bounds = array<i64: 1024, 8>}]} {
    %get3A = arith.constant 0 : index
    %get3A_0 = arith.constant 0 : index
    %get3A_1 = vector.load %arg1[%get3A, %get3A_0] : memref<1024x128xf32, #tpu.memory_space<vmem>>, vector<1024x128xf32>
    %get3A_2 = arith.constant 0 : index
    %get3A_3 = arith.constant 0 : index
    %get3A_4 = arith.constant 0 : index
    %get3A_5 = vector.load %arg2[%get3A_2, %get3A_3, %get3A_4] : memref<2x1x1024xf32, #tpu.memory_space<vmem>>, vector<2x1x1024xf32>
    %slice3A = vector.extract_strided_slice %get3A_5 {offsets = [0, 0, 0], sizes = [1, 1, 1024], strides = [1, 1, 1]} : vector<2x1x1024xf32> to vector<1x1x1024xf32>
    %squeeze3A = vector.shape_cast %slice3A : vector<1x1x1024xf32> to vector<1x1024xf32>
    %slice3A_6 = vector.extract_strided_slice %get3A_5 {offsets = [1, 0, 0], sizes = [1, 1, 1024], strides = [1, 1, 1]} : vector<2x1x1024xf32> to vector<1x1x1024xf32>
    %squeeze3A_7 = vector.shape_cast %slice3A_6 : vector<1x1x1024xf32> to vector<1x1024xf32>
    %add3A = arith.addf %squeeze3A, %squeeze3A_7 : vector<1x1024xf32>
    %add3A_8 = arith.constant 1.000000e+00 : f32
    %add3A_9 = vector.broadcast %add3A_8 : f32 to vector<1x1024xf32>
    %add3A_10 = arith.addf %add3A, %add3A_9 : vector<1x1024xf32>
    %transpose3A = tpu.transpose %add3A_10, [1, 0] : vector<1x1024xf32> -> vector<1024x1xf32>
    %max3A = arith.constant 1.000000e+00 : f32
    %max3A_11 = vector.broadcast %max3A : f32 to vector<1024x1xf32>
    %max3A_12 = arith.maximumf %transpose3A, %max3A_11 : vector<1024x1xf32>
    %rsqrt3A = math.rsqrt %max3A_12 : vector<1024x1xf32>
    %ne3A = arith.cmpf one, %get3A_1, %get3A_1 : vector<1024x128xf32>
    %jit3A = arith.constant 1.000000e+00 : f32
    %jit3A_13 = arith.constant 0.000000e+00 : f32
    %broadcast_in_dim3A = vector.broadcast %jit3A : f32 to vector<1024x128xf32>
    %broadcast_in_dim3A_14 = vector.broadcast %jit3A_13 : f32 to vector<1024x128xf32>
    %select_n3A = arith.select %ne3A, %broadcast_in_dim3A, %broadcast_in_dim3A_14 : vector<1024x128xi1>, vector<1024x128xf32>
    %jit3A_15 = arith.constant 0.000000e+00 : f32
    %broadcast_in_dim3A_16 = vector.broadcast %jit3A_15 : f32 to vector<1024x128xf32>
    %select_n3A_17 = arith.select %ne3A, %broadcast_in_dim3A_16, %get3A_1 : vector<1024x128xi1>, vector<1024x128xf32>
    %get3A_18 = arith.constant 0 : index
    %get3A_19 = arith.constant 0 : index
    %get3A_20 = vector.load %arg3[%get3A_18, %get3A_19] : memref<128x64xf32, #tpu.memory_space<vmem>>, vector<128x64xf32>
    %dot_general3A = arith.constant dense<0.000000e+00> : vector<1024x64xf32>
    %dot_general3A_21 = tpu.matmul %select_n3A_17, %get3A_20, %dot_general3A {dimension_numbers = #tpu.dot_dimension_numbers<[1], [0], [0], [1], [0, 0, 1, 1], [], []>, transpose_lhs_hint = false} : vector<1024x128xf32>, vector<128x64xf32>, vector<1024x64xf32> -> vector<1024x64xf32>
    %get3A_22 = arith.constant 0 : index
    %get3A_23 = arith.constant 0 : index
    %get3A_24 = vector.load %arg4[%get3A_22, %get3A_23] : memref<1x64xf32, #tpu.memory_space<vmem>>, vector<1x64xf32>
    %add3A_25 = vector.broadcast %get3A_24 : vector<1x64xf32> to vector<1024x64xf32>
    %add3A_26 = arith.addf %dot_general3A_21, %add3A_25 : vector<1024x64xf32>
    %slice3A_27 = vector.extract_strided_slice %select_n3A {offsets = [0, 0], sizes = [1024, 64], strides = [1, 1]} : vector<1024x128xf32> to vector<1024x64xf32>
    %concatenate3A = tpu.concatenate %add3A_26, %slice3A_27 in 1 : vector<1024x64xf32>, vector<1024x64xf32> -> vector<1024x128xf32>
    %mul3A = vector.broadcast %rsqrt3A : vector<1024x1xf32> to vector<1024x128xf32>
    %mul3A_28 = arith.mulf %mul3A, %concatenate3A : vector<1024x128xf32>
    %swap3A = arith.constant 0 : index
    %swap3A_29 = arith.constant 0 : index
    %swap3A_30 = vector.load %arg8[%swap3A, %swap3A_29] : memref<1024x128xf32, #tpu.memory_space<vmem>>, vector<1024x128xf32>
    tpu.vector_store %arg8[%swap3A, %swap3A_29], %mul3A_28 {strides = array<i32>} : memref<1024x128xf32, #tpu.memory_space<vmem>>, vector<1024x128xf32>,
    %slice3A_31 = vector.extract_strided_slice %select_n3A {offsets = [0, 64], sizes = [1024, 64], strides = [1, 1]} : vector<1024x128xf32> to vector<1024x64xf32>
    %mul3A_32 = vector.broadcast %rsqrt3A : vector<1024x1xf32> to vector<1024x64xf32>
    %mul3A_33 = arith.mulf %mul3A_32, %slice3A_31 : vector<1024x64xf32>
    %swap3A_34 = arith.constant 0 : index
    %swap3A_35 = arith.constant 0 : index
    %swap3A_36 = vector.load %arg9[%swap3A_34, %swap3A_35] : memref<1024x64xf32, #tpu.memory_space<vmem>>, vector<1024x64xf32>
    tpu.vector_store %arg9[%swap3A_34, %swap3A_35], %mul3A_33 {strides = array<i32>} : memref<1024x64xf32, #tpu.memory_space<vmem>>, vector<1024x64xf32>,
    %get3A_37 = arith.constant 0 : index
    %get3A_38 = arith.constant 0 : index
    %get3A_39 = vector.load %arg5[%get3A_37, %get3A_38] : memref<8x128xf32, #tpu.memory_space<vmem>>, vector<8x128xf32>
    %get3A_40 = arith.constant 0 : index
    %get3A_41 = arith.constant 0 : index
    %get3A_42 = vector.load %arg6[%get3A_40, %get3A_41] : memref<8x128xf32, #tpu.memory_space<vmem>>, vector<8x128xf32>
    %exp3A = math.exp %get3A_42 : vector<8x128xf32>
    %div3A = arith.constant -5.000000e-01 : f32
    %div3A_43 = vector.broadcast %div3A : f32 to vector<8x128xf32>
    %div3A_44 = arith.divf %div3A_43, %exp3A : vector<8x128xf32>
    %div3A_45 = arith.divf %get3A_39, %exp3A : vector<8x128xf32>
    %mul3A_46 = arith.constant -5.000000e-01 : f32
    %mul3A_47 = vector.broadcast %mul3A_46 : f32 to vector<8x128xf32>
    %mul3A_48 = arith.mulf %mul3A_47, %get3A_39 : vector<8x128xf32>
    %mul3A_49 = arith.mulf %mul3A_48, %get3A_39 : vector<8x128xf32>
    %div3A_50 = arith.divf %mul3A_49, %exp3A : vector<8x128xf32>
    %mul3A_51 = arith.mulf %select_n3A_17, %select_n3A_17 : vector<1024x128xf32>
    %dot_general3A_52 = arith.constant dense<0.000000e+00> : vector<1024x8xf32>
    %dot_general3A_53 = tpu.matmul %mul3A_51, %div3A_44, %dot_general3A_52 {dimension_numbers = #tpu.dot_dimension_numbers<[1], [1], [0], [0], [0, 0, 1, 0], [], []>, transpose_lhs_hint = false} : vector<1024x128xf32>, vector<8x128xf32>, vector<1024x8xf32> -> vector<1024x8xf32>
    %dot_general3A_54 = arith.constant dense<0.000000e+00> : vector<1024x8xf32>
    %dot_general3A_55 = tpu.matmul %select_n3A_17, %div3A_45, %dot_general3A_54 {dimension_numbers = #tpu.dot_dimension_numbers<[1], [1], [0], [0], [0, 0, 1, 0], [], []>, transpose_lhs_hint = false} : vector<1024x128xf32>, vector<8x128xf32>, vector<1024x8xf32> -> vector<1024x8xf32>
    %add3A_56 = arith.addf %dot_general3A_53, %dot_general3A_55 : vector<1024x8xf32>
    %sub3A = arith.constant 1.000000e+00 : f32
    %sub3A_57 = vector.broadcast %sub3A : f32 to vector<1024x128xf32>
    %sub3A_58 = arith.subf %sub3A_57, %select_n3A : vector<1024x128xf32>
    %dot_general3A_59 = arith.constant dense<0.000000e+00> : vector<1024x8xf32>
    %dot_general3A_60 = tpu.matmul %sub3A_58, %div3A_50, %dot_general3A_59 {dimension_numbers = #tpu.dot_dimension_numbers<[1], [1], [0], [0], [0, 0, 1, 0], [], []>, transpose_lhs_hint = false} : vector<1024x128xf32>, vector<8x128xf32>, vector<1024x8xf32> -> vector<1024x8xf32>
    %add3A_61 = arith.addf %add3A_56, %dot_general3A_60 : vector<1024x8xf32>
    %get3A_62 = arith.constant 0 : index
    %get3A_63 = arith.constant 0 : index
    %get3A_64 = vector.load %arg7[%get3A_62, %get3A_63] : memref<1x8xf32, #tpu.memory_space<vmem>>, vector<1x8xf32>
    %reduce_sum3A = arith.constant dense<0.000000e+00> : vector<8xf32>
    %reduce_sum3A_65 = vector.multi_reduction <add>, %get3A_42, %reduce_sum3A [1] : vector<8x128xf32> to vector<8xf32>
    %broadcast_in_dim3A_66 = vector.shape_cast %reduce_sum3A_65 : vector<8xf32> to vector<1x8xf32>
    %mul3A_67 = arith.constant 5.000000e-01 : f32
    %mul3A_68 = vector.broadcast %mul3A_67 : f32 to vector<1x8xf32>
    %mul3A_69 = arith.mulf %mul3A_68, %broadcast_in_dim3A_66 : vector<1x8xf32>
    %sub3A_70 = arith.subf %get3A_64, %mul3A_69 : vector<1x8xf32>
    %sub3A_71 = arith.constant 117.62413 : f32
    %sub3A_72 = vector.broadcast %sub3A_71 : f32 to vector<1x8xf32>
    %sub3A_73 = arith.subf %sub3A_70, %sub3A_72 : vector<1x8xf32>
    %iota3A = tpu.iota {dimensions = array<i32: 1>} : vector<1024x8xi32>
    %lt3A = arith.constant 6 : i32
    %lt3A_74 = vector.broadcast %lt3A : i32 to vector<1024x8xi32>
    %lt3A_75 = arith.cmpi slt, %iota3A, %lt3A_74 : vector<1024x8xi32>
    %add3A_76 = vector.broadcast %sub3A_73 : vector<1x8xf32> to vector<1024x8xf32>
    %add3A_77 = arith.addf %add3A_61, %add3A_76 : vector<1024x8xf32>
    %jit3A_78 = arith.constant -1.000000e+30 : f32
    %broadcast_in_dim3A_79 = vector.broadcast %jit3A_78 : f32 to vector<1024x8xf32>
    %select_n3A_80 = arith.select %lt3A_75, %add3A_77, %broadcast_in_dim3A_79 : vector<1024x8xi1>, vector<1024x8xf32>
    %swap3A_81 = arith.constant 0 : index
    %swap3A_82 = arith.constant 0 : index
    %swap3A_83 = vector.load %arg10[%swap3A_81, %swap3A_82] : memref<1024x8xf32, #tpu.memory_space<vmem>>, vector<1024x8xf32>
    tpu.vector_store %arg10[%swap3A_81, %swap3A_82], %select_n3A_80 {strides = array<i32>} : memref<1024x8xf32, #tpu.memory_space<vmem>>, vector<1024x8xf32>,
    return
  }
  func.func @transform_0(%arg0: i32) -> (i32, i32) {
    %c0_i32 = arith.constant 0 : i32
    %c0_i32_0 = arith.constant 0 : i32
    return %arg0, %c0_i32 : i32, i32
  }
  func.func @transform_1(%arg0: i32) -> (i32, i32, i32) {
    %c0_i32 = arith.constant 0 : i32
    %c0_i32_0 = arith.constant 0 : i32
    %c0_i32_1 = arith.constant 0 : i32
    return %c0_i32, %c0_i32_0, %arg0 : i32, i32, i32
  }
  func.func @transform_2(%arg0: i32) -> (i32, i32) {
    %c0_i32 = arith.constant 0 : i32
    %c0_i32_0 = arith.constant 0 : i32
    %c0_i32_1 = arith.constant 0 : i32
    return %c0_i32, %c0_i32_0 : i32, i32
  }
  func.func @transform_3(%arg0: i32) -> (i32, i32) {
    %c0_i32 = arith.constant 0 : i32
    %c0_i32_0 = arith.constant 0 : i32
    %c0_i32_1 = arith.constant 0 : i32
    return %c0_i32, %c0_i32_0 : i32, i32
  }
  func.func @transform_4(%arg0: i32) -> (i32, i32) {
    %c0_i32 = arith.constant 0 : i32
    %c0_i32_0 = arith.constant 0 : i32
    %c0_i32_1 = arith.constant 0 : i32
    return %c0_i32, %c0_i32_0 : i32, i32
  }
  func.func @transform_5(%arg0: i32) -> (i32, i32) {
    %c0_i32 = arith.constant 0 : i32
    %c0_i32_0 = arith.constant 0 : i32
    %c0_i32_1 = arith.constant 0 : i32
    return %c0_i32, %c0_i32_0 : i32, i32
  }
  func.func @transform_6(%arg0: i32) -> (i32, i32) {
    %c0_i32 = arith.constant 0 : i32
    %c0_i32_0 = arith.constant 0 : i32
    %c0_i32_1 = arith.constant 0 : i32
    return %c0_i32, %c0_i32_0 : i32, i32
  }
  func.func @transform_7(%arg0: i32) -> (i32, i32) {
    %c0_i32 = arith.constant 0 : i32
    %c0_i32_0 = arith.constant 0 : i32
    return %arg0, %c0_i32 : i32, i32
  }
  func.func @transform_8(%arg0: i32) -> (i32, i32) {
    %c0_i32 = arith.constant 0 : i32
    %c0_i32_0 = arith.constant 0 : i32
    return %arg0, %c0_i32 : i32, i32
  }
  func.func @transform_9(%arg0: i32) -> (i32, i32) {
    %c0_i32 = arith.constant 0 : i32
    %c0_i32_0 = arith.constant 0 : i32
    return %arg0, %c0_i32 : i32, i32
  }
}

module attributes {stable_mosaic.version = 14 : i64} {
  func.func @_dense2_body(%arg0: i32, %arg1: memref<2x1024x128xf32, #tpu.memory_space<vmem>>, %arg2: memref<2x1024x64xf32, #tpu.memory_space<vmem>>, %arg3: memref<1024x128xf32, #tpu.memory_space<vmem>>, %arg4: memref<1024x64xf32, #tpu.memory_space<vmem>>, %arg5: memref<2x1x1024xf32, #tpu.memory_space<vmem>>, %arg6: memref<1024x8xf32, #tpu.memory_space<vmem>>, %arg7: memref<128x64xf32, #tpu.memory_space<vmem>>, %arg8: memref<128x8xf32, #tpu.memory_space<vmem>>, %arg9: memref<128x8xf32, #tpu.memory_space<vmem>>, %arg10: memref<64x64xf32, #tpu.memory_space<vmem>>, %arg11: memref<1024x64xf32, #tpu.memory_space<vmem>>) attributes {dimension_semantics = [#tpu.dimension_semantics<arbitrary>], iteration_bounds = array<i64: 10>, scalar_prefetch = 0 : i64, scratch_operands = 0 : i64, tpu.core_type = #tpu.core_type<tc>, window_params = [{transform_indices = @transform_0, window_bounds = array<i64: 2, 1024, 128>}, {transform_indices = @transform_1, window_bounds = array<i64: 2, 1024, 64>}, {transform_indices = @transform_2, window_bounds = array<i64: 1024, 128>}, {transform_indices = @transform_3, window_bounds = array<i64: 1024, 64>}, {transform_indices = @transform_4, window_bounds = array<i64: 2, 1, 1024>}, {transform_indices = @transform_5, window_bounds = array<i64: 1024, 8>}, {pipeline_mode = #tpu.pipeline_mode<synchronous>, transform_indices = @transform_6, window_bounds = array<i64: 128, 64>}, {pipeline_mode = #tpu.pipeline_mode<synchronous>, transform_indices = @transform_7, window_bounds = array<i64: 128, 8>}, {pipeline_mode = #tpu.pipeline_mode<synchronous>, transform_indices = @transform_8, window_bounds = array<i64: 128, 8>}, {pipeline_mode = #tpu.pipeline_mode<synchronous>, transform_indices = @transform_9, window_bounds = array<i64: 64, 64>}, {transform_indices = @transform_10, window_bounds = array<i64: 1024, 64>}]} {
    %get3A = arith.constant 0 : index
    %get3A_0 = arith.constant 0 : index
    %get3A_1 = arith.constant 0 : index
    %get3A_2 = vector.load %arg5[%get3A, %get3A_0, %get3A_1] : memref<2x1x1024xf32, #tpu.memory_space<vmem>>, vector<2x1x1024xf32>
    %slice3A = vector.extract_strided_slice %get3A_2 {offsets = [0, 0, 0], sizes = [1, 1, 1024], strides = [1, 1, 1]} : vector<2x1x1024xf32> to vector<1x1x1024xf32>
    %squeeze3A = vector.shape_cast %slice3A : vector<1x1x1024xf32> to vector<1x1024xf32>
    %slice3A_3 = vector.extract_strided_slice %get3A_2 {offsets = [1, 0, 0], sizes = [1, 1, 1024], strides = [1, 1, 1]} : vector<2x1x1024xf32> to vector<1x1x1024xf32>
    %squeeze3A_4 = vector.shape_cast %slice3A_3 : vector<1x1x1024xf32> to vector<1x1024xf32>
    %add3A = arith.addf %squeeze3A, %squeeze3A_4 : vector<1x1024xf32>
    %add3A_5 = arith.constant 1.000000e+00 : f32
    %add3A_6 = vector.broadcast %add3A_5 : f32 to vector<1x1024xf32>
    %add3A_7 = arith.addf %add3A, %add3A_6 : vector<1x1024xf32>
    %transpose3A = tpu.transpose %add3A_7, [1, 0] : vector<1x1024xf32> -> vector<1024x1xf32>
    %max3A = arith.constant 1.000000e+00 : f32
    %max3A_8 = vector.broadcast %max3A : f32 to vector<1024x1xf32>
    %max3A_9 = arith.maximumf %transpose3A, %max3A_8 : vector<1024x1xf32>
    %rsqrt3A = math.rsqrt %max3A_9 : vector<1024x1xf32>
    %get3A_10 = arith.constant 0 : index
    %get3A_11 = arith.constant 0 : index
    %get3A_12 = arith.constant 0 : index
    %get3A_13 = vector.load %arg1[%get3A_10, %get3A_11, %get3A_12] : memref<2x1024x128xf32, #tpu.memory_space<vmem>>, vector<2x1024x128xf32>
    %get3A_14 = arith.constant 0 : index
    %get3A_15 = arith.constant 0 : index
    %get3A_16 = arith.constant 0 : index
    %get3A_17 = vector.load %arg2[%get3A_14, %get3A_15, %get3A_16] : memref<2x1024x64xf32, #tpu.memory_space<vmem>>, vector<2x1024x64xf32>
    %slice3A_18 = vector.extract_strided_slice %get3A_13 {offsets = [0, 0, 0], sizes = [1, 1024, 128], strides = [1, 1, 1]} : vector<2x1024x128xf32> to vector<1x1024x128xf32>
    %squeeze3A_19 = vector.shape_cast %slice3A_18 : vector<1x1024x128xf32> to vector<1024x128xf32>
    %slice3A_20 = vector.extract_strided_slice %get3A_13 {offsets = [1, 0, 0], sizes = [1, 1024, 128], strides = [1, 1, 1]} : vector<2x1024x128xf32> to vector<1x1024x128xf32>
    %squeeze3A_21 = vector.shape_cast %slice3A_20 : vector<1x1024x128xf32> to vector<1024x128xf32>
    %add3A_22 = arith.addf %squeeze3A_19, %squeeze3A_21 : vector<1024x128xf32>
    %get3A_23 = arith.constant 0 : index
    %get3A_24 = arith.constant 0 : index
    %get3A_25 = vector.load %arg3[%get3A_23, %get3A_24] : memref<1024x128xf32, #tpu.memory_space<vmem>>, vector<1024x128xf32>
    %add3A_26 = arith.addf %add3A_22, %get3A_25 : vector<1024x128xf32>
    %mul3A = vector.broadcast %rsqrt3A : vector<1024x1xf32> to vector<1024x128xf32>
    %mul3A_27 = arith.mulf %mul3A, %add3A_26 : vector<1024x128xf32>
    %slice3A_28 = vector.extract_strided_slice %mul3A_27 {offsets = [0, 0], sizes = [1024, 64], strides = [1, 1]} : vector<1024x128xf32> to vector<1024x64xf32>
    %slice3A_29 = vector.extract_strided_slice %mul3A_27 {offsets = [0, 64], sizes = [1024, 64], strides = [1, 1]} : vector<1024x128xf32> to vector<1024x64xf32>
    %slice3A_30 = vector.extract_strided_slice %get3A_17 {offsets = [0, 0, 0], sizes = [1, 1024, 64], strides = [1, 1, 1]} : vector<2x1024x64xf32> to vector<1x1024x64xf32>
    %squeeze3A_31 = vector.shape_cast %slice3A_30 : vector<1x1024x64xf32> to vector<1024x64xf32>
    %slice3A_32 = vector.extract_strided_slice %get3A_17 {offsets = [1, 0, 0], sizes = [1, 1024, 64], strides = [1, 1, 1]} : vector<2x1024x64xf32> to vector<1x1024x64xf32>
    %squeeze3A_33 = vector.shape_cast %slice3A_32 : vector<1x1024x64xf32> to vector<1024x64xf32>
    %add3A_34 = arith.addf %squeeze3A_31, %squeeze3A_33 : vector<1024x64xf32>
    %get3A_35 = arith.constant 0 : index
    %get3A_36 = arith.constant 0 : index
    %get3A_37 = vector.load %arg4[%get3A_35, %get3A_36] : memref<1024x64xf32, #tpu.memory_space<vmem>>, vector<1024x64xf32>
    %add3A_38 = arith.addf %add3A_34, %get3A_37 : vector<1024x64xf32>
    %mul3A_39 = vector.broadcast %rsqrt3A : vector<1024x1xf32> to vector<1024x64xf32>
    %mul3A_40 = arith.mulf %mul3A_39, %add3A_38 : vector<1024x64xf32>
    %concatenate3A = tpu.concatenate %slice3A_29, %mul3A_40 in 1 : vector<1024x64xf32>, vector<1024x64xf32> -> vector<1024x128xf32>
    %get3A_41 = arith.constant 0 : index
    %get3A_42 = arith.constant 0 : index
    %get3A_43 = vector.load %arg7[%get3A_41, %get3A_42] : memref<128x64xf32, #tpu.memory_space<vmem>>, vector<128x64xf32>
    %mul3A_44 = arith.mulf %get3A_43, %get3A_43 : vector<128x64xf32>
    %get3A_45 = arith.constant 0 : index
    %get3A_46 = arith.constant 0 : index
    %get3A_47 = vector.load %arg8[%get3A_45, %get3A_46] : memref<128x8xf32, #tpu.memory_space<vmem>>, vector<128x8xf32>
    %get3A_48 = arith.constant 0 : index
    %get3A_49 = arith.constant 0 : index
    %get3A_50 = vector.load %arg9[%get3A_48, %get3A_49] : memref<128x8xf32, #tpu.memory_space<vmem>>, vector<128x8xf32>
    %exp3A = math.exp %get3A_50 : vector<128x8xf32>
    %get3A_51 = arith.constant 0 : index
    %get3A_52 = arith.constant 0 : index
    %get3A_53 = vector.load %arg6[%get3A_51, %get3A_52] : memref<1024x8xf32, #tpu.memory_space<vmem>>, vector<1024x8xf32>
    %reduce_max3A = arith.constant dense<0xFF800000> : vector<1024xf32>
    %reduce_max3A_54 = vector.multi_reduction <maximumf>, %get3A_53, %reduce_max3A [1] : vector<1024x8xf32> to vector<1024xf32>
    %broadcast_in_dim3A = vector.shape_cast %reduce_max3A_54 : vector<1024xf32> to vector<1024x1xf32>
    %sub3A = vector.broadcast %broadcast_in_dim3A : vector<1024x1xf32> to vector<1024x8xf32>
    %sub3A_55 = arith.subf %get3A_53, %sub3A : vector<1024x8xf32>
    %exp3A_56 = math.exp %sub3A_55 : vector<1024x8xf32>
    %reduce_sum3A = arith.constant dense<0.000000e+00> : vector<1024xf32>
    %reduce_sum3A_57 = vector.multi_reduction <add>, %exp3A_56, %reduce_sum3A [1] : vector<1024x8xf32> to vector<1024xf32>
    %broadcast_in_dim3A_58 = vector.shape_cast %reduce_sum3A_57 : vector<1024xf32> to vector<1024x1xf32>
    %div3A = vector.broadcast %broadcast_in_dim3A_58 : vector<1024x1xf32> to vector<1024x8xf32>
    %div3A_59 = arith.divf %exp3A_56, %div3A : vector<1024x8xf32>
    %slice3A_60 = vector.extract_strided_slice %get3A_47 {offsets = [0, 0], sizes = [128, 1], strides = [1, 1]} : vector<128x8xf32> to vector<128x1xf32>
    %mul3A_61 = vector.broadcast %slice3A_60 : vector<128x1xf32> to vector<128x64xf32>
    %mul3A_62 = arith.mulf %mul3A_61, %get3A_43 : vector<128x64xf32>
    %slice3A_63 = vector.extract_strided_slice %get3A_47 {offsets = [0, 1], sizes = [128, 1], strides = [1, 1]} : vector<128x8xf32> to vector<128x1xf32>
    %mul3A_64 = vector.broadcast %slice3A_63 : vector<128x1xf32> to vector<128x64xf32>
    %mul3A_65 = arith.mulf %mul3A_64, %get3A_43 : vector<128x64xf32>
    %slice3A_66 = vector.extract_strided_slice %get3A_47 {offsets = [0, 2], sizes = [128, 1], strides = [1, 1]} : vector<128x8xf32> to vector<128x1xf32>
    %mul3A_67 = vector.broadcast %slice3A_66 : vector<128x1xf32> to vector<128x64xf32>
    %mul3A_68 = arith.mulf %mul3A_67, %get3A_43 : vector<128x64xf32>
    %slice3A_69 = vector.extract_strided_slice %get3A_47 {offsets = [0, 3], sizes = [128, 1], strides = [1, 1]} : vector<128x8xf32> to vector<128x1xf32>
    %mul3A_70 = vector.broadcast %slice3A_69 : vector<128x1xf32> to vector<128x64xf32>
    %mul3A_71 = arith.mulf %mul3A_70, %get3A_43 : vector<128x64xf32>
    %slice3A_72 = vector.extract_strided_slice %get3A_47 {offsets = [0, 4], sizes = [128, 1], strides = [1, 1]} : vector<128x8xf32> to vector<128x1xf32>
    %mul3A_73 = vector.broadcast %slice3A_72 : vector<128x1xf32> to vector<128x64xf32>
    %mul3A_74 = arith.mulf %mul3A_73, %get3A_43 : vector<128x64xf32>
    %slice3A_75 = vector.extract_strided_slice %get3A_47 {offsets = [0, 5], sizes = [128, 1], strides = [1, 1]} : vector<128x8xf32> to vector<128x1xf32>
    %mul3A_76 = vector.broadcast %slice3A_75 : vector<128x1xf32> to vector<128x64xf32>
    %mul3A_77 = arith.mulf %mul3A_76, %get3A_43 : vector<128x64xf32>
    %concatenate3A_78 = tpu.concatenate %mul3A_62, %mul3A_65, %mul3A_68, %mul3A_71, %mul3A_74, %mul3A_77 in 1 : vector<128x64xf32>, vector<128x64xf32>, vector<128x64xf32>, vector<128x64xf32>, vector<128x64xf32>, vector<128x64xf32> -> vector<128x384xf32>
    %dot_general3A = arith.constant dense<0.000000e+00> : vector<1024x384xf32>
    %dot_general3A_79 = tpu.matmul %concatenate3A, %concatenate3A_78, %dot_general3A {dimension_numbers = #tpu.dot_dimension_numbers<[1], [0], [0], [1], [0, 0, 1, 1], [], []>, transpose_lhs_hint = false} : vector<1024x128xf32>, vector<128x384xf32>, vector<1024x384xf32> -> vector<1024x384xf32>
    %slice3A_80 = vector.extract_strided_slice %exp3A {offsets = [0, 0], sizes = [128, 1], strides = [1, 1]} : vector<128x8xf32> to vector<128x1xf32>
    %mul3A_81 = vector.broadcast %slice3A_80 : vector<128x1xf32> to vector<128x64xf32>
    %mul3A_82 = arith.mulf %mul3A_81, %mul3A_44 : vector<128x64xf32>
    %slice3A_83 = vector.extract_strided_slice %exp3A {offsets = [0, 1], sizes = [128, 1], strides = [1, 1]} : vector<128x8xf32> to vector<128x1xf32>
    %mul3A_84 = vector.broadcast %slice3A_83 : vector<128x1xf32> to vector<128x64xf32>
    %mul3A_85 = arith.mulf %mul3A_84, %mul3A_44 : vector<128x64xf32>
    %slice3A_86 = vector.extract_strided_slice %exp3A {offsets = [0, 2], sizes = [128, 1], strides = [1, 1]} : vector<128x8xf32> to vector<128x1xf32>
    %mul3A_87 = vector.broadcast %slice3A_86 : vector<128x1xf32> to vector<128x64xf32>
    %mul3A_88 = arith.mulf %mul3A_87, %mul3A_44 : vector<128x64xf32>
    %slice3A_89 = vector.extract_strided_slice %exp3A {offsets = [0, 3], sizes = [128, 1], strides = [1, 1]} : vector<128x8xf32> to vector<128x1xf32>
    %mul3A_90 = vector.broadcast %slice3A_89 : vector<128x1xf32> to vector<128x64xf32>
    %mul3A_91 = arith.mulf %mul3A_90, %mul3A_44 : vector<128x64xf32>
    %slice3A_92 = vector.extract_strided_slice %exp3A {offsets = [0, 4], sizes = [128, 1], strides = [1, 1]} : vector<128x8xf32> to vector<128x1xf32>
    %mul3A_93 = vector.broadcast %slice3A_92 : vector<128x1xf32> to vector<128x64xf32>
    %mul3A_94 = arith.mulf %mul3A_93, %mul3A_44 : vector<128x64xf32>
    %slice3A_95 = vector.extract_strided_slice %exp3A {offsets = [0, 5], sizes = [128, 1], strides = [1, 1]} : vector<128x8xf32> to vector<128x1xf32>
    %mul3A_96 = vector.broadcast %slice3A_95 : vector<128x1xf32> to vector<128x64xf32>
    %mul3A_97 = arith.mulf %mul3A_96, %mul3A_44 : vector<128x64xf32>
    %concatenate3A_98 = tpu.concatenate %mul3A_82, %mul3A_85, %mul3A_88, %mul3A_91, %mul3A_94, %mul3A_97 in 1 : vector<128x64xf32>, vector<128x64xf32>, vector<128x64xf32>, vector<128x64xf32>, vector<128x64xf32>, vector<128x64xf32> -> vector<128x384xf32>
    %dot_general3A_99 = arith.constant dense<0.000000e+00> : vector<1024x384xf32>
    %dot_general3A_100 = tpu.matmul %concatenate3A, %concatenate3A_98, %dot_general3A_99 {dimension_numbers = #tpu.dot_dimension_numbers<[1], [0], [0], [1], [0, 0, 1, 1], [], []>, transpose_lhs_hint = false} : vector<1024x128xf32>, vector<128x384xf32>, vector<1024x384xf32> -> vector<1024x384xf32>
    %concatenate3A_101 = tpu.concatenate %slice3A_28, %slice3A_28, %slice3A_28, %slice3A_28, %slice3A_28, %slice3A_28 in 1 : vector<1024x64xf32>, vector<1024x64xf32>, vector<1024x64xf32>, vector<1024x64xf32>, vector<1024x64xf32>, vector<1024x64xf32> -> vector<1024x384xf32>
    %add3A_102 = arith.addf %dot_general3A_79, %concatenate3A_101 : vector<1024x384xf32>
    %add3A_103 = arith.constant 9.99999993E-9 : f32
    %add3A_104 = vector.broadcast %add3A_103 : f32 to vector<1024x384xf32>
    %add3A_105 = arith.addf %dot_general3A_100, %add3A_104 : vector<1024x384xf32>
    %rsqrt3A_106 = math.rsqrt %add3A_105 : vector<1024x384xf32>
    %mul3A_107 = arith.mulf %add3A_102, %rsqrt3A_106 : vector<1024x384xf32>
    %mul3A_108 = arith.constant 0.707106769 : f32
    %mul3A_109 = vector.broadcast %mul3A_108 : f32 to vector<1024x384xf32>
    %mul3A_110 = arith.mulf %mul3A_107, %mul3A_109 : vector<1024x384xf32>
    %erf3A = math.erf %mul3A_110 : vector<1024x384xf32>
    %add3A_111 = arith.constant 1.000000e+00 : f32
    %add3A_112 = vector.broadcast %add3A_111 : f32 to vector<1024x384xf32>
    %add3A_113 = arith.addf %add3A_112, %erf3A : vector<1024x384xf32>
    %mul3A_114 = arith.constant 5.000000e-01 : f32
    %mul3A_115 = vector.broadcast %mul3A_114 : f32 to vector<1024x384xf32>
    %mul3A_116 = arith.mulf %mul3A_115, %add3A_113 : vector<1024x384xf32>
    %mul3A_117 = arith.constant -5.000000e-01 : f32
    %mul3A_118 = vector.broadcast %mul3A_117 : f32 to vector<1024x384xf32>
    %mul3A_119 = arith.mulf %mul3A_118, %mul3A_107 : vector<1024x384xf32>
    %mul3A_120 = arith.mulf %mul3A_119, %mul3A_107 : vector<1024x384xf32>
    %exp3A_121 = math.exp %mul3A_120 : vector<1024x384xf32>
    %mul3A_122 = arith.constant 0.398942292 : f32
    %mul3A_123 = vector.broadcast %mul3A_122 : f32 to vector<1024x384xf32>
    %mul3A_124 = arith.mulf %exp3A_121, %mul3A_123 : vector<1024x384xf32>
    %mul3A_125 = arith.mulf %add3A_102, %mul3A_116 : vector<1024x384xf32>
    %mul3A_126 = arith.mulf %add3A_105, %rsqrt3A_106 : vector<1024x384xf32>
    %mul3A_127 = arith.mulf %mul3A_126, %mul3A_124 : vector<1024x384xf32>
    %add3A_128 = arith.addf %mul3A_125, %mul3A_127 : vector<1024x384xf32>
    %iota3A = tpu.iota {dimensions = array<i32: 1>} : vector<8x384xi32>
    %jit3A = arith.constant 64 : i32
    %div3A_129 = vector.broadcast %jit3A : i32 to vector<8x384xi32>
    %div3A_130 = arith.divsi %iota3A, %div3A_129 : vector<8x384xi32>
    %sign3A = arith.constant 0 : i32
    %sign3A_131 = vector.broadcast %sign3A : i32 to vector<8x384xi32>
    %sign3A_132 = arith.cmpi sgt, %iota3A, %sign3A_131 : vector<8x384xi32>
    %sign3A_133 = arith.extui %sign3A_132 : vector<8x384xi1> to vector<8x384xi32>
    %sign3A_134 = arith.constant 0 : i32
    %sign3A_135 = vector.broadcast %sign3A_134 : i32 to vector<8x384xi32>
    %sign3A_136 = arith.cmpi slt, %iota3A, %sign3A_135 : vector<8x384xi32>
    %sign3A_137 = arith.extui %sign3A_136 : vector<8x384xi1> to vector<8x384xi32>
    %sign3A_138 = arith.subi %sign3A_133, %sign3A_137 : vector<8x384xi32>
    %sign3A_139 = arith.constant 0 : i32
    %sign3A_140 = arith.cmpi sgt, %jit3A, %sign3A_139 : i32
    %sign3A_141 = arith.extui %sign3A_140 : i1 to i32
    %sign3A_142 = arith.constant 0 : i32
    %sign3A_143 = arith.cmpi slt, %jit3A, %sign3A_142 : i32
    %sign3A_144 = arith.extui %sign3A_143 : i1 to i32
    %sign3A_145 = arith.subi %sign3A_141, %sign3A_144 : i32
    %ne3A = vector.broadcast %sign3A_145 : i32 to vector<8x384xi32>
    %ne3A_146 = arith.cmpi ne, %sign3A_138, %ne3A : vector<8x384xi32>
    %rem3A = vector.broadcast %jit3A : i32 to vector<8x384xi32>
    %rem3A_147 = arith.remsi %iota3A, %rem3A : vector<8x384xi32>
    %ne3A_148 = arith.constant 0 : i32
    %ne3A_149 = vector.broadcast %ne3A_148 : i32 to vector<8x384xi32>
    %ne3A_150 = arith.cmpi ne, %rem3A_147, %ne3A_149 : vector<8x384xi32>
    %and3A = arith.andi %ne3A_146, %ne3A_150 : vector<8x384xi1>
    %sub3A_151 = arith.constant 1 : i32
    %sub3A_152 = vector.broadcast %sub3A_151 : i32 to vector<8x384xi32>
    %sub3A_153 = arith.subi %div3A_130, %sub3A_152 : vector<8x384xi32>
    %select_n3A = arith.select %and3A, %sub3A_153, %div3A_130 : vector<8x384xi1>, vector<8x384xi32>
    %iota3A_154 = tpu.iota {dimensions = array<i32: 0>} : vector<8x384xi32>
    %eq3A = arith.cmpi eq, %select_n3A, %iota3A_154 : vector<8x384xi32>
    %jit3A_155 = arith.constant 1.000000e+00 : f32
    %jit3A_156 = arith.constant 0.000000e+00 : f32
    %broadcast_in_dim3A_157 = vector.broadcast %jit3A_155 : f32 to vector<8x384xf32>
    %broadcast_in_dim3A_158 = vector.broadcast %jit3A_156 : f32 to vector<8x384xf32>
    %select_n3A_159 = arith.select %eq3A, %broadcast_in_dim3A_157, %broadcast_in_dim3A_158 : vector<8x384xi1>, vector<8x384xf32>
    %dot_general3A_160 = arith.constant dense<0.000000e+00> : vector<1024x384xf32>
    %dot_general3A_161 = tpu.matmul %div3A_59, %select_n3A_159, %dot_general3A_160 {dimension_numbers = #tpu.dot_dimension_numbers<[1], [0], [0], [1], [0, 0, 1, 1], [], []>, transpose_lhs_hint = false} : vector<1024x8xf32>, vector<8x384xf32>, vector<1024x384xf32> -> vector<1024x384xf32>
    %mul3A_162 = arith.mulf %dot_general3A_161, %add3A_128 : vector<1024x384xf32>
    %slice3A_163 = vector.extract_strided_slice %mul3A_162 {offsets = [0, 0], sizes = [1024, 64], strides = [1, 1]} : vector<1024x384xf32> to vector<1024x64xf32>
    %slice3A_164 = vector.extract_strided_slice %mul3A_162 {offsets = [0, 64], sizes = [1024, 64], strides = [1, 1]} : vector<1024x384xf32> to vector<1024x64xf32>
    %add3A_165 = arith.addf %slice3A_163, %slice3A_164 : vector<1024x64xf32>
    %slice3A_166 = vector.extract_strided_slice %mul3A_162 {offsets = [0, 128], sizes = [1024, 64], strides = [1, 1]} : vector<1024x384xf32> to vector<1024x64xf32>
    %add3A_167 = arith.addf %add3A_165, %slice3A_166 : vector<1024x64xf32>
    %slice3A_168 = vector.extract_strided_slice %mul3A_162 {offsets = [0, 192], sizes = [1024, 64], strides = [1, 1]} : vector<1024x384xf32> to vector<1024x64xf32>
    %add3A_169 = arith.addf %add3A_167, %slice3A_168 : vector<1024x64xf32>
    %slice3A_170 = vector.extract_strided_slice %mul3A_162 {offsets = [0, 256], sizes = [1024, 64], strides = [1, 1]} : vector<1024x384xf32> to vector<1024x64xf32>
    %add3A_171 = arith.addf %add3A_169, %slice3A_170 : vector<1024x64xf32>
    %slice3A_172 = vector.extract_strided_slice %mul3A_162 {offsets = [0, 320], sizes = [1024, 64], strides = [1, 1]} : vector<1024x384xf32> to vector<1024x64xf32>
    %add3A_173 = arith.addf %add3A_171, %slice3A_172 : vector<1024x64xf32>
    %get3A_174 = arith.constant 0 : index
    %get3A_175 = arith.constant 0 : index
    %get3A_176 = vector.load %arg10[%get3A_174, %get3A_175] : memref<64x64xf32, #tpu.memory_space<vmem>>, vector<64x64xf32>
    %dot_general3A_177 = arith.constant dense<0.000000e+00> : vector<1024x64xf32>
    %dot_general3A_178 = tpu.matmul %add3A_173, %get3A_176, %dot_general3A_177 {dimension_numbers = #tpu.dot_dimension_numbers<[1], [0], [0], [1], [0, 0, 1, 1], [], []>, transpose_lhs_hint = false} : vector<1024x64xf32>, vector<64x64xf32>, vector<1024x64xf32> -> vector<1024x64xf32>
    %mul3A_179 = vector.broadcast %rsqrt3A : vector<1024x1xf32> to vector<1024x64xf32>
    %mul3A_180 = arith.mulf %mul3A_179, %dot_general3A_178 : vector<1024x64xf32>
    %swap3A = arith.constant 0 : index
    %swap3A_181 = arith.constant 0 : index
    %swap3A_182 = vector.load %arg11[%swap3A, %swap3A_181] : memref<1024x64xf32, #tpu.memory_space<vmem>>, vector<1024x64xf32>
    tpu.vector_store %arg11[%swap3A, %swap3A_181], %mul3A_180 {strides = array<i32>} : memref<1024x64xf32, #tpu.memory_space<vmem>>, vector<1024x64xf32>,
    return
  }
  func.func @transform_0(%arg0: i32) -> (i32, i32, i32) {
    %c0_i32 = arith.constant 0 : i32
    %c0_i32_0 = arith.constant 0 : i32
    %c0_i32_1 = arith.constant 0 : i32
    return %c0_i32, %arg0, %c0_i32_0 : i32, i32, i32
  }
  func.func @transform_1(%arg0: i32) -> (i32, i32, i32) {
    %c0_i32 = arith.constant 0 : i32
    %c0_i32_0 = arith.constant 0 : i32
    %c0_i32_1 = arith.constant 0 : i32
    return %c0_i32, %arg0, %c0_i32_0 : i32, i32, i32
  }
  func.func @transform_2(%arg0: i32) -> (i32, i32) {
    %c0_i32 = arith.constant 0 : i32
    %c0_i32_0 = arith.constant 0 : i32
    return %arg0, %c0_i32 : i32, i32
  }
  func.func @transform_3(%arg0: i32) -> (i32, i32) {
    %c0_i32 = arith.constant 0 : i32
    %c0_i32_0 = arith.constant 0 : i32
    return %arg0, %c0_i32 : i32, i32
  }
  func.func @transform_4(%arg0: i32) -> (i32, i32, i32) {
    %c0_i32 = arith.constant 0 : i32
    %c0_i32_0 = arith.constant 0 : i32
    %c0_i32_1 = arith.constant 0 : i32
    return %c0_i32, %c0_i32_0, %arg0 : i32, i32, i32
  }
  func.func @transform_5(%arg0: i32) -> (i32, i32) {
    %c0_i32 = arith.constant 0 : i32
    %c0_i32_0 = arith.constant 0 : i32
    return %arg0, %c0_i32 : i32, i32
  }
  func.func @transform_6(%arg0: i32) -> (i32, i32) {
    %c0_i32 = arith.constant 0 : i32
    %c0_i32_0 = arith.constant 0 : i32
    %c0_i32_1 = arith.constant 0 : i32
    return %c0_i32, %c0_i32_0 : i32, i32
  }
  func.func @transform_7(%arg0: i32) -> (i32, i32) {
    %c0_i32 = arith.constant 0 : i32
    %c0_i32_0 = arith.constant 0 : i32
    %c0_i32_1 = arith.constant 0 : i32
    return %c0_i32, %c0_i32_0 : i32, i32
  }
  func.func @transform_8(%arg0: i32) -> (i32, i32) {
    %c0_i32 = arith.constant 0 : i32
    %c0_i32_0 = arith.constant 0 : i32
    %c0_i32_1 = arith.constant 0 : i32
    return %c0_i32, %c0_i32_0 : i32, i32
  }
  func.func @transform_9(%arg0: i32) -> (i32, i32) {
    %c0_i32 = arith.constant 0 : i32
    %c0_i32_0 = arith.constant 0 : i32
    %c0_i32_1 = arith.constant 0 : i32
    return %c0_i32, %c0_i32_0 : i32, i32
  }
  func.func @transform_10(%arg0: i32) -> (i32, i32) {
    %c0_i32 = arith.constant 0 : i32
    %c0_i32_0 = arith.constant 0 : i32
    return %arg0, %c0_i32 : i32, i32
  }
}

module attributes {stable_mosaic.version = 14 : i64} {
  func.func @_dense3_body(%arg0: i32, %arg1: memref<2x1024x64xf32, #tpu.memory_space<vmem>>, %arg2: memref<1024x64xf32, #tpu.memory_space<vmem>>, %arg3: memref<2x1x1024xf32, #tpu.memory_space<vmem>>, %arg4: memref<1x64xf32, #tpu.memory_space<vmem>>, %arg5: memref<64x48xf32, #tpu.memory_space<vmem>>, %arg6: memref<1024x64xf32, #tpu.memory_space<vmem>>, %arg7: memref<1024x48xf32, #tpu.memory_space<vmem>>) attributes {dimension_semantics = [#tpu.dimension_semantics<arbitrary>], iteration_bounds = array<i64: 10>, scalar_prefetch = 0 : i64, scratch_operands = 0 : i64, tpu.core_type = #tpu.core_type<tc>, window_params = [{transform_indices = @transform_0, window_bounds = array<i64: 2, 1024, 64>}, {transform_indices = @transform_1, window_bounds = array<i64: 1024, 64>}, {transform_indices = @transform_2, window_bounds = array<i64: 2, 1, 1024>}, {pipeline_mode = #tpu.pipeline_mode<synchronous>, transform_indices = @transform_3, window_bounds = array<i64: 1, 64>}, {pipeline_mode = #tpu.pipeline_mode<synchronous>, transform_indices = @transform_4, window_bounds = array<i64: 64, 48>}, {transform_indices = @transform_5, window_bounds = array<i64: 1024, 64>}, {transform_indices = @transform_6, window_bounds = array<i64: 1024, 48>}]} {
    %get3A = arith.constant 0 : index
    %get3A_0 = arith.constant 0 : index
    %get3A_1 = arith.constant 0 : index
    %get3A_2 = vector.load %arg3[%get3A, %get3A_0, %get3A_1] : memref<2x1x1024xf32, #tpu.memory_space<vmem>>, vector<2x1x1024xf32>
    %slice3A = vector.extract_strided_slice %get3A_2 {offsets = [0, 0, 0], sizes = [1, 1, 1024], strides = [1, 1, 1]} : vector<2x1x1024xf32> to vector<1x1x1024xf32>
    %squeeze3A = vector.shape_cast %slice3A : vector<1x1x1024xf32> to vector<1x1024xf32>
    %slice3A_3 = vector.extract_strided_slice %get3A_2 {offsets = [1, 0, 0], sizes = [1, 1, 1024], strides = [1, 1, 1]} : vector<2x1x1024xf32> to vector<1x1x1024xf32>
    %squeeze3A_4 = vector.shape_cast %slice3A_3 : vector<1x1x1024xf32> to vector<1x1024xf32>
    %add3A = arith.addf %squeeze3A, %squeeze3A_4 : vector<1x1024xf32>
    %add3A_5 = arith.constant 1.000000e+00 : f32
    %add3A_6 = vector.broadcast %add3A_5 : f32 to vector<1x1024xf32>
    %add3A_7 = arith.addf %add3A, %add3A_6 : vector<1x1024xf32>
    %transpose3A = tpu.transpose %add3A_7, [1, 0] : vector<1x1024xf32> -> vector<1024x1xf32>
    %max3A = arith.constant 1.000000e+00 : f32
    %max3A_8 = vector.broadcast %max3A : f32 to vector<1024x1xf32>
    %max3A_9 = arith.maximumf %transpose3A, %max3A_8 : vector<1024x1xf32>
    %rsqrt3A = math.rsqrt %max3A_9 : vector<1024x1xf32>
    %get3A_10 = arith.constant 0 : index
    %get3A_11 = arith.constant 0 : index
    %get3A_12 = arith.constant 0 : index
    %get3A_13 = vector.load %arg1[%get3A_10, %get3A_11, %get3A_12] : memref<2x1024x64xf32, #tpu.memory_space<vmem>>, vector<2x1024x64xf32>
    %slice3A_14 = vector.extract_strided_slice %get3A_13 {offsets = [0, 0, 0], sizes = [1, 1024, 64], strides = [1, 1, 1]} : vector<2x1024x64xf32> to vector<1x1024x64xf32>
    %squeeze3A_15 = vector.shape_cast %slice3A_14 : vector<1x1024x64xf32> to vector<1024x64xf32>
    %slice3A_16 = vector.extract_strided_slice %get3A_13 {offsets = [1, 0, 0], sizes = [1, 1024, 64], strides = [1, 1, 1]} : vector<2x1024x64xf32> to vector<1x1024x64xf32>
    %squeeze3A_17 = vector.shape_cast %slice3A_16 : vector<1x1024x64xf32> to vector<1024x64xf32>
    %add3A_18 = arith.addf %squeeze3A_15, %squeeze3A_17 : vector<1024x64xf32>
    %get3A_19 = arith.constant 0 : index
    %get3A_20 = arith.constant 0 : index
    %get3A_21 = vector.load %arg2[%get3A_19, %get3A_20] : memref<1024x64xf32, #tpu.memory_space<vmem>>, vector<1024x64xf32>
    %add3A_22 = arith.addf %add3A_18, %get3A_21 : vector<1024x64xf32>
    %mul3A = vector.broadcast %rsqrt3A : vector<1024x1xf32> to vector<1024x64xf32>
    %mul3A_23 = arith.mulf %mul3A, %add3A_22 : vector<1024x64xf32>
    %get3A_24 = arith.constant 0 : index
    %get3A_25 = arith.constant 0 : index
    %get3A_26 = vector.load %arg4[%get3A_24, %get3A_25] : memref<1x64xf32, #tpu.memory_space<vmem>>, vector<1x64xf32>
    %add3A_27 = vector.broadcast %get3A_26 : vector<1x64xf32> to vector<1024x64xf32>
    %add3A_28 = arith.addf %mul3A_23, %add3A_27 : vector<1024x64xf32>
    %max3A_29 = arith.constant 0.000000e+00 : f32
    %max3A_30 = vector.broadcast %max3A_29 : f32 to vector<1024x64xf32>
    %max3A_31 = arith.maximumf %add3A_28, %max3A_30 : vector<1024x64xf32>
    %swap3A = arith.constant 0 : index
    %swap3A_32 = arith.constant 0 : index
    %swap3A_33 = vector.load %arg6[%swap3A, %swap3A_32] : memref<1024x64xf32, #tpu.memory_space<vmem>>, vector<1024x64xf32>
    tpu.vector_store %arg6[%swap3A, %swap3A_32], %max3A_31 {strides = array<i32>} : memref<1024x64xf32, #tpu.memory_space<vmem>>, vector<1024x64xf32>,
    %get3A_34 = arith.constant 0 : index
    %get3A_35 = arith.constant 0 : index
    %get3A_36 = vector.load %arg5[%get3A_34, %get3A_35] : memref<64x48xf32, #tpu.memory_space<vmem>>, vector<64x48xf32>
    %dot_general3A = arith.constant dense<0.000000e+00> : vector<1024x48xf32>
    %dot_general3A_37 = tpu.matmul %max3A_31, %get3A_36, %dot_general3A {dimension_numbers = #tpu.dot_dimension_numbers<[1], [0], [0], [1], [0, 0, 1, 1], [], []>, transpose_lhs_hint = false} : vector<1024x64xf32>, vector<64x48xf32>, vector<1024x48xf32> -> vector<1024x48xf32>
    %mul3A_38 = vector.broadcast %rsqrt3A : vector<1024x1xf32> to vector<1024x48xf32>
    %mul3A_39 = arith.mulf %mul3A_38, %dot_general3A_37 : vector<1024x48xf32>
    %swap3A_40 = arith.constant 0 : index
    %swap3A_41 = arith.constant 0 : index
    %swap3A_42 = vector.load %arg7[%swap3A_40, %swap3A_41] : memref<1024x48xf32, #tpu.memory_space<vmem>>, vector<1024x48xf32>
    tpu.vector_store %arg7[%swap3A_40, %swap3A_41], %mul3A_39 {strides = array<i32>} : memref<1024x48xf32, #tpu.memory_space<vmem>>, vector<1024x48xf32>,
    return
  }
  func.func @transform_0(%arg0: i32) -> (i32, i32, i32) {
    %c0_i32 = arith.constant 0 : i32
    %c0_i32_0 = arith.constant 0 : i32
    %c0_i32_1 = arith.constant 0 : i32
    return %c0_i32, %arg0, %c0_i32_0 : i32, i32, i32
  }
  func.func @transform_1(%arg0: i32) -> (i32, i32) {
    %c0_i32 = arith.constant 0 : i32
    %c0_i32_0 = arith.constant 0 : i32
    return %arg0, %c0_i32 : i32, i32
  }
  func.func @transform_2(%arg0: i32) -> (i32, i32, i32) {
    %c0_i32 = arith.constant 0 : i32
    %c0_i32_0 = arith.constant 0 : i32
    %c0_i32_1 = arith.constant 0 : i32
    return %c0_i32, %c0_i32_0, %arg0 : i32, i32, i32
  }
  func.func @transform_3(%arg0: i32) -> (i32, i32) {
    %c0_i32 = arith.constant 0 : i32
    %c0_i32_0 = arith.constant 0 : i32
    %c0_i32_1 = arith.constant 0 : i32
    return %c0_i32, %c0_i32_0 : i32, i32
  }
  func.func @transform_4(%arg0: i32) -> (i32, i32) {
    %c0_i32 = arith.constant 0 : i32
    %c0_i32_0 = arith.constant 0 : i32
    %c0_i32_1 = arith.constant 0 : i32
    return %c0_i32, %c0_i32_0 : i32, i32
  }
  func.func @transform_5(%arg0: i32) -> (i32, i32) {
    %c0_i32 = arith.constant 0 : i32
    %c0_i32_0 = arith.constant 0 : i32
    return %arg0, %c0_i32 : i32, i32
  }
  func.func @transform_6(%arg0: i32) -> (i32, i32) {
    %c0_i32 = arith.constant 0 : i32
    %c0_i32_0 = arith.constant 0 : i32
    return %arg0, %c0_i32 : i32, i32
  }
}

module attributes {stable_mosaic.version = 14 : i64} {
  func.func @_dense4_body(%arg0: i32, %arg1: memref<2x1024x48xf32, #tpu.memory_space<vmem>>, %arg2: memref<1024x48xf32, #tpu.memory_space<vmem>>, %arg3: memref<2x1x1024xf32, #tpu.memory_space<vmem>>, %arg4: memref<1x48xf32, #tpu.memory_space<vmem>>, %arg5: memref<1024x40xf32, #tpu.memory_space<vmem>>) attributes {dimension_semantics = [#tpu.dimension_semantics<arbitrary>], iteration_bounds = array<i64: 10>, scalar_prefetch = 0 : i64, scratch_operands = 0 : i64, tpu.core_type = #tpu.core_type<tc>, window_params = [{transform_indices = @transform_0, window_bounds = array<i64: 2, 1024, 48>}, {transform_indices = @transform_1, window_bounds = array<i64: 1024, 48>}, {transform_indices = @transform_2, window_bounds = array<i64: 2, 1, 1024>}, {pipeline_mode = #tpu.pipeline_mode<synchronous>, transform_indices = @transform_3, window_bounds = array<i64: 1, 48>}, {transform_indices = @transform_4, window_bounds = array<i64: 1024, 40>}]} {
    %get3A = arith.constant 0 : index
    %get3A_0 = arith.constant 0 : index
    %get3A_1 = arith.constant 0 : index
    %get3A_2 = vector.load %arg3[%get3A, %get3A_0, %get3A_1] : memref<2x1x1024xf32, #tpu.memory_space<vmem>>, vector<2x1x1024xf32>
    %slice3A = vector.extract_strided_slice %get3A_2 {offsets = [0, 0, 0], sizes = [1, 1, 1024], strides = [1, 1, 1]} : vector<2x1x1024xf32> to vector<1x1x1024xf32>
    %squeeze3A = vector.shape_cast %slice3A : vector<1x1x1024xf32> to vector<1x1024xf32>
    %slice3A_3 = vector.extract_strided_slice %get3A_2 {offsets = [1, 0, 0], sizes = [1, 1, 1024], strides = [1, 1, 1]} : vector<2x1x1024xf32> to vector<1x1x1024xf32>
    %squeeze3A_4 = vector.shape_cast %slice3A_3 : vector<1x1x1024xf32> to vector<1x1024xf32>
    %add3A = arith.addf %squeeze3A, %squeeze3A_4 : vector<1x1024xf32>
    %add3A_5 = arith.constant 1.000000e+00 : f32
    %add3A_6 = vector.broadcast %add3A_5 : f32 to vector<1x1024xf32>
    %add3A_7 = arith.addf %add3A, %add3A_6 : vector<1x1024xf32>
    %transpose3A = tpu.transpose %add3A_7, [1, 0] : vector<1x1024xf32> -> vector<1024x1xf32>
    %max3A = arith.constant 1.000000e+00 : f32
    %max3A_8 = vector.broadcast %max3A : f32 to vector<1024x1xf32>
    %max3A_9 = arith.maximumf %transpose3A, %max3A_8 : vector<1024x1xf32>
    %rsqrt3A = math.rsqrt %max3A_9 : vector<1024x1xf32>
    %get3A_10 = arith.constant 0 : index
    %get3A_11 = arith.constant 0 : index
    %get3A_12 = arith.constant 0 : index
    %get3A_13 = vector.load %arg1[%get3A_10, %get3A_11, %get3A_12] : memref<2x1024x48xf32, #tpu.memory_space<vmem>>, vector<2x1024x48xf32>
    %slice3A_14 = vector.extract_strided_slice %get3A_13 {offsets = [0, 0, 0], sizes = [1, 1024, 48], strides = [1, 1, 1]} : vector<2x1024x48xf32> to vector<1x1024x48xf32>
    %squeeze3A_15 = vector.shape_cast %slice3A_14 : vector<1x1024x48xf32> to vector<1024x48xf32>
    %slice3A_16 = vector.extract_strided_slice %get3A_13 {offsets = [1, 0, 0], sizes = [1, 1024, 48], strides = [1, 1, 1]} : vector<2x1024x48xf32> to vector<1x1024x48xf32>
    %squeeze3A_17 = vector.shape_cast %slice3A_16 : vector<1x1024x48xf32> to vector<1024x48xf32>
    %add3A_18 = arith.addf %squeeze3A_15, %squeeze3A_17 : vector<1024x48xf32>
    %get3A_19 = arith.constant 0 : index
    %get3A_20 = arith.constant 0 : index
    %get3A_21 = vector.load %arg2[%get3A_19, %get3A_20] : memref<1024x48xf32, #tpu.memory_space<vmem>>, vector<1024x48xf32>
    %add3A_22 = arith.addf %add3A_18, %get3A_21 : vector<1024x48xf32>
    %mul3A = vector.broadcast %rsqrt3A : vector<1024x1xf32> to vector<1024x48xf32>
    %mul3A_23 = arith.mulf %mul3A, %add3A_22 : vector<1024x48xf32>
    %get3A_24 = arith.constant 0 : index
    %get3A_25 = arith.constant 0 : index
    %get3A_26 = vector.load %arg4[%get3A_24, %get3A_25] : memref<1x48xf32, #tpu.memory_space<vmem>>, vector<1x48xf32>
    %add3A_27 = vector.broadcast %get3A_26 : vector<1x48xf32> to vector<1024x48xf32>
    %add3A_28 = arith.addf %mul3A_23, %add3A_27 : vector<1024x48xf32>
    %iota3A = tpu.iota {dimensions = array<i32: 1>} : vector<1024x48xi32>
    %lt3A = arith.constant 40 : i32
    %lt3A_29 = vector.broadcast %lt3A : i32 to vector<1024x48xi32>
    %lt3A_30 = arith.cmpi slt, %iota3A, %lt3A_29 : vector<1024x48xi32>
    %jit3A = arith.constant -1.000000e+30 : f32
    %broadcast_in_dim3A = vector.broadcast %jit3A : f32 to vector<1024x48xf32>
    %select_n3A = arith.select %lt3A_30, %add3A_28, %broadcast_in_dim3A : vector<1024x48xi1>, vector<1024x48xf32>
    %reduce_max3A = arith.constant dense<0xFF800000> : vector<1024xf32>
    %reduce_max3A_31 = vector.multi_reduction <maximumf>, %select_n3A, %reduce_max3A [1] : vector<1024x48xf32> to vector<1024xf32>
    %broadcast_in_dim3A_32 = vector.shape_cast %reduce_max3A_31 : vector<1024xf32> to vector<1024x1xf32>
    %sub3A = vector.broadcast %broadcast_in_dim3A_32 : vector<1024x1xf32> to vector<1024x48xf32>
    %sub3A_33 = arith.subf %select_n3A, %sub3A : vector<1024x48xf32>
    %lt3A_34 = arith.constant 40 : i32
    %lt3A_35 = vector.broadcast %lt3A_34 : i32 to vector<1024x48xi32>
    %lt3A_36 = arith.cmpi slt, %iota3A, %lt3A_35 : vector<1024x48xi32>
    %exp3A = math.exp %sub3A_33 : vector<1024x48xf32>
    %jit3A_37 = arith.constant 0.000000e+00 : f32
    %broadcast_in_dim3A_38 = vector.broadcast %jit3A_37 : f32 to vector<1024x48xf32>
    %select_n3A_39 = arith.select %lt3A_36, %exp3A, %broadcast_in_dim3A_38 : vector<1024x48xi1>, vector<1024x48xf32>
    %reduce_sum3A = arith.constant dense<0.000000e+00> : vector<1024xf32>
    %reduce_sum3A_40 = vector.multi_reduction <add>, %select_n3A_39, %reduce_sum3A [1] : vector<1024x48xf32> to vector<1024xf32>
    %broadcast_in_dim3A_41 = vector.shape_cast %reduce_sum3A_40 : vector<1024xf32> to vector<1024x1xf32>
    %log3A = math.log %broadcast_in_dim3A_41 : vector<1024x1xf32>
    %sub3A_42 = vector.broadcast %log3A : vector<1024x1xf32> to vector<1024x48xf32>
    %sub3A_43 = arith.subf %sub3A_33, %sub3A_42 : vector<1024x48xf32>
    %slice3A_44 = vector.extract_strided_slice %sub3A_43 {offsets = [0, 0], sizes = [1024, 40], strides = [1, 1]} : vector<1024x48xf32> to vector<1024x40xf32>
    %swap3A = arith.constant 0 : index
    %swap3A_45 = arith.constant 0 : index
    %swap3A_46 = vector.load %arg5[%swap3A, %swap3A_45] : memref<1024x40xf32, #tpu.memory_space<vmem>>, vector<1024x40xf32>
    tpu.vector_store %arg5[%swap3A, %swap3A_45], %slice3A_44 {strides = array<i32>} : memref<1024x40xf32, #tpu.memory_space<vmem>>, vector<1024x40xf32>,
    return
  }
  func.func @transform_0(%arg0: i32) -> (i32, i32, i32) {
    %c0_i32 = arith.constant 0 : i32
    %c0_i32_0 = arith.constant 0 : i32
    %c0_i32_1 = arith.constant 0 : i32
    return %c0_i32, %arg0, %c0_i32_0 : i32, i32, i32
  }
  func.func @transform_1(%arg0: i32) -> (i32, i32) {
    %c0_i32 = arith.constant 0 : i32
    %c0_i32_0 = arith.constant 0 : i32
    return %arg0, %c0_i32 : i32, i32
  }
  func.func @transform_2(%arg0: i32) -> (i32, i32, i32) {
    %c0_i32 = arith.constant 0 : i32
    %c0_i32_0 = arith.constant 0 : i32
    %c0_i32_1 = arith.constant 0 : i32
    return %c0_i32, %c0_i32_0, %arg0 : i32, i32, i32
  }
  func.func @transform_3(%arg0: i32) -> (i32, i32) {
    %c0_i32 = arith.constant 0 : i32
    %c0_i32_0 = arith.constant 0 : i32
    %c0_i32_1 = arith.constant 0 : i32
    return %c0_i32, %c0_i32_0 : i32, i32
  }
  func.func @transform_4(%arg0: i32) -> (i32, i32) {
    %c0_i32 = arith.constant 0 : i32
    %c0_i32_0 = arith.constant 0 : i32
    return %arg0, %c0_i32 : i32, i32
  }
}

</mosaic_0001>

<sc_bundles>
// kernel: kernel.11.cloned.1.call-start
scs
__scs_entry_jumppad:
0x0: {  	(pc) =	sbr.rel $0x88, $3  }
0x1: {  	(tag) =	ssettag $0x0;
	lr =	simm.s32 $0x1  }
0x2: {  	[smem:$0x3F96] =	sst lr;
	_ =	strace $0xD0000000  }
0x3: {  	_ = 	snop  }
0x4: {  	_ = 	snop  }
0x5: {  	_ = 	snop  }
0x6: {  	_ = 	snop  }
0x7: {  	_ = 	snop  }
__scs_overlays_trampoline_lowered:
0x8: {  	[smem:$0x3FA5] =	sst s0  }
0x9: {  	[smem:$0x3FA6] =	sst s1  }
0xa: {  	[smem:$0x3FA7] =	sst s2  }
0xb: {  	[smem:$0x3FA8] =	sst s3  }
0xc: {  	[smem:$0x3FA9] =	sst s4  }
0xd: {  	[smem:$0x3FAA] =	sst s5  }
0xe: {  	[smem:$0x3FAB] =	sst s6  }
0xf: {  	[smem:$0x3FAC] =	sst s7  }
0x10: {  	[smem:$0x3FAD] =	sst s8  }
0x11: {  	[smem:$0x3FAE] =	sst s9;
	s0 =	simm.s32 @!p0 $0x0  }
0x12: {  	s1 =	sld [smem:$0x3F94];
	s0 =	simm.s32 @p0 $0x1  }
0x13: {  	[smem:$0x3FAF] =	sst s0;
	s0 =	simm.s32 @!p1 $0x0  }
0x14: {  	s2 =	sld [smem:$0x3F93];
	s0 =	simm.s32 @p1 $0x1  }
0x15: {  	[smem:$0x3FB0] =	sst s0;
	s0 =	simm.s32 @!p2 $0x0  }
0x16: {  	s3 =	sld [smem:$0x3FDB];
	s0 =	simm.s32 @p2 $0x1  }
0x17: {  	s4 =	simm.s32 $0x1BF5;
	[smem:$0x3FB2] =	sst s0  }
0x18: {  	s0 =	sld [smem:$0x3F95];
	_ =	swait.ge [sflag:s4], $0x0  }
0x19: {  	s7 =	sld [smem:$0x3F96]  }
0x1a: {  	s8 =	sadd.s32 $0xFFFFE003, lr  }
0x1b: {  	s9 =	sadd.s32 $0xFFFFFEF7, lr;
	s5 =	simm.s32 $0xFFFFFFFF;
	p2 =	slt.u32 s8, $0xFFFFF086  }
0x1c: {  	p1 =	slt.u32 s9, $0xF7A;
	s5 =	simm.s32 @!p2 $0x0  }
0x1d: {  	s5 =	simm.s32 @p1 $0x1;
	p0 =	seq.s32 s7, s2  }
0x1e: {  	s7 =	smul.u32 @!p0 $0xF7A, s2;
	p2 =	seq.s32 @!p0 s5, $0x0  }
0x1f: {  	s9 =	smul.u32 $0xF7A, s1;
	s8 =	simm.s32 @!p0 $0x1BF5;
	p2 =	por !p2, p0  }
0x20: {  	[sflag:s8] =	ssyncset.s32 @!p0 $0xFFFFF086;
	s6 =	sadd.s32 @!p0 s3, s7;
	s7 =	simm.s32 @!p0 $0x108  }
0x21: {  	s3 =	sadd.s32 s3, s9;
	s6 =	sadd.s32 @!p0 $0x88, s6;
	s7 =	simm.s32 @p2 $0x1082  }
0x22: {  	[simem:s7], [sflag:s8] =	dma.local @!p0 [hbm:s6], $0xF7A  }
0x23: {  	s9 =	sor.u32 $0xD0000000, s2;
	s6 =	simm.s32 $0x108;
	_ =	swait.ge @!p0 [sflag:s8], $0x0  }
0x24: {  	s3 =	sadd.s32 $0x88, s3;
	s6 =	simm.s32 @!p1 $0x1082;
	[sflag:s4] =	ssyncset.s32 $0xFFFFF086  }
0x25: {  	[simem:s6], [sflag:s4] =	dma.local [hbm:s3], $0xF7A  }
0x26: {  	[smem:$0x3F96] =	sst s1;
	(tag) =	ssettag s2;
	_ =	strace s9  }
0x27: {  	s1 =	sld [smem:$0x3FA6]  }
0x28: {  	s2 =	sld [smem:$0x3FA7]  }
0x29: {  	s4 =	sld [smem:$0x3FA9]  }
0x2a: {  	p0 =	seq.s32 s5, $0x0;
	s5 =	sld [smem:$0x3FAA]  }
0x2b: {  	s6 =	sld [smem:$0x3FAB]  }
0x2c: {  	s7 =	sld [smem:$0x3FAC]  }
0x2d: {  	s3 =	simm.s32 $0x108;
	s8 =	sld [smem:$0x3FAD]  }
0x2e: {  	s3 =	simm.s32 @!p0 $0x1082;
	s9 =	sld [smem:$0x3FAE]  }
0x2f: {  	lr =	sadd.s32 s0, s3;
	s0 =	sld [smem:$0x3FA5]  }
0x30: {  	s3 =	sld [smem:$0x3FA8]  }
0x31: {  	[smem:$0x3FB1] =	sst s10  }
0x32: {  	s10 =	sld [smem:$0x3FAF];
	_ =	sdelay $0x3  }
0x33: {  	p0 =	seq.s32 s10, $0x1;
	s10 =	sld [smem:$0x3FB1];
	_ =	sdelay $0x3  }
0x34: {  	[smem:$0x3FB1] =	sst s10  }
0x35: {  	s10 =	sld [smem:$0x3FB0];
	_ =	sdelay $0x3  }
0x36: {  	p1 =	seq.s32 s10, $0x1;
	s10 =	sld [smem:$0x3FB1];
	_ =	sdelay $0x3  }
0x37: {  	[smem:$0x3FB1] =	sst s10  }
0x38: {  	s10 =	sld [smem:$0x3FB2]  }
0x39: {  	_ = 	snop;
	(pc) =	sbr.ind lr, $3  }
0x3a: {  	_ = 	snop  }
0x3b: {  	_ = 	snop  }
0x3c: {  	p2 =	seq.s32 s10, $0x1;
	s10 =	sld [smem:$0x3FB1]  }
0x3d: {  	_ =	shalt  }
0x3e: {  	_ =	shalt  }
0x3f: {  	_ =	shalt  }
0x40: {  	_ =	shalt  }
0x41: {  	_ =	shalt  }
0x42: {  	_ =	shalt  }
0x43: {  	_ =	shalt  }
0x44: {  	_ =	shalt  }
0x45: {  	_ =	shalt  }
0x46: {  	_ =	shalt  }
0x47: {  	_ =	shalt  }
0x48: {  	_ =	shalt  }
0x49: {  	_ =	shalt  }
0x4a: {  	_ =	shalt  }
0x4b: {  	_ =	shalt  }
0x4c: {  	_ =	shalt  }
0x4d: {  	_ =	shalt  }
0x4e: {  	_ =	shalt  }
0x4f: {  	_ =	shalt  }
0x50: {  	_ =	shalt  }
0x51: {  	_ =	shalt  }
0x52: {  	_ =	shalt  }
0x53: {  	_ =	shalt  }
0x54: {  	_ =	shalt  }
0x55: {  	_ =	shalt  }
0x56: {  	_ =	shalt  }
0x57: {  	_ =	shalt  }
0x58: {  	_ =	shalt  }
0x59: {  	_ =	shalt  }
0x5a: {  	_ =	shalt  }
0x5b: {  	_ =	shalt  }
0x5c: {  	_ =	shalt  }
0x5d: {  	_ =	shalt  }
0x5e: {  	_ =	shalt  }
0x5f: {  	_ =	shalt  }
0x60: {  	_ =	shalt  }
0x61: {  	_ =	shalt  }
0x62: {  	_ =	shalt  }
0x63: {  	_ =	shalt  }
0x64: {  	_ =	shalt  }
0x65: {  	_ =	shalt  }
0x66: {  	_ =	shalt  }
0x67: {  	_ =	shalt  }
0x68: {  	_ =	shalt  }
0x69: {  	_ =	shalt  }
0x6a: {  	_ =	shalt  }
0x6b: {  	_ =	shalt  }
0x6c: {  	_ =	shalt  }
0x6d: {  	_ =	shalt  }
0x6e: {  	_ =	shalt  }
0x6f: {  	_ =	shalt  }
0x70: {  	_ =	shalt  }
0x71: {  	_ =	shalt  }
0x72: {  	_ =	shalt  }
0x73: {  	_ =	shalt  }
0x74: {  	_ =	shalt  }
0x75: {  	_ =	shalt  }
0x76: {  	_ =	shalt  }
0x77: {  	_ =	shalt  }
0x78: {  	_ =	shalt  }
0x79: {  	_ =	shalt  }
0x7a: {  	_ =	shalt  }
0x7b: {  	_ =	shalt  }
0x7c: {  	_ =	shalt  }
0x7d: {  	_ =	shalt  }
0x7e: {  	_ =	shalt  }
0x7f: {  	_ =	shalt  }
0x80: {  	_ =	shalt  }
0x81: {  	_ =	shalt  }
0x82: {  	_ =	shalt  }
0x83: {  	_ =	shalt  }
0x84: {  	_ =	shalt  }
0x85: {  	_ =	shalt  }
0x86: {  	_ =	shalt  }
0x87: {  	_ =	shalt  }
.Lfunc_end0:
.L_simem_size_0:
called_computation_lowered:
.L_overlay_start_0:
0x88: {  	s2 =	sld [smem:$0x3FD9]  }
0x89: {  	s3 =	sld [smem:$0x3FFE];
	_ =	sdelay $0x1  }
0x8a: {  	s1 =	srdreg.scid  }
0x8b: {  	s0 =	sand.u32 $0x1, s1  }
0x8c: {  	s14 =	sshll.u32 s0, $0xA;
	s2 =	sadd.s32 s3, s2  }
0x8d: {  	s2 =	sadd.s32 s2, s14  }
0x8e: {  	[smem:$0x3FBD] =	sst s2  }
0x8f: {  	_ = 	snop  }
0x90: {  	s2 =	sld [smem:$0x3FD0];
	_ =	sdelay $0x2  }
0x91: {  	s15 =	simm.s32 $0xB;
	s4 =	simm.s32 $0x10  }
0x92: {  	[smem:s4], [sflag:s15] =	dma.local [hbm:s2], $0x1  }
0x93: {  	_ =	swait.eq [sflag:s15], $0x1  }
0x94: {  	[sflag:s15] =	ssyncset.done $0x0  }
0x95: {  	[sflag:s15] =	ssyncadd.s32 $0xFFFFFFFF  }
0x96: {  	s16 =	sld [smem:$0x11];
	(tm) =	ssettm $0x1  }
0x97: {  	s17 =	sld [smem:$0x3FFB];
	_ =	sdelay $0x3  }
0x98: {  	_ =	strace s17  }
0x99: {  	s3 =	sld [smem:$0x3FFC];
	_ =	sdelay $0x3  }
0x9a: {  	_ =	strace s3  }
0x9b: {  	s3 =	sld [smem:$0x3FFD];
	_ =	sdelay $0x3  }
0x9c: {  	_ =	strace s3  }
0x9d: {  	_ =	strace $0x8FFFFFFF  }
0x9e: {  	s18 =	sld [smem:$0x3FDB];
	_ =	sdelay $0x1  }
0x9f: {  	s19 =	simm.s32 $_scs_section_size  }
0xa0: {  	s5 =	simm.s32 $_size__tile_overlayer_lowered;
	s6 =	simm.s32 $_tile_overlayer_lowered  }
0xa1: {  	s22 =	simm.s32 $0x1BFF;
	s21 =	sshll.u32 s6, $0x1;
	s3 =	sadd.s32 s19, s18  }
0xa2: {  	s7 =	simm.s32 $0x0;
	s20 =	sshll.u32 s5, $0x1;
	s5 =	sadd.s32 s21, s3  }
0xa3: {  	[timem:s7], [sflag:s22] =	dma.local [hbm:s5], s20  }
0xa4: {  	_ =	swait.ge [sflag:s22], s20  }
0xa5: {  	s4 =	ssub.s32 $0x0, s20;
	[sflag:s22] =	ssyncset.done $0x0  }
0xa6: {  	[sflag:s22] =	ssyncadd.s32 s4;
	_ =	sdelay $0x1  }
0xa7: {  	s23 =	simm.s32 $0x1B8B  }
0xa8: {  	_ =	swait.ge [sflag:s23], $0x1  }
0xa9: {  	[sflag:s23] =	ssyncset.done $0x0  }
0xaa: {  	s25 =	simm.s32 $0x1B8E;
	s24 =	sld [smem:$0x3FFE];
	[sflag:s23] =	ssyncadd.s32 $0xFFFFFFFF  }
0xab: {  	s26 =	simm.s32 $execute0_lowered;
	[smem:$0x3FD2] =	sst s25  }
0xac: {  	s5 =	sshll.u32 s26, $0x1;
	_ =	strace $0x80000046;
	[dreg:$0x1] =	wrdreg $0xFFFFFFFF  }
0xad: {  	s28 =	simm.s32 $_size_execute0_lowered;
	s3 =	sadd.s32 s3, s5;
	[dreg:$0x0] =	wrdreg $0x0  }
0xae: {  	s5 =	sshll.u32 s28, $0x1;
	[dreg:$0x2] =	wrdreg s3  }
0xaf: {  	[dreg:$0x3] =	wrdreg s5  }
0xb0: {  	[dreg:$0x4] =	wrdreg $0xC0  }
0xb1: {  	_ =	task [dreg:s7], $0x5FFFF  }
0xb2: {  	[dreg:$0x1] =	wrdreg $0xFFFFFFFF  }
0xb3: {  	[dreg:$0x0] =	wrdreg $0x60  }
0xb4: {  	[dreg:$0x2] =	wrdreg s24  }
0xb5: {  	[dreg:$0x3] =	wrdreg s16  }
0xb6: {  	[dreg:$0x4] =	wrdreg $0x2B000  }
0xb7: {  	[dreg:$0x5] =	wrdreg $0x9  }
0xb8: {  	_ =	task.clear_ibuf [dreg:s7], $0x6FFFF;
	_ =	strace $0x90000046  }
0xb9: {  	s29 =	simm.s32 $0x9;
	_ =	strace $0x80000048  }
0xba: {  	_ =	swait.ge [sflag:s29], $0x1  }
0xbb: {  	[sflag:s29] =	ssyncadd.s32 $0xFFFFFFFF  }
0xbc: {  	_ =	strace $0x90000048  }
0xbd: {  	_ =	sfence  }
0xbe: {  	s30 =	sld [smem:$0x0];
	_ =	sdelay $0x2  }
0xbf: {  	s31 =	sshll.u32 s1, $0xD;
	s1 =	sshrl.u32 s1, $0x2  }
0xc0: {  	s3 =	sand.u32 $0x4000, s31;
	s1 =	sadd.s32 s1, s30  }
0xc1: {  	s0 =	sor.u32 s3, s0;
	s1 =	sshll.u32 s1, $0x11  }
0xc2: {  	s0 =	sor.u32 s1, s0  }
0xc3: {  	s0 =	sadd.s32 $0x8F2B, s0  }
0xc4: {  	[sflag:s0] =	ssyncadd.remote.s32 $0x1  }
0xc5: {  	_ =	sfence.sel $0xFFFF  }
0xc6: {  	[dreg:$0x0] =	wrdreg $0xFFFFFFFF;
	(pc) =	sbr.abs _section_cstart, $3  }
0xc7: {  	[dreg:$0x1] =	wrdreg $0xFFFFFFFF  }
0xc8: {  	_ =	task.clear_ibuf [dreg:s7], $0x2FFFF;
	_ =	strace $0x9FFFFFFF  }
0xc9: {  	(tm) =	ssettm $0x7FFFFFFF  }
tec
execute0_lowered:
.L_overlay_start_1:
0x0: {  	(tag) =	ssettag $0x1  }
0x1: {  	s4 =	rddreg [dreg:$0x0]  }
0x2: {  	s6 =	rddreg [dreg:$0x1]  }
0x3: {  	s2 =	rddreg [dreg:$0x2]  }
0x4: {  	s0 =	rddreg [dreg:$0x3]  }
0x5: {  	s3 =	srdreg.scid;
	s1 =	stileid.u32  }
0x6: {  	s11 =	simm.s32 $0x2800;
	s12 =	simm.s32 $0x0;
	s5 =	sand.u32 $0x1, s3  }
0x7: {  	s7 =	sshll.u32 s1, $0x1;
	s8 =	smul.u32 $0x280, s1;
	s3 =	simm.s32 $0x0  }
0x8: {  	s7 =	sor.u32 s5, s7;
	s9 =	smul.u32 $0x2800, s5;
	s5 =	ssub.s32 $0x2, s5  }
0x9: {  	[smem:$0x7FF] =	sst s3;
	s7 =	smul.u32 $0x500, s7;
	s10 =	sshrl.u32 s5, $0x1  }
0xa: {  	_ =	strace $0x80000047;
	s9 =	sadd.s32 s8, s9;
	s10 =	ssub.s32 s5, s10  }
0xb: {  	s7 =	sadd.s32 s7, s4;
	s9 =	sshrl.u32 s9, $0x3;
	s4 =	sadd.s32 s8, s2  }
0xc: {  	s8 =	simm.s32 $0x2880;
	s5 =	sadd.s32 $0x3E00, s7;
	s6 =	sadd.s32 s6, s9  }
0xd: {  	v0 =	vimm.f32 $1.000000000e+00;
	v1 =	vimm.f32 $0.0e+00;
	s7 =	smax.u32 s10, $0x1;
	s9 =	simm.s32 $0x1;
	s10 =	simm.s32 $0x80  }
.LBB2_1:
0xe: {  	[tilespmem:$0x2800] =	vst v0  }
0xf: {  	[tilespmem:$0x2810] =	vst v0  }
0x10: {  	[tilespmem:$0x2820] =	vst v0  }
0x11: {  	[tilespmem:$0x2830] =	vst v0  }
0x12: {  	[tilespmem:$0x2840] =	vst v0  }
0x13: {  	[tilespmem:$0x2850] =	vst v0  }
0x14: {  	[tilespmem:$0x2860] =	vst v0  }
0x15: {  	[tilespmem:$0x2870] =	vst v0  }
0x16: {  	[tilespmem:$0x2880] =	vst v1  }
0x17: {  	[tilespmem:$0x2890] =	vst v1  }
0x18: {  	[tilespmem:$0x28A0] =	vst v1  }
0x19: {  	[tilespmem:$0x28B0] =	vst v1  }
0x1a: {  	[tilespmem:$0x28C0] =	vst v1  }
0x1b: {  	[tilespmem:$0x28D0] =	vst v1  }
0x1c: {  	[tilespmem:$0x28E0] =	vst v1  }
0x1d: {  	[tilespmem:$0x28F0] =	vst v1  }
0x1e: {  	[tilespmem:$0x2900] =	vst v1  }
0x1f: {  	[tilespmem:$0x2910] =	vst v1  }
0x20: {  	[tilespmem:$0x2920] =	vst v1  }
0x21: {  	[tilespmem:$0x2930] =	vst v1  }
0x22: {  	[tilespmem:$0x2940] =	vst v1  }
0x23: {  	[tilespmem:$0x2950] =	vst v1  }
0x24: {  	[tilespmem:$0x2960] =	vst v1  }
0x25: {  	[tilespmem:$0x2970] =	vst v1  }
0x26: {  	[tilespmem:$0x2980] =	vst v1  }
0x27: {  	[tilespmem:$0x2990] =	vst v1  }
0x28: {  	[tilespmem:$0x29A0] =	vst v1  }
0x29: {  	[tilespmem:$0x29B0] =	vst v1  }
0x2a: {  	[tilespmem:$0x29C0] =	vst v1  }
0x2b: {  	[tilespmem:$0x29D0] =	vst v1  }
0x2c: {  	[tilespmem:$0x29E0] =	vst v1  }
0x2d: {  	[tilespmem:$0x29F0] =	vst v1  }
0x2e: {  	[tilespmem:$0x2A00] =	vst v1  }
0x2f: {  	[tilespmem:$0x2A10] =	vst v1  }
0x30: {  	[tilespmem:$0x2A20] =	vst v1  }
0x31: {  	[tilespmem:$0x2A30] =	vst v1  }
0x32: {  	[tilespmem:$0x2A40] =	vst v1  }
0x33: {  	[tilespmem:$0x2A50] =	vst v1  }
0x34: {  	[tilespmem:$0x2A60] =	vst v1  }
0x35: {  	[tilespmem:$0x2A70] =	vst v1  }
0x36: {  	[tilespmem:$0x2A80] =	vst v1  }
0x37: {  	[tilespmem:$0x2A90] =	vst v1  }
0x38: {  	[tilespmem:$0x2AA0] =	vst v1  }
0x39: {  	[tilespmem:$0x2AB0] =	vst v1  }
0x3a: {  	[tilespmem:$0x2AC0] =	vst v1  }
0x3b: {  	[tilespmem:$0x2AD0] =	vst v1  }
0x3c: {  	[tilespmem:$0x2AE0] =	vst v1  }
0x3d: {  	[tilespmem:$0x2AF0] =	vst v1  }
0x3e: {  	[spmem:s4] =	stream.linear.scatter [tilespmem:s8], [sflag:$0x1], $0x280, $0x38;
	[tilespmem:$0x2D80] =	vst v63  }
0x3f: {  	_ =	swait.ge [sflag:s9], $0x280  }
0x40: {  	[sflag:s9] =	ssyncset.done $0x0  }
0x41: {  	[sflag:s9] =	ssyncadd.s32 $0xFFFFFD80  }
0x42: {  	[bflag:$0x0] =	sbarrier.arrive $0xFFFF  }
0x43: {  	[tilespmem:s3], [sflag:$0x1] =	stream.linear.gather [hbm4b:s5+s3], $0x2800, $0x38;
	[tilespmem:$0x2D80] =	vst v63  }
0x44: {  	_ =	swait.ge [sflag:s9], $0x2800  }
0x45: {  	[sflag:s9] =	ssyncset.done $0x0  }
0x46: {  	s13 =	simm.s32 $0x0;
	[sflag:s9] =	ssyncadd.s32 $0xFFFFD800  }
0x47: {  	[spmem:s2] =	stream.indirect.scatter.add.f32 [tilespmem:s11], [sflag:$0x1], $0x1, s13, s10, $0xb8;
	[tilespmem:$0x2D80] =	vst v63  }
0x48: {  	_ =	swait.ge [sflag:s9], $0x80  }
0x49: {  	s13 =	simm.s32 $0x200;
	[sflag:s9] =	ssyncset.done $0x0  }
.LBB2_2:
0x4a: {  	s14 =	sshra.s32 s13, $0x2;
	[sflag:s9] =	ssyncadd.s32 $0xFFFFFF80;
	p0 =	sne.s32 s13, $0x9E00  }
0x4b: {  	[spmem:s2] =	stream.indirect.scatter.add.f32 [tilespmem:s11], [sflag:$0x1], $0x1, s14, s10, $0xb8;
	[tilespmem:$0x2D80] =	vst v63  }
.Ltmp0:
0x4c: {  	_ = 	snop;
	(pc) =	sbr.rel @p0 .LBB2_2-.Ltmp0, $4  }
0x4d: {  	_ = 	snop  }
0x4e: {  	s13 =	sadd.s32 $0x200, s13  }
0x4f: {  	_ =	swait.ge [sflag:s9], $0x80  }
0x50: {  	[sflag:s9] =	ssyncset.done $0x0  }
0x51: {  	[sflag:s9] =	ssyncadd.s32 $0xFFFFFF80  }
0x52: {  	[bflag:$0x0] =	sbarrier.arrive $0xFFFF  }
0x53: {  	[tilespmem:s8], [sflag:$0x1] =	stream.linear.gather [spmem:s4], $0x280, $0x38;
	[tilespmem:$0x2D80] =	vst v63  }
0x54: {  	s12 =	sadd.s32 $0x1, s12;
	_ =	swait.ge [sflag:s9], $0x280  }
0x55: {  	p0 =	sne.s32 s12, s7;
	[sflag:s9] =	ssyncset.done $0x0  }
.Ltmp1:
0x56: {  	[sflag:s9] =	ssyncadd.s32 $0xFFFFFD80;
	(pc) =	sbr.rel @p0 .LBB2_1-.Ltmp1, $4  }
0x57: {  	[hbm4b:s6+s3] =	stream.linear.scatter [tilespmem:s8], [sflag:$0x1], $0x280, $0x38;
	[tilespmem:$0x2D80] =	vst v63  }
0x58: {  	_ =	swait.ge [sflag:s9], $0x280  }
0x59: {  	[sflag:s9] =	ssyncset.done $0x0  }
0x5a: {  	[sflag:s9] =	ssyncadd.s32 $0xFFFFFD80  }
0x5b: {  	_ =	sfence.sel $0x180000  }
0x5c: {  	[bflag:$0x0] =	sbarrier.arrive $0xFFFF  }
0x5d: {  	p0 =	sne.s32 s1, $0x0;
	_ =	strace $0x90000047  }
0x5e: {  	s0 =	sadd.s32 @!p0 $0x100000, s0;
	[bflag:$0x2] =	sbarrier.arrive $0xFFFF  }
0x5f: {  	[sflag:s0] =	ssyncadd.tile.s32 @!p0 $0x1;
	_ =	shalt  }
.Lfunc_end2:
_tile_overlayer_lowered:
.L_overlay_start_2:
0x60: {  	(tag) =	ssettag $0x2  }
0x61: {  	s0 =	rddreg [dreg:$0x0];
	s2 =	stileid.u32  }
0x62: {  	s1 =	rddreg [dreg:$0x1];
	p0 =	sne.s32 s2, $0x0  }
0x63: {  	s3 =	rddreg [dreg:$0x2];
	[bflag:$0x3] =	sbarrier.arrive $0xFFFF;
	s2 =	simm.s32 @!p0 $0x1C01  }
0x64: {  	[timem:s3], [sflag:s2] =	dma.local @!p0 [hbm:s0], s1  }
0x65: {  	s0 =	simm.s32 @!p0 $0x1  }
0x66: {  	_ =	swait.ge @!p0 [sflag:s0], s1  }
0x67: {  	s1 =	ssub.s32 @!p0 $0x0, s1;
	[sflag:s0] =	ssyncset.done @!p0 $0x0  }
0x68: {  	[sflag:s0] =	ssyncadd.s32 @!p0 s1  }
0x69: {  	[bflag:$0x3] =	sbarrier.arrive $0xFFFF  }
0x6a: {  	_ =	shalt  }

// kernel: kernel.14.cloned.1.call-start
scs
__scs_entry_jumppad:
0x0: {  	(pc) =	sbr.rel $0x88, $3  }
0x1: {  	(tag) =	ssettag $0x0;
	lr =	simm.s32 $0x1  }
0x2: {  	[smem:$0x3F96] =	sst lr;
	_ =	strace $0xD0000000  }
0x3: {  	_ = 	snop  }
0x4: {  	_ = 	snop  }
0x5: {  	_ = 	snop  }
0x6: {  	_ = 	snop  }
0x7: {  	_ = 	snop  }
__scs_overlays_trampoline_lowered:
0x8: {  	[smem:$0x3FA5] =	sst s0  }
0x9: {  	[smem:$0x3FA6] =	sst s1  }
0xa: {  	[smem:$0x3FA7] =	sst s2  }
0xb: {  	[smem:$0x3FA8] =	sst s3  }
0xc: {  	[smem:$0x3FA9] =	sst s4  }
0xd: {  	[smem:$0x3FAA] =	sst s5  }
0xe: {  	[smem:$0x3FAB] =	sst s6  }
0xf: {  	[smem:$0x3FAC] =	sst s7  }
0x10: {  	[smem:$0x3FAD] =	sst s8  }
0x11: {  	[smem:$0x3FAE] =	sst s9;
	s0 =	simm.s32 @!p0 $0x0  }
0x12: {  	s1 =	sld [smem:$0x3F94];
	s0 =	simm.s32 @p0 $0x1  }
0x13: {  	[smem:$0x3FAF] =	sst s0;
	s0 =	simm.s32 @!p1 $0x0  }
0x14: {  	s2 =	sld [smem:$0x3F93];
	s0 =	simm.s32 @p1 $0x1  }
0x15: {  	[smem:$0x3FB0] =	sst s0;
	s0 =	simm.s32 @!p2 $0x0  }
0x16: {  	s3 =	sld [smem:$0x3FDB];
	s0 =	simm.s32 @p2 $0x1  }
0x17: {  	s4 =	simm.s32 $0x1BF5;
	[smem:$0x3FB2] =	sst s0  }
0x18: {  	s0 =	sld [smem:$0x3F95];
	_ =	swait.ge [sflag:s4], $0x0  }
0x19: {  	s7 =	sld [smem:$0x3F96]  }
0x1a: {  	s8 =	sadd.s32 $0xFFFFE003, lr  }
0x1b: {  	s9 =	sadd.s32 $0xFFFFFEF7, lr;
	s5 =	simm.s32 $0xFFFFFFFF;
	p2 =	slt.u32 s8, $0xFFFFF086  }
0x1c: {  	p1 =	slt.u32 s9, $0xF7A;
	s5 =	simm.s32 @!p2 $0x0  }
0x1d: {  	s5 =	simm.s32 @p1 $0x1;
	p0 =	seq.s32 s7, s2  }
0x1e: {  	s7 =	smul.u32 @!p0 $0xF7A, s2;
	p2 =	seq.s32 @!p0 s5, $0x0  }
0x1f: {  	s9 =	smul.u32 $0xF7A, s1;
	s8 =	simm.s32 @!p0 $0x1BF5;
	p2 =	por !p2, p0  }
0x20: {  	[sflag:s8] =	ssyncset.s32 @!p0 $0xFFFFF086;
	s6 =	sadd.s32 @!p0 s3, s7;
	s7 =	simm.s32 @!p0 $0x108  }
0x21: {  	s3 =	sadd.s32 s3, s9;
	s6 =	sadd.s32 @!p0 $0x88, s6;
	s7 =	simm.s32 @p2 $0x1082  }
0x22: {  	[simem:s7], [sflag:s8] =	dma.local @!p0 [hbm:s6], $0xF7A  }
0x23: {  	s9 =	sor.u32 $0xD0000000, s2;
	s6 =	simm.s32 $0x108;
	_ =	swait.ge @!p0 [sflag:s8], $0x0  }
0x24: {  	s3 =	sadd.s32 $0x88, s3;
	s6 =	simm.s32 @!p1 $0x1082;
	[sflag:s4] =	ssyncset.s32 $0xFFFFF086  }
0x25: {  	[simem:s6], [sflag:s4] =	dma.local [hbm:s3], $0xF7A  }
0x26: {  	[smem:$0x3F96] =	sst s1;
	(tag) =	ssettag s2;
	_ =	strace s9  }
0x27: {  	s1 =	sld [smem:$0x3FA6]  }
0x28: {  	s2 =	sld [smem:$0x3FA7]  }
0x29: {  	s4 =	sld [smem:$0x3FA9]  }
0x2a: {  	p0 =	seq.s32 s5, $0x0;
	s5 =	sld [smem:$0x3FAA]  }
0x2b: {  	s6 =	sld [smem:$0x3FAB]  }
0x2c: {  	s7 =	sld [smem:$0x3FAC]  }
0x2d: {  	s3 =	simm.s32 $0x108;
	s8 =	sld [smem:$0x3FAD]  }
0x2e: {  	s3 =	simm.s32 @!p0 $0x1082;
	s9 =	sld [smem:$0x3FAE]  }
0x2f: {  	lr =	sadd.s32 s0, s3;
	s0 =	sld [smem:$0x3FA5]  }
0x30: {  	s3 =	sld [smem:$0x3FA8]  }
0x31: {  	[smem:$0x3FB1] =	sst s10  }
0x32: {  	s10 =	sld [smem:$0x3FAF];
	_ =	sdelay $0x3  }
0x33: {  	p0 =	seq.s32 s10, $0x1;
	s10 =	sld [smem:$0x3FB1];
	_ =	sdelay $0x3  }
0x34: {  	[smem:$0x3FB1] =	sst s10  }
0x35: {  	s10 =	sld [smem:$0x3FB0];
	_ =	sdelay $0x3  }
0x36: {  	p1 =	seq.s32 s10, $0x1;
	s10 =	sld [smem:$0x3FB1];
	_ =	sdelay $0x3  }
0x37: {  	[smem:$0x3FB1] =	sst s10  }
0x38: {  	s10 =	sld [smem:$0x3FB2]  }
0x39: {  	_ = 	snop;
	(pc) =	sbr.ind lr, $3  }
0x3a: {  	_ = 	snop  }
0x3b: {  	_ = 	snop  }
0x3c: {  	p2 =	seq.s32 s10, $0x1;
	s10 =	sld [smem:$0x3FB1]  }
0x3d: {  	_ =	shalt  }
0x3e: {  	_ =	shalt  }
0x3f: {  	_ =	shalt  }
0x40: {  	_ =	shalt  }
0x41: {  	_ =	shalt  }
0x42: {  	_ =	shalt  }
0x43: {  	_ =	shalt  }
0x44: {  	_ =	shalt  }
0x45: {  	_ =	shalt  }
0x46: {  	_ =	shalt  }
0x47: {  	_ =	shalt  }
0x48: {  	_ =	shalt  }
0x49: {  	_ =	shalt  }
0x4a: {  	_ =	shalt  }
0x4b: {  	_ =	shalt  }
0x4c: {  	_ =	shalt  }
0x4d: {  	_ =	shalt  }
0x4e: {  	_ =	shalt  }
0x4f: {  	_ =	shalt  }
0x50: {  	_ =	shalt  }
0x51: {  	_ =	shalt  }
0x52: {  	_ =	shalt  }
0x53: {  	_ =	shalt  }
0x54: {  	_ =	shalt  }
0x55: {  	_ =	shalt  }
0x56: {  	_ =	shalt  }
0x57: {  	_ =	shalt  }
0x58: {  	_ =	shalt  }
0x59: {  	_ =	shalt  }
0x5a: {  	_ =	shalt  }
0x5b: {  	_ =	shalt  }
0x5c: {  	_ =	shalt  }
0x5d: {  	_ =	shalt  }
0x5e: {  	_ =	shalt  }
0x5f: {  	_ =	shalt  }
0x60: {  	_ =	shalt  }
0x61: {  	_ =	shalt  }
0x62: {  	_ =	shalt  }
0x63: {  	_ =	shalt  }
0x64: {  	_ =	shalt  }
0x65: {  	_ =	shalt  }
0x66: {  	_ =	shalt  }
0x67: {  	_ =	shalt  }
0x68: {  	_ =	shalt  }
0x69: {  	_ =	shalt  }
0x6a: {  	_ =	shalt  }
0x6b: {  	_ =	shalt  }
0x6c: {  	_ =	shalt  }
0x6d: {  	_ =	shalt  }
0x6e: {  	_ =	shalt  }
0x6f: {  	_ =	shalt  }
0x70: {  	_ =	shalt  }
0x71: {  	_ =	shalt  }
0x72: {  	_ =	shalt  }
0x73: {  	_ =	shalt  }
0x74: {  	_ =	shalt  }
0x75: {  	_ =	shalt  }
0x76: {  	_ =	shalt  }
0x77: {  	_ =	shalt  }
0x78: {  	_ =	shalt  }
0x79: {  	_ =	shalt  }
0x7a: {  	_ =	shalt  }
0x7b: {  	_ =	shalt  }
0x7c: {  	_ =	shalt  }
0x7d: {  	_ =	shalt  }
0x7e: {  	_ =	shalt  }
0x7f: {  	_ =	shalt  }
0x80: {  	_ =	shalt  }
0x81: {  	_ =	shalt  }
0x82: {  	_ =	shalt  }
0x83: {  	_ =	shalt  }
0x84: {  	_ =	shalt  }
0x85: {  	_ =	shalt  }
0x86: {  	_ =	shalt  }
0x87: {  	_ =	shalt  }
.Lfunc_end0:
.L_simem_size_0:
called_computation.1_lowered:
.L_overlay_start_0:
0x88: {  	s2 =	sld [smem:$0x3FD9]  }
0x89: {  	s3 =	sld [smem:$0x3FFE];
	_ =	sdelay $0x1  }
0x8a: {  	s1 =	srdreg.scid  }
0x8b: {  	s0 =	sand.u32 $0x1, s1  }
0x8c: {  	s15 =	sshll.u32 s0, $0xA;
	s2 =	sadd.s32 s3, s2  }
0x8d: {  	s2 =	sadd.s32 s2, s15  }
0x8e: {  	[smem:$0x3FBD] =	sst s2  }
0x8f: {  	_ = 	snop  }
0x90: {  	s2 =	sld [smem:$0x3FD0];
	_ =	sdelay $0x2  }
0x91: {  	s16 =	simm.s32 $0xB;
	s4 =	simm.s32 $0x10  }
0x92: {  	[smem:s4], [sflag:s16] =	dma.local [hbm:s2], $0x1  }
0x93: {  	_ =	swait.eq [sflag:s16], $0x1  }
0x94: {  	[sflag:s16] =	ssyncset.done $0x0  }
0x95: {  	s17 =	sld [smem:$0x10];
	[sflag:s16] =	ssyncadd.s32 $0xFFFFFFFF  }
0x96: {  	s18 =	sld [smem:$0x11];
	(tm) =	ssettm $0x1  }
0x97: {  	s19 =	sld [smem:$0x3FFB];
	_ =	sdelay $0x3  }
0x98: {  	_ =	strace s19  }
0x99: {  	s2 =	sld [smem:$0x3FFC];
	_ =	sdelay $0x3  }
0x9a: {  	_ =	strace s2  }
0x9b: {  	s2 =	sld [smem:$0x3FFD];
	_ =	sdelay $0x3  }
0x9c: {  	_ =	strace s2  }
0x9d: {  	_ =	strace $0x8FFFFFFF  }
0x9e: {  	s20 =	sld [smem:$0x3FDB];
	_ =	sdelay $0x1  }
0x9f: {  	s5 =	simm.s32 $_scs_section_size  }
0xa0: {  	s6 =	simm.s32 $_size__tile_overlayer_lowered;
	s7 =	simm.s32 $_tile_overlayer_lowered  }
0xa1: {  	s8 =	simm.s32 $0x1BFF;
	s21 =	sshll.u32 s7, $0x1;
	s5 =	sadd.s32 s5, s20  }
0xa2: {  	s22 =	simm.s32 $0x0;
	s6 =	sshll.u32 s6, $0x1;
	s7 =	sadd.s32 s21, s5  }
0xa3: {  	[timem:s22], [sflag:s8] =	dma.local [hbm:s7], s6  }
0xa4: {  	_ =	swait.ge [sflag:s8], s6  }
0xa5: {  	s6 =	ssub.s32 $0x0, s6;
	[sflag:s8] =	ssyncset.done $0x0  }
0xa6: {  	[sflag:s8] =	ssyncadd.s32 s6;
	_ =	sdelay $0x1  }
0xa7: {  	s23 =	simm.s32 $0x1B8B  }
0xa8: {  	_ =	swait.ge [sflag:s23], $0x1  }
0xa9: {  	[sflag:s23] =	ssyncset.done $0x0  }
0xaa: {  	[sflag:s23] =	ssyncadd.s32 $0xFFFFFFFF  }
0xab: {  	s6 =	sld [smem:$0x0]  }
0xac: {  	s7 =	sand.u32 $0xFFFFFFFE, s1  }
0xad: {  	p0 =	sne.s32 s1, s7  }
0xae: {  	s7 =	sshll.u32 @p0 s7, $0xE  }
0xaf: {  	s7 =	sadd.s32 @p0 $0x11B8D, s7;
	s8 =	sshll.u32 @p0 s6, $0x11  }
0xb0: {  	s7 =	sor.u32 @p0 s8, s7  }
0xb1: {  	[sflag:s7] =	ssyncadd.remote.s32 @p0 $0x1;
	_ =	sdelay $0x1  }
0xb2: {  	s7 =	simm.s32 @p0 $0x1B8D  }
0xb3: {  	_ =	swait.eq @p0 [sflag:s7], $0x1  }
0xb4: {  	[sflag:s7] =	ssyncadd.s32 @p0 $0xFFFFFFFF  }
0xb5: {  	s8 =	sshll.u32 @!p0 s1, $0xE  }
0xb6: {  	s8 =	sor.u32 @!p0 $0x4000, s8;
	s7 =	simm.s32 @!p0 $0x1B8D  }
0xb7: {  	s6 =	sshll.u32 @!p0 s6, $0x11;
	s8 =	sadd.s32 @!p0 $0x11B8D, s8;
	_ =	swait.eq @!p0 [sflag:s7], $0x1  }
0xb8: {  	s6 =	sor.u32 @!p0 s6, s8;
	[sflag:s7] =	ssyncadd.s32 @!p0 $0xFFFFFFFF  }
0xb9: {  	s25 =	simm.s32 $0x1B8E;
	s24 =	sld [smem:$0x3FFE];
	[sflag:s6] =	ssyncadd.remote.s32 @!p0 $0x1  }
0xba: {  	s26 =	simm.s32 $execute0_lowered;
	[smem:$0x3FD2] =	sst s25  }
0xbb: {  	s7 =	sshll.u32 s26, $0x1;
	_ =	strace $0x8000004C;
	[dreg:$0x1] =	wrdreg $0xFFFFFFFF  }
0xbc: {  	s28 =	simm.s32 $_size_execute0_lowered;
	s5 =	sadd.s32 s5, s7;
	[dreg:$0x0] =	wrdreg $0x0  }
0xbd: {  	s7 =	sshll.u32 s28, $0x1;
	[dreg:$0x2] =	wrdreg s5  }
0xbe: {  	[dreg:$0x3] =	wrdreg s7  }
0xbf: {  	[dreg:$0x4] =	wrdreg $0xC0  }
0xc0: {  	_ =	task [dreg:s22], $0x5FFFF  }
0xc1: {  	[dreg:$0x1] =	wrdreg $0xFFFFFFFF  }
0xc2: {  	[dreg:$0x0] =	wrdreg $0x60  }
0xc3: {  	[dreg:$0x2] =	wrdreg s17  }
0xc4: {  	[dreg:$0x3] =	wrdreg s24  }
0xc5: {  	[dreg:$0x4] =	wrdreg s18  }
0xc6: {  	[dreg:$0x5] =	wrdreg $0xA8000  }
0xc7: {  	[dreg:$0x6] =	wrdreg $0x9  }
0xc8: {  	_ =	task.clear_ibuf [dreg:s22], $0x7FFFF;
	_ =	strace $0x9000004C  }
0xc9: {  	s29 =	simm.s32 $0x9;
	_ =	strace $0x8000004E  }
0xca: {  	_ =	swait.ge [sflag:s29], $0x1  }
0xcb: {  	[sflag:s29] =	ssyncadd.s32 $0xFFFFFFFF  }
0xcc: {  	_ =	strace $0x9000004E  }
0xcd: {  	_ =	sfence  }
0xce: {  	s30 =	sld [smem:$0x0];
	_ =	sdelay $0x2  }
0xcf: {  	s31 =	sshll.u32 s1, $0xD;
	s1 =	sshrl.u32 s1, $0x2  }
0xd0: {  	s4 =	sand.u32 $0x4000, s31;
	s1 =	sadd.s32 s1, s30  }
0xd1: {  	s0 =	sor.u32 s4, s0;
	s1 =	sshll.u32 s1, $0x11  }
0xd2: {  	s0 =	sor.u32 s1, s0  }
0xd3: {  	s0 =	sadd.s32 $0x8F2B, s0  }
0xd4: {  	[sflag:s0] =	ssyncadd.remote.s32 $0x1  }
0xd5: {  	_ =	sfence.sel $0xFFFF  }
0xd6: {  	[dreg:$0x0] =	wrdreg $0xFFFFFFFF;
	(pc) =	sbr.abs _section_cstart, $3  }
0xd7: {  	[dreg:$0x1] =	wrdreg $0xFFFFFFFF  }
0xd8: {  	_ =	task.clear_ibuf [dreg:s22], $0x2FFFF;
	_ =	strace $0x9FFFFFFF  }
0xd9: {  	(tm) =	ssettm $0x7FFFFFFF  }
tec
execute0_lowered:
.L_overlay_start_1:
0x0: {  	(tag) =	ssettag $0x1  }
0x1: {  	s9 =	rddreg [dreg:$0x0]  }
0x2: {  	s6 =	rddreg [dreg:$0x1]  }
0x3: {  	s2 =	rddreg [dreg:$0x2]  }
0x4: {  	s3 =	rddreg [dreg:$0x3]  }
0x5: {  	s0 =	rddreg [dreg:$0x4];
	s5 =	srdreg.scid  }
0x6: {  	s1 =	stileid.u32;
	s4 =	simm.s32 $0x0;
	s16 =	simm.s32 $0x80  }
0x7: {  	s17 =	simm.s32 $0x2800;
	s18 =	simm.s32 $0x1;
	s19 =	simm.s32 $0x6800  }
0x8: {  	s20 =	simm.s32 $0x2;
	s21 =	simm.s32 $0x1380;
	s22 =	simm.s32 $0x2700  }
0x9: {  	s23 =	simm.s32 $0x2780;
	s24 =	simm.s32 $0x0;
	s5 =	sand.u32 $0x1, s5  }
0xa: {  	s7 =	smul.u32 $0x14000, s1;
	[smem:$0x7FF] =	sst s4;
	s10 =	sadd.s32 $0x3E00, s6  }
0xb: {  	s11 =	sshll.u32 s1, $0x1;
	s28 =	sshll.u32 s1, $0x6;
	s8 =	smul.u32 $0x140000, s5  }
0xc: {  	_ =	strace $0x8000004D;
	s12 =	ssub.s32 $0x2, s5;
	s11 =	sor.u32 s5, s11  }
0xd: {  	s5 =	sadd.s32 $0xDE00, s6;
	s13 =	sshrl.u32 s12, $0x1;
	s14 =	smul.u32 $0x2800, s11  }
0xe: {  	s29 =	smul.u32 $0x500, s11;
	s31 =	sadd.s32 s7, s3;
	s8 =	sadd.s32 s7, s8  }
0xf: {  	s12 =	ssub.s32 s12, s13;
	s13 =	sshrl.u32 s31, $0x3;
	s8 =	sshrl.u32 s8, $0x3  }
0x10: {  	s30 =	sshrl.u32 s14, $0x3;
	s7 =	sadd.s32 s9, s29;
	s12 =	smax.u32 s12, $0x1  }
0x11: {  	s14 =	simm.s32 $0x3;
	s15 =	sadd.s32 s8, s6;
	s11 =	sadd.s32 $0x280, s30  }
0x12: {  	s6 =	sor.u32 $0x1C03, s28;
	s8 =	sadd.s32 s10, s29;
	s9 =	sadd.s32 s9, s11  }
0x13: {  	s10 =	sadd.s32 s10, s11;
	s11 =	sadd.s32 $0x73200, s15;
	s15 =	simm.s32 $0x1400  }
.LBB2_1:
0x14: {  	[spmem:s13], [sflag:s6] =	dma.local [hbm:s2], $0x2800  }
0x15: {  	_ =	swait.ge [sflag:s14], $0x2800  }
0x16: {  	[sflag:s14] =	ssyncset.done $0x0  }
0x17: {  	[sflag:s14] =	ssyncadd.s32 $0xFFFFD800  }
0x18: {  	[bflag:$0x0] =	sbarrier.arrive $0xFFFF  }
0x19: {  	[tilespmem:s4], [sflag:$0x3] =	stream.linear.gather [hbm4b:s7+s4], $0x1400, $0x38;
	[tilespmem:$0x1E800] =	vst v63  }
0x1a: {  	_ =	swait.ge [sflag:s14], $0x1400  }
0x1b: {  	[sflag:s14] =	ssyncset.done $0x0  }
0x1c: {  	[sflag:s14] =	ssyncadd.s32 $0xFFFFEC00  }
0x1d: {  	[tilespmem:s15], [sflag:$0x3] =	stream.linear.gather [hbm4b:s8+s4], $0x1400, $0x38;
	[tilespmem:$0x1E800] =	vst v63  }
0x1e: {  	_ =	swait.ge [sflag:s14], $0x1400  }
0x1f: {  	[sflag:s14] =	ssyncset.done $0x0  }
0x20: {  	[sflag:s14] =	ssyncadd.s32 $0xFFFFEC00  }
0x21: {  	[tilespmem:s17], [sflag:$0x1] =	stream.indirect.gather [hbm4b:s5+s16], $0x80, s4, s16, $0xb8;
	[tilespmem:$0x1E800] =	vst v63  }
0x22: {  	_ =	swait.ge [sflag:s18], $0x4000  }
0x23: {  	[sflag:s18] =	ssyncset.done $0x0  }
0x24: {  	s25 =	simm.s32 $0x80;
	[sflag:s18] =	ssyncadd.s32 $0xFFFFC000  }
0x25: {  	[tilespmem:s19], [sflag:$0x2] =	stream.indirect.gather [hbm4b:s5+s16], $0x80, s25, s16, $0xb8;
	[tilespmem:$0x1E800] =	vst v63  }
0x26: {  	s29 =	simm.s32 $0x1400  }
0x27: {  	[spmem:s3] =	stream.indirect.scatter.add.f32 [tilespmem:s17], [sflag:$0x3], $0x80, s29, s16, $0xb8;
	[tilespmem:$0x1E800] =	vst v63  }
0x28: {  	_ =	swait.ge [sflag:s14], $0x4000  }
0x29: {  	[sflag:s14] =	ssyncset.done $0x0  }
0x2a: {  	[sflag:s14] =	ssyncadd.s32 $0xFFFFC000  }
0x2b: {  	_ =	swait.ge [sflag:s20], $0x4000  }
0x2c: {  	[sflag:s20] =	ssyncset.done $0x0  }
0x2d: {  	s30 =	simm.s32 $0x100;
	[sflag:s20] =	ssyncadd.s32 $0xFFFFC000  }
0x2e: {  	[tilespmem:s17], [sflag:$0x1] =	stream.indirect.gather [hbm4b:s5+s16], $0x80, s30, s16, $0xb8;
	[tilespmem:$0x1E800] =	vst v63  }
0x2f: {  	s31 =	simm.s32 $0x1480  }
0x30: {  	[spmem:s3] =	stream.indirect.scatter.add.f32 [tilespmem:s19], [sflag:$0x3], $0x80, s31, s16, $0xb8;
	[tilespmem:$0x1E800] =	vst v63  }
0x31: {  	_ =	swait.ge [sflag:s14], $0x4000  }
0x32: {  	s25 =	simm.s32 $0x400;
	[sflag:s14] =	ssyncset.done $0x0  }
.LBB2_2:
0x33: {  	p0 =	sne.s32 s25, $0x4800  }
0x34: {  	[sflag:s14] =	ssyncadd.s32 $0xFFFFC000;
	s26 =	smov.u32 s25;
	s25 =	sadd.s32 $0x400, s25  }
0x35: {  	_ = 	snop  }
0x36: {  	_ =	swait.ge [sflag:s18], $0x4000  }
0x37: {  	s26 =	sshra.s32 s26, $0x2;
	[sflag:s18] =	ssyncset.done $0x0  }
0x38: {  	s28 =	sadd.s32 $0x80, s26;
	[sflag:s18] =	ssyncadd.s32 $0xFFFFC000  }
0x39: {  	[tilespmem:s19], [sflag:$0x2] =	stream.indirect.gather [hbm4b:s5+s16], $0x80, s28, s16, $0xb8;
	[tilespmem:$0x1E800] =	vst v63  }
0x3a: {  	s28 =	sadd.s32 $0x1400, s26  }
0x3b: {  	[spmem:s3] =	stream.indirect.scatter.add.f32 [tilespmem:s17], [sflag:$0x3], $0x80, s28, s16, $0xb8;
	[tilespmem:$0x1E800] =	vst v63  }
0x3c: {  	_ =	swait.ge [sflag:s14], $0x4000  }
0x3d: {  	[sflag:s14] =	ssyncset.done $0x0  }
0x3e: {  	[sflag:s14] =	ssyncadd.s32 $0xFFFFC000  }
0x3f: {  	_ =	swait.ge [sflag:s20], $0x4000  }
0x40: {  	[sflag:s20] =	ssyncset.done $0x0  }
0x41: {  	s28 =	sadd.s32 $0x100, s26;
	[sflag:s20] =	ssyncadd.s32 $0xFFFFC000  }
0x42: {  	[tilespmem:s17], [sflag:$0x1] =	stream.indirect.gather [hbm4b:s5+s16], $0x80, s28, s16, $0xb8;
	[tilespmem:$0x1E800] =	vst v63  }
.Ltmp0:
0x43: {  	_ = 	snop;
	(pc) =	sbr.rel @p0 .LBB2_2-.Ltmp0, $4  }
0x44: {  	s26 =	sadd.s32 $0x1480, s26  }
0x45: {  	[spmem:s3] =	stream.indirect.scatter.add.f32 [tilespmem:s19], [sflag:$0x3], $0x80, s26, s16, $0xb8;
	[tilespmem:$0x1E800] =	vst v63  }
0x46: {  	_ =	swait.ge [sflag:s14], $0x4000  }
0x47: {  	[sflag:s14] =	ssyncset.done $0x0  }
0x48: {  	[sflag:s14] =	ssyncadd.s32 $0xFFFFC000  }
0x49: {  	_ =	swait.ge [sflag:s18], $0x4000  }
0x4a: {  	[sflag:s18] =	ssyncset.done $0x0  }
0x4b: {  	[sflag:s18] =	ssyncadd.s32 $0xFFFFC000  }
0x4c: {  	[tilespmem:s19], [sflag:$0x2] =	stream.indirect.gather [hbm4b:s5+s16], $0x80, s21, s16, $0xb8;
	[tilespmem:$0x1E800] =	vst v63  }
0x4d: {  	_ = 	snop  }
0x4e: {  	[spmem:s3] =	stream.indirect.scatter.add.f32 [tilespmem:s17], [sflag:$0x3], $0x80, s22, s16, $0xb8;
	[tilespmem:$0x1E800] =	vst v63  }
0x4f: {  	_ =	swait.ge [sflag:s14], $0x4000  }
0x50: {  	[sflag:s14] =	ssyncset.done $0x0  }
0x51: {  	[sflag:s14] =	ssyncadd.s32 $0xFFFFC000  }
0x52: {  	_ =	swait.ge [sflag:s20], $0x4000  }
0x53: {  	[sflag:s20] =	ssyncset.done $0x0  }
0x54: {  	[sflag:s20] =	ssyncadd.s32 $0xFFFFC000  }
0x55: {  	[spmem:s3] =	stream.indirect.scatter.add.f32 [tilespmem:s19], [sflag:$0x3], $0x80, s23, s16, $0xb8;
	[tilespmem:$0x1E800] =	vst v63  }
0x56: {  	_ =	swait.ge [sflag:s14], $0x4000  }
0x57: {  	[sflag:s14] =	ssyncset.done $0x0  }
0x58: {  	s25 =	simm.s32 $0x0;
	[sflag:s14] =	ssyncadd.s32 $0xFFFFC000  }
0x59: {  	[tilespmem:s25], [sflag:$0x3] =	stream.linear.gather [hbm4b:s9+s25], $0x1400, $0x38;
	[tilespmem:$0x1E800] =	vst v63  }
0x5a: {  	_ =	swait.ge [sflag:s14], $0x1400  }
0x5b: {  	[sflag:s14] =	ssyncset.done $0x0  }
0x5c: {  	[sflag:s14] =	ssyncadd.s32 $0xFFFFEC00  }
0x5d: {  	[tilespmem:s15], [sflag:$0x3] =	stream.linear.gather [hbm4b:s10+s25], $0x1400, $0x38;
	[tilespmem:$0x1E800] =	vst v63  }
0x5e: {  	_ =	swait.ge [sflag:s14], $0x1400  }
0x5f: {  	[sflag:s14] =	ssyncset.done $0x0  }
0x60: {  	[sflag:s14] =	ssyncadd.s32 $0xFFFFEC00  }
0x61: {  	[tilespmem:s17], [sflag:$0x1] =	stream.indirect.gather [hbm4b:s5+s16], $0x80, s25, s16, $0xb8;
	[tilespmem:$0x1E800] =	vst v63  }
0x62: {  	_ =	swait.ge [sflag:s18], $0x4000  }
0x63: {  	[sflag:s18] =	ssyncset.done $0x0  }
0x64: {  	s28 =	simm.s32 $0x80;
	[sflag:s18] =	ssyncadd.s32 $0xFFFFC000  }
0x65: {  	[tilespmem:s19], [sflag:$0x2] =	stream.indirect.gather [hbm4b:s5+s16], $0x80, s28, s16, $0xb8;
	[tilespmem:$0x1E800] =	vst v63  }
0x66: {  	s29 =	simm.s32 $0x1400  }
0x67: {  	[spmem:s3] =	stream.indirect.scatter.add.f32 [tilespmem:s17], [sflag:$0x3], $0x80, s29, s16, $0xb8;
	[tilespmem:$0x1E800] =	vst v63  }
0x68: {  	_ =	swait.ge [sflag:s14], $0x4000  }
0x69: {  	[sflag:s14] =	ssyncset.done $0x0  }
0x6a: {  	[sflag:s14] =	ssyncadd.s32 $0xFFFFC000  }
0x6b: {  	_ =	swait.ge [sflag:s20], $0x4000  }
0x6c: {  	[sflag:s20] =	ssyncset.done $0x0  }
0x6d: {  	s30 =	simm.s32 $0x100;
	[sflag:s20] =	ssyncadd.s32 $0xFFFFC000  }
0x6e: {  	[tilespmem:s17], [sflag:$0x1] =	stream.indirect.gather [hbm4b:s5+s16], $0x80, s30, s16, $0xb8;
	[tilespmem:$0x1E800] =	vst v63  }
0x6f: {  	s31 =	simm.s32 $0x1480  }
0x70: {  	[spmem:s3] =	stream.indirect.scatter.add.f32 [tilespmem:s19], [sflag:$0x3], $0x80, s31, s16, $0xb8;
	[tilespmem:$0x1E800] =	vst v63  }
0x71: {  	_ =	swait.ge [sflag:s14], $0x4000  }
0x72: {  	s25 =	simm.s32 $0x400;
	[sflag:s14] =	ssyncset.done $0x0  }
.LBB2_4:
0x73: {  	p0 =	sne.s32 s25, $0x4800  }
0x74: {  	[sflag:s14] =	ssyncadd.s32 $0xFFFFC000;
	s26 =	smov.u32 s25;
	s25 =	sadd.s32 $0x400, s25  }
0x75: {  	_ = 	snop  }
0x76: {  	_ =	swait.ge [sflag:s18], $0x4000  }
0x77: {  	s26 =	sshra.s32 s26, $0x2;
	[sflag:s18] =	ssyncset.done $0x0  }
0x78: {  	s28 =	sadd.s32 $0x80, s26;
	[sflag:s18] =	ssyncadd.s32 $0xFFFFC000  }
0x79: {  	[tilespmem:s19], [sflag:$0x2] =	stream.indirect.gather [hbm4b:s5+s16], $0x80, s28, s16, $0xb8;
	[tilespmem:$0x1E800] =	vst v63  }
0x7a: {  	s28 =	sadd.s32 $0x1400, s26  }
0x7b: {  	[spmem:s3] =	stream.indirect.scatter.add.f32 [tilespmem:s17], [sflag:$0x3], $0x80, s28, s16, $0xb8;
	[tilespmem:$0x1E800] =	vst v63  }
0x7c: {  	_ =	swait.ge [sflag:s14], $0x4000  }
0x7d: {  	[sflag:s14] =	ssyncset.done $0x0  }
0x7e: {  	[sflag:s14] =	ssyncadd.s32 $0xFFFFC000  }
0x7f: {  	_ =	swait.ge [sflag:s20], $0x4000  }
0x80: {  	[sflag:s20] =	ssyncset.done $0x0  }
0x81: {  	s28 =	sadd.s32 $0x100, s26;
	[sflag:s20] =	ssyncadd.s32 $0xFFFFC000  }
0x82: {  	[tilespmem:s17], [sflag:$0x1] =	stream.indirect.gather [hbm4b:s5+s16], $0x80, s28, s16, $0xb8;
	[tilespmem:$0x1E800] =	vst v63  }
.Ltmp1:
0x83: {  	_ = 	snop;
	(pc) =	sbr.rel @p0 .LBB2_4-.Ltmp1, $4  }
0x84: {  	s26 =	sadd.s32 $0x1480, s26  }
0x85: {  	[spmem:s3] =	stream.indirect.scatter.add.f32 [tilespmem:s19], [sflag:$0x3], $0x80, s26, s16, $0xb8;
	[tilespmem:$0x1E800] =	vst v63  }
0x86: {  	_ =	swait.ge [sflag:s14], $0x4000  }
0x87: {  	[sflag:s14] =	ssyncset.done $0x0  }
0x88: {  	[sflag:s14] =	ssyncadd.s32 $0xFFFFC000  }
0x89: {  	_ =	swait.ge [sflag:s18], $0x4000  }
0x8a: {  	[sflag:s18] =	ssyncset.done $0x0  }
0x8b: {  	[sflag:s18] =	ssyncadd.s32 $0xFFFFC000  }
0x8c: {  	[tilespmem:s19], [sflag:$0x2] =	stream.indirect.gather [hbm4b:s5+s16], $0x80, s21, s16, $0xb8;
	[tilespmem:$0x1E800] =	vst v63  }
0x8d: {  	_ = 	snop  }
0x8e: {  	[spmem:s3] =	stream.indirect.scatter.add.f32 [tilespmem:s17], [sflag:$0x3], $0x80, s22, s16, $0xb8;
	[tilespmem:$0x1E800] =	vst v63  }
0x8f: {  	_ =	swait.ge [sflag:s14], $0x4000  }
0x90: {  	[sflag:s14] =	ssyncset.done $0x0  }
0x91: {  	[sflag:s14] =	ssyncadd.s32 $0xFFFFC000  }
0x92: {  	_ =	swait.ge [sflag:s20], $0x4000  }
0x93: {  	[sflag:s20] =	ssyncset.done $0x0  }
0x94: {  	[sflag:s20] =	ssyncadd.s32 $0xFFFFC000  }
0x95: {  	[spmem:s3] =	stream.indirect.scatter.add.f32 [tilespmem:s19], [sflag:$0x3], $0x80, s23, s16, $0xb8;
	[tilespmem:$0x1E800] =	vst v63  }
0x96: {  	_ =	swait.ge [sflag:s14], $0x4000  }
0x97: {  	s24 =	sadd.s32 $0x1, s24;
	[sflag:s14] =	ssyncset.done $0x0  }
0x98: {  	p0 =	sne.s32 s24, s12;
	[sflag:s14] =	ssyncadd.s32 $0xFFFFC000  }
.Ltmp2:
0x99: {  	[bflag:$0x0] =	sbarrier.arrive $0xFFFF;
	(pc) =	sbr.rel @p0 .LBB2_1-.Ltmp2, $4  }
0x9a: {  	[hbm:s11], [sflag:s6] =	dma.local [spmem:s13], $0x2800  }
0x9b: {  	_ =	swait.ge [sflag:s14], $0x2800  }
0x9c: {  	[sflag:s14] =	ssyncset.done $0x0  }
0x9d: {  	[sflag:s14] =	ssyncadd.s32 $0xFFFFD800  }
0x9e: {  	_ =	sfence.sel $0x180000  }
0x9f: {  	[bflag:$0x0] =	sbarrier.arrive $0xFFFF  }
0xa0: {  	p0 =	sne.s32 s1, $0x0;
	_ =	strace $0x9000004D  }
0xa1: {  	s0 =	sadd.s32 @!p0 $0x100000, s0;
	[bflag:$0x2] =	sbarrier.arrive $0xFFFF  }
0xa2: {  	[sflag:s0] =	ssyncadd.tile.s32 @!p0 $0x1;
	_ =	shalt  }
.Lfunc_end2:
_tile_overlayer_lowered:
.L_overlay_start_2:
0xa3: {  	(tag) =	ssettag $0x2  }
0xa4: {  	s0 =	rddreg [dreg:$0x0];
	s2 =	stileid.u32  }
0xa5: {  	s1 =	rddreg [dreg:$0x1];
	p0 =	sne.s32 s2, $0x0  }
0xa6: {  	s3 =	rddreg [dreg:$0x2];
	[bflag:$0x3] =	sbarrier.arrive $0xFFFF;
	s2 =	simm.s32 @!p0 $0x1C03  }
0xa7: {  	[timem:s3], [sflag:s2] =	dma.local @!p0 [hbm:s0], s1  }
0xa8: {  	s0 =	simm.s32 @!p0 $0x3  }
0xa9: {  	_ =	swait.ge @!p0 [sflag:s0], s1  }
0xaa: {  	s1 =	ssub.s32 @!p0 $0x0, s1;
	[sflag:s0] =	ssyncset.done @!p0 $0x0  }
0xab: {  	[sflag:s0] =	ssyncadd.s32 @!p0 s1  }
0xac: {  	[bflag:$0x3] =	sbarrier.arrive $0xFFFF  }
0xad: {  	_ =	shalt  }

// kernel: kernel.17.cloned.1.call-start
scs
__scs_entry_jumppad:
0x0: {  	(pc) =	sbr.rel $0x88, $3  }
0x1: {  	(tag) =	ssettag $0x0;
	lr =	simm.s32 $0x1  }
0x2: {  	[smem:$0x3F96] =	sst lr;
	_ =	strace $0xD0000000  }
0x3: {  	_ = 	snop  }
0x4: {  	_ = 	snop  }
0x5: {  	_ = 	snop  }
0x6: {  	_ = 	snop  }
0x7: {  	_ = 	snop  }
__scs_overlays_trampoline_lowered:
0x8: {  	[smem:$0x3FA5] =	sst s0  }
0x9: {  	[smem:$0x3FA6] =	sst s1  }
0xa: {  	[smem:$0x3FA7] =	sst s2  }
0xb: {  	[smem:$0x3FA8] =	sst s3  }
0xc: {  	[smem:$0x3FA9] =	sst s4  }
0xd: {  	[smem:$0x3FAA] =	sst s5  }
0xe: {  	[smem:$0x3FAB] =	sst s6  }
0xf: {  	[smem:$0x3FAC] =	sst s7  }
0x10: {  	[smem:$0x3FAD] =	sst s8  }
0x11: {  	[smem:$0x3FAE] =	sst s9;
	s0 =	simm.s32 @!p0 $0x0  }
0x12: {  	s1 =	sld [smem:$0x3F94];
	s0 =	simm.s32 @p0 $0x1  }
0x13: {  	[smem:$0x3FAF] =	sst s0;
	s0 =	simm.s32 @!p1 $0x0  }
0x14: {  	s2 =	sld [smem:$0x3F93];
	s0 =	simm.s32 @p1 $0x1  }
0x15: {  	[smem:$0x3FB0] =	sst s0;
	s0 =	simm.s32 @!p2 $0x0  }
0x16: {  	s3 =	sld [smem:$0x3FDB];
	s0 =	simm.s32 @p2 $0x1  }
0x17: {  	s4 =	simm.s32 $0x1BF5;
	[smem:$0x3FB2] =	sst s0  }
0x18: {  	s0 =	sld [smem:$0x3F95];
	_ =	swait.ge [sflag:s4], $0x0  }
0x19: {  	s7 =	sld [smem:$0x3F96]  }
0x1a: {  	s8 =	sadd.s32 $0xFFFFE003, lr  }
0x1b: {  	s9 =	sadd.s32 $0xFFFFFEF7, lr;
	s5 =	simm.s32 $0xFFFFFFFF;
	p2 =	slt.u32 s8, $0xFFFFF086  }
0x1c: {  	p1 =	slt.u32 s9, $0xF7A;
	s5 =	simm.s32 @!p2 $0x0  }
0x1d: {  	s5 =	simm.s32 @p1 $0x1;
	p0 =	seq.s32 s7, s2  }
0x1e: {  	s7 =	smul.u32 @!p0 $0xF7A, s2;
	p2 =	seq.s32 @!p0 s5, $0x0  }
0x1f: {  	s9 =	smul.u32 $0xF7A, s1;
	s8 =	simm.s32 @!p0 $0x1BF5;
	p2 =	por !p2, p0  }
0x20: {  	[sflag:s8] =	ssyncset.s32 @!p0 $0xFFFFF086;
	s6 =	sadd.s32 @!p0 s3, s7;
	s7 =	simm.s32 @!p0 $0x108  }
0x21: {  	s3 =	sadd.s32 s3, s9;
	s6 =	sadd.s32 @!p0 $0x88, s6;
	s7 =	simm.s32 @p2 $0x1082  }
0x22: {  	[simem:s7], [sflag:s8] =	dma.local @!p0 [hbm:s6], $0xF7A  }
0x23: {  	s9 =	sor.u32 $0xD0000000, s2;
	s6 =	simm.s32 $0x108;
	_ =	swait.ge @!p0 [sflag:s8], $0x0  }
0x24: {  	s3 =	sadd.s32 $0x88, s3;
	s6 =	simm.s32 @!p1 $0x1082;
	[sflag:s4] =	ssyncset.s32 $0xFFFFF086  }
0x25: {  	[simem:s6], [sflag:s4] =	dma.local [hbm:s3], $0xF7A  }
0x26: {  	[smem:$0x3F96] =	sst s1;
	(tag) =	ssettag s2;
	_ =	strace s9  }
0x27: {  	s1 =	sld [smem:$0x3FA6]  }
0x28: {  	s2 =	sld [smem:$0x3FA7]  }
0x29: {  	s4 =	sld [smem:$0x3FA9]  }
0x2a: {  	p0 =	seq.s32 s5, $0x0;
	s5 =	sld [smem:$0x3FAA]  }
0x2b: {  	s6 =	sld [smem:$0x3FAB]  }
0x2c: {  	s7 =	sld [smem:$0x3FAC]  }
0x2d: {  	s3 =	simm.s32 $0x108;
	s8 =	sld [smem:$0x3FAD]  }
0x2e: {  	s3 =	simm.s32 @!p0 $0x1082;
	s9 =	sld [smem:$0x3FAE]  }
0x2f: {  	lr =	sadd.s32 s0, s3;
	s0 =	sld [smem:$0x3FA5]  }
0x30: {  	s3 =	sld [smem:$0x3FA8]  }
0x31: {  	[smem:$0x3FB1] =	sst s10  }
0x32: {  	s10 =	sld [smem:$0x3FAF];
	_ =	sdelay $0x3  }
0x33: {  	p0 =	seq.s32 s10, $0x1;
	s10 =	sld [smem:$0x3FB1];
	_ =	sdelay $0x3  }
0x34: {  	[smem:$0x3FB1] =	sst s10  }
0x35: {  	s10 =	sld [smem:$0x3FB0];
	_ =	sdelay $0x3  }
0x36: {  	p1 =	seq.s32 s10, $0x1;
	s10 =	sld [smem:$0x3FB1];
	_ =	sdelay $0x3  }
0x37: {  	[smem:$0x3FB1] =	sst s10  }
0x38: {  	s10 =	sld [smem:$0x3FB2]  }
0x39: {  	_ = 	snop;
	(pc) =	sbr.ind lr, $3  }
0x3a: {  	_ = 	snop  }
0x3b: {  	_ = 	snop  }
0x3c: {  	p2 =	seq.s32 s10, $0x1;
	s10 =	sld [smem:$0x3FB1]  }
0x3d: {  	_ =	shalt  }
0x3e: {  	_ =	shalt  }
0x3f: {  	_ =	shalt  }
0x40: {  	_ =	shalt  }
0x41: {  	_ =	shalt  }
0x42: {  	_ =	shalt  }
0x43: {  	_ =	shalt  }
0x44: {  	_ =	shalt  }
0x45: {  	_ =	shalt  }
0x46: {  	_ =	shalt  }
0x47: {  	_ =	shalt  }
0x48: {  	_ =	shalt  }
0x49: {  	_ =	shalt  }
0x4a: {  	_ =	shalt  }
0x4b: {  	_ =	shalt  }
0x4c: {  	_ =	shalt  }
0x4d: {  	_ =	shalt  }
0x4e: {  	_ =	shalt  }
0x4f: {  	_ =	shalt  }
0x50: {  	_ =	shalt  }
0x51: {  	_ =	shalt  }
0x52: {  	_ =	shalt  }
0x53: {  	_ =	shalt  }
0x54: {  	_ =	shalt  }
0x55: {  	_ =	shalt  }
0x56: {  	_ =	shalt  }
0x57: {  	_ =	shalt  }
0x58: {  	_ =	shalt  }
0x59: {  	_ =	shalt  }
0x5a: {  	_ =	shalt  }
0x5b: {  	_ =	shalt  }
0x5c: {  	_ =	shalt  }
0x5d: {  	_ =	shalt  }
0x5e: {  	_ =	shalt  }
0x5f: {  	_ =	shalt  }
0x60: {  	_ =	shalt  }
0x61: {  	_ =	shalt  }
0x62: {  	_ =	shalt  }
0x63: {  	_ =	shalt  }
0x64: {  	_ =	shalt  }
0x65: {  	_ =	shalt  }
0x66: {  	_ =	shalt  }
0x67: {  	_ =	shalt  }
0x68: {  	_ =	shalt  }
0x69: {  	_ =	shalt  }
0x6a: {  	_ =	shalt  }
0x6b: {  	_ =	shalt  }
0x6c: {  	_ =	shalt  }
0x6d: {  	_ =	shalt  }
0x6e: {  	_ =	shalt  }
0x6f: {  	_ =	shalt  }
0x70: {  	_ =	shalt  }
0x71: {  	_ =	shalt  }
0x72: {  	_ =	shalt  }
0x73: {  	_ =	shalt  }
0x74: {  	_ =	shalt  }
0x75: {  	_ =	shalt  }
0x76: {  	_ =	shalt  }
0x77: {  	_ =	shalt  }
0x78: {  	_ =	shalt  }
0x79: {  	_ =	shalt  }
0x7a: {  	_ =	shalt  }
0x7b: {  	_ =	shalt  }
0x7c: {  	_ =	shalt  }
0x7d: {  	_ =	shalt  }
0x7e: {  	_ =	shalt  }
0x7f: {  	_ =	shalt  }
0x80: {  	_ =	shalt  }
0x81: {  	_ =	shalt  }
0x82: {  	_ =	shalt  }
0x83: {  	_ =	shalt  }
0x84: {  	_ =	shalt  }
0x85: {  	_ =	shalt  }
0x86: {  	_ =	shalt  }
0x87: {  	_ =	shalt  }
.Lfunc_end0:
.L_simem_size_0:
called_computation.2_lowered:
.L_overlay_start_0:
0x88: {  	s2 =	sld [smem:$0x3FD9]  }
0x89: {  	s3 =	sld [smem:$0x3FFE];
	_ =	sdelay $0x1  }
0x8a: {  	s1 =	srdreg.scid  }
0x8b: {  	s0 =	sand.u32 $0x1, s1  }
0x8c: {  	s14 =	sshll.u32 s0, $0xA;
	s2 =	sadd.s32 s3, s2  }
0x8d: {  	s2 =	sadd.s32 s2, s14  }
0x8e: {  	[smem:$0x3FBD] =	sst s2  }
0x8f: {  	_ = 	snop  }
0x90: {  	s2 =	sld [smem:$0x3FD0];
	_ =	sdelay $0x2  }
0x91: {  	s15 =	simm.s32 $0xB;
	s4 =	simm.s32 $0x10  }
0x92: {  	[smem:s4], [sflag:s15] =	dma.local [hbm:s2], $0x1  }
0x93: {  	_ =	swait.eq [sflag:s15], $0x1  }
0x94: {  	[sflag:s15] =	ssyncset.done $0x0  }
0x95: {  	[sflag:s15] =	ssyncadd.s32 $0xFFFFFFFF  }
0x96: {  	s16 =	sld [smem:$0x10];
	(tm) =	ssettm $0x1  }
0x97: {  	s17 =	sld [smem:$0x3FFB];
	_ =	sdelay $0x3  }
0x98: {  	_ =	strace s17  }
0x99: {  	s3 =	sld [smem:$0x3FFC];
	_ =	sdelay $0x3  }
0x9a: {  	_ =	strace s3  }
0x9b: {  	s3 =	sld [smem:$0x3FFD];
	_ =	sdelay $0x3  }
0x9c: {  	_ =	strace s3  }
0x9d: {  	_ =	strace $0x8FFFFFFF  }
0x9e: {  	s18 =	sld [smem:$0x3FDB];
	_ =	sdelay $0x1  }
0x9f: {  	s19 =	simm.s32 $_scs_section_size  }
0xa0: {  	s5 =	simm.s32 $_size__tile_overlayer_lowered;
	s6 =	simm.s32 $_tile_overlayer_lowered  }
0xa1: {  	s22 =	simm.s32 $0x1BFF;
	s21 =	sshll.u32 s6, $0x1;
	s3 =	sadd.s32 s19, s18  }
0xa2: {  	s7 =	simm.s32 $0x0;
	s20 =	sshll.u32 s5, $0x1;
	s5 =	sadd.s32 s21, s3  }
0xa3: {  	[timem:s7], [sflag:s22] =	dma.local [hbm:s5], s20  }
0xa4: {  	_ =	swait.ge [sflag:s22], s20  }
0xa5: {  	s4 =	ssub.s32 $0x0, s20;
	[sflag:s22] =	ssyncset.done $0x0  }
0xa6: {  	[sflag:s22] =	ssyncadd.s32 s4;
	_ =	sdelay $0x1  }
0xa7: {  	s23 =	simm.s32 $0x1B8B  }
0xa8: {  	_ =	swait.ge [sflag:s23], $0x1  }
0xa9: {  	[sflag:s23] =	ssyncset.done $0x0  }
0xaa: {  	s25 =	simm.s32 $0x1B8E;
	s24 =	sld [smem:$0x3FFE];
	[sflag:s23] =	ssyncadd.s32 $0xFFFFFFFF  }
0xab: {  	s26 =	simm.s32 $execute0_lowered;
	[smem:$0x3FD2] =	sst s25  }
0xac: {  	s5 =	sshll.u32 s26, $0x1;
	_ =	strace $0x80000049;
	[dreg:$0x1] =	wrdreg $0xFFFFFFFF  }
0xad: {  	s28 =	simm.s32 $_size_execute0_lowered;
	s3 =	sadd.s32 s3, s5;
	[dreg:$0x0] =	wrdreg $0x0  }
0xae: {  	s5 =	sshll.u32 s28, $0x1;
	[dreg:$0x2] =	wrdreg s3  }
0xaf: {  	[dreg:$0x3] =	wrdreg s5  }
0xb0: {  	[dreg:$0x4] =	wrdreg $0xC0  }
0xb1: {  	_ =	task [dreg:s7], $0x5FFFF  }
0xb2: {  	[dreg:$0x1] =	wrdreg $0xFFFFFFFF  }
0xb3: {  	[dreg:$0x0] =	wrdreg $0x60  }
0xb4: {  	[dreg:$0x2] =	wrdreg s16  }
0xb5: {  	[dreg:$0x3] =	wrdreg s24  }
0xb6: {  	[dreg:$0x4] =	wrdreg $0xD0000  }
0xb7: {  	[dreg:$0x5] =	wrdreg $0xA  }
0xb8: {  	_ =	task.clear_ibuf [dreg:s7], $0x6FFFF;
	_ =	strace $0x90000049  }
0xb9: {  	s29 =	simm.s32 $0xA;
	_ =	strace $0x8000004B  }
0xba: {  	_ =	swait.ge [sflag:s29], $0x1  }
0xbb: {  	[sflag:s29] =	ssyncadd.s32 $0xFFFFFFFF  }
0xbc: {  	_ =	strace $0x9000004B  }
0xbd: {  	_ =	sfence  }
0xbe: {  	s30 =	sld [smem:$0x0];
	_ =	sdelay $0x2  }
0xbf: {  	s31 =	sshll.u32 s1, $0xD;
	s1 =	sshrl.u32 s1, $0x2  }
0xc0: {  	s3 =	sand.u32 $0x4000, s31;
	s1 =	sadd.s32 s1, s30  }
0xc1: {  	s0 =	sor.u32 s3, s0;
	s1 =	sshll.u32 s1, $0x11  }
0xc2: {  	s0 =	sor.u32 s1, s0  }
0xc3: {  	s0 =	sadd.s32 $0x8F2B, s0  }
0xc4: {  	[sflag:s0] =	ssyncadd.remote.s32 $0x1  }
0xc5: {  	_ =	sfence.sel $0xFFFF  }
0xc6: {  	[dreg:$0x0] =	wrdreg $0xFFFFFFFF;
	(pc) =	sbr.abs _section_cstart, $3  }
0xc7: {  	[dreg:$0x1] =	wrdreg $0xFFFFFFFF  }
0xc8: {  	_ =	task.clear_ibuf [dreg:s7], $0x2FFFF;
	_ =	strace $0x9FFFFFFF  }
0xc9: {  	(tm) =	ssettm $0x7FFFFFFF  }
tec
execute0_lowered:
.L_overlay_start_1:
0x0: {  	(tag) =	ssettag $0x1  }
0x1: {  	s7 =	rddreg [dreg:$0x0]  }
0x2: {  	s1 =	srdreg.scid;
	s6 =	rddreg [dreg:$0x1]  }
0x3: {  	s0 =	stileid.u32;
	s2 =	rddreg [dreg:$0x2]  }
0x4: {  	s3 =	simm.s32 $0x0;
	s14 =	simm.s32 $0x80;
	s15 =	simm.s32 $0x5000  }
0x5: {  	s16 =	simm.s32 $0x7000;
	s17 =	simm.s32 $0x1;
	s18 =	simm.s32 $0x9000  }
0x6: {  	s19 =	simm.s32 $0xB000;
	s20 =	simm.s32 $0x2700;
	s21 =	simm.s32 $0x2780  }
0x7: {  	s22 =	simm.s32 $0x4E00;
	s23 =	simm.s32 $0x4E80;
	s24 =	simm.s32 $0x4F00  }
0x8: {  	s25 =	simm.s32 $0x4F80;
	s26 =	simm.s32 $0x0;
	s5 =	sand.u32 $0x1, s1  }
0x9: {  	s29 =	sshll.u32 s0, $0x1;
	s9 =	smul.u32 $0xA000, s0;
	[smem:$0x7FF] =	sst s3  }
0xa: {  	s31 =	sshll.u32 s0, $0x6;
	s1 =	sor.u32 s5, s29;
	s4 =	smul.u32 $0xA0000, s5  }
0xb: {  	s12 =	ssub.s32 $0x2, s5;
	s5 =	sadd.s32 $0x49E00, s6;
	s8 =	smul.u32 $0x500, s1  }
0xc: {  	s1 =	rddreg [dreg:$0x3];
	_ =	strace $0x8000004A;
	s30 =	sshrl.u32 s12, $0x1  }
0xd: {  	s13 =	sadd.s32 s9, s2;
	s11 =	sadd.s32 s9, s4;
	s4 =	sadd.s32 $0x35E00, s6  }
0xe: {  	s12 =	ssub.s32 s12, s30;
	s10 =	sadd.s32 s8, s6;
	s11 =	sshrl.u32 s11, $0x3  }
0xf: {  	s7 =	sadd.s32 s7, s8;
	s11 =	sadd.s32 s11, s6;
	s6 =	sor.u32 $0x1C02, s31  }
0x10: {  	s8 =	sadd.s32 $0x3E00, s10;
	s10 =	smax.u32 s12, $0x1;
	s12 =	simm.s32 $0x2  }
0x11: {  	s9 =	sadd.s32 $0x4B200, s11;
	s11 =	sshrl.u32 s13, $0x3;
	s13 =	simm.s32 $0x2800  }
.LBB2_1:
0x12: {  	[spmem:s11], [sflag:s6] =	dma.local [hbm:s5], $0x1400  }
0x13: {  	_ =	swait.ge [sflag:s12], $0x1400  }
0x14: {  	[sflag:s12] =	ssyncset.done $0x0  }
0x15: {  	[sflag:s12] =	ssyncadd.s32 $0xFFFFEC00  }
0x16: {  	[tilespmem:s3], [sflag:$0x2] =	stream.linear.gather [hbm4b:s7+s3], $0x2800, $0x38;
	[tilespmem:$0x17000] =	vst v63  }
0x17: {  	_ =	swait.ge [sflag:s12], $0x2800  }
0x18: {  	[sflag:s12] =	ssyncset.done $0x0  }
0x19: {  	[sflag:s12] =	ssyncadd.s32 $0xFFFFD800  }
0x1a: {  	[tilespmem:s13], [sflag:$0x2] =	stream.linear.gather [hbm4b:s8+s3], $0x2800, $0x38;
	[tilespmem:$0x17000] =	vst v63  }
0x1b: {  	_ =	swait.ge [sflag:s12], $0x2800  }
0x1c: {  	[sflag:s12] =	ssyncset.done $0x0  }
0x1d: {  	[sflag:s12] =	ssyncadd.s32 $0xFFFFD800  }
0x1e: {  	[bflag:$0x0] =	sbarrier.arrive $0xFFFF  }
0x1f: {  	[tilespmem:s15], [sflag:$0x1] =	stream.indirect.gather [hbm4b:s4+s14], $0x40, s3, s14, $0xb8;
	[tilespmem:$0x17000] =	vst v63  }
0x20: {  	_ = 	snop  }
0x21: {  	[tilespmem:s16], [sflag:$0x1] =	stream.indirect.gather [hbm4b:s4+s14], $0x40, s14, s14, $0xb8;
	[tilespmem:$0x17000] =	vst v63  }
0x22: {  	_ =	swait.ge [sflag:s17], $0x2000  }
0x23: {  	[sflag:s17] =	ssyncset.done $0x0  }
0x24: {  	[sflag:s17] =	ssyncadd.s32 $0xFFFFE000  }
0x25: {  	_ =	swait.ge [sflag:s17], $0x2000  }
0x26: {  	[sflag:s17] =	ssyncset.done $0x0  }
0x27: {  	s28 =	simm.s32 $0x100;
	[sflag:s17] =	ssyncadd.s32 $0xFFFFE000  }
0x28: {  	[tilespmem:s18], [sflag:$0x1] =	stream.indirect.gather [hbm4b:s4+s14], $0x40, s28, s14, $0xb8;
	[tilespmem:$0x17000] =	vst v63  }
0x29: {  	s28 =	simm.s32 $0x180  }
0x2a: {  	[tilespmem:s19], [sflag:$0x1] =	stream.indirect.gather [hbm4b:s4+s14], $0x40, s28, s14, $0xb8;
	[tilespmem:$0x17000] =	vst v63  }
0x2b: {  	s28 =	simm.s32 $0x2800  }
0x2c: {  	[spmem:s2] =	stream.indirect.scatter.add.f32 [tilespmem:s15], [sflag:$0x2], $0x40, s28, s14, $0xb8;
	[tilespmem:$0x17000] =	vst v63  }
0x2d: {  	_ =	swait.ge [sflag:s12], $0x2000  }
0x2e: {  	[sflag:s12] =	ssyncset.done $0x0  }
0x2f: {  	s28 =	simm.s32 $0x2880;
	[sflag:s12] =	ssyncadd.s32 $0xFFFFE000  }
0x30: {  	[spmem:s2] =	stream.indirect.scatter.add.f32 [tilespmem:s16], [sflag:$0x2], $0x40, s28, s14, $0xb8;
	[tilespmem:$0x17000] =	vst v63  }
0x31: {  	_ =	swait.ge [sflag:s12], $0x2000  }
0x32: {  	[sflag:s12] =	ssyncset.done $0x0  }
0x33: {  	[sflag:s12] =	ssyncadd.s32 $0xFFFFE000  }
0x34: {  	_ =	swait.ge [sflag:s17], $0x2000  }
0x35: {  	[sflag:s17] =	ssyncset.done $0x0  }
0x36: {  	[sflag:s17] =	ssyncadd.s32 $0xFFFFE000  }
0x37: {  	_ =	swait.ge [sflag:s17], $0x2000  }
0x38: {  	[sflag:s17] =	ssyncset.done $0x0  }
0x39: {  	s28 =	simm.s32 $0x200;
	[sflag:s17] =	ssyncadd.s32 $0xFFFFE000  }
0x3a: {  	[tilespmem:s15], [sflag:$0x1] =	stream.indirect.gather [hbm4b:s4+s14], $0x40, s28, s14, $0xb8;
	[tilespmem:$0x17000] =	vst v63  }
0x3b: {  	s28 =	simm.s32 $0x280  }
0x3c: {  	[tilespmem:s16], [sflag:$0x1] =	stream.indirect.gather [hbm4b:s4+s14], $0x40, s28, s14, $0xb8;
	[tilespmem:$0x17000] =	vst v63  }
0x3d: {  	s28 =	simm.s32 $0x2900  }
0x3e: {  	[spmem:s2] =	stream.indirect.scatter.add.f32 [tilespmem:s18], [sflag:$0x2], $0x40, s28, s14, $0xb8;
	[tilespmem:$0x17000] =	vst v63  }
0x3f: {  	_ =	swait.ge [sflag:s12], $0x2000  }
0x40: {  	[sflag:s12] =	ssyncset.done $0x0  }
0x41: {  	s28 =	simm.s32 $0x2980;
	[sflag:s12] =	ssyncadd.s32 $0xFFFFE000  }
0x42: {  	[spmem:s2] =	stream.indirect.scatter.add.f32 [tilespmem:s19], [sflag:$0x2], $0x40, s28, s14, $0xb8;
	[tilespmem:$0x17000] =	vst v63  }
0x43: {  	_ =	swait.ge [sflag:s12], $0x2000  }
0x44: {  	s28 =	simm.s32 $0x800;
	[sflag:s12] =	ssyncset.done $0x0  }
.LBB2_2:
0x45: {  	p0 =	sne.s32 s28, $0x9000  }
0x46: {  	[sflag:s12] =	ssyncadd.s32 $0xFFFFE000;
	s29 =	smov.u32 s28;
	s28 =	sadd.s32 $0x800, s28  }
0x47: {  	_ =	swait.ge [sflag:s17], $0x2000  }
0x48: {  	[sflag:s17] =	ssyncset.done $0x0  }
0x49: {  	[sflag:s17] =	ssyncadd.s32 $0xFFFFE000  }
0x4a: {  	_ =	swait.ge [sflag:s17], $0x2000  }
0x4b: {  	s29 =	sshra.s32 s29, $0x2;
	[sflag:s17] =	ssyncset.done $0x0  }
0x4c: {  	s30 =	sadd.s32 $0x100, s29;
	[sflag:s17] =	ssyncadd.s32 $0xFFFFE000  }
0x4d: {  	[tilespmem:s18], [sflag:$0x1] =	stream.indirect.gather [hbm4b:s4+s14], $0x40, s30, s14, $0xb8;
	[tilespmem:$0x17000] =	vst v63  }
0x4e: {  	s30 =	sadd.s32 $0x180, s29  }
0x4f: {  	[tilespmem:s19], [sflag:$0x1] =	stream.indirect.gather [hbm4b:s4+s14], $0x40, s30, s14, $0xb8;
	[tilespmem:$0x17000] =	vst v63  }
0x50: {  	s30 =	sadd.s32 $0x2800, s29  }
0x51: {  	[spmem:s2] =	stream.indirect.scatter.add.f32 [tilespmem:s15], [sflag:$0x2], $0x40, s30, s14, $0xb8;
	[tilespmem:$0x17000] =	vst v63  }
0x52: {  	_ =	swait.ge [sflag:s12], $0x2000  }
0x53: {  	[sflag:s12] =	ssyncset.done $0x0  }
0x54: {  	s30 =	sadd.s32 $0x2880, s29;
	[sflag:s12] =	ssyncadd.s32 $0xFFFFE000  }
0x55: {  	[spmem:s2] =	stream.indirect.scatter.add.f32 [tilespmem:s16], [sflag:$0x2], $0x40, s30, s14, $0xb8;
	[tilespmem:$0x17000] =	vst v63  }
0x56: {  	_ =	swait.ge [sflag:s12], $0x2000  }
0x57: {  	[sflag:s12] =	ssyncset.done $0x0  }
0x58: {  	[sflag:s12] =	ssyncadd.s32 $0xFFFFE000  }
0x59: {  	_ =	swait.ge [sflag:s17], $0x2000  }
0x5a: {  	[sflag:s17] =	ssyncset.done $0x0  }
0x5b: {  	[sflag:s17] =	ssyncadd.s32 $0xFFFFE000  }
0x5c: {  	_ =	swait.ge [sflag:s17], $0x2000  }
0x5d: {  	[sflag:s17] =	ssyncset.done $0x0  }
0x5e: {  	s30 =	sadd.s32 $0x200, s29;
	[sflag:s17] =	ssyncadd.s32 $0xFFFFE000  }
0x5f: {  	[tilespmem:s15], [sflag:$0x1] =	stream.indirect.gather [hbm4b:s4+s14], $0x40, s30, s14, $0xb8;
	[tilespmem:$0x17000] =	vst v63  }
0x60: {  	s30 =	sadd.s32 $0x280, s29  }
0x61: {  	[tilespmem:s16], [sflag:$0x1] =	stream.indirect.gather [hbm4b:s4+s14], $0x40, s30, s14, $0xb8;
	[tilespmem:$0x17000] =	vst v63  }
0x62: {  	s30 =	sadd.s32 $0x2900, s29  }
0x63: {  	[spmem:s2] =	stream.indirect.scatter.add.f32 [tilespmem:s18], [sflag:$0x2], $0x40, s30, s14, $0xb8;
	[tilespmem:$0x17000] =	vst v63  }
0x64: {  	_ =	swait.ge [sflag:s12], $0x2000  }
.Ltmp0:
0x65: {  	[sflag:s12] =	ssyncset.done $0x0;
	(pc) =	sbr.rel @p0 .LBB2_2-.Ltmp0, $4  }
0x66: {  	s29 =	sadd.s32 $0x2980, s29;
	[sflag:s12] =	ssyncadd.s32 $0xFFFFE000  }
0x67: {  	[spmem:s2] =	stream.indirect.scatter.add.f32 [tilespmem:s19], [sflag:$0x2], $0x40, s29, s14, $0xb8;
	[tilespmem:$0x17000] =	vst v63  }
0x68: {  	_ =	swait.ge [sflag:s12], $0x2000  }
0x69: {  	[sflag:s12] =	ssyncset.done $0x0  }
0x6a: {  	[sflag:s12] =	ssyncadd.s32 $0xFFFFE000  }
0x6b: {  	_ =	swait.ge [sflag:s17], $0x2000  }
0x6c: {  	[sflag:s17] =	ssyncset.done $0x0  }
0x6d: {  	[sflag:s17] =	ssyncadd.s32 $0xFFFFE000  }
0x6e: {  	_ =	swait.ge [sflag:s17], $0x2000  }
0x6f: {  	[sflag:s17] =	ssyncset.done $0x0  }
0x70: {  	[sflag:s17] =	ssyncadd.s32 $0xFFFFE000  }
0x71: {  	[tilespmem:s18], [sflag:$0x1] =	stream.indirect.gather [hbm4b:s4+s14], $0x40, s20, s14, $0xb8;
	[tilespmem:$0x17000] =	vst v63  }
0x72: {  	_ = 	snop  }
0x73: {  	[tilespmem:s19], [sflag:$0x1] =	stream.indirect.gather [hbm4b:s4+s14], $0x40, s21, s14, $0xb8;
	[tilespmem:$0x17000] =	vst v63  }
0x74: {  	_ = 	snop  }
0x75: {  	[spmem:s2] =	stream.indirect.scatter.add.f32 [tilespmem:s15], [sflag:$0x2], $0x40, s22, s14, $0xb8;
	[tilespmem:$0x17000] =	vst v63  }
0x76: {  	_ =	swait.ge [sflag:s12], $0x2000  }
0x77: {  	[sflag:s12] =	ssyncset.done $0x0  }
0x78: {  	[sflag:s12] =	ssyncadd.s32 $0xFFFFE000  }
0x79: {  	[spmem:s2] =	stream.indirect.scatter.add.f32 [tilespmem:s16], [sflag:$0x2], $0x40, s23, s14, $0xb8;
	[tilespmem:$0x17000] =	vst v63  }
0x7a: {  	_ =	swait.ge [sflag:s12], $0x2000  }
0x7b: {  	[sflag:s12] =	ssyncset.done $0x0  }
0x7c: {  	[sflag:s12] =	ssyncadd.s32 $0xFFFFE000  }
0x7d: {  	_ =	swait.ge [sflag:s17], $0x2000  }
0x7e: {  	[sflag:s17] =	ssyncset.done $0x0  }
0x7f: {  	[sflag:s17] =	ssyncadd.s32 $0xFFFFE000  }
0x80: {  	_ =	swait.ge [sflag:s17], $0x2000  }
0x81: {  	[sflag:s17] =	ssyncset.done $0x0  }
0x82: {  	[sflag:s17] =	ssyncadd.s32 $0xFFFFE000  }
0x83: {  	[spmem:s2] =	stream.indirect.scatter.add.f32 [tilespmem:s18], [sflag:$0x2], $0x40, s24, s14, $0xb8;
	[tilespmem:$0x17000] =	vst v63  }
0x84: {  	_ =	swait.ge [sflag:s12], $0x2000  }
0x85: {  	[sflag:s12] =	ssyncset.done $0x0  }
0x86: {  	[sflag:s12] =	ssyncadd.s32 $0xFFFFE000  }
0x87: {  	[spmem:s2] =	stream.indirect.scatter.add.f32 [tilespmem:s19], [sflag:$0x2], $0x40, s25, s14, $0xb8;
	[tilespmem:$0x17000] =	vst v63  }
0x88: {  	_ =	swait.ge [sflag:s12], $0x2000  }
0x89: {  	s26 =	sadd.s32 $0x1, s26;
	[sflag:s12] =	ssyncset.done $0x0  }
0x8a: {  	p0 =	sne.s32 s26, s10;
	[sflag:s12] =	ssyncadd.s32 $0xFFFFE000  }
.Ltmp1:
0x8b: {  	[bflag:$0x0] =	sbarrier.arrive $0xFFFF;
	(pc) =	sbr.rel @p0 .LBB2_1-.Ltmp1, $4  }
0x8c: {  	[hbm:s9], [sflag:s6] =	dma.local [spmem:s11], $0x1400  }
0x8d: {  	_ =	swait.ge [sflag:s12], $0x1400  }
0x8e: {  	[sflag:s12] =	ssyncset.done $0x0  }
0x8f: {  	[sflag:s12] =	ssyncadd.s32 $0xFFFFEC00  }
0x90: {  	_ =	sfence.sel $0x180000  }
0x91: {  	[bflag:$0x0] =	sbarrier.arrive $0xFFFF  }
0x92: {  	p0 =	sne.s32 s0, $0x0;
	_ =	strace $0x9000004A  }
0x93: {  	s0 =	sadd.s32 @!p0 $0x100000, s1;
	[bflag:$0x2] =	sbarrier.arrive $0xFFFF  }
0x94: {  	[sflag:s0] =	ssyncadd.tile.s32 @!p0 $0x1;
	_ =	shalt  }
.Lfunc_end2:
_tile_overlayer_lowered:
.L_overlay_start_2:
0x95: {  	(tag) =	ssettag $0x2  }
0x96: {  	s0 =	rddreg [dreg:$0x0];
	s2 =	stileid.u32  }
0x97: {  	s1 =	rddreg [dreg:$0x1];
	p0 =	sne.s32 s2, $0x0  }
0x98: {  	s3 =	rddreg [dreg:$0x2];
	[bflag:$0x3] =	sbarrier.arrive $0xFFFF;
	s2 =	simm.s32 @!p0 $0x1C02  }
0x99: {  	[timem:s3], [sflag:s2] =	dma.local @!p0 [hbm:s0], s1  }
0x9a: {  	s0 =	simm.s32 @!p0 $0x2  }
0x9b: {  	_ =	swait.ge @!p0 [sflag:s0], s1  }
0x9c: {  	s1 =	ssub.s32 @!p0 $0x0, s1;
	[sflag:s0] =	ssyncset.done @!p0 $0x0  }
0x9d: {  	[sflag:s0] =	ssyncadd.s32 @!p0 s1  }
0x9e: {  	[bflag:$0x3] =	sbarrier.arrive $0xFFFF  }
0x9f: {  	_ =	shalt  }

// kernel: kernel.20.cloned.1.call-start
scs
__scs_entry_jumppad:
0x0: {  	(pc) =	sbr.rel $0x88, $3  }
0x1: {  	(tag) =	ssettag $0x0;
	lr =	simm.s32 $0x1  }
0x2: {  	[smem:$0x3F96] =	sst lr;
	_ =	strace $0xD0000000  }
0x3: {  	_ = 	snop  }
0x4: {  	_ = 	snop  }
0x5: {  	_ = 	snop  }
0x6: {  	_ = 	snop  }
0x7: {  	_ = 	snop  }
__scs_overlays_trampoline_lowered:
0x8: {  	[smem:$0x3FA5] =	sst s0  }
0x9: {  	[smem:$0x3FA6] =	sst s1  }
0xa: {  	[smem:$0x3FA7] =	sst s2  }
0xb: {  	[smem:$0x3FA8] =	sst s3  }
0xc: {  	[smem:$0x3FA9] =	sst s4  }
0xd: {  	[smem:$0x3FAA] =	sst s5  }
0xe: {  	[smem:$0x3FAB] =	sst s6  }
0xf: {  	[smem:$0x3FAC] =	sst s7  }
0x10: {  	[smem:$0x3FAD] =	sst s8  }
0x11: {  	[smem:$0x3FAE] =	sst s9;
	s0 =	simm.s32 @!p0 $0x0  }
0x12: {  	s1 =	sld [smem:$0x3F94];
	s0 =	simm.s32 @p0 $0x1  }
0x13: {  	[smem:$0x3FAF] =	sst s0;
	s0 =	simm.s32 @!p1 $0x0  }
0x14: {  	s2 =	sld [smem:$0x3F93];
	s0 =	simm.s32 @p1 $0x1  }
0x15: {  	[smem:$0x3FB0] =	sst s0;
	s0 =	simm.s32 @!p2 $0x0  }
0x16: {  	s3 =	sld [smem:$0x3FDB];
	s0 =	simm.s32 @p2 $0x1  }
0x17: {  	s4 =	simm.s32 $0x1BF5;
	[smem:$0x3FB2] =	sst s0  }
0x18: {  	s0 =	sld [smem:$0x3F95];
	_ =	swait.ge [sflag:s4], $0x0  }
0x19: {  	s7 =	sld [smem:$0x3F96]  }
0x1a: {  	s8 =	sadd.s32 $0xFFFFE003, lr  }
0x1b: {  	s9 =	sadd.s32 $0xFFFFFEF7, lr;
	s5 =	simm.s32 $0xFFFFFFFF;
	p2 =	slt.u32 s8, $0xFFFFF086  }
0x1c: {  	p1 =	slt.u32 s9, $0xF7A;
	s5 =	simm.s32 @!p2 $0x0  }
0x1d: {  	s5 =	simm.s32 @p1 $0x1;
	p0 =	seq.s32 s7, s2  }
0x1e: {  	s7 =	smul.u32 @!p0 $0xF7A, s2;
	p2 =	seq.s32 @!p0 s5, $0x0  }
0x1f: {  	s9 =	smul.u32 $0xF7A, s1;
	s8 =	simm.s32 @!p0 $0x1BF5;
	p2 =	por !p2, p0  }
0x20: {  	[sflag:s8] =	ssyncset.s32 @!p0 $0xFFFFF086;
	s6 =	sadd.s32 @!p0 s3, s7;
	s7 =	simm.s32 @!p0 $0x108  }
0x21: {  	s3 =	sadd.s32 s3, s9;
	s6 =	sadd.s32 @!p0 $0x88, s6;
	s7 =	simm.s32 @p2 $0x1082  }
0x22: {  	[simem:s7], [sflag:s8] =	dma.local @!p0 [hbm:s6], $0xF7A  }
0x23: {  	s9 =	sor.u32 $0xD0000000, s2;
	s6 =	simm.s32 $0x108;
	_ =	swait.ge @!p0 [sflag:s8], $0x0  }
0x24: {  	s3 =	sadd.s32 $0x88, s3;
	s6 =	simm.s32 @!p1 $0x1082;
	[sflag:s4] =	ssyncset.s32 $0xFFFFF086  }
0x25: {  	[simem:s6], [sflag:s4] =	dma.local [hbm:s3], $0xF7A  }
0x26: {  	[smem:$0x3F96] =	sst s1;
	(tag) =	ssettag s2;
	_ =	strace s9  }
0x27: {  	s1 =	sld [smem:$0x3FA6]  }
0x28: {  	s2 =	sld [smem:$0x3FA7]  }
0x29: {  	s4 =	sld [smem:$0x3FA9]  }
0x2a: {  	p0 =	seq.s32 s5, $0x0;
	s5 =	sld [smem:$0x3FAA]  }
0x2b: {  	s6 =	sld [smem:$0x3FAB]  }
0x2c: {  	s7 =	sld [smem:$0x3FAC]  }
0x2d: {  	s3 =	simm.s32 $0x108;
	s8 =	sld [smem:$0x3FAD]  }
0x2e: {  	s3 =	simm.s32 @!p0 $0x1082;
	s9 =	sld [smem:$0x3FAE]  }
0x2f: {  	lr =	sadd.s32 s0, s3;
	s0 =	sld [smem:$0x3FA5]  }
0x30: {  	s3 =	sld [smem:$0x3FA8]  }
0x31: {  	[smem:$0x3FB1] =	sst s10  }
0x32: {  	s10 =	sld [smem:$0x3FAF];
	_ =	sdelay $0x3  }
0x33: {  	p0 =	seq.s32 s10, $0x1;
	s10 =	sld [smem:$0x3FB1];
	_ =	sdelay $0x3  }
0x34: {  	[smem:$0x3FB1] =	sst s10  }
0x35: {  	s10 =	sld [smem:$0x3FB0];
	_ =	sdelay $0x3  }
0x36: {  	p1 =	seq.s32 s10, $0x1;
	s10 =	sld [smem:$0x3FB1];
	_ =	sdelay $0x3  }
0x37: {  	[smem:$0x3FB1] =	sst s10  }
0x38: {  	s10 =	sld [smem:$0x3FB2]  }
0x39: {  	_ = 	snop;
	(pc) =	sbr.ind lr, $3  }
0x3a: {  	_ = 	snop  }
0x3b: {  	_ = 	snop  }
0x3c: {  	p2 =	seq.s32 s10, $0x1;
	s10 =	sld [smem:$0x3FB1]  }
0x3d: {  	_ =	shalt  }
0x3e: {  	_ =	shalt  }
0x3f: {  	_ =	shalt  }
0x40: {  	_ =	shalt  }
0x41: {  	_ =	shalt  }
0x42: {  	_ =	shalt  }
0x43: {  	_ =	shalt  }
0x44: {  	_ =	shalt  }
0x45: {  	_ =	shalt  }
0x46: {  	_ =	shalt  }
0x47: {  	_ =	shalt  }
0x48: {  	_ =	shalt  }
0x49: {  	_ =	shalt  }
0x4a: {  	_ =	shalt  }
0x4b: {  	_ =	shalt  }
0x4c: {  	_ =	shalt  }
0x4d: {  	_ =	shalt  }
0x4e: {  	_ =	shalt  }
0x4f: {  	_ =	shalt  }
0x50: {  	_ =	shalt  }
0x51: {  	_ =	shalt  }
0x52: {  	_ =	shalt  }
0x53: {  	_ =	shalt  }
0x54: {  	_ =	shalt  }
0x55: {  	_ =	shalt  }
0x56: {  	_ =	shalt  }
0x57: {  	_ =	shalt  }
0x58: {  	_ =	shalt  }
0x59: {  	_ =	shalt  }
0x5a: {  	_ =	shalt  }
0x5b: {  	_ =	shalt  }
0x5c: {  	_ =	shalt  }
0x5d: {  	_ =	shalt  }
0x5e: {  	_ =	shalt  }
0x5f: {  	_ =	shalt  }
0x60: {  	_ =	shalt  }
0x61: {  	_ =	shalt  }
0x62: {  	_ =	shalt  }
0x63: {  	_ =	shalt  }
0x64: {  	_ =	shalt  }
0x65: {  	_ =	shalt  }
0x66: {  	_ =	shalt  }
0x67: {  	_ =	shalt  }
0x68: {  	_ =	shalt  }
0x69: {  	_ =	shalt  }
0x6a: {  	_ =	shalt  }
0x6b: {  	_ =	shalt  }
0x6c: {  	_ =	shalt  }
0x6d: {  	_ =	shalt  }
0x6e: {  	_ =	shalt  }
0x6f: {  	_ =	shalt  }
0x70: {  	_ =	shalt  }
0x71: {  	_ =	shalt  }
0x72: {  	_ =	shalt  }
0x73: {  	_ =	shalt  }
0x74: {  	_ =	shalt  }
0x75: {  	_ =	shalt  }
0x76: {  	_ =	shalt  }
0x77: {  	_ =	shalt  }
0x78: {  	_ =	shalt  }
0x79: {  	_ =	shalt  }
0x7a: {  	_ =	shalt  }
0x7b: {  	_ =	shalt  }
0x7c: {  	_ =	shalt  }
0x7d: {  	_ =	shalt  }
0x7e: {  	_ =	shalt  }
0x7f: {  	_ =	shalt  }
0x80: {  	_ =	shalt  }
0x81: {  	_ =	shalt  }
0x82: {  	_ =	shalt  }
0x83: {  	_ =	shalt  }
0x84: {  	_ =	shalt  }
0x85: {  	_ =	shalt  }
0x86: {  	_ =	shalt  }
0x87: {  	_ =	shalt  }
.Lfunc_end0:
.L_simem_size_0:
called_computation.3_lowered:
.L_overlay_start_0:
0x88: {  	s2 =	sld [smem:$0x3FD9]  }
0x89: {  	s3 =	sld [smem:$0x3FFE];
	_ =	sdelay $0x1  }
0x8a: {  	s1 =	srdreg.scid  }
0x8b: {  	s0 =	sand.u32 $0x1, s1  }
0x8c: {  	s14 =	sshll.u32 s0, $0xA;
	s2 =	sadd.s32 s3, s2  }
0x8d: {  	s2 =	sadd.s32 s2, s14  }
0x8e: {  	[smem:$0x3FBD] =	sst s2  }
0x8f: {  	_ = 	snop  }
0x90: {  	s2 =	sld [smem:$0x3FD0];
	_ =	sdelay $0x2  }
0x91: {  	s15 =	simm.s32 $0xB;
	s4 =	simm.s32 $0x10  }
0x92: {  	[smem:s4], [sflag:s15] =	dma.local [hbm:s2], $0x1  }
0x93: {  	_ =	swait.eq [sflag:s15], $0x1  }
0x94: {  	[sflag:s15] =	ssyncset.done $0x0  }
0x95: {  	[sflag:s15] =	ssyncadd.s32 $0xFFFFFFFF  }
0x96: {  	s16 =	sld [smem:$0x10];
	(tm) =	ssettm $0x1  }
0x97: {  	s17 =	sld [smem:$0x3FFB];
	_ =	sdelay $0x3  }
0x98: {  	_ =	strace s17  }
0x99: {  	s3 =	sld [smem:$0x3FFC];
	_ =	sdelay $0x3  }
0x9a: {  	_ =	strace s3  }
0x9b: {  	s3 =	sld [smem:$0x3FFD];
	_ =	sdelay $0x3  }
0x9c: {  	_ =	strace s3  }
0x9d: {  	_ =	strace $0x8FFFFFFF  }
0x9e: {  	s18 =	sld [smem:$0x3FDB];
	_ =	sdelay $0x1  }
0x9f: {  	s19 =	simm.s32 $_scs_section_size  }
0xa0: {  	s5 =	simm.s32 $_size__tile_overlayer_lowered;
	s6 =	simm.s32 $_tile_overlayer_lowered  }
0xa1: {  	s22 =	simm.s32 $0x1BFF;
	s21 =	sshll.u32 s6, $0x1;
	s3 =	sadd.s32 s19, s18  }
0xa2: {  	s7 =	simm.s32 $0x0;
	s20 =	sshll.u32 s5, $0x1;
	s5 =	sadd.s32 s21, s3  }
0xa3: {  	[timem:s7], [sflag:s22] =	dma.local [hbm:s5], s20  }
0xa4: {  	_ =	swait.ge [sflag:s22], s20  }
0xa5: {  	s4 =	ssub.s32 $0x0, s20;
	[sflag:s22] =	ssyncset.done $0x0  }
0xa6: {  	[sflag:s22] =	ssyncadd.s32 s4;
	_ =	sdelay $0x1  }
0xa7: {  	s23 =	simm.s32 $0x1B8B  }
0xa8: {  	_ =	swait.ge [sflag:s23], $0x1  }
0xa9: {  	[sflag:s23] =	ssyncset.done $0x0  }
0xaa: {  	s25 =	simm.s32 $0x1B8E;
	s24 =	sld [smem:$0x3FFE];
	[sflag:s23] =	ssyncadd.s32 $0xFFFFFFFF  }
0xab: {  	s26 =	simm.s32 $execute0_lowered;
	[smem:$0x3FD2] =	sst s25  }
0xac: {  	s5 =	sshll.u32 s26, $0x1;
	_ =	strace $0x8000004F;
	[dreg:$0x1] =	wrdreg $0xFFFFFFFF  }
0xad: {  	s28 =	simm.s32 $_size_execute0_lowered;
	s3 =	sadd.s32 s3, s5;
	[dreg:$0x0] =	wrdreg $0x0  }
0xae: {  	s5 =	sshll.u32 s28, $0x1;
	[dreg:$0x2] =	wrdreg s3  }
0xaf: {  	[dreg:$0x3] =	wrdreg s5  }
0xb0: {  	[dreg:$0x4] =	wrdreg $0xC0  }
0xb1: {  	_ =	task [dreg:s7], $0x5FFFF  }
0xb2: {  	[dreg:$0x1] =	wrdreg $0xFFFFFFFF  }
0xb3: {  	[dreg:$0x0] =	wrdreg $0x60  }
0xb4: {  	[dreg:$0x2] =	wrdreg s16  }
0xb5: {  	[dreg:$0x3] =	wrdreg s24  }
0xb6: {  	[dreg:$0x4] =	wrdreg $0xD0000  }
0xb7: {  	[dreg:$0x5] =	wrdreg $0x9  }
0xb8: {  	_ =	task.clear_ibuf [dreg:s7], $0x6FFFF;
	_ =	strace $0x9000004F  }
0xb9: {  	s29 =	simm.s32 $0x9;
	_ =	strace $0x80000051  }
0xba: {  	_ =	swait.ge [sflag:s29], $0x1  }
0xbb: {  	[sflag:s29] =	ssyncadd.s32 $0xFFFFFFFF  }
0xbc: {  	_ =	strace $0x90000051  }
0xbd: {  	_ =	sfence  }
0xbe: {  	s30 =	sld [smem:$0x0];
	_ =	sdelay $0x2  }
0xbf: {  	s31 =	sshll.u32 s1, $0xD;
	s1 =	sshrl.u32 s1, $0x2  }
0xc0: {  	s3 =	sand.u32 $0x4000, s31;
	s1 =	sadd.s32 s1, s30  }
0xc1: {  	s0 =	sor.u32 s3, s0;
	s1 =	sshll.u32 s1, $0x11  }
0xc2: {  	s0 =	sor.u32 s1, s0  }
0xc3: {  	s0 =	sadd.s32 $0x8F2B, s0  }
0xc4: {  	[sflag:s0] =	ssyncadd.remote.s32 $0x1  }
0xc5: {  	_ =	sfence.sel $0xFFFF  }
0xc6: {  	[dreg:$0x0] =	wrdreg $0xFFFFFFFF;
	(pc) =	sbr.abs _section_cstart, $3  }
0xc7: {  	[dreg:$0x1] =	wrdreg $0xFFFFFFFF  }
0xc8: {  	_ =	task.clear_ibuf [dreg:s7], $0x2FFFF;
	_ =	strace $0x9FFFFFFF  }
0xc9: {  	(tm) =	ssettm $0x7FFFFFFF  }
tec
execute0_lowered:
.L_overlay_start_1:
0x0: {  	(tag) =	ssettag $0x1  }
0x1: {  	s7 =	rddreg [dreg:$0x0]  }
0x2: {  	s1 =	srdreg.scid;
	s6 =	rddreg [dreg:$0x1]  }
0x3: {  	s0 =	stileid.u32;
	s2 =	rddreg [dreg:$0x2]  }
0x4: {  	s3 =	simm.s32 $0x0;
	s14 =	simm.s32 $0x80;
	s15 =	simm.s32 $0x5000  }
0x5: {  	s16 =	simm.s32 $0x7000;
	s17 =	simm.s32 $0x1;
	s18 =	simm.s32 $0x9000  }
0x6: {  	s19 =	simm.s32 $0xB000;
	s20 =	simm.s32 $0x2700;
	s21 =	simm.s32 $0x2780  }
0x7: {  	s22 =	simm.s32 $0x4E00;
	s23 =	simm.s32 $0x4E80;
	s24 =	simm.s32 $0x4F00  }
0x8: {  	s25 =	simm.s32 $0x4F80;
	s26 =	simm.s32 $0x0;
	s5 =	sand.u32 $0x1, s1  }
0x9: {  	s29 =	sshll.u32 s0, $0x1;
	s9 =	smul.u32 $0xA000, s0;
	[smem:$0x7FF] =	sst s3  }
0xa: {  	s31 =	sshll.u32 s0, $0x6;
	s1 =	sor.u32 s5, s29;
	s4 =	smul.u32 $0xA0000, s5  }
0xb: {  	s12 =	ssub.s32 $0x2, s5;
	s5 =	sadd.s32 $0x49E00, s6;
	s8 =	smul.u32 $0x500, s1  }
0xc: {  	s1 =	rddreg [dreg:$0x3];
	_ =	strace $0x80000050;
	s30 =	sshrl.u32 s12, $0x1  }
0xd: {  	s13 =	sadd.s32 s9, s2;
	s11 =	sadd.s32 s9, s4;
	s4 =	sadd.s32 $0xDE00, s6  }
0xe: {  	s12 =	ssub.s32 s12, s30;
	s10 =	sadd.s32 s8, s6;
	s11 =	sshrl.u32 s11, $0x3  }
0xf: {  	s7 =	sadd.s32 s7, s8;
	s11 =	sadd.s32 s11, s6;
	s6 =	sor.u32 $0x1C02, s31  }
0x10: {  	s8 =	sadd.s32 $0x3E00, s10;
	s10 =	smax.u32 s12, $0x1;
	s12 =	simm.s32 $0x2  }
0x11: {  	s9 =	sadd.s32 $0x21E00, s11;
	s11 =	sshrl.u32 s13, $0x3;
	s13 =	simm.s32 $0x2800  }
.LBB2_1:
0x12: {  	[spmem:s11], [sflag:s6] =	dma.local [hbm:s5], $0x1400  }
0x13: {  	_ =	swait.ge [sflag:s12], $0x1400  }
0x14: {  	[sflag:s12] =	ssyncset.done $0x0  }
0x15: {  	[sflag:s12] =	ssyncadd.s32 $0xFFFFEC00  }
0x16: {  	[tilespmem:s3], [sflag:$0x2] =	stream.linear.gather [hbm4b:s7+s3], $0x2800, $0x38;
	[tilespmem:$0x17000] =	vst v63  }
0x17: {  	_ =	swait.ge [sflag:s12], $0x2800  }
0x18: {  	[sflag:s12] =	ssyncset.done $0x0  }
0x19: {  	[sflag:s12] =	ssyncadd.s32 $0xFFFFD800  }
0x1a: {  	[tilespmem:s13], [sflag:$0x2] =	stream.linear.gather [hbm4b:s8+s3], $0x2800, $0x38;
	[tilespmem:$0x17000] =	vst v63  }
0x1b: {  	_ =	swait.ge [sflag:s12], $0x2800  }
0x1c: {  	[sflag:s12] =	ssyncset.done $0x0  }
0x1d: {  	[sflag:s12] =	ssyncadd.s32 $0xFFFFD800  }
0x1e: {  	[bflag:$0x0] =	sbarrier.arrive $0xFFFF  }
0x1f: {  	[tilespmem:s15], [sflag:$0x1] =	stream.indirect.gather [hbm4b:s4+s14], $0x40, s3, s14, $0xb8;
	[tilespmem:$0x17000] =	vst v63  }
0x20: {  	_ = 	snop  }
0x21: {  	[tilespmem:s16], [sflag:$0x1] =	stream.indirect.gather [hbm4b:s4+s14], $0x40, s14, s14, $0xb8;
	[tilespmem:$0x17000] =	vst v63  }
0x22: {  	_ =	swait.ge [sflag:s17], $0x2000  }
0x23: {  	[sflag:s17] =	ssyncset.done $0x0  }
0x24: {  	[sflag:s17] =	ssyncadd.s32 $0xFFFFE000  }
0x25: {  	_ =	swait.ge [sflag:s17], $0x2000  }
0x26: {  	[sflag:s17] =	ssyncset.done $0x0  }
0x27: {  	s28 =	simm.s32 $0x100;
	[sflag:s17] =	ssyncadd.s32 $0xFFFFE000  }
0x28: {  	[tilespmem:s18], [sflag:$0x1] =	stream.indirect.gather [hbm4b:s4+s14], $0x40, s28, s14, $0xb8;
	[tilespmem:$0x17000] =	vst v63  }
0x29: {  	s28 =	simm.s32 $0x180  }
0x2a: {  	[tilespmem:s19], [sflag:$0x1] =	stream.indirect.gather [hbm4b:s4+s14], $0x40, s28, s14, $0xb8;
	[tilespmem:$0x17000] =	vst v63  }
0x2b: {  	s28 =	simm.s32 $0x2800  }
0x2c: {  	[spmem:s2] =	stream.indirect.scatter.add.f32 [tilespmem:s15], [sflag:$0x2], $0x40, s28, s14, $0xb8;
	[tilespmem:$0x17000] =	vst v63  }
0x2d: {  	_ =	swait.ge [sflag:s12], $0x2000  }
0x2e: {  	[sflag:s12] =	ssyncset.done $0x0  }
0x2f: {  	s28 =	simm.s32 $0x2880;
	[sflag:s12] =	ssyncadd.s32 $0xFFFFE000  }
0x30: {  	[spmem:s2] =	stream.indirect.scatter.add.f32 [tilespmem:s16], [sflag:$0x2], $0x40, s28, s14, $0xb8;
	[tilespmem:$0x17000] =	vst v63  }
0x31: {  	_ =	swait.ge [sflag:s12], $0x2000  }
0x32: {  	[sflag:s12] =	ssyncset.done $0x0  }
0x33: {  	[sflag:s12] =	ssyncadd.s32 $0xFFFFE000  }
0x34: {  	_ =	swait.ge [sflag:s17], $0x2000  }
0x35: {  	[sflag:s17] =	ssyncset.done $0x0  }
0x36: {  	[sflag:s17] =	ssyncadd.s32 $0xFFFFE000  }
0x37: {  	_ =	swait.ge [sflag:s17], $0x2000  }
0x38: {  	[sflag:s17] =	ssyncset.done $0x0  }
0x39: {  	s28 =	simm.s32 $0x200;
	[sflag:s17] =	ssyncadd.s32 $0xFFFFE000  }
0x3a: {  	[tilespmem:s15], [sflag:$0x1] =	stream.indirect.gather [hbm4b:s4+s14], $0x40, s28, s14, $0xb8;
	[tilespmem:$0x17000] =	vst v63  }
0x3b: {  	s28 =	simm.s32 $0x280  }
0x3c: {  	[tilespmem:s16], [sflag:$0x1] =	stream.indirect.gather [hbm4b:s4+s14], $0x40, s28, s14, $0xb8;
	[tilespmem:$0x17000] =	vst v63  }
0x3d: {  	s28 =	simm.s32 $0x2900  }
0x3e: {  	[spmem:s2] =	stream.indirect.scatter.add.f32 [tilespmem:s18], [sflag:$0x2], $0x40, s28, s14, $0xb8;
	[tilespmem:$0x17000] =	vst v63  }
0x3f: {  	_ =	swait.ge [sflag:s12], $0x2000  }
0x40: {  	[sflag:s12] =	ssyncset.done $0x0  }
0x41: {  	s28 =	simm.s32 $0x2980;
	[sflag:s12] =	ssyncadd.s32 $0xFFFFE000  }
0x42: {  	[spmem:s2] =	stream.indirect.scatter.add.f32 [tilespmem:s19], [sflag:$0x2], $0x40, s28, s14, $0xb8;
	[tilespmem:$0x17000] =	vst v63  }
0x43: {  	_ =	swait.ge [sflag:s12], $0x2000  }
0x44: {  	s28 =	simm.s32 $0x800;
	[sflag:s12] =	ssyncset.done $0x0  }
.LBB2_2:
0x45: {  	p0 =	sne.s32 s28, $0x9000  }
0x46: {  	[sflag:s12] =	ssyncadd.s32 $0xFFFFE000;
	s29 =	smov.u32 s28;
	s28 =	sadd.s32 $0x800, s28  }
0x47: {  	_ =	swait.ge [sflag:s17], $0x2000  }
0x48: {  	[sflag:s17] =	ssyncset.done $0x0  }
0x49: {  	[sflag:s17] =	ssyncadd.s32 $0xFFFFE000  }
0x4a: {  	_ =	swait.ge [sflag:s17], $0x2000  }
0x4b: {  	s29 =	sshra.s32 s29, $0x2;
	[sflag:s17] =	ssyncset.done $0x0  }
0x4c: {  	s30 =	sadd.s32 $0x100, s29;
	[sflag:s17] =	ssyncadd.s32 $0xFFFFE000  }
0x4d: {  	[tilespmem:s18], [sflag:$0x1] =	stream.indirect.gather [hbm4b:s4+s14], $0x40, s30, s14, $0xb8;
	[tilespmem:$0x17000] =	vst v63  }
0x4e: {  	s30 =	sadd.s32 $0x180, s29  }
0x4f: {  	[tilespmem:s19], [sflag:$0x1] =	stream.indirect.gather [hbm4b:s4+s14], $0x40, s30, s14, $0xb8;
	[tilespmem:$0x17000] =	vst v63  }
0x50: {  	s30 =	sadd.s32 $0x2800, s29  }
0x51: {  	[spmem:s2] =	stream.indirect.scatter.add.f32 [tilespmem:s15], [sflag:$0x2], $0x40, s30, s14, $0xb8;
	[tilespmem:$0x17000] =	vst v63  }
0x52: {  	_ =	swait.ge [sflag:s12], $0x2000  }
0x53: {  	[sflag:s12] =	ssyncset.done $0x0  }
0x54: {  	s30 =	sadd.s32 $0x2880, s29;
	[sflag:s12] =	ssyncadd.s32 $0xFFFFE000  }
0x55: {  	[spmem:s2] =	stream.indirect.scatter.add.f32 [tilespmem:s16], [sflag:$0x2], $0x40, s30, s14, $0xb8;
	[tilespmem:$0x17000] =	vst v63  }
0x56: {  	_ =	swait.ge [sflag:s12], $0x2000  }
0x57: {  	[sflag:s12] =	ssyncset.done $0x0  }
0x58: {  	[sflag:s12] =	ssyncadd.s32 $0xFFFFE000  }
0x59: {  	_ =	swait.ge [sflag:s17], $0x2000  }
0x5a: {  	[sflag:s17] =	ssyncset.done $0x0  }
0x5b: {  	[sflag:s17] =	ssyncadd.s32 $0xFFFFE000  }
0x5c: {  	_ =	swait.ge [sflag:s17], $0x2000  }
0x5d: {  	[sflag:s17] =	ssyncset.done $0x0  }
0x5e: {  	s30 =	sadd.s32 $0x200, s29;
	[sflag:s17] =	ssyncadd.s32 $0xFFFFE000  }
0x5f: {  	[tilespmem:s15], [sflag:$0x1] =	stream.indirect.gather [hbm4b:s4+s14], $0x40, s30, s14, $0xb8;
	[tilespmem:$0x17000] =	vst v63  }
0x60: {  	s30 =	sadd.s32 $0x280, s29  }
0x61: {  	[tilespmem:s16], [sflag:$0x1] =	stream.indirect.gather [hbm4b:s4+s14], $0x40, s30, s14, $0xb8;
	[tilespmem:$0x17000] =	vst v63  }
0x62: {  	s30 =	sadd.s32 $0x2900, s29  }
0x63: {  	[spmem:s2] =	stream.indirect.scatter.add.f32 [tilespmem:s18], [sflag:$0x2], $0x40, s30, s14, $0xb8;
	[tilespmem:$0x17000] =	vst v63  }
0x64: {  	_ =	swait.ge [sflag:s12], $0x2000  }
.Ltmp0:
0x65: {  	[sflag:s12] =	ssyncset.done $0x0;
	(pc) =	sbr.rel @p0 .LBB2_2-.Ltmp0, $4  }
0x66: {  	s29 =	sadd.s32 $0x2980, s29;
	[sflag:s12] =	ssyncadd.s32 $0xFFFFE000  }
0x67: {  	[spmem:s2] =	stream.indirect.scatter.add.f32 [tilespmem:s19], [sflag:$0x2], $0x40, s29, s14, $0xb8;
	[tilespmem:$0x17000] =	vst v63  }
0x68: {  	_ =	swait.ge [sflag:s12], $0x2000  }
0x69: {  	[sflag:s12] =	ssyncset.done $0x0  }
0x6a: {  	[sflag:s12] =	ssyncadd.s32 $0xFFFFE000  }
0x6b: {  	_ =	swait.ge [sflag:s17], $0x2000  }
0x6c: {  	[sflag:s17] =	ssyncset.done $0x0  }
0x6d: {  	[sflag:s17] =	ssyncadd.s32 $0xFFFFE000  }
0x6e: {  	_ =	swait.ge [sflag:s17], $0x2000  }
0x6f: {  	[sflag:s17] =	ssyncset.done $0x0  }
0x70: {  	[sflag:s17] =	ssyncadd.s32 $0xFFFFE000  }
0x71: {  	[tilespmem:s18], [sflag:$0x1] =	stream.indirect.gather [hbm4b:s4+s14], $0x40, s20, s14, $0xb8;
	[tilespmem:$0x17000] =	vst v63  }
0x72: {  	_ = 	snop  }
0x73: {  	[tilespmem:s19], [sflag:$0x1] =	stream.indirect.gather [hbm4b:s4+s14], $0x40, s21, s14, $0xb8;
	[tilespmem:$0x17000] =	vst v63  }
0x74: {  	_ = 	snop  }
0x75: {  	[spmem:s2] =	stream.indirect.scatter.add.f32 [tilespmem:s15], [sflag:$0x2], $0x40, s22, s14, $0xb8;
	[tilespmem:$0x17000] =	vst v63  }
0x76: {  	_ =	swait.ge [sflag:s12], $0x2000  }
0x77: {  	[sflag:s12] =	ssyncset.done $0x0  }
0x78: {  	[sflag:s12] =	ssyncadd.s32 $0xFFFFE000  }
0x79: {  	[spmem:s2] =	stream.indirect.scatter.add.f32 [tilespmem:s16], [sflag:$0x2], $0x40, s23, s14, $0xb8;
	[tilespmem:$0x17000] =	vst v63  }
0x7a: {  	_ =	swait.ge [sflag:s12], $0x2000  }
0x7b: {  	[sflag:s12] =	ssyncset.done $0x0  }
0x7c: {  	[sflag:s12] =	ssyncadd.s32 $0xFFFFE000  }
0x7d: {  	_ =	swait.ge [sflag:s17], $0x2000  }
0x7e: {  	[sflag:s17] =	ssyncset.done $0x0  }
0x7f: {  	[sflag:s17] =	ssyncadd.s32 $0xFFFFE000  }
0x80: {  	_ =	swait.ge [sflag:s17], $0x2000  }
0x81: {  	[sflag:s17] =	ssyncset.done $0x0  }
0x82: {  	[sflag:s17] =	ssyncadd.s32 $0xFFFFE000  }
0x83: {  	[spmem:s2] =	stream.indirect.scatter.add.f32 [tilespmem:s18], [sflag:$0x2], $0x40, s24, s14, $0xb8;
	[tilespmem:$0x17000] =	vst v63  }
0x84: {  	_ =	swait.ge [sflag:s12], $0x2000  }
0x85: {  	[sflag:s12] =	ssyncset.done $0x0  }
0x86: {  	[sflag:s12] =	ssyncadd.s32 $0xFFFFE000  }
0x87: {  	[spmem:s2] =	stream.indirect.scatter.add.f32 [tilespmem:s19], [sflag:$0x2], $0x40, s25, s14, $0xb8;
	[tilespmem:$0x17000] =	vst v63  }
0x88: {  	_ =	swait.ge [sflag:s12], $0x2000  }
0x89: {  	s26 =	sadd.s32 $0x1, s26;
	[sflag:s12] =	ssyncset.done $0x0  }
0x8a: {  	p0 =	sne.s32 s26, s10;
	[sflag:s12] =	ssyncadd.s32 $0xFFFFE000  }
.Ltmp1:
0x8b: {  	[bflag:$0x0] =	sbarrier.arrive $0xFFFF;
	(pc) =	sbr.rel @p0 .LBB2_1-.Ltmp1, $4  }
0x8c: {  	[hbm:s9], [sflag:s6] =	dma.local [spmem:s11], $0x1400  }
0x8d: {  	_ =	swait.ge [sflag:s12], $0x1400  }
0x8e: {  	[sflag:s12] =	ssyncset.done $0x0  }
0x8f: {  	[sflag:s12] =	ssyncadd.s32 $0xFFFFEC00  }
0x90: {  	_ =	sfence.sel $0x180000  }
0x91: {  	[bflag:$0x0] =	sbarrier.arrive $0xFFFF  }
0x92: {  	p0 =	sne.s32 s0, $0x0;
	_ =	strace $0x90000050  }
0x93: {  	s0 =	sadd.s32 @!p0 $0x100000, s1;
	[bflag:$0x2] =	sbarrier.arrive $0xFFFF  }
0x94: {  	[sflag:s0] =	ssyncadd.tile.s32 @!p0 $0x1;
	_ =	shalt  }
.Lfunc_end2:
_tile_overlayer_lowered:
.L_overlay_start_2:
0x95: {  	(tag) =	ssettag $0x2  }
0x96: {  	s0 =	rddreg [dreg:$0x0];
	s2 =	stileid.u32  }
0x97: {  	s1 =	rddreg [dreg:$0x1];
	p0 =	sne.s32 s2, $0x0  }
0x98: {  	s3 =	rddreg [dreg:$0x2];
	[bflag:$0x3] =	sbarrier.arrive $0xFFFF;
	s2 =	simm.s32 @!p0 $0x1C02  }
0x99: {  	[timem:s3], [sflag:s2] =	dma.local @!p0 [hbm:s0], s1  }
0x9a: {  	s0 =	simm.s32 @!p0 $0x2  }
0x9b: {  	_ =	swait.ge @!p0 [sflag:s0], s1  }
0x9c: {  	s1 =	ssub.s32 @!p0 $0x0, s1;
	[sflag:s0] =	ssyncset.done @!p0 $0x0  }
0x9d: {  	[sflag:s0] =	ssyncadd.s32 @!p0 s1  }
0x9e: {  	[bflag:$0x3] =	sbarrier.arrive $0xFFFF  }
0x9f: {  	_ =	shalt  }

// kernel: kernel.23.cloned.1.call-start
scs
__scs_entry_jumppad:
0x0: {  	(pc) =	sbr.rel $0x88, $3  }
0x1: {  	(tag) =	ssettag $0x0;
	lr =	simm.s32 $0x1  }
0x2: {  	[smem:$0x3F96] =	sst lr;
	_ =	strace $0xD0000000  }
0x3: {  	_ = 	snop  }
0x4: {  	_ = 	snop  }
0x5: {  	_ = 	snop  }
0x6: {  	_ = 	snop  }
0x7: {  	_ = 	snop  }
__scs_overlays_trampoline_lowered:
0x8: {  	[smem:$0x3FA5] =	sst s0  }
0x9: {  	[smem:$0x3FA6] =	sst s1  }
0xa: {  	[smem:$0x3FA7] =	sst s2  }
0xb: {  	[smem:$0x3FA8] =	sst s3  }
0xc: {  	[smem:$0x3FA9] =	sst s4  }
0xd: {  	[smem:$0x3FAA] =	sst s5  }
0xe: {  	[smem:$0x3FAB] =	sst s6  }
0xf: {  	[smem:$0x3FAC] =	sst s7  }
0x10: {  	[smem:$0x3FAD] =	sst s8  }
0x11: {  	[smem:$0x3FAE] =	sst s9;
	s0 =	simm.s32 @!p0 $0x0  }
0x12: {  	s1 =	sld [smem:$0x3F94];
	s0 =	simm.s32 @p0 $0x1  }
0x13: {  	[smem:$0x3FAF] =	sst s0;
	s0 =	simm.s32 @!p1 $0x0  }
0x14: {  	s2 =	sld [smem:$0x3F93];
	s0 =	simm.s32 @p1 $0x1  }
0x15: {  	[smem:$0x3FB0] =	sst s0;
	s0 =	simm.s32 @!p2 $0x0  }
0x16: {  	s3 =	sld [smem:$0x3FDB];
	s0 =	simm.s32 @p2 $0x1  }
0x17: {  	s4 =	simm.s32 $0x1BF5;
	[smem:$0x3FB2] =	sst s0  }
0x18: {  	s0 =	sld [smem:$0x3F95];
	_ =	swait.ge [sflag:s4], $0x0  }
0x19: {  	s7 =	sld [smem:$0x3F96]  }
0x1a: {  	s8 =	sadd.s32 $0xFFFFE003, lr  }
0x1b: {  	s9 =	sadd.s32 $0xFFFFFEF7, lr;
	s5 =	simm.s32 $0xFFFFFFFF;
	p2 =	slt.u32 s8, $0xFFFFF086  }
0x1c: {  	p1 =	slt.u32 s9, $0xF7A;
	s5 =	simm.s32 @!p2 $0x0  }
0x1d: {  	s5 =	simm.s32 @p1 $0x1;
	p0 =	seq.s32 s7, s2  }
0x1e: {  	s7 =	smul.u32 @!p0 $0xF7A, s2;
	p2 =	seq.s32 @!p0 s5, $0x0  }
0x1f: {  	s9 =	smul.u32 $0xF7A, s1;
	s8 =	simm.s32 @!p0 $0x1BF5;
	p2 =	por !p2, p0  }
0x20: {  	[sflag:s8] =	ssyncset.s32 @!p0 $0xFFFFF086;
	s6 =	sadd.s32 @!p0 s3, s7;
	s7 =	simm.s32 @!p0 $0x108  }
0x21: {  	s3 =	sadd.s32 s3, s9;
	s6 =	sadd.s32 @!p0 $0x88, s6;
	s7 =	simm.s32 @p2 $0x1082  }
0x22: {  	[simem:s7], [sflag:s8] =	dma.local @!p0 [hbm:s6], $0xF7A  }
0x23: {  	s9 =	sor.u32 $0xD0000000, s2;
	s6 =	simm.s32 $0x108;
	_ =	swait.ge @!p0 [sflag:s8], $0x0  }
0x24: {  	s3 =	sadd.s32 $0x88, s3;
	s6 =	simm.s32 @!p1 $0x1082;
	[sflag:s4] =	ssyncset.s32 $0xFFFFF086  }
0x25: {  	[simem:s6], [sflag:s4] =	dma.local [hbm:s3], $0xF7A  }
0x26: {  	[smem:$0x3F96] =	sst s1;
	(tag) =	ssettag s2;
	_ =	strace s9  }
0x27: {  	s1 =	sld [smem:$0x3FA6]  }
0x28: {  	s2 =	sld [smem:$0x3FA7]  }
0x29: {  	s4 =	sld [smem:$0x3FA9]  }
0x2a: {  	p0 =	seq.s32 s5, $0x0;
	s5 =	sld [smem:$0x3FAA]  }
0x2b: {  	s6 =	sld [smem:$0x3FAB]  }
0x2c: {  	s7 =	sld [smem:$0x3FAC]  }
0x2d: {  	s3 =	simm.s32 $0x108;
	s8 =	sld [smem:$0x3FAD]  }
0x2e: {  	s3 =	simm.s32 @!p0 $0x1082;
	s9 =	sld [smem:$0x3FAE]  }
0x2f: {  	lr =	sadd.s32 s0, s3;
	s0 =	sld [smem:$0x3FA5]  }
0x30: {  	s3 =	sld [smem:$0x3FA8]  }
0x31: {  	[smem:$0x3FB1] =	sst s10  }
0x32: {  	s10 =	sld [smem:$0x3FAF];
	_ =	sdelay $0x3  }
0x33: {  	p0 =	seq.s32 s10, $0x1;
	s10 =	sld [smem:$0x3FB1];
	_ =	sdelay $0x3  }
0x34: {  	[smem:$0x3FB1] =	sst s10  }
0x35: {  	s10 =	sld [smem:$0x3FB0];
	_ =	sdelay $0x3  }
0x36: {  	p1 =	seq.s32 s10, $0x1;
	s10 =	sld [smem:$0x3FB1];
	_ =	sdelay $0x3  }
0x37: {  	[smem:$0x3FB1] =	sst s10  }
0x38: {  	s10 =	sld [smem:$0x3FB2]  }
0x39: {  	_ = 	snop;
	(pc) =	sbr.ind lr, $3  }
0x3a: {  	_ = 	snop  }
0x3b: {  	_ = 	snop  }
0x3c: {  	p2 =	seq.s32 s10, $0x1;
	s10 =	sld [smem:$0x3FB1]  }
0x3d: {  	_ =	shalt  }
0x3e: {  	_ =	shalt  }
0x3f: {  	_ =	shalt  }
0x40: {  	_ =	shalt  }
0x41: {  	_ =	shalt  }
0x42: {  	_ =	shalt  }
0x43: {  	_ =	shalt  }
0x44: {  	_ =	shalt  }
0x45: {  	_ =	shalt  }
0x46: {  	_ =	shalt  }
0x47: {  	_ =	shalt  }
0x48: {  	_ =	shalt  }
0x49: {  	_ =	shalt  }
0x4a: {  	_ =	shalt  }
0x4b: {  	_ =	shalt  }
0x4c: {  	_ =	shalt  }
0x4d: {  	_ =	shalt  }
0x4e: {  	_ =	shalt  }
0x4f: {  	_ =	shalt  }
0x50: {  	_ =	shalt  }
0x51: {  	_ =	shalt  }
0x52: {  	_ =	shalt  }
0x53: {  	_ =	shalt  }
0x54: {  	_ =	shalt  }
0x55: {  	_ =	shalt  }
0x56: {  	_ =	shalt  }
0x57: {  	_ =	shalt  }
0x58: {  	_ =	shalt  }
0x59: {  	_ =	shalt  }
0x5a: {  	_ =	shalt  }
0x5b: {  	_ =	shalt  }
0x5c: {  	_ =	shalt  }
0x5d: {  	_ =	shalt  }
0x5e: {  	_ =	shalt  }
0x5f: {  	_ =	shalt  }
0x60: {  	_ =	shalt  }
0x61: {  	_ =	shalt  }
0x62: {  	_ =	shalt  }
0x63: {  	_ =	shalt  }
0x64: {  	_ =	shalt  }
0x65: {  	_ =	shalt  }
0x66: {  	_ =	shalt  }
0x67: {  	_ =	shalt  }
0x68: {  	_ =	shalt  }
0x69: {  	_ =	shalt  }
0x6a: {  	_ =	shalt  }
0x6b: {  	_ =	shalt  }
0x6c: {  	_ =	shalt  }
0x6d: {  	_ =	shalt  }
0x6e: {  	_ =	shalt  }
0x6f: {  	_ =	shalt  }
0x70: {  	_ =	shalt  }
0x71: {  	_ =	shalt  }
0x72: {  	_ =	shalt  }
0x73: {  	_ =	shalt  }
0x74: {  	_ =	shalt  }
0x75: {  	_ =	shalt  }
0x76: {  	_ =	shalt  }
0x77: {  	_ =	shalt  }
0x78: {  	_ =	shalt  }
0x79: {  	_ =	shalt  }
0x7a: {  	_ =	shalt  }
0x7b: {  	_ =	shalt  }
0x7c: {  	_ =	shalt  }
0x7d: {  	_ =	shalt  }
0x7e: {  	_ =	shalt  }
0x7f: {  	_ =	shalt  }
0x80: {  	_ =	shalt  }
0x81: {  	_ =	shalt  }
0x82: {  	_ =	shalt  }
0x83: {  	_ =	shalt  }
0x84: {  	_ =	shalt  }
0x85: {  	_ =	shalt  }
0x86: {  	_ =	shalt  }
0x87: {  	_ =	shalt  }
.Lfunc_end0:
.L_simem_size_0:
called_computation.4_lowered:
.L_overlay_start_0:
0x88: {  	s2 =	sld [smem:$0x3FD9]  }
0x89: {  	s3 =	sld [smem:$0x3FFE];
	_ =	sdelay $0x1  }
0x8a: {  	s1 =	srdreg.scid  }
0x8b: {  	s0 =	sand.u32 $0x1, s1  }
0x8c: {  	s14 =	sshll.u32 s0, $0xA;
	s2 =	sadd.s32 s3, s2  }
0x8d: {  	s2 =	sadd.s32 s2, s14  }
0x8e: {  	[smem:$0x3FBD] =	sst s2  }
0x8f: {  	_ = 	snop  }
0x90: {  	s2 =	sld [smem:$0x3FD0];
	_ =	sdelay $0x2  }
0x91: {  	s15 =	simm.s32 $0xB;
	s4 =	simm.s32 $0x10  }
0x92: {  	[smem:s4], [sflag:s15] =	dma.local [hbm:s2], $0x1  }
0x93: {  	_ =	swait.eq [sflag:s15], $0x1  }
0x94: {  	[sflag:s15] =	ssyncset.done $0x0  }
0x95: {  	[sflag:s15] =	ssyncadd.s32 $0xFFFFFFFF  }
0x96: {  	s16 =	sld [smem:$0x10];
	(tm) =	ssettm $0x1  }
0x97: {  	s17 =	sld [smem:$0x3FFB];
	_ =	sdelay $0x3  }
0x98: {  	_ =	strace s17  }
0x99: {  	s3 =	sld [smem:$0x3FFC];
	_ =	sdelay $0x3  }
0x9a: {  	_ =	strace s3  }
0x9b: {  	s3 =	sld [smem:$0x3FFD];
	_ =	sdelay $0x3  }
0x9c: {  	_ =	strace s3  }
0x9d: {  	_ =	strace $0x8FFFFFFF  }
0x9e: {  	s18 =	sld [smem:$0x3FDB];
	_ =	sdelay $0x1  }
0x9f: {  	s19 =	simm.s32 $_scs_section_size  }
0xa0: {  	s5 =	simm.s32 $_size__tile_overlayer_lowered;
	s6 =	simm.s32 $_tile_overlayer_lowered  }
0xa1: {  	s22 =	simm.s32 $0x1BFF;
	s21 =	sshll.u32 s6, $0x1;
	s3 =	sadd.s32 s19, s18  }
0xa2: {  	s7 =	simm.s32 $0x0;
	s20 =	sshll.u32 s5, $0x1;
	s5 =	sadd.s32 s21, s3  }
0xa3: {  	[timem:s7], [sflag:s22] =	dma.local [hbm:s5], s20  }
0xa4: {  	_ =	swait.ge [sflag:s22], s20  }
0xa5: {  	s4 =	ssub.s32 $0x0, s20;
	[sflag:s22] =	ssyncset.done $0x0  }
0xa6: {  	[sflag:s22] =	ssyncadd.s32 s4;
	_ =	sdelay $0x1  }
0xa7: {  	s23 =	simm.s32 $0x1B8B  }
0xa8: {  	_ =	swait.ge [sflag:s23], $0x1  }
0xa9: {  	[sflag:s23] =	ssyncset.done $0x0  }
0xaa: {  	s25 =	simm.s32 $0x1B8E;
	s24 =	sld [smem:$0x3FFE];
	[sflag:s23] =	ssyncadd.s32 $0xFFFFFFFF  }
0xab: {  	s26 =	simm.s32 $execute0_lowered;
	[smem:$0x3FD2] =	sst s25  }
0xac: {  	s5 =	sshll.u32 s26, $0x1;
	_ =	strace $0x80000052;
	[dreg:$0x1] =	wrdreg $0xFFFFFFFF  }
0xad: {  	s28 =	simm.s32 $_size_execute0_lowered;
	s3 =	sadd.s32 s3, s5;
	[dreg:$0x0] =	wrdreg $0x0  }
0xae: {  	s5 =	sshll.u32 s28, $0x1;
	[dreg:$0x2] =	wrdreg s3  }
0xaf: {  	[dreg:$0x3] =	wrdreg s5  }
0xb0: {  	[dreg:$0x4] =	wrdreg $0xC0  }
0xb1: {  	_ =	task [dreg:s7], $0x5FFFF  }
0xb2: {  	[dreg:$0x1] =	wrdreg $0xFFFFFFFF  }
0xb3: {  	[dreg:$0x0] =	wrdreg $0x60  }
0xb4: {  	[dreg:$0x2] =	wrdreg s16  }
0xb5: {  	[dreg:$0x3] =	wrdreg s24  }
0xb6: {  	[dreg:$0x4] =	wrdreg $0xB0000  }
0xb7: {  	[dreg:$0x5] =	wrdreg $0x9  }
0xb8: {  	_ =	task.clear_ibuf [dreg:s7], $0x6FFFF;
	_ =	strace $0x90000052  }
0xb9: {  	s29 =	simm.s32 $0x9;
	_ =	strace $0x80000054  }
0xba: {  	_ =	swait.ge [sflag:s29], $0x1  }
0xbb: {  	[sflag:s29] =	ssyncadd.s32 $0xFFFFFFFF  }
0xbc: {  	_ =	strace $0x90000054  }
0xbd: {  	_ =	sfence  }
0xbe: {  	s30 =	sld [smem:$0x0];
	_ =	sdelay $0x2  }
0xbf: {  	s31 =	sshll.u32 s1, $0xD;
	s1 =	sshrl.u32 s1, $0x2  }
0xc0: {  	s3 =	sand.u32 $0x4000, s31;
	s1 =	sadd.s32 s1, s30  }
0xc1: {  	s0 =	sor.u32 s3, s0;
	s1 =	sshll.u32 s1, $0x11  }
0xc2: {  	s0 =	sor.u32 s1, s0  }
0xc3: {  	s0 =	sadd.s32 $0x8F2B, s0  }
0xc4: {  	[sflag:s0] =	ssyncadd.remote.s32 $0x1  }
0xc5: {  	_ =	sfence.sel $0xFFFF  }
0xc6: {  	[dreg:$0x0] =	wrdreg $0xFFFFFFFF;
	(pc) =	sbr.abs _section_cstart, $3  }
0xc7: {  	[dreg:$0x1] =	wrdreg $0xFFFFFFFF  }
0xc8: {  	_ =	task.clear_ibuf [dreg:s7], $0x2FFFF;
	_ =	strace $0x9FFFFFFF  }
0xc9: {  	(tm) =	ssettm $0x7FFFFFFF  }
tec
execute0_lowered:
.L_overlay_start_1:
0x0: {  	(tag) =	ssettag $0x1  }
0x1: {  	s7 =	rddreg [dreg:$0x0]  }
0x2: {  	s1 =	srdreg.scid;
	s6 =	rddreg [dreg:$0x1]  }
0x3: {  	s0 =	stileid.u32;
	s2 =	rddreg [dreg:$0x2]  }
0x4: {  	s3 =	simm.s32 $0x0;
	s14 =	simm.s32 $0x80;
	s15 =	simm.s32 $0x5000  }
0x5: {  	s16 =	simm.s32 $0x6800;
	s17 =	simm.s32 $0x1;
	s18 =	simm.s32 $0x8000  }
0x6: {  	s19 =	simm.s32 $0x9800;
	s20 =	simm.s32 $0x2700;
	s21 =	simm.s32 $0x2780  }
0x7: {  	s22 =	simm.s32 $0x4E00;
	s23 =	simm.s32 $0x4E80;
	s24 =	simm.s32 $0x4F00  }
0x8: {  	s25 =	simm.s32 $0x4F80;
	s26 =	simm.s32 $0x0;
	s5 =	sand.u32 $0x1, s1  }
0x9: {  	s29 =	sshll.u32 s0, $0x1;
	s9 =	smul.u32 $0x7800, s0;
	[smem:$0x7FF] =	sst s3  }
0xa: {  	s31 =	sshll.u32 s0, $0x6;
	s1 =	sor.u32 s5, s29;
	s4 =	smul.u32 $0x78000, s5  }
0xb: {  	s12 =	ssub.s32 $0x2, s5;
	s5 =	sadd.s32 $0x1CE00, s6;
	s8 =	smul.u32 $0x500, s1  }
0xc: {  	s1 =	rddreg [dreg:$0x3];
	_ =	strace $0x80000053;
	s30 =	sshrl.u32 s12, $0x1  }
0xd: {  	s13 =	sadd.s32 s9, s2;
	s11 =	sadd.s32 s9, s4;
	s4 =	sadd.s32 $0xDE00, s6  }
0xe: {  	s12 =	ssub.s32 s12, s30;
	s10 =	sadd.s32 s8, s6;
	s11 =	sshrl.u32 s11, $0x3  }
0xf: {  	s7 =	sadd.s32 s7, s8;
	s11 =	sadd.s32 s11, s6;
	s6 =	sor.u32 $0x1C02, s31  }
0x10: {  	s8 =	sadd.s32 $0x3E00, s10;
	s10 =	smax.u32 s12, $0x1;
	s12 =	simm.s32 $0x2  }
0x11: {  	s9 =	sadd.s32 $0x1DE00, s11;
	s11 =	sshrl.u32 s13, $0x3;
	s13 =	simm.s32 $0x2800  }
.LBB2_1:
0x12: {  	[spmem:s11], [sflag:s6] =	dma.local [hbm:s5], $0xF00  }
0x13: {  	_ =	swait.ge [sflag:s12], $0xF00  }
0x14: {  	[sflag:s12] =	ssyncset.done $0x0  }
0x15: {  	[sflag:s12] =	ssyncadd.s32 $0xFFFFF100  }
0x16: {  	[tilespmem:s3], [sflag:$0x2] =	stream.linear.gather [hbm4b:s7+s3], $0x2800, $0x38;
	[tilespmem:$0x12800] =	vst v63  }
0x17: {  	_ =	swait.ge [sflag:s12], $0x2800  }
0x18: {  	[sflag:s12] =	ssyncset.done $0x0  }
0x19: {  	[sflag:s12] =	ssyncadd.s32 $0xFFFFD800  }
0x1a: {  	[tilespmem:s13], [sflag:$0x2] =	stream.linear.gather [hbm4b:s8+s3], $0x2800, $0x38;
	[tilespmem:$0x12800] =	vst v63  }
0x1b: {  	_ =	swait.ge [sflag:s12], $0x2800  }
0x1c: {  	[sflag:s12] =	ssyncset.done $0x0  }
0x1d: {  	[sflag:s12] =	ssyncadd.s32 $0xFFFFD800  }
0x1e: {  	[bflag:$0x0] =	sbarrier.arrive $0xFFFF  }
0x1f: {  	[tilespmem:s15], [sflag:$0x1] =	stream.indirect.gather [hbm4b:s4+s14], $0x30, s3, s14, $0xb8;
	[tilespmem:$0x12800] =	vst v63  }
0x20: {  	_ = 	snop  }
0x21: {  	[tilespmem:s16], [sflag:$0x1] =	stream.indirect.gather [hbm4b:s4+s14], $0x30, s14, s14, $0xb8;
	[tilespmem:$0x12800] =	vst v63  }
0x22: {  	_ =	swait.ge [sflag:s17], $0x1800  }
0x23: {  	[sflag:s17] =	ssyncset.done $0x0  }
0x24: {  	[sflag:s17] =	ssyncadd.s32 $0xFFFFE800  }
0x25: {  	_ =	swait.ge [sflag:s17], $0x1800  }
0x26: {  	[sflag:s17] =	ssyncset.done $0x0  }
0x27: {  	s28 =	simm.s32 $0x100;
	[sflag:s17] =	ssyncadd.s32 $0xFFFFE800  }
0x28: {  	[tilespmem:s18], [sflag:$0x1] =	stream.indirect.gather [hbm4b:s4+s14], $0x30, s28, s14, $0xb8;
	[tilespmem:$0x12800] =	vst v63  }
0x29: {  	s28 =	simm.s32 $0x180  }
0x2a: {  	[tilespmem:s19], [sflag:$0x1] =	stream.indirect.gather [hbm4b:s4+s14], $0x30, s28, s14, $0xb8;
	[tilespmem:$0x12800] =	vst v63  }
0x2b: {  	s28 =	simm.s32 $0x2800  }
0x2c: {  	[spmem:s2] =	stream.indirect.scatter.add.f32 [tilespmem:s15], [sflag:$0x2], $0x30, s28, s14, $0xb8;
	[tilespmem:$0x12800] =	vst v63  }
0x2d: {  	_ =	swait.ge [sflag:s12], $0x1800  }
0x2e: {  	[sflag:s12] =	ssyncset.done $0x0  }
0x2f: {  	s28 =	simm.s32 $0x2880;
	[sflag:s12] =	ssyncadd.s32 $0xFFFFE800  }
0x30: {  	[spmem:s2] =	stream.indirect.scatter.add.f32 [tilespmem:s16], [sflag:$0x2], $0x30, s28, s14, $0xb8;
	[tilespmem:$0x12800] =	vst v63  }
0x31: {  	_ =	swait.ge [sflag:s12], $0x1800  }
0x32: {  	[sflag:s12] =	ssyncset.done $0x0  }
0x33: {  	[sflag:s12] =	ssyncadd.s32 $0xFFFFE800  }
0x34: {  	_ =	swait.ge [sflag:s17], $0x1800  }
0x35: {  	[sflag:s17] =	ssyncset.done $0x0  }
0x36: {  	[sflag:s17] =	ssyncadd.s32 $0xFFFFE800  }
0x37: {  	_ =	swait.ge [sflag:s17], $0x1800  }
0x38: {  	[sflag:s17] =	ssyncset.done $0x0  }
0x39: {  	s28 =	simm.s32 $0x200;
	[sflag:s17] =	ssyncadd.s32 $0xFFFFE800  }
0x3a: {  	[tilespmem:s15], [sflag:$0x1] =	stream.indirect.gather [hbm4b:s4+s14], $0x30, s28, s14, $0xb8;
	[tilespmem:$0x12800] =	vst v63  }
0x3b: {  	s28 =	simm.s32 $0x280  }
0x3c: {  	[tilespmem:s16], [sflag:$0x1] =	stream.indirect.gather [hbm4b:s4+s14], $0x30, s28, s14, $0xb8;
	[tilespmem:$0x12800] =	vst v63  }
0x3d: {  	s28 =	simm.s32 $0x2900  }
0x3e: {  	[spmem:s2] =	stream.indirect.scatter.add.f32 [tilespmem:s18], [sflag:$0x2], $0x30, s28, s14, $0xb8;
	[tilespmem:$0x12800] =	vst v63  }
0x3f: {  	_ =	swait.ge [sflag:s12], $0x1800  }
0x40: {  	[sflag:s12] =	ssyncset.done $0x0  }
0x41: {  	s28 =	simm.s32 $0x2980;
	[sflag:s12] =	ssyncadd.s32 $0xFFFFE800  }
0x42: {  	[spmem:s2] =	stream.indirect.scatter.add.f32 [tilespmem:s19], [sflag:$0x2], $0x30, s28, s14, $0xb8;
	[tilespmem:$0x12800] =	vst v63  }
0x43: {  	_ =	swait.ge [sflag:s12], $0x1800  }
0x44: {  	s28 =	simm.s32 $0x800;
	[sflag:s12] =	ssyncset.done $0x0  }
.LBB2_2:
0x45: {  	p0 =	sne.s32 s28, $0x9000  }
0x46: {  	[sflag:s12] =	ssyncadd.s32 $0xFFFFE800;
	s29 =	smov.u32 s28;
	s28 =	sadd.s32 $0x800, s28  }
0x47: {  	_ =	swait.ge [sflag:s17], $0x1800  }
0x48: {  	[sflag:s17] =	ssyncset.done $0x0  }
0x49: {  	[sflag:s17] =	ssyncadd.s32 $0xFFFFE800  }
0x4a: {  	_ =	swait.ge [sflag:s17], $0x1800  }
0x4b: {  	s29 =	sshra.s32 s29, $0x2;
	[sflag:s17] =	ssyncset.done $0x0  }
0x4c: {  	s30 =	sadd.s32 $0x100, s29;
	[sflag:s17] =	ssyncadd.s32 $0xFFFFE800  }
0x4d: {  	[tilespmem:s18], [sflag:$0x1] =	stream.indirect.gather [hbm4b:s4+s14], $0x30, s30, s14, $0xb8;
	[tilespmem:$0x12800] =	vst v63  }
0x4e: {  	s30 =	sadd.s32 $0x180, s29  }
0x4f: {  	[tilespmem:s19], [sflag:$0x1] =	stream.indirect.gather [hbm4b:s4+s14], $0x30, s30, s14, $0xb8;
	[tilespmem:$0x12800] =	vst v63  }
0x50: {  	s30 =	sadd.s32 $0x2800, s29  }
0x51: {  	[spmem:s2] =	stream.indirect.scatter.add.f32 [tilespmem:s15], [sflag:$0x2], $0x30, s30, s14, $0xb8;
	[tilespmem:$0x12800] =	vst v63  }
0x52: {  	_ =	swait.ge [sflag:s12], $0x1800  }
0x53: {  	[sflag:s12] =	ssyncset.done $0x0  }
0x54: {  	s30 =	sadd.s32 $0x2880, s29;
	[sflag:s12] =	ssyncadd.s32 $0xFFFFE800  }
0x55: {  	[spmem:s2] =	stream.indirect.scatter.add.f32 [tilespmem:s16], [sflag:$0x2], $0x30, s30, s14, $0xb8;
	[tilespmem:$0x12800] =	vst v63  }
0x56: {  	_ =	swait.ge [sflag:s12], $0x1800  }
0x57: {  	[sflag:s12] =	ssyncset.done $0x0  }
0x58: {  	[sflag:s12] =	ssyncadd.s32 $0xFFFFE800  }
0x59: {  	_ =	swait.ge [sflag:s17], $0x1800  }
0x5a: {  	[sflag:s17] =	ssyncset.done $0x0  }
0x5b: {  	[sflag:s17] =	ssyncadd.s32 $0xFFFFE800  }
0x5c: {  	_ =	swait.ge [sflag:s17], $0x1800  }
0x5d: {  	[sflag:s17] =	ssyncset.done $0x0  }
0x5e: {  	s30 =	sadd.s32 $0x200, s29;
	[sflag:s17] =	ssyncadd.s32 $0xFFFFE800  }
0x5f: {  	[tilespmem:s15], [sflag:$0x1] =	stream.indirect.gather [hbm4b:s4+s14], $0x30, s30, s14, $0xb8;
	[tilespmem:$0x12800] =	vst v63  }
0x60: {  	s30 =	sadd.s32 $0x280, s29  }
0x61: {  	[tilespmem:s16], [sflag:$0x1] =	stream.indirect.gather [hbm4b:s4+s14], $0x30, s30, s14, $0xb8;
	[tilespmem:$0x12800] =	vst v63  }
0x62: {  	s30 =	sadd.s32 $0x2900, s29  }
0x63: {  	[spmem:s2] =	stream.indirect.scatter.add.f32 [tilespmem:s18], [sflag:$0x2], $0x30, s30, s14, $0xb8;
	[tilespmem:$0x12800] =	vst v63  }
0x64: {  	_ =	swait.ge [sflag:s12], $0x1800  }
.Ltmp0:
0x65: {  	[sflag:s12] =	ssyncset.done $0x0;
	(pc) =	sbr.rel @p0 .LBB2_2-.Ltmp0, $4  }
0x66: {  	s29 =	sadd.s32 $0x2980, s29;
	[sflag:s12] =	ssyncadd.s32 $0xFFFFE800  }
0x67: {  	[spmem:s2] =	stream.indirect.scatter.add.f32 [tilespmem:s19], [sflag:$0x2], $0x30, s29, s14, $0xb8;
	[tilespmem:$0x12800] =	vst v63  }
0x68: {  	_ =	swait.ge [sflag:s12], $0x1800  }
0x69: {  	[sflag:s12] =	ssyncset.done $0x0  }
0x6a: {  	[sflag:s12] =	ssyncadd.s32 $0xFFFFE800  }
0x6b: {  	_ =	swait.ge [sflag:s17], $0x1800  }
0x6c: {  	[sflag:s17] =	ssyncset.done $0x0  }
0x6d: {  	[sflag:s17] =	ssyncadd.s32 $0xFFFFE800  }
0x6e: {  	_ =	swait.ge [sflag:s17], $0x1800  }
0x6f: {  	[sflag:s17] =	ssyncset.done $0x0  }
0x70: {  	[sflag:s17] =	ssyncadd.s32 $0xFFFFE800  }
0x71: {  	[tilespmem:s18], [sflag:$0x1] =	stream.indirect.gather [hbm4b:s4+s14], $0x30, s20, s14, $0xb8;
	[tilespmem:$0x12800] =	vst v63  }
0x72: {  	_ = 	snop  }
0x73: {  	[tilespmem:s19], [sflag:$0x1] =	stream.indirect.gather [hbm4b:s4+s14], $0x30, s21, s14, $0xb8;
	[tilespmem:$0x12800] =	vst v63  }
0x74: {  	_ = 	snop  }
0x75: {  	[spmem:s2] =	stream.indirect.scatter.add.f32 [tilespmem:s15], [sflag:$0x2], $0x30, s22, s14, $0xb8;
	[tilespmem:$0x12800] =	vst v63  }
0x76: {  	_ =	swait.ge [sflag:s12], $0x1800  }
0x77: {  	[sflag:s12] =	ssyncset.done $0x0  }
0x78: {  	[sflag:s12] =	ssyncadd.s32 $0xFFFFE800  }
0x79: {  	[spmem:s2] =	stream.indirect.scatter.add.f32 [tilespmem:s16], [sflag:$0x2], $0x30, s23, s14, $0xb8;
	[tilespmem:$0x12800] =	vst v63  }
0x7a: {  	_ =	swait.ge [sflag:s12], $0x1800  }
0x7b: {  	[sflag:s12] =	ssyncset.done $0x0  }
0x7c: {  	[sflag:s12] =	ssyncadd.s32 $0xFFFFE800  }
0x7d: {  	_ =	swait.ge [sflag:s17], $0x1800  }
0x7e: {  	[sflag:s17] =	ssyncset.done $0x0  }
0x7f: {  	[sflag:s17] =	ssyncadd.s32 $0xFFFFE800  }
0x80: {  	_ =	swait.ge [sflag:s17], $0x1800  }
0x81: {  	[sflag:s17] =	ssyncset.done $0x0  }
0x82: {  	[sflag:s17] =	ssyncadd.s32 $0xFFFFE800  }
0x83: {  	[spmem:s2] =	stream.indirect.scatter.add.f32 [tilespmem:s18], [sflag:$0x2], $0x30, s24, s14, $0xb8;
	[tilespmem:$0x12800] =	vst v63  }
0x84: {  	_ =	swait.ge [sflag:s12], $0x1800  }
0x85: {  	[sflag:s12] =	ssyncset.done $0x0  }
0x86: {  	[sflag:s12] =	ssyncadd.s32 $0xFFFFE800  }
0x87: {  	[spmem:s2] =	stream.indirect.scatter.add.f32 [tilespmem:s19], [sflag:$0x2], $0x30, s25, s14, $0xb8;
	[tilespmem:$0x12800] =	vst v63  }
0x88: {  	_ =	swait.ge [sflag:s12], $0x1800  }
0x89: {  	s26 =	sadd.s32 $0x1, s26;
	[sflag:s12] =	ssyncset.done $0x0  }
0x8a: {  	p0 =	sne.s32 s26, s10;
	[sflag:s12] =	ssyncadd.s32 $0xFFFFE800  }
.Ltmp1:
0x8b: {  	[bflag:$0x0] =	sbarrier.arrive $0xFFFF;
	(pc) =	sbr.rel @p0 .LBB2_1-.Ltmp1, $4  }
0x8c: {  	[hbm:s9], [sflag:s6] =	dma.local [spmem:s11], $0xF00  }
0x8d: {  	_ =	swait.ge [sflag:s12], $0xF00  }
0x8e: {  	[sflag:s12] =	ssyncset.done $0x0  }
0x8f: {  	[sflag:s12] =	ssyncadd.s32 $0xFFFFF100  }
0x90: {  	_ =	sfence.sel $0x180000  }
0x91: {  	[bflag:$0x0] =	sbarrier.arrive $0xFFFF  }
0x92: {  	p0 =	sne.s32 s0, $0x0;
	_ =	strace $0x90000053  }
0x93: {  	s0 =	sadd.s32 @!p0 $0x100000, s1;
	[bflag:$0x2] =	sbarrier.arrive $0xFFFF  }
0x94: {  	[sflag:s0] =	ssyncadd.tile.s32 @!p0 $0x1;
	_ =	shalt  }
.Lfunc_end2:
_tile_overlayer_lowered:
.L_overlay_start_2:
0x95: {  	(tag) =	ssettag $0x2  }
0x96: {  	s0 =	rddreg [dreg:$0x0];
	s2 =	stileid.u32  }
0x97: {  	s1 =	rddreg [dreg:$0x1];
	p0 =	sne.s32 s2, $0x0  }
0x98: {  	s3 =	rddreg [dreg:$0x2];
	[bflag:$0x3] =	sbarrier.arrive $0xFFFF;
	s2 =	simm.s32 @!p0 $0x1C02  }
0x99: {  	[timem:s3], [sflag:s2] =	dma.local @!p0 [hbm:s0], s1  }
0x9a: {  	s0 =	simm.s32 @!p0 $0x2  }
0x9b: {  	_ =	swait.ge @!p0 [sflag:s0], s1  }
0x9c: {  	s1 =	ssub.s32 @!p0 $0x0, s1;
	[sflag:s0] =	ssyncset.done @!p0 $0x0  }
0x9d: {  	[sflag:s0] =	ssyncadd.s32 @!p0 s1  }
0x9e: {  	[bflag:$0x3] =	sbarrier.arrive $0xFFFF  }
0x9f: {  	_ =	shalt  }

</sc_bundles>
